<compile_context>
chip_gen: v7x
topology: tpu7x:2x2x1
jax: 0.10.2.dev20260603
libtpu: 0.0.44.dev20260713+nightly
codegen_flags: <defaults>
</compile_context>

<pallas_src>
import jax
import jax.numpy as jnp
from jax.experimental import pallas as pl
from jax.experimental.pallas import tpu as pltpu

_NUM_IMAGES = 4
_PRE = 2000
_PAD = 2048
_POST = 1000
_B = 128
_NBLK = _PAD // _B
_IMG_H = 800.0
_IMG_W = 800.0
_NMS_THRESH = 0.7
_SCORE_THRESH = 0.0
_MIN_SIZE = 0.001


def _nms_body(bx_ref, sc_ref, masked_ref, boxes_ref, d_ref):
    x1 = jnp.clip(bx_ref[0], 0.0, _IMG_W)
    y1 = jnp.clip(bx_ref[1], 0.0, _IMG_H)
    x2 = jnp.clip(bx_ref[2], 0.0, _IMG_W)
    y2 = jnp.clip(bx_ref[3], 0.0, _IMG_H)
    scores = jax.nn.sigmoid(sc_ref[...])
    ws = x2 - x1
    hs = y2 - y1
    area = ws * hs
    valid = (ws >= _MIN_SIZE) & (hs >= _MIN_SIZE) & (scores > _SCORE_THRESH)
    keep = jnp.where(valid, 1.0, 0.0)

    col = jax.lax.broadcasted_iota(jnp.int32, (1, _PAD), 1)
    lane = jax.lax.broadcasted_iota(jnp.int32, (1, _B), 1)

    x1b, y1b, x2b, y2b = (a[:, None, :] for a in (x1, y1, x2, y2))
    areab = area[:, None, :]

    r_iota = jax.lax.broadcasted_iota(jnp.int32, (_B, 1, _B), 0)
    c_iota = jax.lax.broadcasted_iota(jnp.int32, (_B, 1, _B), 2)
    dmask = c_iota > r_iota

    for bi in range(_NBLK):
        s = bi * _B
        rem = _PAD - s
        bx1 = x1[:, s:s + _B].T[:, :, None]
        by1 = y1[:, s:s + _B].T[:, :, None]
        bx2 = x2[:, s:s + _B].T[:, :, None]
        by2 = y2[:, s:s + _B].T[:, :, None]
        barea = area[:, s:s + _B].T[:, :, None]
        xs1, ys1, xs2, ys2 = (a[None, :, s:] for a in (x1, y1, x2, y2))
        areas = area[None, :, s:]
        iw = jnp.clip(jnp.minimum(bx2, xs2) - jnp.maximum(bx1, xs1), 0.0, None)
        ih = jnp.clip(jnp.minimum(by2, ys2) - jnp.maximum(by1, ys1), 0.0, None)
        inter = iw * ih
        union = barea + areas - inter
        iou = inter / jnp.maximum(union, 1e-9)
        m = jnp.where(iou > _NMS_THRESH, 1.0, 0.0)

        d_ref[...] = jnp.where(dmask, m[:, :, :_B], 0.0)
        kblk = keep[:, s:s + _B]

        def _step(t, kb):
            row = d_ref[pl.ds(t, 1)].reshape(_NUM_IMAGES, _B)
            kt = jnp.sum(jnp.where(lane == t, kb, 0.0), axis=1, keepdims=True)
            supp = (row > 0.0) & (kt > 0.0)
            return jnp.where(supp, 0.0, kb)

        kblk = jax.lax.fori_loop(0, _B, _step, kblk, unroll=8)

        if s + _B < _PAD:
            supp_any = jnp.max(m[:, :, _B:] * kblk.T[:, :, None], axis=0)
            tail = jnp.where(supp_any > 0.0, 0.0, keep[:, s + _B:])
            parts = [keep[:, :s], kblk, tail]
        else:
            parts = [keep[:, :s], kblk]
        parts = [p for p in parts if p.shape[1] > 0]
        keep = jnp.concatenate(parts, axis=1) if len(parts) > 1 else parts[0]

    masked_ref[...] = jnp.where(keep > 0.0, scores, -1.0)
    boxes_ref[0] = x1
    boxes_ref[1] = y1
    boxes_ref[2] = x2
    boxes_ref[3] = y2


@jax.jit
def kernel(proposals, objectness):
    objectness = jax.lax.stop_gradient(objectness)
    top_scores, top_idx = jax.lax.top_k(objectness, _PRE)
    boxes = jnp.take_along_axis(proposals, top_idx[..., None], axis=1)

    bx = jnp.transpose(boxes, (2, 0, 1))
    bx = jnp.pad(bx, ((0, 0), (0, 0), (0, _PAD - _PRE)))
    sc = jnp.pad(top_scores, ((0, 0), (0, _PAD - _PRE)),
                 constant_values=-1e30)

    masked, cboxes = pl.pallas_call(
        _nms_body,
        out_shape=[
            jax.ShapeDtypeStruct((_NUM_IMAGES, _PAD), jnp.float32),
            jax.ShapeDtypeStruct((4, _NUM_IMAGES, _PAD), jnp.float32),
        ],
        scratch_shapes=[pltpu.VMEM((_B, _NUM_IMAGES, _B), jnp.float32)],
    )(bx, sc)

    masked = masked[:, :_PRE]
    cboxes = jnp.transpose(cboxes[:, :, :_PRE], (1, 2, 0))
    final_scores, kidx = jax.lax.top_k(masked, _POST)
    final_boxes = jnp.take_along_axis(cboxes, kidx[..., None], axis=1)
    return jnp.concatenate([final_boxes, final_scores[..., None]], axis=-1)

# --- scband reference (transcript-rebuilt; emitter-appended) ---
"""Pipeline reference for scband-region-proposal-network-48163763258065 (READ-ONLY COPY).

The authoritative reference and input builder live on the scoring server;
editing this copy changes nothing except your own understanding.
"""

import jax, jax.numpy as jnp
import numpy as np

NUM_IMAGES = 4
NUM_ANCHORS = 20000
IMG_H = 800.0
IMG_W = 800.0
PRE_NMS_TOP_N = 2000
POST_NMS_TOP_N = 1000
NMS_THRESH = 0.7
SCORE_THRESH = 0.0
MIN_SIZE = 0.001


def setup_inputs(seed: int = 0) -> dict:
    key = jax.random.key(seed)
    k1, k2, k3 = jax.random.split(key, 3)
    xy = jax.random.uniform(k1, (NUM_IMAGES, NUM_ANCHORS, 2), dtype=jnp.float32) * 780.0
    wh = jax.random.uniform(k2, (NUM_IMAGES, NUM_ANCHORS, 2), dtype=jnp.float32) * 200.0 + 1.0
    proposals = jnp.concatenate([xy, xy + wh], axis=-1)  # x1,y1,x2,y2
    objectness = jax.random.normal(k3, (NUM_IMAGES, NUM_ANCHORS), dtype=jnp.float32)
    return {"proposals": proposals, "objectness": objectness}


def _box_iou(a, b):
    area_a = (a[:, 2] - a[:, 0]) * (a[:, 3] - a[:, 1])
    area_b = (b[:, 2] - b[:, 0]) * (b[:, 3] - b[:, 1])
    lt = jnp.maximum(a[:, None, :2], b[None, :, :2])
    rb = jnp.minimum(a[:, None, 2:], b[None, :, 2:])
    wh = jnp.clip(rb - lt, 0.0, None)
    inter = wh[..., 0] * wh[..., 1]
    union = area_a[:, None] + area_b[None, :] - inter
    return inter / jnp.maximum(union, 1e-9)


def _nms_keep(boxes, init_keep):
    # sequential greedy NMS over score-sorted boxes (boxes already sorted desc)
    iou = _box_iou(boxes, boxes)
    n = boxes.shape[0]
    idxs = jnp.arange(n)

    def body(i, keep):
        suppress = (iou[i] > NMS_THRESH) & (idxs > i) & keep[i]
        return keep & (~suppress)

    return jax.lax.fori_loop(0, n, body, init_keep)


def _filter_one(props, obj):
    pre = min(PRE_NMS_TOP_N, obj.shape[0])
    top_scores, top_idx = jax.lax.top_k(obj, pre)  # _get_top_n_idx (single level)
    boxes = props[top_idx]
    scores = jax.nn.sigmoid(top_scores)
    # clip_boxes_to_image
    x1 = jnp.clip(boxes[:, 0], 0.0, IMG_W)
    y1 = jnp.clip(boxes[:, 1], 0.0, IMG_H)
    x2 = jnp.clip(boxes[:, 2], 0.0, IMG_W)
    y2 = jnp.clip(boxes[:, 3], 0.0, IMG_H)
    boxes = jnp.stack([x1, y1, x2, y2], axis=-1)
    # remove_small_boxes + score_thresh (as validity mask to keep shapes static)
    ws = boxes[:, 2] - boxes[:, 0]
    hs = boxes[:, 3] - boxes[:, 1]
    valid = (ws >= MIN_SIZE) & (hs >= MIN_SIZE) & (scores > SCORE_THRESH)
    # greedy NMS (indices are non-differentiable, like torchvision.ops.nms)
    keep = _nms_keep(jax.lax.stop_gradient(boxes), valid)
    masked = jnp.where(keep, scores, -1.0)  # sigmoid scores are > 0, -1 is a safe sentinel
    final_scores, kidx = jax.lax.top_k(masked, POST_NMS_TOP_N)  # keep post_nms_top_n
    final_boxes = boxes[kidx]
    return jnp.concatenate([final_boxes, final_scores[:, None]], axis=-1)


def reference(proposals, objectness):
    # RPN detaches objectness before filter_proposals
    objectness = jax.lax.stop_gradient(objectness)
    return jax.vmap(_filter_one)(proposals, objectness)  # [num_images, post_nms_top_n, 5]

if __name__ == "__main__":
    import jax
    _d = setup_inputs()
    print(jax.jit(kernel)(*tuple(_d.values())))

</pallas_src>

<mosaic_0001>
module attributes {stable_mosaic.version = 14 : i64} {
  func.func @_nms_body(%arg0: memref<4x4x2048xf32, #tpu.memory_space<vmem>>, %arg1: memref<4x2048xf32, #tpu.memory_space<vmem>>, %arg2: memref<4x2048xf32, #tpu.memory_space<vmem>>, %arg3: memref<4x4x2048xf32, #tpu.memory_space<vmem>>, %arg4: memref<128x4x128xf32, #tpu.memory_space<vmem>>) attributes {dimension_semantics = [], scalar_prefetch = 0 : i64, scratch_operands = 1 : i64, tpu.core_type = #tpu.core_type<tc>} {
    %get3A = arith.constant 0 : index
    %get3A_0 = arith.constant 0 : index
    %get3A_1 = arith.constant 0 : index
    %get3A_2 = vector.load %arg0[%get3A, %get3A_0, %get3A_1] : memref<4x4x2048xf32, #tpu.memory_space<vmem>>, vector<1x4x2048xf32>
    %get3A_3 = vector.shape_cast %get3A_2 : vector<1x4x2048xf32> to vector<4x2048xf32>
    %jit3A = arith.constant 0.000000e+00 : f32
    %jit3A_4 = arith.constant 8.000000e+02 : f32
    %max3A = vector.broadcast %jit3A : f32 to vector<4x2048xf32>
    %max3A_5 = arith.maximumf %max3A, %get3A_3 : vector<4x2048xf32>
    %min3A = vector.broadcast %jit3A_4 : f32 to vector<4x2048xf32>
    %min3A_6 = arith.minimumf %min3A, %max3A_5 : vector<4x2048xf32>
    %get3A_7 = arith.constant 1 : index
    %get3A_8 = arith.constant 0 : index
    %get3A_9 = arith.constant 0 : index
    %get3A_10 = vector.load %arg0[%get3A_7, %get3A_8, %get3A_9] : memref<4x4x2048xf32, #tpu.memory_space<vmem>>, vector<1x4x2048xf32>
    %get3A_11 = vector.shape_cast %get3A_10 : vector<1x4x2048xf32> to vector<4x2048xf32>
    %jit3A_12 = arith.constant 0.000000e+00 : f32
    %jit3A_13 = arith.constant 8.000000e+02 : f32
    %max3A_14 = vector.broadcast %jit3A_12 : f32 to vector<4x2048xf32>
    %max3A_15 = arith.maximumf %max3A_14, %get3A_11 : vector<4x2048xf32>
    %min3A_16 = vector.broadcast %jit3A_13 : f32 to vector<4x2048xf32>
    %min3A_17 = arith.minimumf %min3A_16, %max3A_15 : vector<4x2048xf32>
    %get3A_18 = arith.constant 2 : index
    %get3A_19 = arith.constant 0 : index
    %get3A_20 = arith.constant 0 : index
    %get3A_21 = vector.load %arg0[%get3A_18, %get3A_19, %get3A_20] : memref<4x4x2048xf32, #tpu.memory_space<vmem>>, vector<1x4x2048xf32>
    %get3A_22 = vector.shape_cast %get3A_21 : vector<1x4x2048xf32> to vector<4x2048xf32>
    %jit3A_23 = arith.constant 0.000000e+00 : f32
    %jit3A_24 = arith.constant 8.000000e+02 : f32
    %max3A_25 = vector.broadcast %jit3A_23 : f32 to vector<4x2048xf32>
    %max3A_26 = arith.maximumf %max3A_25, %get3A_22 : vector<4x2048xf32>
    %min3A_27 = vector.broadcast %jit3A_24 : f32 to vector<4x2048xf32>
    %min3A_28 = arith.minimumf %min3A_27, %max3A_26 : vector<4x2048xf32>
    %get3A_29 = arith.constant 3 : index
    %get3A_30 = arith.constant 0 : index
    %get3A_31 = arith.constant 0 : index
    %get3A_32 = vector.load %arg0[%get3A_29, %get3A_30, %get3A_31] : memref<4x4x2048xf32, #tpu.memory_space<vmem>>, vector<1x4x2048xf32>
    %get3A_33 = vector.shape_cast %get3A_32 : vector<1x4x2048xf32> to vector<4x2048xf32>
    %jit3A_34 = arith.constant 0.000000e+00 : f32
    %jit3A_35 = arith.constant 8.000000e+02 : f32
    %max3A_36 = vector.broadcast %jit3A_34 : f32 to vector<4x2048xf32>
    %max3A_37 = arith.maximumf %max3A_36, %get3A_33 : vector<4x2048xf32>
    %min3A_38 = vector.broadcast %jit3A_35 : f32 to vector<4x2048xf32>
    %min3A_39 = arith.minimumf %min3A_38, %max3A_37 : vector<4x2048xf32>
    %get3A_40 = arith.constant 0 : index
    %get3A_41 = arith.constant 0 : index
    %get3A_42 = vector.load %arg1[%get3A_40, %get3A_41] : memref<4x2048xf32, #tpu.memory_space<vmem>>, vector<4x2048xf32>
    %logistic3A = arith.negf %get3A_42 : vector<4x2048xf32>
    %logistic3A_43 = math.exp %logistic3A : vector<4x2048xf32>
    %logistic3A_44 = arith.constant 1.000000e+00 : f32
    %logistic3A_45 = vector.broadcast %logistic3A_44 : f32 to vector<4x2048xf32>
    %logistic3A_46 = arith.addf %logistic3A_45, %logistic3A_43 : vector<4x2048xf32>
    %logistic3A_47 = arith.divf %logistic3A_45, %logistic3A_46 : vector<4x2048xf32>
    %sub3A = arith.subf %min3A_28, %min3A_6 : vector<4x2048xf32>
    %sub3A_48 = arith.subf %min3A_39, %min3A_17 : vector<4x2048xf32>
    %mul3A = arith.mulf %sub3A, %sub3A_48 : vector<4x2048xf32>
    %ge3A = arith.constant 1.000000e-03 : f32
    %ge3A_49 = vector.broadcast %ge3A : f32 to vector<4x2048xf32>
    %ge3A_50 = arith.cmpf oge, %sub3A, %ge3A_49 : vector<4x2048xf32>
    %ge3A_51 = arith.constant 1.000000e-03 : f32
    %ge3A_52 = vector.broadcast %ge3A_51 : f32 to vector<4x2048xf32>
    %ge3A_53 = arith.cmpf oge, %sub3A_48, %ge3A_52 : vector<4x2048xf32>
    %and3A = arith.andi %ge3A_50, %ge3A_53 : vector<4x2048xi1>
    %gt3A = arith.constant 0.000000e+00 : f32
    %gt3A_54 = vector.broadcast %gt3A : f32 to vector<4x2048xf32>
    %gt3A_55 = arith.cmpf ogt, %logistic3A_47, %gt3A_54 : vector<4x2048xf32>
    %and3A_56 = arith.andi %and3A, %gt3A_55 : vector<4x2048xi1>
    %jit3A_57 = arith.constant 1.000000e+00 : f32
    %jit3A_58 = arith.constant 0.000000e+00 : f32
    %broadcast_in_dim3A = vector.broadcast %jit3A_57 : f32 to vector<4x2048xf32>
    %broadcast_in_dim3A_59 = vector.broadcast %jit3A_58 : f32 to vector<4x2048xf32>
    %select_n3A = arith.select %and3A_56, %broadcast_in_dim3A, %broadcast_in_dim3A_59 : vector<4x2048xi1>, vector<4x2048xf32>
    %iota3A = tpu.iota {dimensions = array<i32: 1>} : vector<1x128xi32>
    %iota3A_60 = tpu.iota {dimensions = array<i32: 0>} : vector<128x1x128xi32>
    %iota3A_61 = tpu.iota {dimensions = array<i32: 2>} : vector<128x1x128xi32>
    %gt3A_62 = arith.cmpi sgt, %iota3A_61, %iota3A_60 : vector<128x1x128xi32>
    %slice3A = vector.extract_strided_slice %min3A_6 {offsets = [0, 0], sizes = [4, 128], strides = [1, 1]} : vector<4x2048xf32> to vector<4x128xf32>
    %transpose3A = tpu.transpose %slice3A, [1, 0] : vector<4x128xf32> -> vector<128x4xf32>
    %broadcast_in_dim3A_63 = vector.shape_cast %transpose3A : vector<128x4xf32> to vector<128x4x1xf32>
    %slice3A_64 = vector.extract_strided_slice %min3A_17 {offsets = [0, 0], sizes = [4, 128], strides = [1, 1]} : vector<4x2048xf32> to vector<4x128xf32>
    %transpose3A_65 = tpu.transpose %slice3A_64, [1, 0] : vector<4x128xf32> -> vector<128x4xf32>
    %broadcast_in_dim3A_66 = vector.shape_cast %transpose3A_65 : vector<128x4xf32> to vector<128x4x1xf32>
    %slice3A_67 = vector.extract_strided_slice %min3A_28 {offsets = [0, 0], sizes = [4, 128], strides = [1, 1]} : vector<4x2048xf32> to vector<4x128xf32>
    %transpose3A_68 = tpu.transpose %slice3A_67, [1, 0] : vector<4x128xf32> -> vector<128x4xf32>
    %broadcast_in_dim3A_69 = vector.shape_cast %transpose3A_68 : vector<128x4xf32> to vector<128x4x1xf32>
    %slice3A_70 = vector.extract_strided_slice %min3A_39 {offsets = [0, 0], sizes = [4, 128], strides = [1, 1]} : vector<4x2048xf32> to vector<4x128xf32>
    %transpose3A_71 = tpu.transpose %slice3A_70, [1, 0] : vector<4x128xf32> -> vector<128x4xf32>
    %broadcast_in_dim3A_72 = vector.shape_cast %transpose3A_71 : vector<128x4xf32> to vector<128x4x1xf32>
    %slice3A_73 = vector.extract_strided_slice %mul3A {offsets = [0, 0], sizes = [4, 128], strides = [1, 1]} : vector<4x2048xf32> to vector<4x128xf32>
    %transpose3A_74 = tpu.transpose %slice3A_73, [1, 0] : vector<4x128xf32> -> vector<128x4xf32>
    %broadcast_in_dim3A_75 = vector.shape_cast %transpose3A_74 : vector<128x4xf32> to vector<128x4x1xf32>
    %broadcast_in_dim3A_76 = vector.shape_cast %min3A_6 : vector<4x2048xf32> to vector<1x4x2048xf32>
    %broadcast_in_dim3A_77 = vector.shape_cast %min3A_17 : vector<4x2048xf32> to vector<1x4x2048xf32>
    %broadcast_in_dim3A_78 = vector.shape_cast %min3A_28 : vector<4x2048xf32> to vector<1x4x2048xf32>
    %broadcast_in_dim3A_79 = vector.shape_cast %min3A_39 : vector<4x2048xf32> to vector<1x4x2048xf32>
    %broadcast_in_dim3A_80 = vector.shape_cast %mul3A : vector<4x2048xf32> to vector<1x4x2048xf32>
    %min3A_81 = vector.broadcast %broadcast_in_dim3A_69 : vector<128x4x1xf32> to vector<128x4x2048xf32>
    %min3A_82 = vector.broadcast %broadcast_in_dim3A_78 : vector<1x4x2048xf32> to vector<128x4x2048xf32>
    %min3A_83 = arith.minimumf %min3A_81, %min3A_82 : vector<128x4x2048xf32>
    %max3A_84 = vector.broadcast %broadcast_in_dim3A_63 : vector<128x4x1xf32> to vector<128x4x2048xf32>
    %max3A_85 = vector.broadcast %broadcast_in_dim3A_76 : vector<1x4x2048xf32> to vector<128x4x2048xf32>
    %max3A_86 = arith.maximumf %max3A_84, %max3A_85 : vector<128x4x2048xf32>
    %sub3A_87 = arith.subf %min3A_83, %max3A_86 : vector<128x4x2048xf32>
    %jit3A_88 = arith.constant 0.000000e+00 : f32
    %max3A_89 = vector.broadcast %jit3A_88 : f32 to vector<128x4x2048xf32>
    %max3A_90 = arith.maximumf %max3A_89, %sub3A_87 : vector<128x4x2048xf32>
    %min3A_91 = vector.broadcast %broadcast_in_dim3A_72 : vector<128x4x1xf32> to vector<128x4x2048xf32>
    %min3A_92 = vector.broadcast %broadcast_in_dim3A_79 : vector<1x4x2048xf32> to vector<128x4x2048xf32>
    %min3A_93 = arith.minimumf %min3A_91, %min3A_92 : vector<128x4x2048xf32>
    %max3A_94 = vector.broadcast %broadcast_in_dim3A_66 : vector<128x4x1xf32> to vector<128x4x2048xf32>
    %max3A_95 = vector.broadcast %broadcast_in_dim3A_77 : vector<1x4x2048xf32> to vector<128x4x2048xf32>
    %max3A_96 = arith.maximumf %max3A_94, %max3A_95 : vector<128x4x2048xf32>
    %sub3A_97 = arith.subf %min3A_93, %max3A_96 : vector<128x4x2048xf32>
    %jit3A_98 = arith.constant 0.000000e+00 : f32
    %max3A_99 = vector.broadcast %jit3A_98 : f32 to vector<128x4x2048xf32>
    %max3A_100 = arith.maximumf %max3A_99, %sub3A_97 : vector<128x4x2048xf32>
    %mul3A_101 = arith.mulf %max3A_90, %max3A_100 : vector<128x4x2048xf32>
    %add3A = vector.broadcast %broadcast_in_dim3A_75 : vector<128x4x1xf32> to vector<128x4x2048xf32>
    %add3A_102 = vector.broadcast %broadcast_in_dim3A_80 : vector<1x4x2048xf32> to vector<128x4x2048xf32>
    %add3A_103 = arith.addf %add3A, %add3A_102 : vector<128x4x2048xf32>
    %sub3A_104 = arith.subf %add3A_103, %mul3A_101 : vector<128x4x2048xf32>
    %max3A_105 = arith.constant 9.99999971E-10 : f32
    %max3A_106 = vector.broadcast %max3A_105 : f32 to vector<128x4x2048xf32>
    %max3A_107 = arith.maximumf %sub3A_104, %max3A_106 : vector<128x4x2048xf32>
    %div3A = arith.divf %mul3A_101, %max3A_107 : vector<128x4x2048xf32>
    %gt3A_108 = arith.constant 0.699999988 : f32
    %gt3A_109 = vector.broadcast %gt3A_108 : f32 to vector<128x4x2048xf32>
    %gt3A_110 = arith.cmpf ogt, %div3A, %gt3A_109 : vector<128x4x2048xf32>
    %jit3A_111 = arith.constant 1.000000e+00 : f32
    %jit3A_112 = arith.constant 0.000000e+00 : f32
    %broadcast_in_dim3A_113 = vector.broadcast %jit3A_111 : f32 to vector<128x4x2048xf32>
    %broadcast_in_dim3A_114 = vector.broadcast %jit3A_112 : f32 to vector<128x4x2048xf32>
    %select_n3A_115 = arith.select %gt3A_110, %broadcast_in_dim3A_113, %broadcast_in_dim3A_114 : vector<128x4x2048xi1>, vector<128x4x2048xf32>
    %slice3A_116 = vector.extract_strided_slice %select_n3A_115 {offsets = [0, 0, 0], sizes = [128, 4, 128], strides = [1, 1, 1]} : vector<128x4x2048xf32> to vector<128x4x128xf32>
    %jit3A_117 = arith.constant 0.000000e+00 : f32
    %broadcast_in_dim3A_118 = vector.shape_cast %gt3A_62 : vector<128x1x128xi1> to vector<128x1x128xi1>
    %broadcast_in_dim3A_119 = vector.broadcast %broadcast_in_dim3A_118 : vector<128x1x128xi1> to vector<128x4x128xi1>
    %broadcast_in_dim3A_120 = vector.broadcast %jit3A_117 : f32 to vector<128x4x128xf32>
    %select_n3A_121 = arith.select %broadcast_in_dim3A_119, %slice3A_116, %broadcast_in_dim3A_120 : vector<128x4x128xi1>, vector<128x4x128xf32>
    %swap3A = arith.constant 0 : index
    %swap3A_122 = arith.constant 0 : index
    %swap3A_123 = arith.constant 0 : index
    %swap3A_124 = vector.load %arg4[%swap3A, %swap3A_122, %swap3A_123] : memref<128x4x128xf32, #tpu.memory_space<vmem>>, vector<128x4x128xf32>
    tpu.vector_store %arg4[%swap3A, %swap3A_122, %swap3A_123], %select_n3A_121 {strides = array<i32>} : memref<128x4x128xf32, #tpu.memory_space<vmem>>, vector<128x4x128xf32>,
    %slice3A_125 = vector.extract_strided_slice %select_n3A {offsets = [0, 0], sizes = [4, 128], strides = [1, 1]} : vector<4x2048xf32> to vector<4x128xf32>
    %scan3A = arith.constant 0 : i32
    %scan3A_126 = arith.constant 128 : i32
    %scan3A_127 = arith.addi %scan3A, %scan3A_126 : i32
    %scan3A_128 = arith.constant 8 : i32
    %scan3A_129 = scf.for %scan3A_1587 = %scan3A to %scan3A_127 step %scan3A_128 iter_args(%scan3A_1588 = %slice3A_125) -> (vector<4x128xf32>)  : i32 {
      %get3A_1589 = arith.index_cast %scan3A_1587 : i32 to index
      %get3A_1590 = arith.constant 0 : index
      %get3A_1591 = arith.constant 0 : index
      %get3A_1592 = vector.load %arg4[%get3A_1589, %get3A_1590, %get3A_1591] : memref<128x4x128xf32, #tpu.memory_space<vmem>>, vector<1x4x128xf32>
      %reshape3A = vector.shape_cast %get3A_1592 : vector<1x4x128xf32> to vector<4x128xf32>
      %eq3A = vector.broadcast %scan3A_1587 : i32 to vector<1x128xi32>
      %eq3A_1593 = arith.cmpi eq, %iota3A, %eq3A : vector<1x128xi32>
      %jit3A_1594 = arith.constant 0.000000e+00 : f32
      %broadcast_in_dim3A_1595 = vector.shape_cast %eq3A_1593 : vector<1x128xi1> to vector<1x128xi1>
      %broadcast_in_dim3A_1596 = vector.broadcast %broadcast_in_dim3A_1595 : vector<1x128xi1> to vector<4x128xi1>
      %broadcast_in_dim3A_1597 = vector.broadcast %jit3A_1594 : f32 to vector<4x128xf32>
      %select_n3A_1598 = arith.select %broadcast_in_dim3A_1596, %scan3A_1588, %broadcast_in_dim3A_1597 : vector<4x128xi1>, vector<4x128xf32>
      %reduce_sum3A = arith.constant dense<0.000000e+00> : vector<4xf32>
      %reduce_sum3A_1599 = vector.multi_reduction <add>, %select_n3A_1598, %reduce_sum3A [1] : vector<4x128xf32> to vector<4xf32>
      %broadcast_in_dim3A_1600 = vector.shape_cast %reduce_sum3A_1599 : vector<4xf32> to vector<4x1xf32>
      %gt3A_1601 = arith.constant 0.000000e+00 : f32
      %gt3A_1602 = vector.broadcast %gt3A_1601 : f32 to vector<4x128xf32>
      %gt3A_1603 = arith.cmpf ogt, %reshape3A, %gt3A_1602 : vector<4x128xf32>
      %gt3A_1604 = arith.constant 0.000000e+00 : f32
      %gt3A_1605 = vector.broadcast %gt3A_1604 : f32 to vector<4x1xf32>
      %gt3A_1606 = arith.cmpf ogt, %broadcast_in_dim3A_1600, %gt3A_1605 : vector<4x1xf32>
      %and3A_1607 = vector.broadcast %gt3A_1606 : vector<4x1xi1> to vector<4x128xi1>
      %and3A_1608 = arith.andi %gt3A_1603, %and3A_1607 : vector<4x128xi1>
      %jit3A_1609 = arith.constant 0.000000e+00 : f32
      %broadcast_in_dim3A_1610 = vector.broadcast %jit3A_1609 : f32 to vector<4x128xf32>
      %select_n3A_1611 = arith.select %and3A_1608, %broadcast_in_dim3A_1610, %scan3A_1588 : vector<4x128xi1>, vector<4x128xf32>
      %scan3A_1612 = arith.constant 1 : i32
      %scan3A_1613 = arith.addi %scan3A_1587, %scan3A_1612 : i32
      %get3A_1614 = arith.index_cast %scan3A_1613 : i32 to index
      %get3A_1615 = arith.constant 0 : index
      %get3A_1616 = arith.constant 0 : index
      %get3A_1617 = vector.load %arg4[%get3A_1614, %get3A_1615, %get3A_1616] : memref<128x4x128xf32, #tpu.memory_space<vmem>>, vector<1x4x128xf32>
      %reshape3A_1618 = vector.shape_cast %get3A_1617 : vector<1x4x128xf32> to vector<4x128xf32>
      %eq3A_1619 = vector.broadcast %scan3A_1613 : i32 to vector<1x128xi32>
      %eq3A_1620 = arith.cmpi eq, %iota3A, %eq3A_1619 : vector<1x128xi32>
      %jit3A_1621 = arith.constant 0.000000e+00 : f32
      %broadcast_in_dim3A_1622 = vector.shape_cast %eq3A_1620 : vector<1x128xi1> to vector<1x128xi1>
      %broadcast_in_dim3A_1623 = vector.broadcast %broadcast_in_dim3A_1622 : vector<1x128xi1> to vector<4x128xi1>
      %broadcast_in_dim3A_1624 = vector.broadcast %jit3A_1621 : f32 to vector<4x128xf32>
      %select_n3A_1625 = arith.select %broadcast_in_dim3A_1623, %select_n3A_1611, %broadcast_in_dim3A_1624 : vector<4x128xi1>, vector<4x128xf32>
      %reduce_sum3A_1626 = arith.constant dense<0.000000e+00> : vector<4xf32>
      %reduce_sum3A_1627 = vector.multi_reduction <add>, %select_n3A_1625, %reduce_sum3A_1626 [1] : vector<4x128xf32> to vector<4xf32>
      %broadcast_in_dim3A_1628 = vector.shape_cast %reduce_sum3A_1627 : vector<4xf32> to vector<4x1xf32>
      %gt3A_1629 = arith.constant 0.000000e+00 : f32
      %gt3A_1630 = vector.broadcast %gt3A_1629 : f32 to vector<4x128xf32>
      %gt3A_1631 = arith.cmpf ogt, %reshape3A_1618, %gt3A_1630 : vector<4x128xf32>
      %gt3A_1632 = arith.constant 0.000000e+00 : f32
      %gt3A_1633 = vector.broadcast %gt3A_1632 : f32 to vector<4x1xf32>
      %gt3A_1634 = arith.cmpf ogt, %broadcast_in_dim3A_1628, %gt3A_1633 : vector<4x1xf32>
      %and3A_1635 = vector.broadcast %gt3A_1634 : vector<4x1xi1> to vector<4x128xi1>
      %and3A_1636 = arith.andi %gt3A_1631, %and3A_1635 : vector<4x128xi1>
      %jit3A_1637 = arith.constant 0.000000e+00 : f32
      %broadcast_in_dim3A_1638 = vector.broadcast %jit3A_1637 : f32 to vector<4x128xf32>
      %select_n3A_1639 = arith.select %and3A_1636, %broadcast_in_dim3A_1638, %select_n3A_1611 : vector<4x128xi1>, vector<4x128xf32>
      %scan3A_1640 = arith.constant 2 : i32
      %scan3A_1641 = arith.addi %scan3A_1587, %scan3A_1640 : i32
      %get3A_1642 = arith.index_cast %scan3A_1641 : i32 to index
      %get3A_1643 = arith.constant 0 : index
      %get3A_1644 = arith.constant 0 : index
      %get3A_1645 = vector.load %arg4[%get3A_1642, %get3A_1643, %get3A_1644] : memref<128x4x128xf32, #tpu.memory_space<vmem>>, vector<1x4x128xf32>
      %reshape3A_1646 = vector.shape_cast %get3A_1645 : vector<1x4x128xf32> to vector<4x128xf32>
      %eq3A_1647 = vector.broadcast %scan3A_1641 : i32 to vector<1x128xi32>
      %eq3A_1648 = arith.cmpi eq, %iota3A, %eq3A_1647 : vector<1x128xi32>
      %jit3A_1649 = arith.constant 0.000000e+00 : f32
      %broadcast_in_dim3A_1650 = vector.shape_cast %eq3A_1648 : vector<1x128xi1> to vector<1x128xi1>
      %broadcast_in_dim3A_1651 = vector.broadcast %broadcast_in_dim3A_1650 : vector<1x128xi1> to vector<4x128xi1>
      %broadcast_in_dim3A_1652 = vector.broadcast %jit3A_1649 : f32 to vector<4x128xf32>
      %select_n3A_1653 = arith.select %broadcast_in_dim3A_1651, %select_n3A_1639, %broadcast_in_dim3A_1652 : vector<4x128xi1>, vector<4x128xf32>
      %reduce_sum3A_1654 = arith.constant dense<0.000000e+00> : vector<4xf32>
      %reduce_sum3A_1655 = vector.multi_reduction <add>, %select_n3A_1653, %reduce_sum3A_1654 [1] : vector<4x128xf32> to vector<4xf32>
      %broadcast_in_dim3A_1656 = vector.shape_cast %reduce_sum3A_1655 : vector<4xf32> to vector<4x1xf32>
      %gt3A_1657 = arith.constant 0.000000e+00 : f32
      %gt3A_1658 = vector.broadcast %gt3A_1657 : f32 to vector<4x128xf32>
      %gt3A_1659 = arith.cmpf ogt, %reshape3A_1646, %gt3A_1658 : vector<4x128xf32>
      %gt3A_1660 = arith.constant 0.000000e+00 : f32
      %gt3A_1661 = vector.broadcast %gt3A_1660 : f32 to vector<4x1xf32>
      %gt3A_1662 = arith.cmpf ogt, %broadcast_in_dim3A_1656, %gt3A_1661 : vector<4x1xf32>
      %and3A_1663 = vector.broadcast %gt3A_1662 : vector<4x1xi1> to vector<4x128xi1>
      %and3A_1664 = arith.andi %gt3A_1659, %and3A_1663 : vector<4x128xi1>
      %jit3A_1665 = arith.constant 0.000000e+00 : f32
      %broadcast_in_dim3A_1666 = vector.broadcast %jit3A_1665 : f32 to vector<4x128xf32>
      %select_n3A_1667 = arith.select %and3A_1664, %broadcast_in_dim3A_1666, %select_n3A_1639 : vector<4x128xi1>, vector<4x128xf32>
      %scan3A_1668 = arith.constant 3 : i32
      %scan3A_1669 = arith.addi %scan3A_1587, %scan3A_1668 : i32
      %get3A_1670 = arith.index_cast %scan3A_1669 : i32 to index
      %get3A_1671 = arith.constant 0 : index
      %get3A_1672 = arith.constant 0 : index
      %get3A_1673 = vector.load %arg4[%get3A_1670, %get3A_1671, %get3A_1672] : memref<128x4x128xf32, #tpu.memory_space<vmem>>, vector<1x4x128xf32>
      %reshape3A_1674 = vector.shape_cast %get3A_1673 : vector<1x4x128xf32> to vector<4x128xf32>
      %eq3A_1675 = vector.broadcast %scan3A_1669 : i32 to vector<1x128xi32>
      %eq3A_1676 = arith.cmpi eq, %iota3A, %eq3A_1675 : vector<1x128xi32>
      %jit3A_1677 = arith.constant 0.000000e+00 : f32
      %broadcast_in_dim3A_1678 = vector.shape_cast %eq3A_1676 : vector<1x128xi1> to vector<1x128xi1>
      %broadcast_in_dim3A_1679 = vector.broadcast %broadcast_in_dim3A_1678 : vector<1x128xi1> to vector<4x128xi1>
      %broadcast_in_dim3A_1680 = vector.broadcast %jit3A_1677 : f32 to vector<4x128xf32>
      %select_n3A_1681 = arith.select %broadcast_in_dim3A_1679, %select_n3A_1667, %broadcast_in_dim3A_1680 : vector<4x128xi1>, vector<4x128xf32>
      %reduce_sum3A_1682 = arith.constant dense<0.000000e+00> : vector<4xf32>
      %reduce_sum3A_1683 = vector.multi_reduction <add>, %select_n3A_1681, %reduce_sum3A_1682 [1] : vector<4x128xf32> to vector<4xf32>
      %broadcast_in_dim3A_1684 = vector.shape_cast %reduce_sum3A_1683 : vector<4xf32> to vector<4x1xf32>
      %gt3A_1685 = arith.constant 0.000000e+00 : f32
      %gt3A_1686 = vector.broadcast %gt3A_1685 : f32 to vector<4x128xf32>
      %gt3A_1687 = arith.cmpf ogt, %reshape3A_1674, %gt3A_1686 : vector<4x128xf32>
      %gt3A_1688 = arith.constant 0.000000e+00 : f32
      %gt3A_1689 = vector.broadcast %gt3A_1688 : f32 to vector<4x1xf32>
      %gt3A_1690 = arith.cmpf ogt, %broadcast_in_dim3A_1684, %gt3A_1689 : vector<4x1xf32>
      %and3A_1691 = vector.broadcast %gt3A_1690 : vector<4x1xi1> to vector<4x128xi1>
      %and3A_1692 = arith.andi %gt3A_1687, %and3A_1691 : vector<4x128xi1>
      %jit3A_1693 = arith.constant 0.000000e+00 : f32
      %broadcast_in_dim3A_1694 = vector.broadcast %jit3A_1693 : f32 to vector<4x128xf32>
      %select_n3A_1695 = arith.select %and3A_1692, %broadcast_in_dim3A_1694, %select_n3A_1667 : vector<4x128xi1>, vector<4x128xf32>
      %scan3A_1696 = arith.constant 4 : i32
      %scan3A_1697 = arith.addi %scan3A_1587, %scan3A_1696 : i32
      %get3A_1698 = arith.index_cast %scan3A_1697 : i32 to index
      %get3A_1699 = arith.constant 0 : index
      %get3A_1700 = arith.constant 0 : index
      %get3A_1701 = vector.load %arg4[%get3A_1698, %get3A_1699, %get3A_1700] : memref<128x4x128xf32, #tpu.memory_space<vmem>>, vector<1x4x128xf32>
      %reshape3A_1702 = vector.shape_cast %get3A_1701 : vector<1x4x128xf32> to vector<4x128xf32>
      %eq3A_1703 = vector.broadcast %scan3A_1697 : i32 to vector<1x128xi32>
      %eq3A_1704 = arith.cmpi eq, %iota3A, %eq3A_1703 : vector<1x128xi32>
      %jit3A_1705 = arith.constant 0.000000e+00 : f32
      %broadcast_in_dim3A_1706 = vector.shape_cast %eq3A_1704 : vector<1x128xi1> to vector<1x128xi1>
      %broadcast_in_dim3A_1707 = vector.broadcast %broadcast_in_dim3A_1706 : vector<1x128xi1> to vector<4x128xi1>
      %broadcast_in_dim3A_1708 = vector.broadcast %jit3A_1705 : f32 to vector<4x128xf32>
      %select_n3A_1709 = arith.select %broadcast_in_dim3A_1707, %select_n3A_1695, %broadcast_in_dim3A_1708 : vector<4x128xi1>, vector<4x128xf32>
      %reduce_sum3A_1710 = arith.constant dense<0.000000e+00> : vector<4xf32>
      %reduce_sum3A_1711 = vector.multi_reduction <add>, %select_n3A_1709, %reduce_sum3A_1710 [1] : vector<4x128xf32> to vector<4xf32>
      %broadcast_in_dim3A_1712 = vector.shape_cast %reduce_sum3A_1711 : vector<4xf32> to vector<4x1xf32>
      %gt3A_1713 = arith.constant 0.000000e+00 : f32
      %gt3A_1714 = vector.broadcast %gt3A_1713 : f32 to vector<4x128xf32>
      %gt3A_1715 = arith.cmpf ogt, %reshape3A_1702, %gt3A_1714 : vector<4x128xf32>
      %gt3A_1716 = arith.constant 0.000000e+00 : f32
      %gt3A_1717 = vector.broadcast %gt3A_1716 : f32 to vector<4x1xf32>
      %gt3A_1718 = arith.cmpf ogt, %broadcast_in_dim3A_1712, %gt3A_1717 : vector<4x1xf32>
      %and3A_1719 = vector.broadcast %gt3A_1718 : vector<4x1xi1> to vector<4x128xi1>
      %and3A_1720 = arith.andi %gt3A_1715, %and3A_1719 : vector<4x128xi1>
      %jit3A_1721 = arith.constant 0.000000e+00 : f32
      %broadcast_in_dim3A_1722 = vector.broadcast %jit3A_1721 : f32 to vector<4x128xf32>
      %select_n3A_1723 = arith.select %and3A_1720, %broadcast_in_dim3A_1722, %select_n3A_1695 : vector<4x128xi1>, vector<4x128xf32>
      %scan3A_1724 = arith.constant 5 : i32
      %scan3A_1725 = arith.addi %scan3A_1587, %scan3A_1724 : i32
      %get3A_1726 = arith.index_cast %scan3A_1725 : i32 to index
      %get3A_1727 = arith.constant 0 : index
      %get3A_1728 = arith.constant 0 : index
      %get3A_1729 = vector.load %arg4[%get3A_1726, %get3A_1727, %get3A_1728] : memref<128x4x128xf32, #tpu.memory_space<vmem>>, vector<1x4x128xf32>
      %reshape3A_1730 = vector.shape_cast %get3A_1729 : vector<1x4x128xf32> to vector<4x128xf32>
      %eq3A_1731 = vector.broadcast %scan3A_1725 : i32 to vector<1x128xi32>
      %eq3A_1732 = arith.cmpi eq, %iota3A, %eq3A_1731 : vector<1x128xi32>
      %jit3A_1733 = arith.constant 0.000000e+00 : f32
      %broadcast_in_dim3A_1734 = vector.shape_cast %eq3A_1732 : vector<1x128xi1> to vector<1x128xi1>
      %broadcast_in_dim3A_1735 = vector.broadcast %broadcast_in_dim3A_1734 : vector<1x128xi1> to vector<4x128xi1>
      %broadcast_in_dim3A_1736 = vector.broadcast %jit3A_1733 : f32 to vector<4x128xf32>
      %select_n3A_1737 = arith.select %broadcast_in_dim3A_1735, %select_n3A_1723, %broadcast_in_dim3A_1736 : vector<4x128xi1>, vector<4x128xf32>
      %reduce_sum3A_1738 = arith.constant dense<0.000000e+00> : vector<4xf32>
      %reduce_sum3A_1739 = vector.multi_reduction <add>, %select_n3A_1737, %reduce_sum3A_1738 [1] : vector<4x128xf32> to vector<4xf32>
      %broadcast_in_dim3A_1740 = vector.shape_cast %reduce_sum3A_1739 : vector<4xf32> to vector<4x1xf32>
      %gt3A_1741 = arith.constant 0.000000e+00 : f32
      %gt3A_1742 = vector.broadcast %gt3A_1741 : f32 to vector<4x128xf32>
      %gt3A_1743 = arith.cmpf ogt, %reshape3A_1730, %gt3A_1742 : vector<4x128xf32>
      %gt3A_1744 = arith.constant 0.000000e+00 : f32
      %gt3A_1745 = vector.broadcast %gt3A_1744 : f32 to vector<4x1xf32>
      %gt3A_1746 = arith.cmpf ogt, %broadcast_in_dim3A_1740, %gt3A_1745 : vector<4x1xf32>
      %and3A_1747 = vector.broadcast %gt3A_1746 : vector<4x1xi1> to vector<4x128xi1>
      %and3A_1748 = arith.andi %gt3A_1743, %and3A_1747 : vector<4x128xi1>
      %jit3A_1749 = arith.constant 0.000000e+00 : f32
      %broadcast_in_dim3A_1750 = vector.broadcast %jit3A_1749 : f32 to vector<4x128xf32>
      %select_n3A_1751 = arith.select %and3A_1748, %broadcast_in_dim3A_1750, %select_n3A_1723 : vector<4x128xi1>, vector<4x128xf32>
      %scan3A_1752 = arith.constant 6 : i32
      %scan3A_1753 = arith.addi %scan3A_1587, %scan3A_1752 : i32
      %get3A_1754 = arith.index_cast %scan3A_1753 : i32 to index
      %get3A_1755 = arith.constant 0 : index
      %get3A_1756 = arith.constant 0 : index
      %get3A_1757 = vector.load %arg4[%get3A_1754, %get3A_1755, %get3A_1756] : memref<128x4x128xf32, #tpu.memory_space<vmem>>, vector<1x4x128xf32>
      %reshape3A_1758 = vector.shape_cast %get3A_1757 : vector<1x4x128xf32> to vector<4x128xf32>
      %eq3A_1759 = vector.broadcast %scan3A_1753 : i32 to vector<1x128xi32>
      %eq3A_1760 = arith.cmpi eq, %iota3A, %eq3A_1759 : vector<1x128xi32>
      %jit3A_1761 = arith.constant 0.000000e+00 : f32
      %broadcast_in_dim3A_1762 = vector.shape_cast %eq3A_1760 : vector<1x128xi1> to vector<1x128xi1>
      %broadcast_in_dim3A_1763 = vector.broadcast %broadcast_in_dim3A_1762 : vector<1x128xi1> to vector<4x128xi1>
      %broadcast_in_dim3A_1764 = vector.broadcast %jit3A_1761 : f32 to vector<4x128xf32>
      %select_n3A_1765 = arith.select %broadcast_in_dim3A_1763, %select_n3A_1751, %broadcast_in_dim3A_1764 : vector<4x128xi1>, vector<4x128xf32>
      %reduce_sum3A_1766 = arith.constant dense<0.000000e+00> : vector<4xf32>
      %reduce_sum3A_1767 = vector.multi_reduction <add>, %select_n3A_1765, %reduce_sum3A_1766 [1] : vector<4x128xf32> to vector<4xf32>
      %broadcast_in_dim3A_1768 = vector.shape_cast %reduce_sum3A_1767 : vector<4xf32> to vector<4x1xf32>
      %gt3A_1769 = arith.constant 0.000000e+00 : f32
      %gt3A_1770 = vector.broadcast %gt3A_1769 : f32 to vector<4x128xf32>
      %gt3A_1771 = arith.cmpf ogt, %reshape3A_1758, %gt3A_1770 : vector<4x128xf32>
      %gt3A_1772 = arith.constant 0.000000e+00 : f32
      %gt3A_1773 = vector.broadcast %gt3A_1772 : f32 to vector<4x1xf32>
      %gt3A_1774 = arith.cmpf ogt, %broadcast_in_dim3A_1768, %gt3A_1773 : vector<4x1xf32>
      %and3A_1775 = vector.broadcast %gt3A_1774 : vector<4x1xi1> to vector<4x128xi1>
      %and3A_1776 = arith.andi %gt3A_1771, %and3A_1775 : vector<4x128xi1>
      %jit3A_1777 = arith.constant 0.000000e+00 : f32
      %broadcast_in_dim3A_1778 = vector.broadcast %jit3A_1777 : f32 to vector<4x128xf32>
      %select_n3A_1779 = arith.select %and3A_1776, %broadcast_in_dim3A_1778, %select_n3A_1751 : vector<4x128xi1>, vector<4x128xf32>
      %scan3A_1780 = arith.constant 7 : i32
      %scan3A_1781 = arith.addi %scan3A_1587, %scan3A_1780 : i32
      %get3A_1782 = arith.index_cast %scan3A_1781 : i32 to index
      %get3A_1783 = arith.constant 0 : index
      %get3A_1784 = arith.constant 0 : index
      %get3A_1785 = vector.load %arg4[%get3A_1782, %get3A_1783, %get3A_1784] : memref<128x4x128xf32, #tpu.memory_space<vmem>>, vector<1x4x128xf32>
      %reshape3A_1786 = vector.shape_cast %get3A_1785 : vector<1x4x128xf32> to vector<4x128xf32>
      %eq3A_1787 = vector.broadcast %scan3A_1781 : i32 to vector<1x128xi32>
      %eq3A_1788 = arith.cmpi eq, %iota3A, %eq3A_1787 : vector<1x128xi32>
      %jit3A_1789 = arith.constant 0.000000e+00 : f32
      %broadcast_in_dim3A_1790 = vector.shape_cast %eq3A_1788 : vector<1x128xi1> to vector<1x128xi1>
      %broadcast_in_dim3A_1791 = vector.broadcast %broadcast_in_dim3A_1790 : vector<1x128xi1> to vector<4x128xi1>
      %broadcast_in_dim3A_1792 = vector.broadcast %jit3A_1789 : f32 to vector<4x128xf32>
      %select_n3A_1793 = arith.select %broadcast_in_dim3A_1791, %select_n3A_1779, %broadcast_in_dim3A_1792 : vector<4x128xi1>, vector<4x128xf32>
      %reduce_sum3A_1794 = arith.constant dense<0.000000e+00> : vector<4xf32>
      %reduce_sum3A_1795 = vector.multi_reduction <add>, %select_n3A_1793, %reduce_sum3A_1794 [1] : vector<4x128xf32> to vector<4xf32>
      %broadcast_in_dim3A_1796 = vector.shape_cast %reduce_sum3A_1795 : vector<4xf32> to vector<4x1xf32>
      %gt3A_1797 = arith.constant 0.000000e+00 : f32
      %gt3A_1798 = vector.broadcast %gt3A_1797 : f32 to vector<4x128xf32>
      %gt3A_1799 = arith.cmpf ogt, %reshape3A_1786, %gt3A_1798 : vector<4x128xf32>
      %gt3A_1800 = arith.constant 0.000000e+00 : f32
      %gt3A_1801 = vector.broadcast %gt3A_1800 : f32 to vector<4x1xf32>
      %gt3A_1802 = arith.cmpf ogt, %broadcast_in_dim3A_1796, %gt3A_1801 : vector<4x1xf32>
      %and3A_1803 = vector.broadcast %gt3A_1802 : vector<4x1xi1> to vector<4x128xi1>
      %and3A_1804 = arith.andi %gt3A_1799, %and3A_1803 : vector<4x128xi1>
      %jit3A_1805 = arith.constant 0.000000e+00 : f32
      %broadcast_in_dim3A_1806 = vector.broadcast %jit3A_1805 : f32 to vector<4x128xf32>
      %select_n3A_1807 = arith.select %and3A_1804, %broadcast_in_dim3A_1806, %select_n3A_1779 : vector<4x128xi1>, vector<4x128xf32>
      scf.yield %select_n3A_1807 : vector<4x128xf32>
    }
    %scan3A_130 = arith.constant 128 : i32
    %slice3A_131 = vector.extract_strided_slice %select_n3A_115 {offsets = [0, 0, 128], sizes = [128, 4, 1920], strides = [1, 1, 1]} : vector<128x4x2048xf32> to vector<128x4x1920xf32>
    %transpose3A_132 = tpu.transpose %scan3A_129, [1, 0] : vector<4x128xf32> -> vector<128x4xf32>
    %broadcast_in_dim3A_133 = vector.shape_cast %transpose3A_132 : vector<128x4xf32> to vector<128x4x1xf32>
    %mul3A_134 = vector.broadcast %broadcast_in_dim3A_133 : vector<128x4x1xf32> to vector<128x4x1920xf32>
    %mul3A_135 = arith.mulf %slice3A_131, %mul3A_134 : vector<128x4x1920xf32>
    %reduce_max3A = arith.constant dense<0xFF800000> : vector<4x1920xf32>
    %reduce_max3A_136 = vector.multi_reduction <maximumf>, %mul3A_135, %reduce_max3A [0] : vector<128x4x1920xf32> to vector<4x1920xf32>
    %gt3A_137 = arith.constant 0.000000e+00 : f32
    %gt3A_138 = vector.broadcast %gt3A_137 : f32 to vector<4x1920xf32>
    %gt3A_139 = arith.cmpf ogt, %reduce_max3A_136, %gt3A_138 : vector<4x1920xf32>
    %slice3A_140 = vector.extract_strided_slice %select_n3A {offsets = [0, 128], sizes = [4, 1920], strides = [1, 1]} : vector<4x2048xf32> to vector<4x1920xf32>
    %jit3A_141 = arith.constant 0.000000e+00 : f32
    %broadcast_in_dim3A_142 = vector.broadcast %jit3A_141 : f32 to vector<4x1920xf32>
    %select_n3A_143 = arith.select %gt3A_139, %broadcast_in_dim3A_142, %slice3A_140 : vector<4x1920xi1>, vector<4x1920xf32>
    %concatenate3A = tpu.concatenate %scan3A_129, %select_n3A_143 in 1 : vector<4x128xf32>, vector<4x1920xf32> -> vector<4x2048xf32>
    %slice3A_144 = vector.extract_strided_slice %min3A_6 {offsets = [0, 128], sizes = [4, 128], strides = [1, 1]} : vector<4x2048xf32> to vector<4x128xf32>
    %transpose3A_145 = tpu.transpose %slice3A_144, [1, 0] : vector<4x128xf32> -> vector<128x4xf32>
    %broadcast_in_dim3A_146 = vector.shape_cast %transpose3A_145 : vector<128x4xf32> to vector<128x4x1xf32>
    %slice3A_147 = vector.extract_strided_slice %min3A_17 {offsets = [0, 128], sizes = [4, 128], strides = [1, 1]} : vector<4x2048xf32> to vector<4x128xf32>
    %transpose3A_148 = tpu.transpose %slice3A_147, [1, 0] : vector<4x128xf32> -> vector<128x4xf32>
    %broadcast_in_dim3A_149 = vector.shape_cast %transpose3A_148 : vector<128x4xf32> to vector<128x4x1xf32>
    %slice3A_150 = vector.extract_strided_slice %min3A_28 {offsets = [0, 128], sizes = [4, 128], strides = [1, 1]} : vector<4x2048xf32> to vector<4x128xf32>
    %transpose3A_151 = tpu.transpose %slice3A_150, [1, 0] : vector<4x128xf32> -> vector<128x4xf32>
    %broadcast_in_dim3A_152 = vector.shape_cast %transpose3A_151 : vector<128x4xf32> to vector<128x4x1xf32>
    %slice3A_153 = vector.extract_strided_slice %min3A_39 {offsets = [0, 128], sizes = [4, 128], strides = [1, 1]} : vector<4x2048xf32> to vector<4x128xf32>
    %transpose3A_154 = tpu.transpose %slice3A_153, [1, 0] : vector<4x128xf32> -> vector<128x4xf32>
    %broadcast_in_dim3A_155 = vector.shape_cast %transpose3A_154 : vector<128x4xf32> to vector<128x4x1xf32>
    %slice3A_156 = vector.extract_strided_slice %mul3A {offsets = [0, 128], sizes = [4, 128], strides = [1, 1]} : vector<4x2048xf32> to vector<4x128xf32>
    %transpose3A_157 = tpu.transpose %slice3A_156, [1, 0] : vector<4x128xf32> -> vector<128x4xf32>
    %broadcast_in_dim3A_158 = vector.shape_cast %transpose3A_157 : vector<128x4xf32> to vector<128x4x1xf32>
    %slice3A_159 = vector.extract_strided_slice %min3A_6 {offsets = [0, 128], sizes = [4, 1920], strides = [1, 1]} : vector<4x2048xf32> to vector<4x1920xf32>
    %broadcast_in_dim3A_160 = vector.shape_cast %slice3A_159 : vector<4x1920xf32> to vector<1x4x1920xf32>
    %slice3A_161 = vector.extract_strided_slice %min3A_17 {offsets = [0, 128], sizes = [4, 1920], strides = [1, 1]} : vector<4x2048xf32> to vector<4x1920xf32>
    %broadcast_in_dim3A_162 = vector.shape_cast %slice3A_161 : vector<4x1920xf32> to vector<1x4x1920xf32>
    %slice3A_163 = vector.extract_strided_slice %min3A_28 {offsets = [0, 128], sizes = [4, 1920], strides = [1, 1]} : vector<4x2048xf32> to vector<4x1920xf32>
    %broadcast_in_dim3A_164 = vector.shape_cast %slice3A_163 : vector<4x1920xf32> to vector<1x4x1920xf32>
    %slice3A_165 = vector.extract_strided_slice %min3A_39 {offsets = [0, 128], sizes = [4, 1920], strides = [1, 1]} : vector<4x2048xf32> to vector<4x1920xf32>
    %broadcast_in_dim3A_166 = vector.shape_cast %slice3A_165 : vector<4x1920xf32> to vector<1x4x1920xf32>
    %slice3A_167 = vector.extract_strided_slice %mul3A {offsets = [0, 128], sizes = [4, 1920], strides = [1, 1]} : vector<4x2048xf32> to vector<4x1920xf32>
    %broadcast_in_dim3A_168 = vector.shape_cast %slice3A_167 : vector<4x1920xf32> to vector<1x4x1920xf32>
    %min3A_169 = vector.broadcast %broadcast_in_dim3A_152 : vector<128x4x1xf32> to vector<128x4x1920xf32>
    %min3A_170 = vector.broadcast %broadcast_in_dim3A_164 : vector<1x4x1920xf32> to vector<128x4x1920xf32>
    %min3A_171 = arith.minimumf %min3A_169, %min3A_170 : vector<128x4x1920xf32>
    %max3A_172 = vector.broadcast %broadcast_in_dim3A_146 : vector<128x4x1xf32> to vector<128x4x1920xf32>
    %max3A_173 = vector.broadcast %broadcast_in_dim3A_160 : vector<1x4x1920xf32> to vector<128x4x1920xf32>
    %max3A_174 = arith.maximumf %max3A_172, %max3A_173 : vector<128x4x1920xf32>
    %sub3A_175 = arith.subf %min3A_171, %max3A_174 : vector<128x4x1920xf32>
    %jit3A_176 = arith.constant 0.000000e+00 : f32
    %max3A_177 = vector.broadcast %jit3A_176 : f32 to vector<128x4x1920xf32>
    %max3A_178 = arith.maximumf %max3A_177, %sub3A_175 : vector<128x4x1920xf32>
    %min3A_179 = vector.broadcast %broadcast_in_dim3A_155 : vector<128x4x1xf32> to vector<128x4x1920xf32>
    %min3A_180 = vector.broadcast %broadcast_in_dim3A_166 : vector<1x4x1920xf32> to vector<128x4x1920xf32>
    %min3A_181 = arith.minimumf %min3A_179, %min3A_180 : vector<128x4x1920xf32>
    %max3A_182 = vector.broadcast %broadcast_in_dim3A_149 : vector<128x4x1xf32> to vector<128x4x1920xf32>
    %max3A_183 = vector.broadcast %broadcast_in_dim3A_162 : vector<1x4x1920xf32> to vector<128x4x1920xf32>
    %max3A_184 = arith.maximumf %max3A_182, %max3A_183 : vector<128x4x1920xf32>
    %sub3A_185 = arith.subf %min3A_181, %max3A_184 : vector<128x4x1920xf32>
    %jit3A_186 = arith.constant 0.000000e+00 : f32
    %max3A_187 = vector.broadcast %jit3A_186 : f32 to vector<128x4x1920xf32>
    %max3A_188 = arith.maximumf %max3A_187, %sub3A_185 : vector<128x4x1920xf32>
    %mul3A_189 = arith.mulf %max3A_178, %max3A_188 : vector<128x4x1920xf32>
    %add3A_190 = vector.broadcast %broadcast_in_dim3A_158 : vector<128x4x1xf32> to vector<128x4x1920xf32>
    %add3A_191 = vector.broadcast %broadcast_in_dim3A_168 : vector<1x4x1920xf32> to vector<128x4x1920xf32>
    %add3A_192 = arith.addf %add3A_190, %add3A_191 : vector<128x4x1920xf32>
    %sub3A_193 = arith.subf %add3A_192, %mul3A_189 : vector<128x4x1920xf32>
    %max3A_194 = arith.constant 9.99999971E-10 : f32
    %max3A_195 = vector.broadcast %max3A_194 : f32 to vector<128x4x1920xf32>
    %max3A_196 = arith.maximumf %sub3A_193, %max3A_195 : vector<128x4x1920xf32>
    %div3A_197 = arith.divf %mul3A_189, %max3A_196 : vector<128x4x1920xf32>
    %gt3A_198 = arith.constant 0.699999988 : f32
    %gt3A_199 = vector.broadcast %gt3A_198 : f32 to vector<128x4x1920xf32>
    %gt3A_200 = arith.cmpf ogt, %div3A_197, %gt3A_199 : vector<128x4x1920xf32>
    %jit3A_201 = arith.constant 1.000000e+00 : f32
    %jit3A_202 = arith.constant 0.000000e+00 : f32
    %broadcast_in_dim3A_203 = vector.broadcast %jit3A_201 : f32 to vector<128x4x1920xf32>
    %broadcast_in_dim3A_204 = vector.broadcast %jit3A_202 : f32 to vector<128x4x1920xf32>
    %select_n3A_205 = arith.select %gt3A_200, %broadcast_in_dim3A_203, %broadcast_in_dim3A_204 : vector<128x4x1920xi1>, vector<128x4x1920xf32>
    %slice3A_206 = vector.extract_strided_slice %select_n3A_205 {offsets = [0, 0, 0], sizes = [128, 4, 128], strides = [1, 1, 1]} : vector<128x4x1920xf32> to vector<128x4x128xf32>
    %jit3A_207 = arith.constant 0.000000e+00 : f32
    %broadcast_in_dim3A_208 = vector.shape_cast %gt3A_62 : vector<128x1x128xi1> to vector<128x1x128xi1>
    %broadcast_in_dim3A_209 = vector.broadcast %broadcast_in_dim3A_208 : vector<128x1x128xi1> to vector<128x4x128xi1>
    %broadcast_in_dim3A_210 = vector.broadcast %jit3A_207 : f32 to vector<128x4x128xf32>
    %select_n3A_211 = arith.select %broadcast_in_dim3A_209, %slice3A_206, %broadcast_in_dim3A_210 : vector<128x4x128xi1>, vector<128x4x128xf32>
    %swap3A_212 = arith.constant 0 : index
    %swap3A_213 = arith.constant 0 : index
    %swap3A_214 = arith.constant 0 : index
    %swap3A_215 = vector.load %arg4[%swap3A_212, %swap3A_213, %swap3A_214] : memref<128x4x128xf32, #tpu.memory_space<vmem>>, vector<128x4x128xf32>
    tpu.vector_store %arg4[%swap3A_212, %swap3A_213, %swap3A_214], %select_n3A_211 {strides = array<i32>} : memref<128x4x128xf32, #tpu.memory_space<vmem>>, vector<128x4x128xf32>,
    %slice3A_216 = vector.extract_strided_slice %concatenate3A {offsets = [0, 128], sizes = [4, 128], strides = [1, 1]} : vector<4x2048xf32> to vector<4x128xf32>
    %scan3A_217 = arith.constant 0 : i32
    %scan3A_218 = arith.constant 128 : i32
    %scan3A_219 = arith.addi %scan3A_217, %scan3A_218 : i32
    %scan3A_220 = arith.constant 8 : i32
    %scan3A_221 = scf.for %scan3A_1587 = %scan3A_217 to %scan3A_219 step %scan3A_220 iter_args(%scan3A_1588 = %slice3A_216) -> (vector<4x128xf32>)  : i32 {
      %get3A_1589 = arith.index_cast %scan3A_1587 : i32 to index
      %get3A_1590 = arith.constant 0 : index
      %get3A_1591 = arith.constant 0 : index
      %get3A_1592 = vector.load %arg4[%get3A_1589, %get3A_1590, %get3A_1591] : memref<128x4x128xf32, #tpu.memory_space<vmem>>, vector<1x4x128xf32>
      %reshape3A = vector.shape_cast %get3A_1592 : vector<1x4x128xf32> to vector<4x128xf32>
      %eq3A = vector.broadcast %scan3A_1587 : i32 to vector<1x128xi32>
      %eq3A_1593 = arith.cmpi eq, %iota3A, %eq3A : vector<1x128xi32>
      %jit3A_1594 = arith.constant 0.000000e+00 : f32
      %broadcast_in_dim3A_1595 = vector.shape_cast %eq3A_1593 : vector<1x128xi1> to vector<1x128xi1>
      %broadcast_in_dim3A_1596 = vector.broadcast %broadcast_in_dim3A_1595 : vector<1x128xi1> to vector<4x128xi1>
      %broadcast_in_dim3A_1597 = vector.broadcast %jit3A_1594 : f32 to vector<4x128xf32>
      %select_n3A_1598 = arith.select %broadcast_in_dim3A_1596, %scan3A_1588, %broadcast_in_dim3A_1597 : vector<4x128xi1>, vector<4x128xf32>
      %reduce_sum3A = arith.constant dense<0.000000e+00> : vector<4xf32>
      %reduce_sum3A_1599 = vector.multi_reduction <add>, %select_n3A_1598, %reduce_sum3A [1] : vector<4x128xf32> to vector<4xf32>
      %broadcast_in_dim3A_1600 = vector.shape_cast %reduce_sum3A_1599 : vector<4xf32> to vector<4x1xf32>
      %gt3A_1601 = arith.constant 0.000000e+00 : f32
      %gt3A_1602 = vector.broadcast %gt3A_1601 : f32 to vector<4x128xf32>
      %gt3A_1603 = arith.cmpf ogt, %reshape3A, %gt3A_1602 : vector<4x128xf32>
      %gt3A_1604 = arith.constant 0.000000e+00 : f32
      %gt3A_1605 = vector.broadcast %gt3A_1604 : f32 to vector<4x1xf32>
      %gt3A_1606 = arith.cmpf ogt, %broadcast_in_dim3A_1600, %gt3A_1605 : vector<4x1xf32>
      %and3A_1607 = vector.broadcast %gt3A_1606 : vector<4x1xi1> to vector<4x128xi1>
      %and3A_1608 = arith.andi %gt3A_1603, %and3A_1607 : vector<4x128xi1>
      %jit3A_1609 = arith.constant 0.000000e+00 : f32
      %broadcast_in_dim3A_1610 = vector.broadcast %jit3A_1609 : f32 to vector<4x128xf32>
      %select_n3A_1611 = arith.select %and3A_1608, %broadcast_in_dim3A_1610, %scan3A_1588 : vector<4x128xi1>, vector<4x128xf32>
      %scan3A_1612 = arith.constant 1 : i32
      %scan3A_1613 = arith.addi %scan3A_1587, %scan3A_1612 : i32
      %get3A_1614 = arith.index_cast %scan3A_1613 : i32 to index
      %get3A_1615 = arith.constant 0 : index
      %get3A_1616 = arith.constant 0 : index
      %get3A_1617 = vector.load %arg4[%get3A_1614, %get3A_1615, %get3A_1616] : memref<128x4x128xf32, #tpu.memory_space<vmem>>, vector<1x4x128xf32>
      %reshape3A_1618 = vector.shape_cast %get3A_1617 : vector<1x4x128xf32> to vector<4x128xf32>
      %eq3A_1619 = vector.broadcast %scan3A_1613 : i32 to vector<1x128xi32>
      %eq3A_1620 = arith.cmpi eq, %iota3A, %eq3A_1619 : vector<1x128xi32>
      %jit3A_1621 = arith.constant 0.000000e+00 : f32
      %broadcast_in_dim3A_1622 = vector.shape_cast %eq3A_1620 : vector<1x128xi1> to vector<1x128xi1>
      %broadcast_in_dim3A_1623 = vector.broadcast %broadcast_in_dim3A_1622 : vector<1x128xi1> to vector<4x128xi1>
      %broadcast_in_dim3A_1624 = vector.broadcast %jit3A_1621 : f32 to vector<4x128xf32>
      %select_n3A_1625 = arith.select %broadcast_in_dim3A_1623, %select_n3A_1611, %broadcast_in_dim3A_1624 : vector<4x128xi1>, vector<4x128xf32>
      %reduce_sum3A_1626 = arith.constant dense<0.000000e+00> : vector<4xf32>
      %reduce_sum3A_1627 = vector.multi_reduction <add>, %select_n3A_1625, %reduce_sum3A_1626 [1] : vector<4x128xf32> to vector<4xf32>
      %broadcast_in_dim3A_1628 = vector.shape_cast %reduce_sum3A_1627 : vector<4xf32> to vector<4x1xf32>
      %gt3A_1629 = arith.constant 0.000000e+00 : f32
      %gt3A_1630 = vector.broadcast %gt3A_1629 : f32 to vector<4x128xf32>
      %gt3A_1631 = arith.cmpf ogt, %reshape3A_1618, %gt3A_1630 : vector<4x128xf32>
      %gt3A_1632 = arith.constant 0.000000e+00 : f32
      %gt3A_1633 = vector.broadcast %gt3A_1632 : f32 to vector<4x1xf32>
      %gt3A_1634 = arith.cmpf ogt, %broadcast_in_dim3A_1628, %gt3A_1633 : vector<4x1xf32>
      %and3A_1635 = vector.broadcast %gt3A_1634 : vector<4x1xi1> to vector<4x128xi1>
      %and3A_1636 = arith.andi %gt3A_1631, %and3A_1635 : vector<4x128xi1>
      %jit3A_1637 = arith.constant 0.000000e+00 : f32
      %broadcast_in_dim3A_1638 = vector.broadcast %jit3A_1637 : f32 to vector<4x128xf32>
      %select_n3A_1639 = arith.select %and3A_1636, %broadcast_in_dim3A_1638, %select_n3A_1611 : vector<4x128xi1>, vector<4x128xf32>
      %scan3A_1640 = arith.constant 2 : i32
      %scan3A_1641 = arith.addi %scan3A_1587, %scan3A_1640 : i32
      %get3A_1642 = arith.index_cast %scan3A_1641 : i32 to index
      %get3A_1643 = arith.constant 0 : index
      %get3A_1644 = arith.constant 0 : index
      %get3A_1645 = vector.load %arg4[%get3A_1642, %get3A_1643, %get3A_1644] : memref<128x4x128xf32, #tpu.memory_space<vmem>>, vector<1x4x128xf32>
      %reshape3A_1646 = vector.shape_cast %get3A_1645 : vector<1x4x128xf32> to vector<4x128xf32>
      %eq3A_1647 = vector.broadcast %scan3A_1641 : i32 to vector<1x128xi32>
      %eq3A_1648 = arith.cmpi eq, %iota3A, %eq3A_1647 : vector<1x128xi32>
      %jit3A_1649 = arith.constant 0.000000e+00 : f32
      %broadcast_in_dim3A_1650 = vector.shape_cast %eq3A_1648 : vector<1x128xi1> to vector<1x128xi1>
      %broadcast_in_dim3A_1651 = vector.broadcast %broadcast_in_dim3A_1650 : vector<1x128xi1> to vector<4x128xi1>
      %broadcast_in_dim3A_1652 = vector.broadcast %jit3A_1649 : f32 to vector<4x128xf32>
      %select_n3A_1653 = arith.select %broadcast_in_dim3A_1651, %select_n3A_1639, %broadcast_in_dim3A_1652 : vector<4x128xi1>, vector<4x128xf32>
      %reduce_sum3A_1654 = arith.constant dense<0.000000e+00> : vector<4xf32>
      %reduce_sum3A_1655 = vector.multi_reduction <add>, %select_n3A_1653, %reduce_sum3A_1654 [1] : vector<4x128xf32> to vector<4xf32>
      %broadcast_in_dim3A_1656 = vector.shape_cast %reduce_sum3A_1655 : vector<4xf32> to vector<4x1xf32>
      %gt3A_1657 = arith.constant 0.000000e+00 : f32
      %gt3A_1658 = vector.broadcast %gt3A_1657 : f32 to vector<4x128xf32>
      %gt3A_1659 = arith.cmpf ogt, %reshape3A_1646, %gt3A_1658 : vector<4x128xf32>
      %gt3A_1660 = arith.constant 0.000000e+00 : f32
      %gt3A_1661 = vector.broadcast %gt3A_1660 : f32 to vector<4x1xf32>
      %gt3A_1662 = arith.cmpf ogt, %broadcast_in_dim3A_1656, %gt3A_1661 : vector<4x1xf32>
      %and3A_1663 = vector.broadcast %gt3A_1662 : vector<4x1xi1> to vector<4x128xi1>
      %and3A_1664 = arith.andi %gt3A_1659, %and3A_1663 : vector<4x128xi1>
      %jit3A_1665 = arith.constant 0.000000e+00 : f32
      %broadcast_in_dim3A_1666 = vector.broadcast %jit3A_1665 : f32 to vector<4x128xf32>
      %select_n3A_1667 = arith.select %and3A_1664, %broadcast_in_dim3A_1666, %select_n3A_1639 : vector<4x128xi1>, vector<4x128xf32>
      %scan3A_1668 = arith.constant 3 : i32
      %scan3A_1669 = arith.addi %scan3A_1587, %scan3A_1668 : i32
      %get3A_1670 = arith.index_cast %scan3A_1669 : i32 to index
      %get3A_1671 = arith.constant 0 : index
      %get3A_1672 = arith.constant 0 : index
      %get3A_1673 = vector.load %arg4[%get3A_1670, %get3A_1671, %get3A_1672] : memref<128x4x128xf32, #tpu.memory_space<vmem>>, vector<1x4x128xf32>
      %reshape3A_1674 = vector.shape_cast %get3A_1673 : vector<1x4x128xf32> to vector<4x128xf32>
      %eq3A_1675 = vector.broadcast %scan3A_1669 : i32 to vector<1x128xi32>
      %eq3A_1676 = arith.cmpi eq, %iota3A, %eq3A_1675 : vector<1x128xi32>
      %jit3A_1677 = arith.constant 0.000000e+00 : f32
      %broadcast_in_dim3A_1678 = vector.shape_cast %eq3A_1676 : vector<1x128xi1> to vector<1x128xi1>
      %broadcast_in_dim3A_1679 = vector.broadcast %broadcast_in_dim3A_1678 : vector<1x128xi1> to vector<4x128xi1>
      %broadcast_in_dim3A_1680 = vector.broadcast %jit3A_1677 : f32 to vector<4x128xf32>
      %select_n3A_1681 = arith.select %broadcast_in_dim3A_1679, %select_n3A_1667, %broadcast_in_dim3A_1680 : vector<4x128xi1>, vector<4x128xf32>
      %reduce_sum3A_1682 = arith.constant dense<0.000000e+00> : vector<4xf32>
      %reduce_sum3A_1683 = vector.multi_reduction <add>, %select_n3A_1681, %reduce_sum3A_1682 [1] : vector<4x128xf32> to vector<4xf32>
      %broadcast_in_dim3A_1684 = vector.shape_cast %reduce_sum3A_1683 : vector<4xf32> to vector<4x1xf32>
      %gt3A_1685 = arith.constant 0.000000e+00 : f32
      %gt3A_1686 = vector.broadcast %gt3A_1685 : f32 to vector<4x128xf32>
      %gt3A_1687 = arith.cmpf ogt, %reshape3A_1674, %gt3A_1686 : vector<4x128xf32>
      %gt3A_1688 = arith.constant 0.000000e+00 : f32
      %gt3A_1689 = vector.broadcast %gt3A_1688 : f32 to vector<4x1xf32>
      %gt3A_1690 = arith.cmpf ogt, %broadcast_in_dim3A_1684, %gt3A_1689 : vector<4x1xf32>
      %and3A_1691 = vector.broadcast %gt3A_1690 : vector<4x1xi1> to vector<4x128xi1>
      %and3A_1692 = arith.andi %gt3A_1687, %and3A_1691 : vector<4x128xi1>
      %jit3A_1693 = arith.constant 0.000000e+00 : f32
      %broadcast_in_dim3A_1694 = vector.broadcast %jit3A_1693 : f32 to vector<4x128xf32>
      %select_n3A_1695 = arith.select %and3A_1692, %broadcast_in_dim3A_1694, %select_n3A_1667 : vector<4x128xi1>, vector<4x128xf32>
      %scan3A_1696 = arith.constant 4 : i32
      %scan3A_1697 = arith.addi %scan3A_1587, %scan3A_1696 : i32
      %get3A_1698 = arith.index_cast %scan3A_1697 : i32 to index
      %get3A_1699 = arith.constant 0 : index
      %get3A_1700 = arith.constant 0 : index
      %get3A_1701 = vector.load %arg4[%get3A_1698, %get3A_1699, %get3A_1700] : memref<128x4x128xf32, #tpu.memory_space<vmem>>, vector<1x4x128xf32>
      %reshape3A_1702 = vector.shape_cast %get3A_1701 : vector<1x4x128xf32> to vector<4x128xf32>
      %eq3A_1703 = vector.broadcast %scan3A_1697 : i32 to vector<1x128xi32>
      %eq3A_1704 = arith.cmpi eq, %iota3A, %eq3A_1703 : vector<1x128xi32>
      %jit3A_1705 = arith.constant 0.000000e+00 : f32
      %broadcast_in_dim3A_1706 = vector.shape_cast %eq3A_1704 : vector<1x128xi1> to vector<1x128xi1>
      %broadcast_in_dim3A_1707 = vector.broadcast %broadcast_in_dim3A_1706 : vector<1x128xi1> to vector<4x128xi1>
      %broadcast_in_dim3A_1708 = vector.broadcast %jit3A_1705 : f32 to vector<4x128xf32>
      %select_n3A_1709 = arith.select %broadcast_in_dim3A_1707, %select_n3A_1695, %broadcast_in_dim3A_1708 : vector<4x128xi1>, vector<4x128xf32>
      %reduce_sum3A_1710 = arith.constant dense<0.000000e+00> : vector<4xf32>
      %reduce_sum3A_1711 = vector.multi_reduction <add>, %select_n3A_1709, %reduce_sum3A_1710 [1] : vector<4x128xf32> to vector<4xf32>
      %broadcast_in_dim3A_1712 = vector.shape_cast %reduce_sum3A_1711 : vector<4xf32> to vector<4x1xf32>
      %gt3A_1713 = arith.constant 0.000000e+00 : f32
      %gt3A_1714 = vector.broadcast %gt3A_1713 : f32 to vector<4x128xf32>
      %gt3A_1715 = arith.cmpf ogt, %reshape3A_1702, %gt3A_1714 : vector<4x128xf32>
      %gt3A_1716 = arith.constant 0.000000e+00 : f32
      %gt3A_1717 = vector.broadcast %gt3A_1716 : f32 to vector<4x1xf32>
      %gt3A_1718 = arith.cmpf ogt, %broadcast_in_dim3A_1712, %gt3A_1717 : vector<4x1xf32>
      %and3A_1719 = vector.broadcast %gt3A_1718 : vector<4x1xi1> to vector<4x128xi1>
      %and3A_1720 = arith.andi %gt3A_1715, %and3A_1719 : vector<4x128xi1>
      %jit3A_1721 = arith.constant 0.000000e+00 : f32
      %broadcast_in_dim3A_1722 = vector.broadcast %jit3A_1721 : f32 to vector<4x128xf32>
      %select_n3A_1723 = arith.select %and3A_1720, %broadcast_in_dim3A_1722, %select_n3A_1695 : vector<4x128xi1>, vector<4x128xf32>
      %scan3A_1724 = arith.constant 5 : i32
      %scan3A_1725 = arith.addi %scan3A_1587, %scan3A_1724 : i32
      %get3A_1726 = arith.index_cast %scan3A_1725 : i32 to index
      %get3A_1727 = arith.constant 0 : index
      %get3A_1728 = arith.constant 0 : index
      %get3A_1729 = vector.load %arg4[%get3A_1726, %get3A_1727, %get3A_1728] : memref<128x4x128xf32, #tpu.memory_space<vmem>>, vector<1x4x128xf32>
      %reshape3A_1730 = vector.shape_cast %get3A_1729 : vector<1x4x128xf32> to vector<4x128xf32>
      %eq3A_1731 = vector.broadcast %scan3A_1725 : i32 to vector<1x128xi32>
      %eq3A_1732 = arith.cmpi eq, %iota3A, %eq3A_1731 : vector<1x128xi32>
      %jit3A_1733 = arith.constant 0.000000e+00 : f32
      %broadcast_in_dim3A_1734 = vector.shape_cast %eq3A_1732 : vector<1x128xi1> to vector<1x128xi1>
      %broadcast_in_dim3A_1735 = vector.broadcast %broadcast_in_dim3A_1734 : vector<1x128xi1> to vector<4x128xi1>
      %broadcast_in_dim3A_1736 = vector.broadcast %jit3A_1733 : f32 to vector<4x128xf32>
      %select_n3A_1737 = arith.select %broadcast_in_dim3A_1735, %select_n3A_1723, %broadcast_in_dim3A_1736 : vector<4x128xi1>, vector<4x128xf32>
      %reduce_sum3A_1738 = arith.constant dense<0.000000e+00> : vector<4xf32>
      %reduce_sum3A_1739 = vector.multi_reduction <add>, %select_n3A_1737, %reduce_sum3A_1738 [1] : vector<4x128xf32> to vector<4xf32>
      %broadcast_in_dim3A_1740 = vector.shape_cast %reduce_sum3A_1739 : vector<4xf32> to vector<4x1xf32>
      %gt3A_1741 = arith.constant 0.000000e+00 : f32
      %gt3A_1742 = vector.broadcast %gt3A_1741 : f32 to vector<4x128xf32>
      %gt3A_1743 = arith.cmpf ogt, %reshape3A_1730, %gt3A_1742 : vector<4x128xf32>
      %gt3A_1744 = arith.constant 0.000000e+00 : f32
      %gt3A_1745 = vector.broadcast %gt3A_1744 : f32 to vector<4x1xf32>
      %gt3A_1746 = arith.cmpf ogt, %broadcast_in_dim3A_1740, %gt3A_1745 : vector<4x1xf32>
      %and3A_1747 = vector.broadcast %gt3A_1746 : vector<4x1xi1> to vector<4x128xi1>
      %and3A_1748 = arith.andi %gt3A_1743, %and3A_1747 : vector<4x128xi1>
      %jit3A_1749 = arith.constant 0.000000e+00 : f32
      %broadcast_in_dim3A_1750 = vector.broadcast %jit3A_1749 : f32 to vector<4x128xf32>
      %select_n3A_1751 = arith.select %and3A_1748, %broadcast_in_dim3A_1750, %select_n3A_1723 : vector<4x128xi1>, vector<4x128xf32>
      %scan3A_1752 = arith.constant 6 : i32
      %scan3A_1753 = arith.addi %scan3A_1587, %scan3A_1752 : i32
      %get3A_1754 = arith.index_cast %scan3A_1753 : i32 to index
      %get3A_1755 = arith.constant 0 : index
      %get3A_1756 = arith.constant 0 : index
      %get3A_1757 = vector.load %arg4[%get3A_1754, %get3A_1755, %get3A_1756] : memref<128x4x128xf32, #tpu.memory_space<vmem>>, vector<1x4x128xf32>
      %reshape3A_1758 = vector.shape_cast %get3A_1757 : vector<1x4x128xf32> to vector<4x128xf32>
      %eq3A_1759 = vector.broadcast %scan3A_1753 : i32 to vector<1x128xi32>
      %eq3A_1760 = arith.cmpi eq, %iota3A, %eq3A_1759 : vector<1x128xi32>
      %jit3A_1761 = arith.constant 0.000000e+00 : f32
      %broadcast_in_dim3A_1762 = vector.shape_cast %eq3A_1760 : vector<1x128xi1> to vector<1x128xi1>
      %broadcast_in_dim3A_1763 = vector.broadcast %broadcast_in_dim3A_1762 : vector<1x128xi1> to vector<4x128xi1>
      %broadcast_in_dim3A_1764 = vector.broadcast %jit3A_1761 : f32 to vector<4x128xf32>
      %select_n3A_1765 = arith.select %broadcast_in_dim3A_1763, %select_n3A_1751, %broadcast_in_dim3A_1764 : vector<4x128xi1>, vector<4x128xf32>
      %reduce_sum3A_1766 = arith.constant dense<0.000000e+00> : vector<4xf32>
      %reduce_sum3A_1767 = vector.multi_reduction <add>, %select_n3A_1765, %reduce_sum3A_1766 [1] : vector<4x128xf32> to vector<4xf32>
      %broadcast_in_dim3A_1768 = vector.shape_cast %reduce_sum3A_1767 : vector<4xf32> to vector<4x1xf32>
      %gt3A_1769 = arith.constant 0.000000e+00 : f32
      %gt3A_1770 = vector.broadcast %gt3A_1769 : f32 to vector<4x128xf32>
      %gt3A_1771 = arith.cmpf ogt, %reshape3A_1758, %gt3A_1770 : vector<4x128xf32>
      %gt3A_1772 = arith.constant 0.000000e+00 : f32
      %gt3A_1773 = vector.broadcast %gt3A_1772 : f32 to vector<4x1xf32>
      %gt3A_1774 = arith.cmpf ogt, %broadcast_in_dim3A_1768, %gt3A_1773 : vector<4x1xf32>
      %and3A_1775 = vector.broadcast %gt3A_1774 : vector<4x1xi1> to vector<4x128xi1>
      %and3A_1776 = arith.andi %gt3A_1771, %and3A_1775 : vector<4x128xi1>
      %jit3A_1777 = arith.constant 0.000000e+00 : f32
      %broadcast_in_dim3A_1778 = vector.broadcast %jit3A_1777 : f32 to vector<4x128xf32>
      %select_n3A_1779 = arith.select %and3A_1776, %broadcast_in_dim3A_1778, %select_n3A_1751 : vector<4x128xi1>, vector<4x128xf32>
      %scan3A_1780 = arith.constant 7 : i32
      %scan3A_1781 = arith.addi %scan3A_1587, %scan3A_1780 : i32
      %get3A_1782 = arith.index_cast %scan3A_1781 : i32 to index
      %get3A_1783 = arith.constant 0 : index
      %get3A_1784 = arith.constant 0 : index
      %get3A_1785 = vector.load %arg4[%get3A_1782, %get3A_1783, %get3A_1784] : memref<128x4x128xf32, #tpu.memory_space<vmem>>, vector<1x4x128xf32>
      %reshape3A_1786 = vector.shape_cast %get3A_1785 : vector<1x4x128xf32> to vector<4x128xf32>
      %eq3A_1787 = vector.broadcast %scan3A_1781 : i32 to vector<1x128xi32>
      %eq3A_1788 = arith.cmpi eq, %iota3A, %eq3A_1787 : vector<1x128xi32>
      %jit3A_1789 = arith.constant 0.000000e+00 : f32
      %broadcast_in_dim3A_1790 = vector.shape_cast %eq3A_1788 : vector<1x128xi1> to vector<1x128xi1>
      %broadcast_in_dim3A_1791 = vector.broadcast %broadcast_in_dim3A_1790 : vector<1x128xi1> to vector<4x128xi1>
      %broadcast_in_dim3A_1792 = vector.broadcast %jit3A_1789 : f32 to vector<4x128xf32>
      %select_n3A_1793 = arith.select %broadcast_in_dim3A_1791, %select_n3A_1779, %broadcast_in_dim3A_1792 : vector<4x128xi1>, vector<4x128xf32>
      %reduce_sum3A_1794 = arith.constant dense<0.000000e+00> : vector<4xf32>
      %reduce_sum3A_1795 = vector.multi_reduction <add>, %select_n3A_1793, %reduce_sum3A_1794 [1] : vector<4x128xf32> to vector<4xf32>
      %broadcast_in_dim3A_1796 = vector.shape_cast %reduce_sum3A_1795 : vector<4xf32> to vector<4x1xf32>
      %gt3A_1797 = arith.constant 0.000000e+00 : f32
      %gt3A_1798 = vector.broadcast %gt3A_1797 : f32 to vector<4x128xf32>
      %gt3A_1799 = arith.cmpf ogt, %reshape3A_1786, %gt3A_1798 : vector<4x128xf32>
      %gt3A_1800 = arith.constant 0.000000e+00 : f32
      %gt3A_1801 = vector.broadcast %gt3A_1800 : f32 to vector<4x1xf32>
      %gt3A_1802 = arith.cmpf ogt, %broadcast_in_dim3A_1796, %gt3A_1801 : vector<4x1xf32>
      %and3A_1803 = vector.broadcast %gt3A_1802 : vector<4x1xi1> to vector<4x128xi1>
      %and3A_1804 = arith.andi %gt3A_1799, %and3A_1803 : vector<4x128xi1>
      %jit3A_1805 = arith.constant 0.000000e+00 : f32
      %broadcast_in_dim3A_1806 = vector.broadcast %jit3A_1805 : f32 to vector<4x128xf32>
      %select_n3A_1807 = arith.select %and3A_1804, %broadcast_in_dim3A_1806, %select_n3A_1779 : vector<4x128xi1>, vector<4x128xf32>
      scf.yield %select_n3A_1807 : vector<4x128xf32>
    }
    %scan3A_222 = arith.constant 128 : i32
    %slice3A_223 = vector.extract_strided_slice %select_n3A_205 {offsets = [0, 0, 128], sizes = [128, 4, 1792], strides = [1, 1, 1]} : vector<128x4x1920xf32> to vector<128x4x1792xf32>
    %transpose3A_224 = tpu.transpose %scan3A_221, [1, 0] : vector<4x128xf32> -> vector<128x4xf32>
    %broadcast_in_dim3A_225 = vector.shape_cast %transpose3A_224 : vector<128x4xf32> to vector<128x4x1xf32>
    %mul3A_226 = vector.broadcast %broadcast_in_dim3A_225 : vector<128x4x1xf32> to vector<128x4x1792xf32>
    %mul3A_227 = arith.mulf %slice3A_223, %mul3A_226 : vector<128x4x1792xf32>
    %reduce_max3A_228 = arith.constant dense<0xFF800000> : vector<4x1792xf32>
    %reduce_max3A_229 = vector.multi_reduction <maximumf>, %mul3A_227, %reduce_max3A_228 [0] : vector<128x4x1792xf32> to vector<4x1792xf32>
    %gt3A_230 = arith.constant 0.000000e+00 : f32
    %gt3A_231 = vector.broadcast %gt3A_230 : f32 to vector<4x1792xf32>
    %gt3A_232 = arith.cmpf ogt, %reduce_max3A_229, %gt3A_231 : vector<4x1792xf32>
    %slice3A_233 = vector.extract_strided_slice %concatenate3A {offsets = [0, 256], sizes = [4, 1792], strides = [1, 1]} : vector<4x2048xf32> to vector<4x1792xf32>
    %jit3A_234 = arith.constant 0.000000e+00 : f32
    %broadcast_in_dim3A_235 = vector.broadcast %jit3A_234 : f32 to vector<4x1792xf32>
    %select_n3A_236 = arith.select %gt3A_232, %broadcast_in_dim3A_235, %slice3A_233 : vector<4x1792xi1>, vector<4x1792xf32>
    %slice3A_237 = vector.extract_strided_slice %concatenate3A {offsets = [0, 0], sizes = [4, 128], strides = [1, 1]} : vector<4x2048xf32> to vector<4x128xf32>
    %concatenate3A_238 = tpu.concatenate %slice3A_237, %scan3A_221, %select_n3A_236 in 1 : vector<4x128xf32>, vector<4x128xf32>, vector<4x1792xf32> -> vector<4x2048xf32>
    %slice3A_239 = vector.extract_strided_slice %min3A_6 {offsets = [0, 256], sizes = [4, 128], strides = [1, 1]} : vector<4x2048xf32> to vector<4x128xf32>
    %transpose3A_240 = tpu.transpose %slice3A_239, [1, 0] : vector<4x128xf32> -> vector<128x4xf32>
    %broadcast_in_dim3A_241 = vector.shape_cast %transpose3A_240 : vector<128x4xf32> to vector<128x4x1xf32>
    %slice3A_242 = vector.extract_strided_slice %min3A_17 {offsets = [0, 256], sizes = [4, 128], strides = [1, 1]} : vector<4x2048xf32> to vector<4x128xf32>
    %transpose3A_243 = tpu.transpose %slice3A_242, [1, 0] : vector<4x128xf32> -> vector<128x4xf32>
    %broadcast_in_dim3A_244 = vector.shape_cast %transpose3A_243 : vector<128x4xf32> to vector<128x4x1xf32>
    %slice3A_245 = vector.extract_strided_slice %min3A_28 {offsets = [0, 256], sizes = [4, 128], strides = [1, 1]} : vector<4x2048xf32> to vector<4x128xf32>
    %transpose3A_246 = tpu.transpose %slice3A_245, [1, 0] : vector<4x128xf32> -> vector<128x4xf32>
    %broadcast_in_dim3A_247 = vector.shape_cast %transpose3A_246 : vector<128x4xf32> to vector<128x4x1xf32>
    %slice3A_248 = vector.extract_strided_slice %min3A_39 {offsets = [0, 256], sizes = [4, 128], strides = [1, 1]} : vector<4x2048xf32> to vector<4x128xf32>
    %transpose3A_249 = tpu.transpose %slice3A_248, [1, 0] : vector<4x128xf32> -> vector<128x4xf32>
    %broadcast_in_dim3A_250 = vector.shape_cast %transpose3A_249 : vector<128x4xf32> to vector<128x4x1xf32>
    %slice3A_251 = vector.extract_strided_slice %mul3A {offsets = [0, 256], sizes = [4, 128], strides = [1, 1]} : vector<4x2048xf32> to vector<4x128xf32>
    %transpose3A_252 = tpu.transpose %slice3A_251, [1, 0] : vector<4x128xf32> -> vector<128x4xf32>
    %broadcast_in_dim3A_253 = vector.shape_cast %transpose3A_252 : vector<128x4xf32> to vector<128x4x1xf32>
    %slice3A_254 = vector.extract_strided_slice %min3A_6 {offsets = [0, 256], sizes = [4, 1792], strides = [1, 1]} : vector<4x2048xf32> to vector<4x1792xf32>
    %broadcast_in_dim3A_255 = vector.shape_cast %slice3A_254 : vector<4x1792xf32> to vector<1x4x1792xf32>
    %slice3A_256 = vector.extract_strided_slice %min3A_17 {offsets = [0, 256], sizes = [4, 1792], strides = [1, 1]} : vector<4x2048xf32> to vector<4x1792xf32>
    %broadcast_in_dim3A_257 = vector.shape_cast %slice3A_256 : vector<4x1792xf32> to vector<1x4x1792xf32>
    %slice3A_258 = vector.extract_strided_slice %min3A_28 {offsets = [0, 256], sizes = [4, 1792], strides = [1, 1]} : vector<4x2048xf32> to vector<4x1792xf32>
    %broadcast_in_dim3A_259 = vector.shape_cast %slice3A_258 : vector<4x1792xf32> to vector<1x4x1792xf32>
    %slice3A_260 = vector.extract_strided_slice %min3A_39 {offsets = [0, 256], sizes = [4, 1792], strides = [1, 1]} : vector<4x2048xf32> to vector<4x1792xf32>
    %broadcast_in_dim3A_261 = vector.shape_cast %slice3A_260 : vector<4x1792xf32> to vector<1x4x1792xf32>
    %slice3A_262 = vector.extract_strided_slice %mul3A {offsets = [0, 256], sizes = [4, 1792], strides = [1, 1]} : vector<4x2048xf32> to vector<4x1792xf32>
    %broadcast_in_dim3A_263 = vector.shape_cast %slice3A_262 : vector<4x1792xf32> to vector<1x4x1792xf32>
    %min3A_264 = vector.broadcast %broadcast_in_dim3A_247 : vector<128x4x1xf32> to vector<128x4x1792xf32>
    %min3A_265 = vector.broadcast %broadcast_in_dim3A_259 : vector<1x4x1792xf32> to vector<128x4x1792xf32>
    %min3A_266 = arith.minimumf %min3A_264, %min3A_265 : vector<128x4x1792xf32>
    %max3A_267 = vector.broadcast %broadcast_in_dim3A_241 : vector<128x4x1xf32> to vector<128x4x1792xf32>
    %max3A_268 = vector.broadcast %broadcast_in_dim3A_255 : vector<1x4x1792xf32> to vector<128x4x1792xf32>
    %max3A_269 = arith.maximumf %max3A_267, %max3A_268 : vector<128x4x1792xf32>
    %sub3A_270 = arith.subf %min3A_266, %max3A_269 : vector<128x4x1792xf32>
    %jit3A_271 = arith.constant 0.000000e+00 : f32
    %max3A_272 = vector.broadcast %jit3A_271 : f32 to vector<128x4x1792xf32>
    %max3A_273 = arith.maximumf %max3A_272, %sub3A_270 : vector<128x4x1792xf32>
    %min3A_274 = vector.broadcast %broadcast_in_dim3A_250 : vector<128x4x1xf32> to vector<128x4x1792xf32>
    %min3A_275 = vector.broadcast %broadcast_in_dim3A_261 : vector<1x4x1792xf32> to vector<128x4x1792xf32>
    %min3A_276 = arith.minimumf %min3A_274, %min3A_275 : vector<128x4x1792xf32>
    %max3A_277 = vector.broadcast %broadcast_in_dim3A_244 : vector<128x4x1xf32> to vector<128x4x1792xf32>
    %max3A_278 = vector.broadcast %broadcast_in_dim3A_257 : vector<1x4x1792xf32> to vector<128x4x1792xf32>
    %max3A_279 = arith.maximumf %max3A_277, %max3A_278 : vector<128x4x1792xf32>
    %sub3A_280 = arith.subf %min3A_276, %max3A_279 : vector<128x4x1792xf32>
    %jit3A_281 = arith.constant 0.000000e+00 : f32
    %max3A_282 = vector.broadcast %jit3A_281 : f32 to vector<128x4x1792xf32>
    %max3A_283 = arith.maximumf %max3A_282, %sub3A_280 : vector<128x4x1792xf32>
    %mul3A_284 = arith.mulf %max3A_273, %max3A_283 : vector<128x4x1792xf32>
    %add3A_285 = vector.broadcast %broadcast_in_dim3A_253 : vector<128x4x1xf32> to vector<128x4x1792xf32>
    %add3A_286 = vector.broadcast %broadcast_in_dim3A_263 : vector<1x4x1792xf32> to vector<128x4x1792xf32>
    %add3A_287 = arith.addf %add3A_285, %add3A_286 : vector<128x4x1792xf32>
    %sub3A_288 = arith.subf %add3A_287, %mul3A_284 : vector<128x4x1792xf32>
    %max3A_289 = arith.constant 9.99999971E-10 : f32
    %max3A_290 = vector.broadcast %max3A_289 : f32 to vector<128x4x1792xf32>
    %max3A_291 = arith.maximumf %sub3A_288, %max3A_290 : vector<128x4x1792xf32>
    %div3A_292 = arith.divf %mul3A_284, %max3A_291 : vector<128x4x1792xf32>
    %gt3A_293 = arith.constant 0.699999988 : f32
    %gt3A_294 = vector.broadcast %gt3A_293 : f32 to vector<128x4x1792xf32>
    %gt3A_295 = arith.cmpf ogt, %div3A_292, %gt3A_294 : vector<128x4x1792xf32>
    %jit3A_296 = arith.constant 1.000000e+00 : f32
    %jit3A_297 = arith.constant 0.000000e+00 : f32
    %broadcast_in_dim3A_298 = vector.broadcast %jit3A_296 : f32 to vector<128x4x1792xf32>
    %broadcast_in_dim3A_299 = vector.broadcast %jit3A_297 : f32 to vector<128x4x1792xf32>
    %select_n3A_300 = arith.select %gt3A_295, %broadcast_in_dim3A_298, %broadcast_in_dim3A_299 : vector<128x4x1792xi1>, vector<128x4x1792xf32>
    %slice3A_301 = vector.extract_strided_slice %select_n3A_300 {offsets = [0, 0, 0], sizes = [128, 4, 128], strides = [1, 1, 1]} : vector<128x4x1792xf32> to vector<128x4x128xf32>
    %jit3A_302 = arith.constant 0.000000e+00 : f32
    %broadcast_in_dim3A_303 = vector.shape_cast %gt3A_62 : vector<128x1x128xi1> to vector<128x1x128xi1>
    %broadcast_in_dim3A_304 = vector.broadcast %broadcast_in_dim3A_303 : vector<128x1x128xi1> to vector<128x4x128xi1>
    %broadcast_in_dim3A_305 = vector.broadcast %jit3A_302 : f32 to vector<128x4x128xf32>
    %select_n3A_306 = arith.select %broadcast_in_dim3A_304, %slice3A_301, %broadcast_in_dim3A_305 : vector<128x4x128xi1>, vector<128x4x128xf32>
    %swap3A_307 = arith.constant 0 : index
    %swap3A_308 = arith.constant 0 : index
    %swap3A_309 = arith.constant 0 : index
    %swap3A_310 = vector.load %arg4[%swap3A_307, %swap3A_308, %swap3A_309] : memref<128x4x128xf32, #tpu.memory_space<vmem>>, vector<128x4x128xf32>
    tpu.vector_store %arg4[%swap3A_307, %swap3A_308, %swap3A_309], %select_n3A_306 {strides = array<i32>} : memref<128x4x128xf32, #tpu.memory_space<vmem>>, vector<128x4x128xf32>,
    %slice3A_311 = vector.extract_strided_slice %concatenate3A_238 {offsets = [0, 256], sizes = [4, 128], strides = [1, 1]} : vector<4x2048xf32> to vector<4x128xf32>
    %scan3A_312 = arith.constant 0 : i32
    %scan3A_313 = arith.constant 128 : i32
    %scan3A_314 = arith.addi %scan3A_312, %scan3A_313 : i32
    %scan3A_315 = arith.constant 8 : i32
    %scan3A_316 = scf.for %scan3A_1587 = %scan3A_312 to %scan3A_314 step %scan3A_315 iter_args(%scan3A_1588 = %slice3A_311) -> (vector<4x128xf32>)  : i32 {
      %get3A_1589 = arith.index_cast %scan3A_1587 : i32 to index
      %get3A_1590 = arith.constant 0 : index
      %get3A_1591 = arith.constant 0 : index
      %get3A_1592 = vector.load %arg4[%get3A_1589, %get3A_1590, %get3A_1591] : memref<128x4x128xf32, #tpu.memory_space<vmem>>, vector<1x4x128xf32>
      %reshape3A = vector.shape_cast %get3A_1592 : vector<1x4x128xf32> to vector<4x128xf32>
      %eq3A = vector.broadcast %scan3A_1587 : i32 to vector<1x128xi32>
      %eq3A_1593 = arith.cmpi eq, %iota3A, %eq3A : vector<1x128xi32>
      %jit3A_1594 = arith.constant 0.000000e+00 : f32
      %broadcast_in_dim3A_1595 = vector.shape_cast %eq3A_1593 : vector<1x128xi1> to vector<1x128xi1>
      %broadcast_in_dim3A_1596 = vector.broadcast %broadcast_in_dim3A_1595 : vector<1x128xi1> to vector<4x128xi1>
      %broadcast_in_dim3A_1597 = vector.broadcast %jit3A_1594 : f32 to vector<4x128xf32>
      %select_n3A_1598 = arith.select %broadcast_in_dim3A_1596, %scan3A_1588, %broadcast_in_dim3A_1597 : vector<4x128xi1>, vector<4x128xf32>
      %reduce_sum3A = arith.constant dense<0.000000e+00> : vector<4xf32>
      %reduce_sum3A_1599 = vector.multi_reduction <add>, %select_n3A_1598, %reduce_sum3A [1] : vector<4x128xf32> to vector<4xf32>
      %broadcast_in_dim3A_1600 = vector.shape_cast %reduce_sum3A_1599 : vector<4xf32> to vector<4x1xf32>
      %gt3A_1601 = arith.constant 0.000000e+00 : f32
      %gt3A_1602 = vector.broadcast %gt3A_1601 : f32 to vector<4x128xf32>
      %gt3A_1603 = arith.cmpf ogt, %reshape3A, %gt3A_1602 : vector<4x128xf32>
      %gt3A_1604 = arith.constant 0.000000e+00 : f32
      %gt3A_1605 = vector.broadcast %gt3A_1604 : f32 to vector<4x1xf32>
      %gt3A_1606 = arith.cmpf ogt, %broadcast_in_dim3A_1600, %gt3A_1605 : vector<4x1xf32>
      %and3A_1607 = vector.broadcast %gt3A_1606 : vector<4x1xi1> to vector<4x128xi1>
      %and3A_1608 = arith.andi %gt3A_1603, %and3A_1607 : vector<4x128xi1>
      %jit3A_1609 = arith.constant 0.000000e+00 : f32
      %broadcast_in_dim3A_1610 = vector.broadcast %jit3A_1609 : f32 to vector<4x128xf32>
      %select_n3A_1611 = arith.select %and3A_1608, %broadcast_in_dim3A_1610, %scan3A_1588 : vector<4x128xi1>, vector<4x128xf32>
      %scan3A_1612 = arith.constant 1 : i32
      %scan3A_1613 = arith.addi %scan3A_1587, %scan3A_1612 : i32
      %get3A_1614 = arith.index_cast %scan3A_1613 : i32 to index
      %get3A_1615 = arith.constant 0 : index
      %get3A_1616 = arith.constant 0 : index
      %get3A_1617 = vector.load %arg4[%get3A_1614, %get3A_1615, %get3A_1616] : memref<128x4x128xf32, #tpu.memory_space<vmem>>, vector<1x4x128xf32>
      %reshape3A_1618 = vector.shape_cast %get3A_1617 : vector<1x4x128xf32> to vector<4x128xf32>
      %eq3A_1619 = vector.broadcast %scan3A_1613 : i32 to vector<1x128xi32>
      %eq3A_1620 = arith.cmpi eq, %iota3A, %eq3A_1619 : vector<1x128xi32>
      %jit3A_1621 = arith.constant 0.000000e+00 : f32
      %broadcast_in_dim3A_1622 = vector.shape_cast %eq3A_1620 : vector<1x128xi1> to vector<1x128xi1>
      %broadcast_in_dim3A_1623 = vector.broadcast %broadcast_in_dim3A_1622 : vector<1x128xi1> to vector<4x128xi1>
      %broadcast_in_dim3A_1624 = vector.broadcast %jit3A_1621 : f32 to vector<4x128xf32>
      %select_n3A_1625 = arith.select %broadcast_in_dim3A_1623, %select_n3A_1611, %broadcast_in_dim3A_1624 : vector<4x128xi1>, vector<4x128xf32>
      %reduce_sum3A_1626 = arith.constant dense<0.000000e+00> : vector<4xf32>
      %reduce_sum3A_1627 = vector.multi_reduction <add>, %select_n3A_1625, %reduce_sum3A_1626 [1] : vector<4x128xf32> to vector<4xf32>
      %broadcast_in_dim3A_1628 = vector.shape_cast %reduce_sum3A_1627 : vector<4xf32> to vector<4x1xf32>
      %gt3A_1629 = arith.constant 0.000000e+00 : f32
      %gt3A_1630 = vector.broadcast %gt3A_1629 : f32 to vector<4x128xf32>
      %gt3A_1631 = arith.cmpf ogt, %reshape3A_1618, %gt3A_1630 : vector<4x128xf32>
      %gt3A_1632 = arith.constant 0.000000e+00 : f32
      %gt3A_1633 = vector.broadcast %gt3A_1632 : f32 to vector<4x1xf32>
      %gt3A_1634 = arith.cmpf ogt, %broadcast_in_dim3A_1628, %gt3A_1633 : vector<4x1xf32>
      %and3A_1635 = vector.broadcast %gt3A_1634 : vector<4x1xi1> to vector<4x128xi1>
      %and3A_1636 = arith.andi %gt3A_1631, %and3A_1635 : vector<4x128xi1>
      %jit3A_1637 = arith.constant 0.000000e+00 : f32
      %broadcast_in_dim3A_1638 = vector.broadcast %jit3A_1637 : f32 to vector<4x128xf32>
      %select_n3A_1639 = arith.select %and3A_1636, %broadcast_in_dim3A_1638, %select_n3A_1611 : vector<4x128xi1>, vector<4x128xf32>
      %scan3A_1640 = arith.constant 2 : i32
      %scan3A_1641 = arith.addi %scan3A_1587, %scan3A_1640 : i32
      %get3A_1642 = arith.index_cast %scan3A_1641 : i32 to index
      %get3A_1643 = arith.constant 0 : index
      %get3A_1644 = arith.constant 0 : index
      %get3A_1645 = vector.load %arg4[%get3A_1642, %get3A_1643, %get3A_1644] : memref<128x4x128xf32, #tpu.memory_space<vmem>>, vector<1x4x128xf32>
      %reshape3A_1646 = vector.shape_cast %get3A_1645 : vector<1x4x128xf32> to vector<4x128xf32>
      %eq3A_1647 = vector.broadcast %scan3A_1641 : i32 to vector<1x128xi32>
      %eq3A_1648 = arith.cmpi eq, %iota3A, %eq3A_1647 : vector<1x128xi32>
      %jit3A_1649 = arith.constant 0.000000e+00 : f32
      %broadcast_in_dim3A_1650 = vector.shape_cast %eq3A_1648 : vector<1x128xi1> to vector<1x128xi1>
      %broadcast_in_dim3A_1651 = vector.broadcast %broadcast_in_dim3A_1650 : vector<1x128xi1> to vector<4x128xi1>
      %broadcast_in_dim3A_1652 = vector.broadcast %jit3A_1649 : f32 to vector<4x128xf32>
      %select_n3A_1653 = arith.select %broadcast_in_dim3A_1651, %select_n3A_1639, %broadcast_in_dim3A_1652 : vector<4x128xi1>, vector<4x128xf32>
      %reduce_sum3A_1654 = arith.constant dense<0.000000e+00> : vector<4xf32>
      %reduce_sum3A_1655 = vector.multi_reduction <add>, %select_n3A_1653, %reduce_sum3A_1654 [1] : vector<4x128xf32> to vector<4xf32>
      %broadcast_in_dim3A_1656 = vector.shape_cast %reduce_sum3A_1655 : vector<4xf32> to vector<4x1xf32>
      %gt3A_1657 = arith.constant 0.000000e+00 : f32
      %gt3A_1658 = vector.broadcast %gt3A_1657 : f32 to vector<4x128xf32>
      %gt3A_1659 = arith.cmpf ogt, %reshape3A_1646, %gt3A_1658 : vector<4x128xf32>
      %gt3A_1660 = arith.constant 0.000000e+00 : f32
      %gt3A_1661 = vector.broadcast %gt3A_1660 : f32 to vector<4x1xf32>
      %gt3A_1662 = arith.cmpf ogt, %broadcast_in_dim3A_1656, %gt3A_1661 : vector<4x1xf32>
      %and3A_1663 = vector.broadcast %gt3A_1662 : vector<4x1xi1> to vector<4x128xi1>
      %and3A_1664 = arith.andi %gt3A_1659, %and3A_1663 : vector<4x128xi1>
      %jit3A_1665 = arith.constant 0.000000e+00 : f32
      %broadcast_in_dim3A_1666 = vector.broadcast %jit3A_1665 : f32 to vector<4x128xf32>
      %select_n3A_1667 = arith.select %and3A_1664, %broadcast_in_dim3A_1666, %select_n3A_1639 : vector<4x128xi1>, vector<4x128xf32>
      %scan3A_1668 = arith.constant 3 : i32
      %scan3A_1669 = arith.addi %scan3A_1587, %scan3A_1668 : i32
      %get3A_1670 = arith.index_cast %scan3A_1669 : i32 to index
      %get3A_1671 = arith.constant 0 : index
      %get3A_1672 = arith.constant 0 : index
      %get3A_1673 = vector.load %arg4[%get3A_1670, %get3A_1671, %get3A_1672] : memref<128x4x128xf32, #tpu.memory_space<vmem>>, vector<1x4x128xf32>
      %reshape3A_1674 = vector.shape_cast %get3A_1673 : vector<1x4x128xf32> to vector<4x128xf32>
      %eq3A_1675 = vector.broadcast %scan3A_1669 : i32 to vector<1x128xi32>
      %eq3A_1676 = arith.cmpi eq, %iota3A, %eq3A_1675 : vector<1x128xi32>
      %jit3A_1677 = arith.constant 0.000000e+00 : f32
      %broadcast_in_dim3A_1678 = vector.shape_cast %eq3A_1676 : vector<1x128xi1> to vector<1x128xi1>
      %broadcast_in_dim3A_1679 = vector.broadcast %broadcast_in_dim3A_1678 : vector<1x128xi1> to vector<4x128xi1>
      %broadcast_in_dim3A_1680 = vector.broadcast %jit3A_1677 : f32 to vector<4x128xf32>
      %select_n3A_1681 = arith.select %broadcast_in_dim3A_1679, %select_n3A_1667, %broadcast_in_dim3A_1680 : vector<4x128xi1>, vector<4x128xf32>
      %reduce_sum3A_1682 = arith.constant dense<0.000000e+00> : vector<4xf32>
      %reduce_sum3A_1683 = vector.multi_reduction <add>, %select_n3A_1681, %reduce_sum3A_1682 [1] : vector<4x128xf32> to vector<4xf32>
      %broadcast_in_dim3A_1684 = vector.shape_cast %reduce_sum3A_1683 : vector<4xf32> to vector<4x1xf32>
      %gt3A_1685 = arith.constant 0.000000e+00 : f32
      %gt3A_1686 = vector.broadcast %gt3A_1685 : f32 to vector<4x128xf32>
      %gt3A_1687 = arith.cmpf ogt, %reshape3A_1674, %gt3A_1686 : vector<4x128xf32>
      %gt3A_1688 = arith.constant 0.000000e+00 : f32
      %gt3A_1689 = vector.broadcast %gt3A_1688 : f32 to vector<4x1xf32>
      %gt3A_1690 = arith.cmpf ogt, %broadcast_in_dim3A_1684, %gt3A_1689 : vector<4x1xf32>
      %and3A_1691 = vector.broadcast %gt3A_1690 : vector<4x1xi1> to vector<4x128xi1>
      %and3A_1692 = arith.andi %gt3A_1687, %and3A_1691 : vector<4x128xi1>
      %jit3A_1693 = arith.constant 0.000000e+00 : f32
      %broadcast_in_dim3A_1694 = vector.broadcast %jit3A_1693 : f32 to vector<4x128xf32>
      %select_n3A_1695 = arith.select %and3A_1692, %broadcast_in_dim3A_1694, %select_n3A_1667 : vector<4x128xi1>, vector<4x128xf32>
      %scan3A_1696 = arith.constant 4 : i32
      %scan3A_1697 = arith.addi %scan3A_1587, %scan3A_1696 : i32
      %get3A_1698 = arith.index_cast %scan3A_1697 : i32 to index
      %get3A_1699 = arith.constant 0 : index
      %get3A_1700 = arith.constant 0 : index
      %get3A_1701 = vector.load %arg4[%get3A_1698, %get3A_1699, %get3A_1700] : memref<128x4x128xf32, #tpu.memory_space<vmem>>, vector<1x4x128xf32>
      %reshape3A_1702 = vector.shape_cast %get3A_1701 : vector<1x4x128xf32> to vector<4x128xf32>
      %eq3A_1703 = vector.broadcast %scan3A_1697 : i32 to vector<1x128xi32>
      %eq3A_1704 = arith.cmpi eq, %iota3A, %eq3A_1703 : vector<1x128xi32>
      %jit3A_1705 = arith.constant 0.000000e+00 : f32
      %broadcast_in_dim3A_1706 = vector.shape_cast %eq3A_1704 : vector<1x128xi1> to vector<1x128xi1>
      %broadcast_in_dim3A_1707 = vector.broadcast %broadcast_in_dim3A_1706 : vector<1x128xi1> to vector<4x128xi1>
      %broadcast_in_dim3A_1708 = vector.broadcast %jit3A_1705 : f32 to vector<4x128xf32>
      %select_n3A_1709 = arith.select %broadcast_in_dim3A_1707, %select_n3A_1695, %broadcast_in_dim3A_1708 : vector<4x128xi1>, vector<4x128xf32>
      %reduce_sum3A_1710 = arith.constant dense<0.000000e+00> : vector<4xf32>
      %reduce_sum3A_1711 = vector.multi_reduction <add>, %select_n3A_1709, %reduce_sum3A_1710 [1] : vector<4x128xf32> to vector<4xf32>
      %broadcast_in_dim3A_1712 = vector.shape_cast %reduce_sum3A_1711 : vector<4xf32> to vector<4x1xf32>
      %gt3A_1713 = arith.constant 0.000000e+00 : f32
      %gt3A_1714 = vector.broadcast %gt3A_1713 : f32 to vector<4x128xf32>
      %gt3A_1715 = arith.cmpf ogt, %reshape3A_1702, %gt3A_1714 : vector<4x128xf32>
      %gt3A_1716 = arith.constant 0.000000e+00 : f32
      %gt3A_1717 = vector.broadcast %gt3A_1716 : f32 to vector<4x1xf32>
      %gt3A_1718 = arith.cmpf ogt, %broadcast_in_dim3A_1712, %gt3A_1717 : vector<4x1xf32>
      %and3A_1719 = vector.broadcast %gt3A_1718 : vector<4x1xi1> to vector<4x128xi1>
      %and3A_1720 = arith.andi %gt3A_1715, %and3A_1719 : vector<4x128xi1>
      %jit3A_1721 = arith.constant 0.000000e+00 : f32
      %broadcast_in_dim3A_1722 = vector.broadcast %jit3A_1721 : f32 to vector<4x128xf32>
      %select_n3A_1723 = arith.select %and3A_1720, %broadcast_in_dim3A_1722, %select_n3A_1695 : vector<4x128xi1>, vector<4x128xf32>
      %scan3A_1724 = arith.constant 5 : i32
      %scan3A_1725 = arith.addi %scan3A_1587, %scan3A_1724 : i32
      %get3A_1726 = arith.index_cast %scan3A_1725 : i32 to index
      %get3A_1727 = arith.constant 0 : index
      %get3A_1728 = arith.constant 0 : index
      %get3A_1729 = vector.load %arg4[%get3A_1726, %get3A_1727, %get3A_1728] : memref<128x4x128xf32, #tpu.memory_space<vmem>>, vector<1x4x128xf32>
      %reshape3A_1730 = vector.shape_cast %get3A_1729 : vector<1x4x128xf32> to vector<4x128xf32>
      %eq3A_1731 = vector.broadcast %scan3A_1725 : i32 to vector<1x128xi32>
      %eq3A_1732 = arith.cmpi eq, %iota3A, %eq3A_1731 : vector<1x128xi32>
      %jit3A_1733 = arith.constant 0.000000e+00 : f32
      %broadcast_in_dim3A_1734 = vector.shape_cast %eq3A_1732 : vector<1x128xi1> to vector<1x128xi1>
      %broadcast_in_dim3A_1735 = vector.broadcast %broadcast_in_dim3A_1734 : vector<1x128xi1> to vector<4x128xi1>
      %broadcast_in_dim3A_1736 = vector.broadcast %jit3A_1733 : f32 to vector<4x128xf32>
      %select_n3A_1737 = arith.select %broadcast_in_dim3A_1735, %select_n3A_1723, %broadcast_in_dim3A_1736 : vector<4x128xi1>, vector<4x128xf32>
      %reduce_sum3A_1738 = arith.constant dense<0.000000e+00> : vector<4xf32>
      %reduce_sum3A_1739 = vector.multi_reduction <add>, %select_n3A_1737, %reduce_sum3A_1738 [1] : vector<4x128xf32> to vector<4xf32>
      %broadcast_in_dim3A_1740 = vector.shape_cast %reduce_sum3A_1739 : vector<4xf32> to vector<4x1xf32>
      %gt3A_1741 = arith.constant 0.000000e+00 : f32
      %gt3A_1742 = vector.broadcast %gt3A_1741 : f32 to vector<4x128xf32>
      %gt3A_1743 = arith.cmpf ogt, %reshape3A_1730, %gt3A_1742 : vector<4x128xf32>
      %gt3A_1744 = arith.constant 0.000000e+00 : f32
      %gt3A_1745 = vector.broadcast %gt3A_1744 : f32 to vector<4x1xf32>
      %gt3A_1746 = arith.cmpf ogt, %broadcast_in_dim3A_1740, %gt3A_1745 : vector<4x1xf32>
      %and3A_1747 = vector.broadcast %gt3A_1746 : vector<4x1xi1> to vector<4x128xi1>
      %and3A_1748 = arith.andi %gt3A_1743, %and3A_1747 : vector<4x128xi1>
      %jit3A_1749 = arith.constant 0.000000e+00 : f32
      %broadcast_in_dim3A_1750 = vector.broadcast %jit3A_1749 : f32 to vector<4x128xf32>
      %select_n3A_1751 = arith.select %and3A_1748, %broadcast_in_dim3A_1750, %select_n3A_1723 : vector<4x128xi1>, vector<4x128xf32>
      %scan3A_1752 = arith.constant 6 : i32
      %scan3A_1753 = arith.addi %scan3A_1587, %scan3A_1752 : i32
      %get3A_1754 = arith.index_cast %scan3A_1753 : i32 to index
      %get3A_1755 = arith.constant 0 : index
      %get3A_1756 = arith.constant 0 : index
      %get3A_1757 = vector.load %arg4[%get3A_1754, %get3A_1755, %get3A_1756] : memref<128x4x128xf32, #tpu.memory_space<vmem>>, vector<1x4x128xf32>
      %reshape3A_1758 = vector.shape_cast %get3A_1757 : vector<1x4x128xf32> to vector<4x128xf32>
      %eq3A_1759 = vector.broadcast %scan3A_1753 : i32 to vector<1x128xi32>
      %eq3A_1760 = arith.cmpi eq, %iota3A, %eq3A_1759 : vector<1x128xi32>
      %jit3A_1761 = arith.constant 0.000000e+00 : f32
      %broadcast_in_dim3A_1762 = vector.shape_cast %eq3A_1760 : vector<1x128xi1> to vector<1x128xi1>
      %broadcast_in_dim3A_1763 = vector.broadcast %broadcast_in_dim3A_1762 : vector<1x128xi1> to vector<4x128xi1>
      %broadcast_in_dim3A_1764 = vector.broadcast %jit3A_1761 : f32 to vector<4x128xf32>
      %select_n3A_1765 = arith.select %broadcast_in_dim3A_1763, %select_n3A_1751, %broadcast_in_dim3A_1764 : vector<4x128xi1>, vector<4x128xf32>
      %reduce_sum3A_1766 = arith.constant dense<0.000000e+00> : vector<4xf32>
      %reduce_sum3A_1767 = vector.multi_reduction <add>, %select_n3A_1765, %reduce_sum3A_1766 [1] : vector<4x128xf32> to vector<4xf32>
      %broadcast_in_dim3A_1768 = vector.shape_cast %reduce_sum3A_1767 : vector<4xf32> to vector<4x1xf32>
      %gt3A_1769 = arith.constant 0.000000e+00 : f32
      %gt3A_1770 = vector.broadcast %gt3A_1769 : f32 to vector<4x128xf32>
      %gt3A_1771 = arith.cmpf ogt, %reshape3A_1758, %gt3A_1770 : vector<4x128xf32>
      %gt3A_1772 = arith.constant 0.000000e+00 : f32
      %gt3A_1773 = vector.broadcast %gt3A_1772 : f32 to vector<4x1xf32>
      %gt3A_1774 = arith.cmpf ogt, %broadcast_in_dim3A_1768, %gt3A_1773 : vector<4x1xf32>
      %and3A_1775 = vector.broadcast %gt3A_1774 : vector<4x1xi1> to vector<4x128xi1>
      %and3A_1776 = arith.andi %gt3A_1771, %and3A_1775 : vector<4x128xi1>
      %jit3A_1777 = arith.constant 0.000000e+00 : f32
      %broadcast_in_dim3A_1778 = vector.broadcast %jit3A_1777 : f32 to vector<4x128xf32>
      %select_n3A_1779 = arith.select %and3A_1776, %broadcast_in_dim3A_1778, %select_n3A_1751 : vector<4x128xi1>, vector<4x128xf32>
      %scan3A_1780 = arith.constant 7 : i32
      %scan3A_1781 = arith.addi %scan3A_1587, %scan3A_1780 : i32
      %get3A_1782 = arith.index_cast %scan3A_1781 : i32 to index
      %get3A_1783 = arith.constant 0 : index
      %get3A_1784 = arith.constant 0 : index
      %get3A_1785 = vector.load %arg4[%get3A_1782, %get3A_1783, %get3A_1784] : memref<128x4x128xf32, #tpu.memory_space<vmem>>, vector<1x4x128xf32>
      %reshape3A_1786 = vector.shape_cast %get3A_1785 : vector<1x4x128xf32> to vector<4x128xf32>
      %eq3A_1787 = vector.broadcast %scan3A_1781 : i32 to vector<1x128xi32>
      %eq3A_1788 = arith.cmpi eq, %iota3A, %eq3A_1787 : vector<1x128xi32>
      %jit3A_1789 = arith.constant 0.000000e+00 : f32
      %broadcast_in_dim3A_1790 = vector.shape_cast %eq3A_1788 : vector<1x128xi1> to vector<1x128xi1>
      %broadcast_in_dim3A_1791 = vector.broadcast %broadcast_in_dim3A_1790 : vector<1x128xi1> to vector<4x128xi1>
      %broadcast_in_dim3A_1792 = vector.broadcast %jit3A_1789 : f32 to vector<4x128xf32>
      %select_n3A_1793 = arith.select %broadcast_in_dim3A_1791, %select_n3A_1779, %broadcast_in_dim3A_1792 : vector<4x128xi1>, vector<4x128xf32>
      %reduce_sum3A_1794 = arith.constant dense<0.000000e+00> : vector<4xf32>
      %reduce_sum3A_1795 = vector.multi_reduction <add>, %select_n3A_1793, %reduce_sum3A_1794 [1] : vector<4x128xf32> to vector<4xf32>
      %broadcast_in_dim3A_1796 = vector.shape_cast %reduce_sum3A_1795 : vector<4xf32> to vector<4x1xf32>
      %gt3A_1797 = arith.constant 0.000000e+00 : f32
      %gt3A_1798 = vector.broadcast %gt3A_1797 : f32 to vector<4x128xf32>
      %gt3A_1799 = arith.cmpf ogt, %reshape3A_1786, %gt3A_1798 : vector<4x128xf32>
      %gt3A_1800 = arith.constant 0.000000e+00 : f32
      %gt3A_1801 = vector.broadcast %gt3A_1800 : f32 to vector<4x1xf32>
      %gt3A_1802 = arith.cmpf ogt, %broadcast_in_dim3A_1796, %gt3A_1801 : vector<4x1xf32>
      %and3A_1803 = vector.broadcast %gt3A_1802 : vector<4x1xi1> to vector<4x128xi1>
      %and3A_1804 = arith.andi %gt3A_1799, %and3A_1803 : vector<4x128xi1>
      %jit3A_1805 = arith.constant 0.000000e+00 : f32
      %broadcast_in_dim3A_1806 = vector.broadcast %jit3A_1805 : f32 to vector<4x128xf32>
      %select_n3A_1807 = arith.select %and3A_1804, %broadcast_in_dim3A_1806, %select_n3A_1779 : vector<4x128xi1>, vector<4x128xf32>
      scf.yield %select_n3A_1807 : vector<4x128xf32>
    }
    %scan3A_317 = arith.constant 128 : i32
    %slice3A_318 = vector.extract_strided_slice %select_n3A_300 {offsets = [0, 0, 128], sizes = [128, 4, 1664], strides = [1, 1, 1]} : vector<128x4x1792xf32> to vector<128x4x1664xf32>
    %transpose3A_319 = tpu.transpose %scan3A_316, [1, 0] : vector<4x128xf32> -> vector<128x4xf32>
    %broadcast_in_dim3A_320 = vector.shape_cast %transpose3A_319 : vector<128x4xf32> to vector<128x4x1xf32>
    %mul3A_321 = vector.broadcast %broadcast_in_dim3A_320 : vector<128x4x1xf32> to vector<128x4x1664xf32>
    %mul3A_322 = arith.mulf %slice3A_318, %mul3A_321 : vector<128x4x1664xf32>
    %reduce_max3A_323 = arith.constant dense<0xFF800000> : vector<4x1664xf32>
    %reduce_max3A_324 = vector.multi_reduction <maximumf>, %mul3A_322, %reduce_max3A_323 [0] : vector<128x4x1664xf32> to vector<4x1664xf32>
    %gt3A_325 = arith.constant 0.000000e+00 : f32
    %gt3A_326 = vector.broadcast %gt3A_325 : f32 to vector<4x1664xf32>
    %gt3A_327 = arith.cmpf ogt, %reduce_max3A_324, %gt3A_326 : vector<4x1664xf32>
    %slice3A_328 = vector.extract_strided_slice %concatenate3A_238 {offsets = [0, 384], sizes = [4, 1664], strides = [1, 1]} : vector<4x2048xf32> to vector<4x1664xf32>
    %jit3A_329 = arith.constant 0.000000e+00 : f32
    %broadcast_in_dim3A_330 = vector.broadcast %jit3A_329 : f32 to vector<4x1664xf32>
    %select_n3A_331 = arith.select %gt3A_327, %broadcast_in_dim3A_330, %slice3A_328 : vector<4x1664xi1>, vector<4x1664xf32>
    %slice3A_332 = vector.extract_strided_slice %concatenate3A_238 {offsets = [0, 0], sizes = [4, 256], strides = [1, 1]} : vector<4x2048xf32> to vector<4x256xf32>
    %concatenate3A_333 = tpu.concatenate %slice3A_332, %scan3A_316, %select_n3A_331 in 1 : vector<4x256xf32>, vector<4x128xf32>, vector<4x1664xf32> -> vector<4x2048xf32>
    %slice3A_334 = vector.extract_strided_slice %min3A_6 {offsets = [0, 384], sizes = [4, 128], strides = [1, 1]} : vector<4x2048xf32> to vector<4x128xf32>
    %transpose3A_335 = tpu.transpose %slice3A_334, [1, 0] : vector<4x128xf32> -> vector<128x4xf32>
    %broadcast_in_dim3A_336 = vector.shape_cast %transpose3A_335 : vector<128x4xf32> to vector<128x4x1xf32>
    %slice3A_337 = vector.extract_strided_slice %min3A_17 {offsets = [0, 384], sizes = [4, 128], strides = [1, 1]} : vector<4x2048xf32> to vector<4x128xf32>
    %transpose3A_338 = tpu.transpose %slice3A_337, [1, 0] : vector<4x128xf32> -> vector<128x4xf32>
    %broadcast_in_dim3A_339 = vector.shape_cast %transpose3A_338 : vector<128x4xf32> to vector<128x4x1xf32>
    %slice3A_340 = vector.extract_strided_slice %min3A_28 {offsets = [0, 384], sizes = [4, 128], strides = [1, 1]} : vector<4x2048xf32> to vector<4x128xf32>
    %transpose3A_341 = tpu.transpose %slice3A_340, [1, 0] : vector<4x128xf32> -> vector<128x4xf32>
    %broadcast_in_dim3A_342 = vector.shape_cast %transpose3A_341 : vector<128x4xf32> to vector<128x4x1xf32>
    %slice3A_343 = vector.extract_strided_slice %min3A_39 {offsets = [0, 384], sizes = [4, 128], strides = [1, 1]} : vector<4x2048xf32> to vector<4x128xf32>
    %transpose3A_344 = tpu.transpose %slice3A_343, [1, 0] : vector<4x128xf32> -> vector<128x4xf32>
    %broadcast_in_dim3A_345 = vector.shape_cast %transpose3A_344 : vector<128x4xf32> to vector<128x4x1xf32>
    %slice3A_346 = vector.extract_strided_slice %mul3A {offsets = [0, 384], sizes = [4, 128], strides = [1, 1]} : vector<4x2048xf32> to vector<4x128xf32>
    %transpose3A_347 = tpu.transpose %slice3A_346, [1, 0] : vector<4x128xf32> -> vector<128x4xf32>
    %broadcast_in_dim3A_348 = vector.shape_cast %transpose3A_347 : vector<128x4xf32> to vector<128x4x1xf32>
    %slice3A_349 = vector.extract_strided_slice %min3A_6 {offsets = [0, 384], sizes = [4, 1664], strides = [1, 1]} : vector<4x2048xf32> to vector<4x1664xf32>
    %broadcast_in_dim3A_350 = vector.shape_cast %slice3A_349 : vector<4x1664xf32> to vector<1x4x1664xf32>
    %slice3A_351 = vector.extract_strided_slice %min3A_17 {offsets = [0, 384], sizes = [4, 1664], strides = [1, 1]} : vector<4x2048xf32> to vector<4x1664xf32>
    %broadcast_in_dim3A_352 = vector.shape_cast %slice3A_351 : vector<4x1664xf32> to vector<1x4x1664xf32>
    %slice3A_353 = vector.extract_strided_slice %min3A_28 {offsets = [0, 384], sizes = [4, 1664], strides = [1, 1]} : vector<4x2048xf32> to vector<4x1664xf32>
    %broadcast_in_dim3A_354 = vector.shape_cast %slice3A_353 : vector<4x1664xf32> to vector<1x4x1664xf32>
    %slice3A_355 = vector.extract_strided_slice %min3A_39 {offsets = [0, 384], sizes = [4, 1664], strides = [1, 1]} : vector<4x2048xf32> to vector<4x1664xf32>
    %broadcast_in_dim3A_356 = vector.shape_cast %slice3A_355 : vector<4x1664xf32> to vector<1x4x1664xf32>
    %slice3A_357 = vector.extract_strided_slice %mul3A {offsets = [0, 384], sizes = [4, 1664], strides = [1, 1]} : vector<4x2048xf32> to vector<4x1664xf32>
    %broadcast_in_dim3A_358 = vector.shape_cast %slice3A_357 : vector<4x1664xf32> to vector<1x4x1664xf32>
    %min3A_359 = vector.broadcast %broadcast_in_dim3A_342 : vector<128x4x1xf32> to vector<128x4x1664xf32>
    %min3A_360 = vector.broadcast %broadcast_in_dim3A_354 : vector<1x4x1664xf32> to vector<128x4x1664xf32>
    %min3A_361 = arith.minimumf %min3A_359, %min3A_360 : vector<128x4x1664xf32>
    %max3A_362 = vector.broadcast %broadcast_in_dim3A_336 : vector<128x4x1xf32> to vector<128x4x1664xf32>
    %max3A_363 = vector.broadcast %broadcast_in_dim3A_350 : vector<1x4x1664xf32> to vector<128x4x1664xf32>
    %max3A_364 = arith.maximumf %max3A_362, %max3A_363 : vector<128x4x1664xf32>
    %sub3A_365 = arith.subf %min3A_361, %max3A_364 : vector<128x4x1664xf32>
    %jit3A_366 = arith.constant 0.000000e+00 : f32
    %max3A_367 = vector.broadcast %jit3A_366 : f32 to vector<128x4x1664xf32>
    %max3A_368 = arith.maximumf %max3A_367, %sub3A_365 : vector<128x4x1664xf32>
    %min3A_369 = vector.broadcast %broadcast_in_dim3A_345 : vector<128x4x1xf32> to vector<128x4x1664xf32>
    %min3A_370 = vector.broadcast %broadcast_in_dim3A_356 : vector<1x4x1664xf32> to vector<128x4x1664xf32>
    %min3A_371 = arith.minimumf %min3A_369, %min3A_370 : vector<128x4x1664xf32>
    %max3A_372 = vector.broadcast %broadcast_in_dim3A_339 : vector<128x4x1xf32> to vector<128x4x1664xf32>
    %max3A_373 = vector.broadcast %broadcast_in_dim3A_352 : vector<1x4x1664xf32> to vector<128x4x1664xf32>
    %max3A_374 = arith.maximumf %max3A_372, %max3A_373 : vector<128x4x1664xf32>
    %sub3A_375 = arith.subf %min3A_371, %max3A_374 : vector<128x4x1664xf32>
    %jit3A_376 = arith.constant 0.000000e+00 : f32
    %max3A_377 = vector.broadcast %jit3A_376 : f32 to vector<128x4x1664xf32>
    %max3A_378 = arith.maximumf %max3A_377, %sub3A_375 : vector<128x4x1664xf32>
    %mul3A_379 = arith.mulf %max3A_368, %max3A_378 : vector<128x4x1664xf32>
    %add3A_380 = vector.broadcast %broadcast_in_dim3A_348 : vector<128x4x1xf32> to vector<128x4x1664xf32>
    %add3A_381 = vector.broadcast %broadcast_in_dim3A_358 : vector<1x4x1664xf32> to vector<128x4x1664xf32>
    %add3A_382 = arith.addf %add3A_380, %add3A_381 : vector<128x4x1664xf32>
    %sub3A_383 = arith.subf %add3A_382, %mul3A_379 : vector<128x4x1664xf32>
    %max3A_384 = arith.constant 9.99999971E-10 : f32
    %max3A_385 = vector.broadcast %max3A_384 : f32 to vector<128x4x1664xf32>
    %max3A_386 = arith.maximumf %sub3A_383, %max3A_385 : vector<128x4x1664xf32>
    %div3A_387 = arith.divf %mul3A_379, %max3A_386 : vector<128x4x1664xf32>
    %gt3A_388 = arith.constant 0.699999988 : f32
    %gt3A_389 = vector.broadcast %gt3A_388 : f32 to vector<128x4x1664xf32>
    %gt3A_390 = arith.cmpf ogt, %div3A_387, %gt3A_389 : vector<128x4x1664xf32>
    %jit3A_391 = arith.constant 1.000000e+00 : f32
    %jit3A_392 = arith.constant 0.000000e+00 : f32
    %broadcast_in_dim3A_393 = vector.broadcast %jit3A_391 : f32 to vector<128x4x1664xf32>
    %broadcast_in_dim3A_394 = vector.broadcast %jit3A_392 : f32 to vector<128x4x1664xf32>
    %select_n3A_395 = arith.select %gt3A_390, %broadcast_in_dim3A_393, %broadcast_in_dim3A_394 : vector<128x4x1664xi1>, vector<128x4x1664xf32>
    %slice3A_396 = vector.extract_strided_slice %select_n3A_395 {offsets = [0, 0, 0], sizes = [128, 4, 128], strides = [1, 1, 1]} : vector<128x4x1664xf32> to vector<128x4x128xf32>
    %jit3A_397 = arith.constant 0.000000e+00 : f32
    %broadcast_in_dim3A_398 = vector.shape_cast %gt3A_62 : vector<128x1x128xi1> to vector<128x1x128xi1>
    %broadcast_in_dim3A_399 = vector.broadcast %broadcast_in_dim3A_398 : vector<128x1x128xi1> to vector<128x4x128xi1>
    %broadcast_in_dim3A_400 = vector.broadcast %jit3A_397 : f32 to vector<128x4x128xf32>
    %select_n3A_401 = arith.select %broadcast_in_dim3A_399, %slice3A_396, %broadcast_in_dim3A_400 : vector<128x4x128xi1>, vector<128x4x128xf32>
    %swap3A_402 = arith.constant 0 : index
    %swap3A_403 = arith.constant 0 : index
    %swap3A_404 = arith.constant 0 : index
    %swap3A_405 = vector.load %arg4[%swap3A_402, %swap3A_403, %swap3A_404] : memref<128x4x128xf32, #tpu.memory_space<vmem>>, vector<128x4x128xf32>
    tpu.vector_store %arg4[%swap3A_402, %swap3A_403, %swap3A_404], %select_n3A_401 {strides = array<i32>} : memref<128x4x128xf32, #tpu.memory_space<vmem>>, vector<128x4x128xf32>,
    %slice3A_406 = vector.extract_strided_slice %concatenate3A_333 {offsets = [0, 384], sizes = [4, 128], strides = [1, 1]} : vector<4x2048xf32> to vector<4x128xf32>
    %scan3A_407 = arith.constant 0 : i32
    %scan3A_408 = arith.constant 128 : i32
    %scan3A_409 = arith.addi %scan3A_407, %scan3A_408 : i32
    %scan3A_410 = arith.constant 8 : i32
    %scan3A_411 = scf.for %scan3A_1587 = %scan3A_407 to %scan3A_409 step %scan3A_410 iter_args(%scan3A_1588 = %slice3A_406) -> (vector<4x128xf32>)  : i32 {
      %get3A_1589 = arith.index_cast %scan3A_1587 : i32 to index
      %get3A_1590 = arith.constant 0 : index
      %get3A_1591 = arith.constant 0 : index
      %get3A_1592 = vector.load %arg4[%get3A_1589, %get3A_1590, %get3A_1591] : memref<128x4x128xf32, #tpu.memory_space<vmem>>, vector<1x4x128xf32>
      %reshape3A = vector.shape_cast %get3A_1592 : vector<1x4x128xf32> to vector<4x128xf32>
      %eq3A = vector.broadcast %scan3A_1587 : i32 to vector<1x128xi32>
      %eq3A_1593 = arith.cmpi eq, %iota3A, %eq3A : vector<1x128xi32>
      %jit3A_1594 = arith.constant 0.000000e+00 : f32
      %broadcast_in_dim3A_1595 = vector.shape_cast %eq3A_1593 : vector<1x128xi1> to vector<1x128xi1>
      %broadcast_in_dim3A_1596 = vector.broadcast %broadcast_in_dim3A_1595 : vector<1x128xi1> to vector<4x128xi1>
      %broadcast_in_dim3A_1597 = vector.broadcast %jit3A_1594 : f32 to vector<4x128xf32>
      %select_n3A_1598 = arith.select %broadcast_in_dim3A_1596, %scan3A_1588, %broadcast_in_dim3A_1597 : vector<4x128xi1>, vector<4x128xf32>
      %reduce_sum3A = arith.constant dense<0.000000e+00> : vector<4xf32>
      %reduce_sum3A_1599 = vector.multi_reduction <add>, %select_n3A_1598, %reduce_sum3A [1] : vector<4x128xf32> to vector<4xf32>
      %broadcast_in_dim3A_1600 = vector.shape_cast %reduce_sum3A_1599 : vector<4xf32> to vector<4x1xf32>
      %gt3A_1601 = arith.constant 0.000000e+00 : f32
      %gt3A_1602 = vector.broadcast %gt3A_1601 : f32 to vector<4x128xf32>
      %gt3A_1603 = arith.cmpf ogt, %reshape3A, %gt3A_1602 : vector<4x128xf32>
      %gt3A_1604 = arith.constant 0.000000e+00 : f32
      %gt3A_1605 = vector.broadcast %gt3A_1604 : f32 to vector<4x1xf32>
      %gt3A_1606 = arith.cmpf ogt, %broadcast_in_dim3A_1600, %gt3A_1605 : vector<4x1xf32>
      %and3A_1607 = vector.broadcast %gt3A_1606 : vector<4x1xi1> to vector<4x128xi1>
      %and3A_1608 = arith.andi %gt3A_1603, %and3A_1607 : vector<4x128xi1>
      %jit3A_1609 = arith.constant 0.000000e+00 : f32
      %broadcast_in_dim3A_1610 = vector.broadcast %jit3A_1609 : f32 to vector<4x128xf32>
      %select_n3A_1611 = arith.select %and3A_1608, %broadcast_in_dim3A_1610, %scan3A_1588 : vector<4x128xi1>, vector<4x128xf32>
      %scan3A_1612 = arith.constant 1 : i32
      %scan3A_1613 = arith.addi %scan3A_1587, %scan3A_1612 : i32
      %get3A_1614 = arith.index_cast %scan3A_1613 : i32 to index
      %get3A_1615 = arith.constant 0 : index
      %get3A_1616 = arith.constant 0 : index
      %get3A_1617 = vector.load %arg4[%get3A_1614, %get3A_1615, %get3A_1616] : memref<128x4x128xf32, #tpu.memory_space<vmem>>, vector<1x4x128xf32>
      %reshape3A_1618 = vector.shape_cast %get3A_1617 : vector<1x4x128xf32> to vector<4x128xf32>
      %eq3A_1619 = vector.broadcast %scan3A_1613 : i32 to vector<1x128xi32>
      %eq3A_1620 = arith.cmpi eq, %iota3A, %eq3A_1619 : vector<1x128xi32>
      %jit3A_1621 = arith.constant 0.000000e+00 : f32
      %broadcast_in_dim3A_1622 = vector.shape_cast %eq3A_1620 : vector<1x128xi1> to vector<1x128xi1>
      %broadcast_in_dim3A_1623 = vector.broadcast %broadcast_in_dim3A_1622 : vector<1x128xi1> to vector<4x128xi1>
      %broadcast_in_dim3A_1624 = vector.broadcast %jit3A_1621 : f32 to vector<4x128xf32>
      %select_n3A_1625 = arith.select %broadcast_in_dim3A_1623, %select_n3A_1611, %broadcast_in_dim3A_1624 : vector<4x128xi1>, vector<4x128xf32>
      %reduce_sum3A_1626 = arith.constant dense<0.000000e+00> : vector<4xf32>
      %reduce_sum3A_1627 = vector.multi_reduction <add>, %select_n3A_1625, %reduce_sum3A_1626 [1] : vector<4x128xf32> to vector<4xf32>
      %broadcast_in_dim3A_1628 = vector.shape_cast %reduce_sum3A_1627 : vector<4xf32> to vector<4x1xf32>
      %gt3A_1629 = arith.constant 0.000000e+00 : f32
      %gt3A_1630 = vector.broadcast %gt3A_1629 : f32 to vector<4x128xf32>
      %gt3A_1631 = arith.cmpf ogt, %reshape3A_1618, %gt3A_1630 : vector<4x128xf32>
      %gt3A_1632 = arith.constant 0.000000e+00 : f32
      %gt3A_1633 = vector.broadcast %gt3A_1632 : f32 to vector<4x1xf32>
      %gt3A_1634 = arith.cmpf ogt, %broadcast_in_dim3A_1628, %gt3A_1633 : vector<4x1xf32>
      %and3A_1635 = vector.broadcast %gt3A_1634 : vector<4x1xi1> to vector<4x128xi1>
      %and3A_1636 = arith.andi %gt3A_1631, %and3A_1635 : vector<4x128xi1>
      %jit3A_1637 = arith.constant 0.000000e+00 : f32
      %broadcast_in_dim3A_1638 = vector.broadcast %jit3A_1637 : f32 to vector<4x128xf32>
      %select_n3A_1639 = arith.select %and3A_1636, %broadcast_in_dim3A_1638, %select_n3A_1611 : vector<4x128xi1>, vector<4x128xf32>
      %scan3A_1640 = arith.constant 2 : i32
      %scan3A_1641 = arith.addi %scan3A_1587, %scan3A_1640 : i32
      %get3A_1642 = arith.index_cast %scan3A_1641 : i32 to index
      %get3A_1643 = arith.constant 0 : index
      %get3A_1644 = arith.constant 0 : index
      %get3A_1645 = vector.load %arg4[%get3A_1642, %get3A_1643, %get3A_1644] : memref<128x4x128xf32, #tpu.memory_space<vmem>>, vector<1x4x128xf32>
      %reshape3A_1646 = vector.shape_cast %get3A_1645 : vector<1x4x128xf32> to vector<4x128xf32>
      %eq3A_1647 = vector.broadcast %scan3A_1641 : i32 to vector<1x128xi32>
      %eq3A_1648 = arith.cmpi eq, %iota3A, %eq3A_1647 : vector<1x128xi32>
      %jit3A_1649 = arith.constant 0.000000e+00 : f32
      %broadcast_in_dim3A_1650 = vector.shape_cast %eq3A_1648 : vector<1x128xi1> to vector<1x128xi1>
      %broadcast_in_dim3A_1651 = vector.broadcast %broadcast_in_dim3A_1650 : vector<1x128xi1> to vector<4x128xi1>
      %broadcast_in_dim3A_1652 = vector.broadcast %jit3A_1649 : f32 to vector<4x128xf32>
      %select_n3A_1653 = arith.select %broadcast_in_dim3A_1651, %select_n3A_1639, %broadcast_in_dim3A_1652 : vector<4x128xi1>, vector<4x128xf32>
      %reduce_sum3A_1654 = arith.constant dense<0.000000e+00> : vector<4xf32>
      %reduce_sum3A_1655 = vector.multi_reduction <add>, %select_n3A_1653, %reduce_sum3A_1654 [1] : vector<4x128xf32> to vector<4xf32>
      %broadcast_in_dim3A_1656 = vector.shape_cast %reduce_sum3A_1655 : vector<4xf32> to vector<4x1xf32>
      %gt3A_1657 = arith.constant 0.000000e+00 : f32
      %gt3A_1658 = vector.broadcast %gt3A_1657 : f32 to vector<4x128xf32>
      %gt3A_1659 = arith.cmpf ogt, %reshape3A_1646, %gt3A_1658 : vector<4x128xf32>
      %gt3A_1660 = arith.constant 0.000000e+00 : f32
      %gt3A_1661 = vector.broadcast %gt3A_1660 : f32 to vector<4x1xf32>
      %gt3A_1662 = arith.cmpf ogt, %broadcast_in_dim3A_1656, %gt3A_1661 : vector<4x1xf32>
      %and3A_1663 = vector.broadcast %gt3A_1662 : vector<4x1xi1> to vector<4x128xi1>
      %and3A_1664 = arith.andi %gt3A_1659, %and3A_1663 : vector<4x128xi1>
      %jit3A_1665 = arith.constant 0.000000e+00 : f32
      %broadcast_in_dim3A_1666 = vector.broadcast %jit3A_1665 : f32 to vector<4x128xf32>
      %select_n3A_1667 = arith.select %and3A_1664, %broadcast_in_dim3A_1666, %select_n3A_1639 : vector<4x128xi1>, vector<4x128xf32>
      %scan3A_1668 = arith.constant 3 : i32
      %scan3A_1669 = arith.addi %scan3A_1587, %scan3A_1668 : i32
      %get3A_1670 = arith.index_cast %scan3A_1669 : i32 to index
      %get3A_1671 = arith.constant 0 : index
      %get3A_1672 = arith.constant 0 : index
      %get3A_1673 = vector.load %arg4[%get3A_1670, %get3A_1671, %get3A_1672] : memref<128x4x128xf32, #tpu.memory_space<vmem>>, vector<1x4x128xf32>
      %reshape3A_1674 = vector.shape_cast %get3A_1673 : vector<1x4x128xf32> to vector<4x128xf32>
      %eq3A_1675 = vector.broadcast %scan3A_1669 : i32 to vector<1x128xi32>
      %eq3A_1676 = arith.cmpi eq, %iota3A, %eq3A_1675 : vector<1x128xi32>
      %jit3A_1677 = arith.constant 0.000000e+00 : f32
      %broadcast_in_dim3A_1678 = vector.shape_cast %eq3A_1676 : vector<1x128xi1> to vector<1x128xi1>
      %broadcast_in_dim3A_1679 = vector.broadcast %broadcast_in_dim3A_1678 : vector<1x128xi1> to vector<4x128xi1>
      %broadcast_in_dim3A_1680 = vector.broadcast %jit3A_1677 : f32 to vector<4x128xf32>
      %select_n3A_1681 = arith.select %broadcast_in_dim3A_1679, %select_n3A_1667, %broadcast_in_dim3A_1680 : vector<4x128xi1>, vector<4x128xf32>
      %reduce_sum3A_1682 = arith.constant dense<0.000000e+00> : vector<4xf32>
      %reduce_sum3A_1683 = vector.multi_reduction <add>, %select_n3A_1681, %reduce_sum3A_1682 [1] : vector<4x128xf32> to vector<4xf32>
      %broadcast_in_dim3A_1684 = vector.shape_cast %reduce_sum3A_1683 : vector<4xf32> to vector<4x1xf32>
      %gt3A_1685 = arith.constant 0.000000e+00 : f32
      %gt3A_1686 = vector.broadcast %gt3A_1685 : f32 to vector<4x128xf32>
      %gt3A_1687 = arith.cmpf ogt, %reshape3A_1674, %gt3A_1686 : vector<4x128xf32>
      %gt3A_1688 = arith.constant 0.000000e+00 : f32
      %gt3A_1689 = vector.broadcast %gt3A_1688 : f32 to vector<4x1xf32>
      %gt3A_1690 = arith.cmpf ogt, %broadcast_in_dim3A_1684, %gt3A_1689 : vector<4x1xf32>
      %and3A_1691 = vector.broadcast %gt3A_1690 : vector<4x1xi1> to vector<4x128xi1>
      %and3A_1692 = arith.andi %gt3A_1687, %and3A_1691 : vector<4x128xi1>
      %jit3A_1693 = arith.constant 0.000000e+00 : f32
      %broadcast_in_dim3A_1694 = vector.broadcast %jit3A_1693 : f32 to vector<4x128xf32>
      %select_n3A_1695 = arith.select %and3A_1692, %broadcast_in_dim3A_1694, %select_n3A_1667 : vector<4x128xi1>, vector<4x128xf32>
      %scan3A_1696 = arith.constant 4 : i32
      %scan3A_1697 = arith.addi %scan3A_1587, %scan3A_1696 : i32
      %get3A_1698 = arith.index_cast %scan3A_1697 : i32 to index
      %get3A_1699 = arith.constant 0 : index
      %get3A_1700 = arith.constant 0 : index
      %get3A_1701 = vector.load %arg4[%get3A_1698, %get3A_1699, %get3A_1700] : memref<128x4x128xf32, #tpu.memory_space<vmem>>, vector<1x4x128xf32>
      %reshape3A_1702 = vector.shape_cast %get3A_1701 : vector<1x4x128xf32> to vector<4x128xf32>
      %eq3A_1703 = vector.broadcast %scan3A_1697 : i32 to vector<1x128xi32>
      %eq3A_1704 = arith.cmpi eq, %iota3A, %eq3A_1703 : vector<1x128xi32>
      %jit3A_1705 = arith.constant 0.000000e+00 : f32
      %broadcast_in_dim3A_1706 = vector.shape_cast %eq3A_1704 : vector<1x128xi1> to vector<1x128xi1>
      %broadcast_in_dim3A_1707 = vector.broadcast %broadcast_in_dim3A_1706 : vector<1x128xi1> to vector<4x128xi1>
      %broadcast_in_dim3A_1708 = vector.broadcast %jit3A_1705 : f32 to vector<4x128xf32>
      %select_n3A_1709 = arith.select %broadcast_in_dim3A_1707, %select_n3A_1695, %broadcast_in_dim3A_1708 : vector<4x128xi1>, vector<4x128xf32>
      %reduce_sum3A_1710 = arith.constant dense<0.000000e+00> : vector<4xf32>
      %reduce_sum3A_1711 = vector.multi_reduction <add>, %select_n3A_1709, %reduce_sum3A_1710 [1] : vector<4x128xf32> to vector<4xf32>
      %broadcast_in_dim3A_1712 = vector.shape_cast %reduce_sum3A_1711 : vector<4xf32> to vector<4x1xf32>
      %gt3A_1713 = arith.constant 0.000000e+00 : f32
      %gt3A_1714 = vector.broadcast %gt3A_1713 : f32 to vector<4x128xf32>
      %gt3A_1715 = arith.cmpf ogt, %reshape3A_1702, %gt3A_1714 : vector<4x128xf32>
      %gt3A_1716 = arith.constant 0.000000e+00 : f32
      %gt3A_1717 = vector.broadcast %gt3A_1716 : f32 to vector<4x1xf32>
      %gt3A_1718 = arith.cmpf ogt, %broadcast_in_dim3A_1712, %gt3A_1717 : vector<4x1xf32>
      %and3A_1719 = vector.broadcast %gt3A_1718 : vector<4x1xi1> to vector<4x128xi1>
      %and3A_1720 = arith.andi %gt3A_1715, %and3A_1719 : vector<4x128xi1>
      %jit3A_1721 = arith.constant 0.000000e+00 : f32
      %broadcast_in_dim3A_1722 = vector.broadcast %jit3A_1721 : f32 to vector<4x128xf32>
      %select_n3A_1723 = arith.select %and3A_1720, %broadcast_in_dim3A_1722, %select_n3A_1695 : vector<4x128xi1>, vector<4x128xf32>
      %scan3A_1724 = arith.constant 5 : i32
      %scan3A_1725 = arith.addi %scan3A_1587, %scan3A_1724 : i32
      %get3A_1726 = arith.index_cast %scan3A_1725 : i32 to index
      %get3A_1727 = arith.constant 0 : index
      %get3A_1728 = arith.constant 0 : index
      %get3A_1729 = vector.load %arg4[%get3A_1726, %get3A_1727, %get3A_1728] : memref<128x4x128xf32, #tpu.memory_space<vmem>>, vector<1x4x128xf32>
      %reshape3A_1730 = vector.shape_cast %get3A_1729 : vector<1x4x128xf32> to vector<4x128xf32>
      %eq3A_1731 = vector.broadcast %scan3A_1725 : i32 to vector<1x128xi32>
      %eq3A_1732 = arith.cmpi eq, %iota3A, %eq3A_1731 : vector<1x128xi32>
      %jit3A_1733 = arith.constant 0.000000e+00 : f32
      %broadcast_in_dim3A_1734 = vector.shape_cast %eq3A_1732 : vector<1x128xi1> to vector<1x128xi1>
      %broadcast_in_dim3A_1735 = vector.broadcast %broadcast_in_dim3A_1734 : vector<1x128xi1> to vector<4x128xi1>
      %broadcast_in_dim3A_1736 = vector.broadcast %jit3A_1733 : f32 to vector<4x128xf32>
      %select_n3A_1737 = arith.select %broadcast_in_dim3A_1735, %select_n3A_1723, %broadcast_in_dim3A_1736 : vector<4x128xi1>, vector<4x128xf32>
      %reduce_sum3A_1738 = arith.constant dense<0.000000e+00> : vector<4xf32>
      %reduce_sum3A_1739 = vector.multi_reduction <add>, %select_n3A_1737, %reduce_sum3A_1738 [1] : vector<4x128xf32> to vector<4xf32>
      %broadcast_in_dim3A_1740 = vector.shape_cast %reduce_sum3A_1739 : vector<4xf32> to vector<4x1xf32>
      %gt3A_1741 = arith.constant 0.000000e+00 : f32
      %gt3A_1742 = vector.broadcast %gt3A_1741 : f32 to vector<4x128xf32>
      %gt3A_1743 = arith.cmpf ogt, %reshape3A_1730, %gt3A_1742 : vector<4x128xf32>
      %gt3A_1744 = arith.constant 0.000000e+00 : f32
      %gt3A_1745 = vector.broadcast %gt3A_1744 : f32 to vector<4x1xf32>
      %gt3A_1746 = arith.cmpf ogt, %broadcast_in_dim3A_1740, %gt3A_1745 : vector<4x1xf32>
      %and3A_1747 = vector.broadcast %gt3A_1746 : vector<4x1xi1> to vector<4x128xi1>
      %and3A_1748 = arith.andi %gt3A_1743, %and3A_1747 : vector<4x128xi1>
      %jit3A_1749 = arith.constant 0.000000e+00 : f32
      %broadcast_in_dim3A_1750 = vector.broadcast %jit3A_1749 : f32 to vector<4x128xf32>
      %select_n3A_1751 = arith.select %and3A_1748, %broadcast_in_dim3A_1750, %select_n3A_1723 : vector<4x128xi1>, vector<4x128xf32>
      %scan3A_1752 = arith.constant 6 : i32
      %scan3A_1753 = arith.addi %scan3A_1587, %scan3A_1752 : i32
      %get3A_1754 = arith.index_cast %scan3A_1753 : i32 to index
      %get3A_1755 = arith.constant 0 : index
      %get3A_1756 = arith.constant 0 : index
      %get3A_1757 = vector.load %arg4[%get3A_1754, %get3A_1755, %get3A_1756] : memref<128x4x128xf32, #tpu.memory_space<vmem>>, vector<1x4x128xf32>
      %reshape3A_1758 = vector.shape_cast %get3A_1757 : vector<1x4x128xf32> to vector<4x128xf32>
      %eq3A_1759 = vector.broadcast %scan3A_1753 : i32 to vector<1x128xi32>
      %eq3A_1760 = arith.cmpi eq, %iota3A, %eq3A_1759 : vector<1x128xi32>
      %jit3A_1761 = arith.constant 0.000000e+00 : f32
      %broadcast_in_dim3A_1762 = vector.shape_cast %eq3A_1760 : vector<1x128xi1> to vector<1x128xi1>
      %broadcast_in_dim3A_1763 = vector.broadcast %broadcast_in_dim3A_1762 : vector<1x128xi1> to vector<4x128xi1>
      %broadcast_in_dim3A_1764 = vector.broadcast %jit3A_1761 : f32 to vector<4x128xf32>
      %select_n3A_1765 = arith.select %broadcast_in_dim3A_1763, %select_n3A_1751, %broadcast_in_dim3A_1764 : vector<4x128xi1>, vector<4x128xf32>
      %reduce_sum3A_1766 = arith.constant dense<0.000000e+00> : vector<4xf32>
      %reduce_sum3A_1767 = vector.multi_reduction <add>, %select_n3A_1765, %reduce_sum3A_1766 [1] : vector<4x128xf32> to vector<4xf32>
      %broadcast_in_dim3A_1768 = vector.shape_cast %reduce_sum3A_1767 : vector<4xf32> to vector<4x1xf32>
      %gt3A_1769 = arith.constant 0.000000e+00 : f32
      %gt3A_1770 = vector.broadcast %gt3A_1769 : f32 to vector<4x128xf32>
      %gt3A_1771 = arith.cmpf ogt, %reshape3A_1758, %gt3A_1770 : vector<4x128xf32>
      %gt3A_1772 = arith.constant 0.000000e+00 : f32
      %gt3A_1773 = vector.broadcast %gt3A_1772 : f32 to vector<4x1xf32>
      %gt3A_1774 = arith.cmpf ogt, %broadcast_in_dim3A_1768, %gt3A_1773 : vector<4x1xf32>
      %and3A_1775 = vector.broadcast %gt3A_1774 : vector<4x1xi1> to vector<4x128xi1>
      %and3A_1776 = arith.andi %gt3A_1771, %and3A_1775 : vector<4x128xi1>
      %jit3A_1777 = arith.constant 0.000000e+00 : f32
      %broadcast_in_dim3A_1778 = vector.broadcast %jit3A_1777 : f32 to vector<4x128xf32>
      %select_n3A_1779 = arith.select %and3A_1776, %broadcast_in_dim3A_1778, %select_n3A_1751 : vector<4x128xi1>, vector<4x128xf32>
      %scan3A_1780 = arith.constant 7 : i32
      %scan3A_1781 = arith.addi %scan3A_1587, %scan3A_1780 : i32
      %get3A_1782 = arith.index_cast %scan3A_1781 : i32 to index
      %get3A_1783 = arith.constant 0 : index
      %get3A_1784 = arith.constant 0 : index
      %get3A_1785 = vector.load %arg4[%get3A_1782, %get3A_1783, %get3A_1784] : memref<128x4x128xf32, #tpu.memory_space<vmem>>, vector<1x4x128xf32>
      %reshape3A_1786 = vector.shape_cast %get3A_1785 : vector<1x4x128xf32> to vector<4x128xf32>
      %eq3A_1787 = vector.broadcast %scan3A_1781 : i32 to vector<1x128xi32>
      %eq3A_1788 = arith.cmpi eq, %iota3A, %eq3A_1787 : vector<1x128xi32>
      %jit3A_1789 = arith.constant 0.000000e+00 : f32
      %broadcast_in_dim3A_1790 = vector.shape_cast %eq3A_1788 : vector<1x128xi1> to vector<1x128xi1>
      %broadcast_in_dim3A_1791 = vector.broadcast %broadcast_in_dim3A_1790 : vector<1x128xi1> to vector<4x128xi1>
      %broadcast_in_dim3A_1792 = vector.broadcast %jit3A_1789 : f32 to vector<4x128xf32>
      %select_n3A_1793 = arith.select %broadcast_in_dim3A_1791, %select_n3A_1779, %broadcast_in_dim3A_1792 : vector<4x128xi1>, vector<4x128xf32>
      %reduce_sum3A_1794 = arith.constant dense<0.000000e+00> : vector<4xf32>
      %reduce_sum3A_1795 = vector.multi_reduction <add>, %select_n3A_1793, %reduce_sum3A_1794 [1] : vector<4x128xf32> to vector<4xf32>
      %broadcast_in_dim3A_1796 = vector.shape_cast %reduce_sum3A_1795 : vector<4xf32> to vector<4x1xf32>
      %gt3A_1797 = arith.constant 0.000000e+00 : f32
      %gt3A_1798 = vector.broadcast %gt3A_1797 : f32 to vector<4x128xf32>
      %gt3A_1799 = arith.cmpf ogt, %reshape3A_1786, %gt3A_1798 : vector<4x128xf32>
      %gt3A_1800 = arith.constant 0.000000e+00 : f32
      %gt3A_1801 = vector.broadcast %gt3A_1800 : f32 to vector<4x1xf32>
      %gt3A_1802 = arith.cmpf ogt, %broadcast_in_dim3A_1796, %gt3A_1801 : vector<4x1xf32>
      %and3A_1803 = vector.broadcast %gt3A_1802 : vector<4x1xi1> to vector<4x128xi1>
      %and3A_1804 = arith.andi %gt3A_1799, %and3A_1803 : vector<4x128xi1>
      %jit3A_1805 = arith.constant 0.000000e+00 : f32
      %broadcast_in_dim3A_1806 = vector.broadcast %jit3A_1805 : f32 to vector<4x128xf32>
      %select_n3A_1807 = arith.select %and3A_1804, %broadcast_in_dim3A_1806, %select_n3A_1779 : vector<4x128xi1>, vector<4x128xf32>
      scf.yield %select_n3A_1807 : vector<4x128xf32>
    }
    %scan3A_412 = arith.constant 128 : i32
    %slice3A_413 = vector.extract_strided_slice %select_n3A_395 {offsets = [0, 0, 128], sizes = [128, 4, 1536], strides = [1, 1, 1]} : vector<128x4x1664xf32> to vector<128x4x1536xf32>
    %transpose3A_414 = tpu.transpose %scan3A_411, [1, 0] : vector<4x128xf32> -> vector<128x4xf32>
    %broadcast_in_dim3A_415 = vector.shape_cast %transpose3A_414 : vector<128x4xf32> to vector<128x4x1xf32>
    %mul3A_416 = vector.broadcast %broadcast_in_dim3A_415 : vector<128x4x1xf32> to vector<128x4x1536xf32>
    %mul3A_417 = arith.mulf %slice3A_413, %mul3A_416 : vector<128x4x1536xf32>
    %reduce_max3A_418 = arith.constant dense<0xFF800000> : vector<4x1536xf32>
    %reduce_max3A_419 = vector.multi_reduction <maximumf>, %mul3A_417, %reduce_max3A_418 [0] : vector<128x4x1536xf32> to vector<4x1536xf32>
    %gt3A_420 = arith.constant 0.000000e+00 : f32
    %gt3A_421 = vector.broadcast %gt3A_420 : f32 to vector<4x1536xf32>
    %gt3A_422 = arith.cmpf ogt, %reduce_max3A_419, %gt3A_421 : vector<4x1536xf32>
    %slice3A_423 = vector.extract_strided_slice %concatenate3A_333 {offsets = [0, 512], sizes = [4, 1536], strides = [1, 1]} : vector<4x2048xf32> to vector<4x1536xf32>
    %jit3A_424 = arith.constant 0.000000e+00 : f32
    %broadcast_in_dim3A_425 = vector.broadcast %jit3A_424 : f32 to vector<4x1536xf32>
    %select_n3A_426 = arith.select %gt3A_422, %broadcast_in_dim3A_425, %slice3A_423 : vector<4x1536xi1>, vector<4x1536xf32>
    %slice3A_427 = vector.extract_strided_slice %concatenate3A_333 {offsets = [0, 0], sizes = [4, 384], strides = [1, 1]} : vector<4x2048xf32> to vector<4x384xf32>
    %concatenate3A_428 = tpu.concatenate %slice3A_427, %scan3A_411, %select_n3A_426 in 1 : vector<4x384xf32>, vector<4x128xf32>, vector<4x1536xf32> -> vector<4x2048xf32>
    %slice3A_429 = vector.extract_strided_slice %min3A_6 {offsets = [0, 512], sizes = [4, 128], strides = [1, 1]} : vector<4x2048xf32> to vector<4x128xf32>
    %transpose3A_430 = tpu.transpose %slice3A_429, [1, 0] : vector<4x128xf32> -> vector<128x4xf32>
    %broadcast_in_dim3A_431 = vector.shape_cast %transpose3A_430 : vector<128x4xf32> to vector<128x4x1xf32>
    %slice3A_432 = vector.extract_strided_slice %min3A_17 {offsets = [0, 512], sizes = [4, 128], strides = [1, 1]} : vector<4x2048xf32> to vector<4x128xf32>
    %transpose3A_433 = tpu.transpose %slice3A_432, [1, 0] : vector<4x128xf32> -> vector<128x4xf32>
    %broadcast_in_dim3A_434 = vector.shape_cast %transpose3A_433 : vector<128x4xf32> to vector<128x4x1xf32>
    %slice3A_435 = vector.extract_strided_slice %min3A_28 {offsets = [0, 512], sizes = [4, 128], strides = [1, 1]} : vector<4x2048xf32> to vector<4x128xf32>
    %transpose3A_436 = tpu.transpose %slice3A_435, [1, 0] : vector<4x128xf32> -> vector<128x4xf32>
    %broadcast_in_dim3A_437 = vector.shape_cast %transpose3A_436 : vector<128x4xf32> to vector<128x4x1xf32>
    %slice3A_438 = vector.extract_strided_slice %min3A_39 {offsets = [0, 512], sizes = [4, 128], strides = [1, 1]} : vector<4x2048xf32> to vector<4x128xf32>
    %transpose3A_439 = tpu.transpose %slice3A_438, [1, 0] : vector<4x128xf32> -> vector<128x4xf32>
    %broadcast_in_dim3A_440 = vector.shape_cast %transpose3A_439 : vector<128x4xf32> to vector<128x4x1xf32>
    %slice3A_441 = vector.extract_strided_slice %mul3A {offsets = [0, 512], sizes = [4, 128], strides = [1, 1]} : vector<4x2048xf32> to vector<4x128xf32>
    %transpose3A_442 = tpu.transpose %slice3A_441, [1, 0] : vector<4x128xf32> -> vector<128x4xf32>
    %broadcast_in_dim3A_443 = vector.shape_cast %transpose3A_442 : vector<128x4xf32> to vector<128x4x1xf32>
    %slice3A_444 = vector.extract_strided_slice %min3A_6 {offsets = [0, 512], sizes = [4, 1536], strides = [1, 1]} : vector<4x2048xf32> to vector<4x1536xf32>
    %broadcast_in_dim3A_445 = vector.shape_cast %slice3A_444 : vector<4x1536xf32> to vector<1x4x1536xf32>
    %slice3A_446 = vector.extract_strided_slice %min3A_17 {offsets = [0, 512], sizes = [4, 1536], strides = [1, 1]} : vector<4x2048xf32> to vector<4x1536xf32>
    %broadcast_in_dim3A_447 = vector.shape_cast %slice3A_446 : vector<4x1536xf32> to vector<1x4x1536xf32>
    %slice3A_448 = vector.extract_strided_slice %min3A_28 {offsets = [0, 512], sizes = [4, 1536], strides = [1, 1]} : vector<4x2048xf32> to vector<4x1536xf32>
    %broadcast_in_dim3A_449 = vector.shape_cast %slice3A_448 : vector<4x1536xf32> to vector<1x4x1536xf32>
    %slice3A_450 = vector.extract_strided_slice %min3A_39 {offsets = [0, 512], sizes = [4, 1536], strides = [1, 1]} : vector<4x2048xf32> to vector<4x1536xf32>
    %broadcast_in_dim3A_451 = vector.shape_cast %slice3A_450 : vector<4x1536xf32> to vector<1x4x1536xf32>
    %slice3A_452 = vector.extract_strided_slice %mul3A {offsets = [0, 512], sizes = [4, 1536], strides = [1, 1]} : vector<4x2048xf32> to vector<4x1536xf32>
    %broadcast_in_dim3A_453 = vector.shape_cast %slice3A_452 : vector<4x1536xf32> to vector<1x4x1536xf32>
    %min3A_454 = vector.broadcast %broadcast_in_dim3A_437 : vector<128x4x1xf32> to vector<128x4x1536xf32>
    %min3A_455 = vector.broadcast %broadcast_in_dim3A_449 : vector<1x4x1536xf32> to vector<128x4x1536xf32>
    %min3A_456 = arith.minimumf %min3A_454, %min3A_455 : vector<128x4x1536xf32>
    %max3A_457 = vector.broadcast %broadcast_in_dim3A_431 : vector<128x4x1xf32> to vector<128x4x1536xf32>
    %max3A_458 = vector.broadcast %broadcast_in_dim3A_445 : vector<1x4x1536xf32> to vector<128x4x1536xf32>
    %max3A_459 = arith.maximumf %max3A_457, %max3A_458 : vector<128x4x1536xf32>
    %sub3A_460 = arith.subf %min3A_456, %max3A_459 : vector<128x4x1536xf32>
    %jit3A_461 = arith.constant 0.000000e+00 : f32
    %max3A_462 = vector.broadcast %jit3A_461 : f32 to vector<128x4x1536xf32>
    %max3A_463 = arith.maximumf %max3A_462, %sub3A_460 : vector<128x4x1536xf32>
    %min3A_464 = vector.broadcast %broadcast_in_dim3A_440 : vector<128x4x1xf32> to vector<128x4x1536xf32>
    %min3A_465 = vector.broadcast %broadcast_in_dim3A_451 : vector<1x4x1536xf32> to vector<128x4x1536xf32>
    %min3A_466 = arith.minimumf %min3A_464, %min3A_465 : vector<128x4x1536xf32>
    %max3A_467 = vector.broadcast %broadcast_in_dim3A_434 : vector<128x4x1xf32> to vector<128x4x1536xf32>
    %max3A_468 = vector.broadcast %broadcast_in_dim3A_447 : vector<1x4x1536xf32> to vector<128x4x1536xf32>
    %max3A_469 = arith.maximumf %max3A_467, %max3A_468 : vector<128x4x1536xf32>
    %sub3A_470 = arith.subf %min3A_466, %max3A_469 : vector<128x4x1536xf32>
    %jit3A_471 = arith.constant 0.000000e+00 : f32
    %max3A_472 = vector.broadcast %jit3A_471 : f32 to vector<128x4x1536xf32>
    %max3A_473 = arith.maximumf %max3A_472, %sub3A_470 : vector<128x4x1536xf32>
    %mul3A_474 = arith.mulf %max3A_463, %max3A_473 : vector<128x4x1536xf32>
    %add3A_475 = vector.broadcast %broadcast_in_dim3A_443 : vector<128x4x1xf32> to vector<128x4x1536xf32>
    %add3A_476 = vector.broadcast %broadcast_in_dim3A_453 : vector<1x4x1536xf32> to vector<128x4x1536xf32>
    %add3A_477 = arith.addf %add3A_475, %add3A_476 : vector<128x4x1536xf32>
    %sub3A_478 = arith.subf %add3A_477, %mul3A_474 : vector<128x4x1536xf32>
    %max3A_479 = arith.constant 9.99999971E-10 : f32
    %max3A_480 = vector.broadcast %max3A_479 : f32 to vector<128x4x1536xf32>
    %max3A_481 = arith.maximumf %sub3A_478, %max3A_480 : vector<128x4x1536xf32>
    %div3A_482 = arith.divf %mul3A_474, %max3A_481 : vector<128x4x1536xf32>
    %gt3A_483 = arith.constant 0.699999988 : f32
    %gt3A_484 = vector.broadcast %gt3A_483 : f32 to vector<128x4x1536xf32>
    %gt3A_485 = arith.cmpf ogt, %div3A_482, %gt3A_484 : vector<128x4x1536xf32>
    %jit3A_486 = arith.constant 1.000000e+00 : f32
    %jit3A_487 = arith.constant 0.000000e+00 : f32
    %broadcast_in_dim3A_488 = vector.broadcast %jit3A_486 : f32 to vector<128x4x1536xf32>
    %broadcast_in_dim3A_489 = vector.broadcast %jit3A_487 : f32 to vector<128x4x1536xf32>
    %select_n3A_490 = arith.select %gt3A_485, %broadcast_in_dim3A_488, %broadcast_in_dim3A_489 : vector<128x4x1536xi1>, vector<128x4x1536xf32>
    %slice3A_491 = vector.extract_strided_slice %select_n3A_490 {offsets = [0, 0, 0], sizes = [128, 4, 128], strides = [1, 1, 1]} : vector<128x4x1536xf32> to vector<128x4x128xf32>
    %jit3A_492 = arith.constant 0.000000e+00 : f32
    %broadcast_in_dim3A_493 = vector.shape_cast %gt3A_62 : vector<128x1x128xi1> to vector<128x1x128xi1>
    %broadcast_in_dim3A_494 = vector.broadcast %broadcast_in_dim3A_493 : vector<128x1x128xi1> to vector<128x4x128xi1>
    %broadcast_in_dim3A_495 = vector.broadcast %jit3A_492 : f32 to vector<128x4x128xf32>
    %select_n3A_496 = arith.select %broadcast_in_dim3A_494, %slice3A_491, %broadcast_in_dim3A_495 : vector<128x4x128xi1>, vector<128x4x128xf32>
    %swap3A_497 = arith.constant 0 : index
    %swap3A_498 = arith.constant 0 : index
    %swap3A_499 = arith.constant 0 : index
    %swap3A_500 = vector.load %arg4[%swap3A_497, %swap3A_498, %swap3A_499] : memref<128x4x128xf32, #tpu.memory_space<vmem>>, vector<128x4x128xf32>
    tpu.vector_store %arg4[%swap3A_497, %swap3A_498, %swap3A_499], %select_n3A_496 {strides = array<i32>} : memref<128x4x128xf32, #tpu.memory_space<vmem>>, vector<128x4x128xf32>,
    %slice3A_501 = vector.extract_strided_slice %concatenate3A_428 {offsets = [0, 512], sizes = [4, 128], strides = [1, 1]} : vector<4x2048xf32> to vector<4x128xf32>
    %scan3A_502 = arith.constant 0 : i32
    %scan3A_503 = arith.constant 128 : i32
    %scan3A_504 = arith.addi %scan3A_502, %scan3A_503 : i32
    %scan3A_505 = arith.constant 8 : i32
    %scan3A_506 = scf.for %scan3A_1587 = %scan3A_502 to %scan3A_504 step %scan3A_505 iter_args(%scan3A_1588 = %slice3A_501) -> (vector<4x128xf32>)  : i32 {
      %get3A_1589 = arith.index_cast %scan3A_1587 : i32 to index
      %get3A_1590 = arith.constant 0 : index
      %get3A_1591 = arith.constant 0 : index
      %get3A_1592 = vector.load %arg4[%get3A_1589, %get3A_1590, %get3A_1591] : memref<128x4x128xf32, #tpu.memory_space<vmem>>, vector<1x4x128xf32>
      %reshape3A = vector.shape_cast %get3A_1592 : vector<1x4x128xf32> to vector<4x128xf32>
      %eq3A = vector.broadcast %scan3A_1587 : i32 to vector<1x128xi32>
      %eq3A_1593 = arith.cmpi eq, %iota3A, %eq3A : vector<1x128xi32>
      %jit3A_1594 = arith.constant 0.000000e+00 : f32
      %broadcast_in_dim3A_1595 = vector.shape_cast %eq3A_1593 : vector<1x128xi1> to vector<1x128xi1>
      %broadcast_in_dim3A_1596 = vector.broadcast %broadcast_in_dim3A_1595 : vector<1x128xi1> to vector<4x128xi1>
      %broadcast_in_dim3A_1597 = vector.broadcast %jit3A_1594 : f32 to vector<4x128xf32>
      %select_n3A_1598 = arith.select %broadcast_in_dim3A_1596, %scan3A_1588, %broadcast_in_dim3A_1597 : vector<4x128xi1>, vector<4x128xf32>
      %reduce_sum3A = arith.constant dense<0.000000e+00> : vector<4xf32>
      %reduce_sum3A_1599 = vector.multi_reduction <add>, %select_n3A_1598, %reduce_sum3A [1] : vector<4x128xf32> to vector<4xf32>
      %broadcast_in_dim3A_1600 = vector.shape_cast %reduce_sum3A_1599 : vector<4xf32> to vector<4x1xf32>
      %gt3A_1601 = arith.constant 0.000000e+00 : f32
      %gt3A_1602 = vector.broadcast %gt3A_1601 : f32 to vector<4x128xf32>
      %gt3A_1603 = arith.cmpf ogt, %reshape3A, %gt3A_1602 : vector<4x128xf32>
      %gt3A_1604 = arith.constant 0.000000e+00 : f32
      %gt3A_1605 = vector.broadcast %gt3A_1604 : f32 to vector<4x1xf32>
      %gt3A_1606 = arith.cmpf ogt, %broadcast_in_dim3A_1600, %gt3A_1605 : vector<4x1xf32>
      %and3A_1607 = vector.broadcast %gt3A_1606 : vector<4x1xi1> to vector<4x128xi1>
      %and3A_1608 = arith.andi %gt3A_1603, %and3A_1607 : vector<4x128xi1>
      %jit3A_1609 = arith.constant 0.000000e+00 : f32
      %broadcast_in_dim3A_1610 = vector.broadcast %jit3A_1609 : f32 to vector<4x128xf32>
      %select_n3A_1611 = arith.select %and3A_1608, %broadcast_in_dim3A_1610, %scan3A_1588 : vector<4x128xi1>, vector<4x128xf32>
      %scan3A_1612 = arith.constant 1 : i32
      %scan3A_1613 = arith.addi %scan3A_1587, %scan3A_1612 : i32
      %get3A_1614 = arith.index_cast %scan3A_1613 : i32 to index
      %get3A_1615 = arith.constant 0 : index
      %get3A_1616 = arith.constant 0 : index
      %get3A_1617 = vector.load %arg4[%get3A_1614, %get3A_1615, %get3A_1616] : memref<128x4x128xf32, #tpu.memory_space<vmem>>, vector<1x4x128xf32>
      %reshape3A_1618 = vector.shape_cast %get3A_1617 : vector<1x4x128xf32> to vector<4x128xf32>
      %eq3A_1619 = vector.broadcast %scan3A_1613 : i32 to vector<1x128xi32>
      %eq3A_1620 = arith.cmpi eq, %iota3A, %eq3A_1619 : vector<1x128xi32>
      %jit3A_1621 = arith.constant 0.000000e+00 : f32
      %broadcast_in_dim3A_1622 = vector.shape_cast %eq3A_1620 : vector<1x128xi1> to vector<1x128xi1>
      %broadcast_in_dim3A_1623 = vector.broadcast %broadcast_in_dim3A_1622 : vector<1x128xi1> to vector<4x128xi1>
      %broadcast_in_dim3A_1624 = vector.broadcast %jit3A_1621 : f32 to vector<4x128xf32>
      %select_n3A_1625 = arith.select %broadcast_in_dim3A_1623, %select_n3A_1611, %broadcast_in_dim3A_1624 : vector<4x128xi1>, vector<4x128xf32>
      %reduce_sum3A_1626 = arith.constant dense<0.000000e+00> : vector<4xf32>
      %reduce_sum3A_1627 = vector.multi_reduction <add>, %select_n3A_1625, %reduce_sum3A_1626 [1] : vector<4x128xf32> to vector<4xf32>
      %broadcast_in_dim3A_1628 = vector.shape_cast %reduce_sum3A_1627 : vector<4xf32> to vector<4x1xf32>
      %gt3A_1629 = arith.constant 0.000000e+00 : f32
      %gt3A_1630 = vector.broadcast %gt3A_1629 : f32 to vector<4x128xf32>
      %gt3A_1631 = arith.cmpf ogt, %reshape3A_1618, %gt3A_1630 : vector<4x128xf32>
      %gt3A_1632 = arith.constant 0.000000e+00 : f32
      %gt3A_1633 = vector.broadcast %gt3A_1632 : f32 to vector<4x1xf32>
      %gt3A_1634 = arith.cmpf ogt, %broadcast_in_dim3A_1628, %gt3A_1633 : vector<4x1xf32>
      %and3A_1635 = vector.broadcast %gt3A_1634 : vector<4x1xi1> to vector<4x128xi1>
      %and3A_1636 = arith.andi %gt3A_1631, %and3A_1635 : vector<4x128xi1>
      %jit3A_1637 = arith.constant 0.000000e+00 : f32
      %broadcast_in_dim3A_1638 = vector.broadcast %jit3A_1637 : f32 to vector<4x128xf32>
      %select_n3A_1639 = arith.select %and3A_1636, %broadcast_in_dim3A_1638, %select_n3A_1611 : vector<4x128xi1>, vector<4x128xf32>
      %scan3A_1640 = arith.constant 2 : i32
      %scan3A_1641 = arith.addi %scan3A_1587, %scan3A_1640 : i32
      %get3A_1642 = arith.index_cast %scan3A_1641 : i32 to index
      %get3A_1643 = arith.constant 0 : index
      %get3A_1644 = arith.constant 0 : index
      %get3A_1645 = vector.load %arg4[%get3A_1642, %get3A_1643, %get3A_1644] : memref<128x4x128xf32, #tpu.memory_space<vmem>>, vector<1x4x128xf32>
      %reshape3A_1646 = vector.shape_cast %get3A_1645 : vector<1x4x128xf32> to vector<4x128xf32>
      %eq3A_1647 = vector.broadcast %scan3A_1641 : i32 to vector<1x128xi32>
      %eq3A_1648 = arith.cmpi eq, %iota3A, %eq3A_1647 : vector<1x128xi32>
      %jit3A_1649 = arith.constant 0.000000e+00 : f32
      %broadcast_in_dim3A_1650 = vector.shape_cast %eq3A_1648 : vector<1x128xi1> to vector<1x128xi1>
      %broadcast_in_dim3A_1651 = vector.broadcast %broadcast_in_dim3A_1650 : vector<1x128xi1> to vector<4x128xi1>
      %broadcast_in_dim3A_1652 = vector.broadcast %jit3A_1649 : f32 to vector<4x128xf32>
      %select_n3A_1653 = arith.select %broadcast_in_dim3A_1651, %select_n3A_1639, %broadcast_in_dim3A_1652 : vector<4x128xi1>, vector<4x128xf32>
      %reduce_sum3A_1654 = arith.constant dense<0.000000e+00> : vector<4xf32>
      %reduce_sum3A_1655 = vector.multi_reduction <add>, %select_n3A_1653, %reduce_sum3A_1654 [1] : vector<4x128xf32> to vector<4xf32>
      %broadcast_in_dim3A_1656 = vector.shape_cast %reduce_sum3A_1655 : vector<4xf32> to vector<4x1xf32>
      %gt3A_1657 = arith.constant 0.000000e+00 : f32
      %gt3A_1658 = vector.broadcast %gt3A_1657 : f32 to vector<4x128xf32>
      %gt3A_1659 = arith.cmpf ogt, %reshape3A_1646, %gt3A_1658 : vector<4x128xf32>
      %gt3A_1660 = arith.constant 0.000000e+00 : f32
      %gt3A_1661 = vector.broadcast %gt3A_1660 : f32 to vector<4x1xf32>
      %gt3A_1662 = arith.cmpf ogt, %broadcast_in_dim3A_1656, %gt3A_1661 : vector<4x1xf32>
      %and3A_1663 = vector.broadcast %gt3A_1662 : vector<4x1xi1> to vector<4x128xi1>
      %and3A_1664 = arith.andi %gt3A_1659, %and3A_1663 : vector<4x128xi1>
      %jit3A_1665 = arith.constant 0.000000e+00 : f32
      %broadcast_in_dim3A_1666 = vector.broadcast %jit3A_1665 : f32 to vector<4x128xf32>
      %select_n3A_1667 = arith.select %and3A_1664, %broadcast_in_dim3A_1666, %select_n3A_1639 : vector<4x128xi1>, vector<4x128xf32>
      %scan3A_1668 = arith.constant 3 : i32
      %scan3A_1669 = arith.addi %scan3A_1587, %scan3A_1668 : i32
      %get3A_1670 = arith.index_cast %scan3A_1669 : i32 to index
      %get3A_1671 = arith.constant 0 : index
      %get3A_1672 = arith.constant 0 : index
      %get3A_1673 = vector.load %arg4[%get3A_1670, %get3A_1671, %get3A_1672] : memref<128x4x128xf32, #tpu.memory_space<vmem>>, vector<1x4x128xf32>
      %reshape3A_1674 = vector.shape_cast %get3A_1673 : vector<1x4x128xf32> to vector<4x128xf32>
      %eq3A_1675 = vector.broadcast %scan3A_1669 : i32 to vector<1x128xi32>
      %eq3A_1676 = arith.cmpi eq, %iota3A, %eq3A_1675 : vector<1x128xi32>
      %jit3A_1677 = arith.constant 0.000000e+00 : f32
      %broadcast_in_dim3A_1678 = vector.shape_cast %eq3A_1676 : vector<1x128xi1> to vector<1x128xi1>
      %broadcast_in_dim3A_1679 = vector.broadcast %broadcast_in_dim3A_1678 : vector<1x128xi1> to vector<4x128xi1>
      %broadcast_in_dim3A_1680 = vector.broadcast %jit3A_1677 : f32 to vector<4x128xf32>
      %select_n3A_1681 = arith.select %broadcast_in_dim3A_1679, %select_n3A_1667, %broadcast_in_dim3A_1680 : vector<4x128xi1>, vector<4x128xf32>
      %reduce_sum3A_1682 = arith.constant dense<0.000000e+00> : vector<4xf32>
      %reduce_sum3A_1683 = vector.multi_reduction <add>, %select_n3A_1681, %reduce_sum3A_1682 [1] : vector<4x128xf32> to vector<4xf32>
      %broadcast_in_dim3A_1684 = vector.shape_cast %reduce_sum3A_1683 : vector<4xf32> to vector<4x1xf32>
      %gt3A_1685 = arith.constant 0.000000e+00 : f32
      %gt3A_1686 = vector.broadcast %gt3A_1685 : f32 to vector<4x128xf32>
      %gt3A_1687 = arith.cmpf ogt, %reshape3A_1674, %gt3A_1686 : vector<4x128xf32>
      %gt3A_1688 = arith.constant 0.000000e+00 : f32
      %gt3A_1689 = vector.broadcast %gt3A_1688 : f32 to vector<4x1xf32>
      %gt3A_1690 = arith.cmpf ogt, %broadcast_in_dim3A_1684, %gt3A_1689 : vector<4x1xf32>
      %and3A_1691 = vector.broadcast %gt3A_1690 : vector<4x1xi1> to vector<4x128xi1>
      %and3A_1692 = arith.andi %gt3A_1687, %and3A_1691 : vector<4x128xi1>
      %jit3A_1693 = arith.constant 0.000000e+00 : f32
      %broadcast_in_dim3A_1694 = vector.broadcast %jit3A_1693 : f32 to vector<4x128xf32>
      %select_n3A_1695 = arith.select %and3A_1692, %broadcast_in_dim3A_1694, %select_n3A_1667 : vector<4x128xi1>, vector<4x128xf32>
      %scan3A_1696 = arith.constant 4 : i32
      %scan3A_1697 = arith.addi %scan3A_1587, %scan3A_1696 : i32
      %get3A_1698 = arith.index_cast %scan3A_1697 : i32 to index
      %get3A_1699 = arith.constant 0 : index
      %get3A_1700 = arith.constant 0 : index
      %get3A_1701 = vector.load %arg4[%get3A_1698, %get3A_1699, %get3A_1700] : memref<128x4x128xf32, #tpu.memory_space<vmem>>, vector<1x4x128xf32>
      %reshape3A_1702 = vector.shape_cast %get3A_1701 : vector<1x4x128xf32> to vector<4x128xf32>
      %eq3A_1703 = vector.broadcast %scan3A_1697 : i32 to vector<1x128xi32>
      %eq3A_1704 = arith.cmpi eq, %iota3A, %eq3A_1703 : vector<1x128xi32>
      %jit3A_1705 = arith.constant 0.000000e+00 : f32
      %broadcast_in_dim3A_1706 = vector.shape_cast %eq3A_1704 : vector<1x128xi1> to vector<1x128xi1>
      %broadcast_in_dim3A_1707 = vector.broadcast %broadcast_in_dim3A_1706 : vector<1x128xi1> to vector<4x128xi1>
      %broadcast_in_dim3A_1708 = vector.broadcast %jit3A_1705 : f32 to vector<4x128xf32>
      %select_n3A_1709 = arith.select %broadcast_in_dim3A_1707, %select_n3A_1695, %broadcast_in_dim3A_1708 : vector<4x128xi1>, vector<4x128xf32>
      %reduce_sum3A_1710 = arith.constant dense<0.000000e+00> : vector<4xf32>
      %reduce_sum3A_1711 = vector.multi_reduction <add>, %select_n3A_1709, %reduce_sum3A_1710 [1] : vector<4x128xf32> to vector<4xf32>
      %broadcast_in_dim3A_1712 = vector.shape_cast %reduce_sum3A_1711 : vector<4xf32> to vector<4x1xf32>
      %gt3A_1713 = arith.constant 0.000000e+00 : f32
      %gt3A_1714 = vector.broadcast %gt3A_1713 : f32 to vector<4x128xf32>
      %gt3A_1715 = arith.cmpf ogt, %reshape3A_1702, %gt3A_1714 : vector<4x128xf32>
      %gt3A_1716 = arith.constant 0.000000e+00 : f32
      %gt3A_1717 = vector.broadcast %gt3A_1716 : f32 to vector<4x1xf32>
      %gt3A_1718 = arith.cmpf ogt, %broadcast_in_dim3A_1712, %gt3A_1717 : vector<4x1xf32>
      %and3A_1719 = vector.broadcast %gt3A_1718 : vector<4x1xi1> to vector<4x128xi1>
      %and3A_1720 = arith.andi %gt3A_1715, %and3A_1719 : vector<4x128xi1>
      %jit3A_1721 = arith.constant 0.000000e+00 : f32
      %broadcast_in_dim3A_1722 = vector.broadcast %jit3A_1721 : f32 to vector<4x128xf32>
      %select_n3A_1723 = arith.select %and3A_1720, %broadcast_in_dim3A_1722, %select_n3A_1695 : vector<4x128xi1>, vector<4x128xf32>
      %scan3A_1724 = arith.constant 5 : i32
      %scan3A_1725 = arith.addi %scan3A_1587, %scan3A_1724 : i32
      %get3A_1726 = arith.index_cast %scan3A_1725 : i32 to index
      %get3A_1727 = arith.constant 0 : index
      %get3A_1728 = arith.constant 0 : index
      %get3A_1729 = vector.load %arg4[%get3A_1726, %get3A_1727, %get3A_1728] : memref<128x4x128xf32, #tpu.memory_space<vmem>>, vector<1x4x128xf32>
      %reshape3A_1730 = vector.shape_cast %get3A_1729 : vector<1x4x128xf32> to vector<4x128xf32>
      %eq3A_1731 = vector.broadcast %scan3A_1725 : i32 to vector<1x128xi32>
      %eq3A_1732 = arith.cmpi eq, %iota3A, %eq3A_1731 : vector<1x128xi32>
      %jit3A_1733 = arith.constant 0.000000e+00 : f32
      %broadcast_in_dim3A_1734 = vector.shape_cast %eq3A_1732 : vector<1x128xi1> to vector<1x128xi1>
      %broadcast_in_dim3A_1735 = vector.broadcast %broadcast_in_dim3A_1734 : vector<1x128xi1> to vector<4x128xi1>
      %broadcast_in_dim3A_1736 = vector.broadcast %jit3A_1733 : f32 to vector<4x128xf32>
      %select_n3A_1737 = arith.select %broadcast_in_dim3A_1735, %select_n3A_1723, %broadcast_in_dim3A_1736 : vector<4x128xi1>, vector<4x128xf32>
      %reduce_sum3A_1738 = arith.constant dense<0.000000e+00> : vector<4xf32>
      %reduce_sum3A_1739 = vector.multi_reduction <add>, %select_n3A_1737, %reduce_sum3A_1738 [1] : vector<4x128xf32> to vector<4xf32>
      %broadcast_in_dim3A_1740 = vector.shape_cast %reduce_sum3A_1739 : vector<4xf32> to vector<4x1xf32>
      %gt3A_1741 = arith.constant 0.000000e+00 : f32
      %gt3A_1742 = vector.broadcast %gt3A_1741 : f32 to vector<4x128xf32>
      %gt3A_1743 = arith.cmpf ogt, %reshape3A_1730, %gt3A_1742 : vector<4x128xf32>
      %gt3A_1744 = arith.constant 0.000000e+00 : f32
      %gt3A_1745 = vector.broadcast %gt3A_1744 : f32 to vector<4x1xf32>
      %gt3A_1746 = arith.cmpf ogt, %broadcast_in_dim3A_1740, %gt3A_1745 : vector<4x1xf32>
      %and3A_1747 = vector.broadcast %gt3A_1746 : vector<4x1xi1> to vector<4x128xi1>
      %and3A_1748 = arith.andi %gt3A_1743, %and3A_1747 : vector<4x128xi1>
      %jit3A_1749 = arith.constant 0.000000e+00 : f32
      %broadcast_in_dim3A_1750 = vector.broadcast %jit3A_1749 : f32 to vector<4x128xf32>
      %select_n3A_1751 = arith.select %and3A_1748, %broadcast_in_dim3A_1750, %select_n3A_1723 : vector<4x128xi1>, vector<4x128xf32>
      %scan3A_1752 = arith.constant 6 : i32
      %scan3A_1753 = arith.addi %scan3A_1587, %scan3A_1752 : i32
      %get3A_1754 = arith.index_cast %scan3A_1753 : i32 to index
      %get3A_1755 = arith.constant 0 : index
      %get3A_1756 = arith.constant 0 : index
      %get3A_1757 = vector.load %arg4[%get3A_1754, %get3A_1755, %get3A_1756] : memref<128x4x128xf32, #tpu.memory_space<vmem>>, vector<1x4x128xf32>
      %reshape3A_1758 = vector.shape_cast %get3A_1757 : vector<1x4x128xf32> to vector<4x128xf32>
      %eq3A_1759 = vector.broadcast %scan3A_1753 : i32 to vector<1x128xi32>
      %eq3A_1760 = arith.cmpi eq, %iota3A, %eq3A_1759 : vector<1x128xi32>
      %jit3A_1761 = arith.constant 0.000000e+00 : f32
      %broadcast_in_dim3A_1762 = vector.shape_cast %eq3A_1760 : vector<1x128xi1> to vector<1x128xi1>
      %broadcast_in_dim3A_1763 = vector.broadcast %broadcast_in_dim3A_1762 : vector<1x128xi1> to vector<4x128xi1>
      %broadcast_in_dim3A_1764 = vector.broadcast %jit3A_1761 : f32 to vector<4x128xf32>
      %select_n3A_1765 = arith.select %broadcast_in_dim3A_1763, %select_n3A_1751, %broadcast_in_dim3A_1764 : vector<4x128xi1>, vector<4x128xf32>
      %reduce_sum3A_1766 = arith.constant dense<0.000000e+00> : vector<4xf32>
      %reduce_sum3A_1767 = vector.multi_reduction <add>, %select_n3A_1765, %reduce_sum3A_1766 [1] : vector<4x128xf32> to vector<4xf32>
      %broadcast_in_dim3A_1768 = vector.shape_cast %reduce_sum3A_1767 : vector<4xf32> to vector<4x1xf32>
      %gt3A_1769 = arith.constant 0.000000e+00 : f32
      %gt3A_1770 = vector.broadcast %gt3A_1769 : f32 to vector<4x128xf32>
      %gt3A_1771 = arith.cmpf ogt, %reshape3A_1758, %gt3A_1770 : vector<4x128xf32>
      %gt3A_1772 = arith.constant 0.000000e+00 : f32
      %gt3A_1773 = vector.broadcast %gt3A_1772 : f32 to vector<4x1xf32>
      %gt3A_1774 = arith.cmpf ogt, %broadcast_in_dim3A_1768, %gt3A_1773 : vector<4x1xf32>
      %and3A_1775 = vector.broadcast %gt3A_1774 : vector<4x1xi1> to vector<4x128xi1>
      %and3A_1776 = arith.andi %gt3A_1771, %and3A_1775 : vector<4x128xi1>
      %jit3A_1777 = arith.constant 0.000000e+00 : f32
      %broadcast_in_dim3A_1778 = vector.broadcast %jit3A_1777 : f32 to vector<4x128xf32>
      %select_n3A_1779 = arith.select %and3A_1776, %broadcast_in_dim3A_1778, %select_n3A_1751 : vector<4x128xi1>, vector<4x128xf32>
      %scan3A_1780 = arith.constant 7 : i32
      %scan3A_1781 = arith.addi %scan3A_1587, %scan3A_1780 : i32
      %get3A_1782 = arith.index_cast %scan3A_1781 : i32 to index
      %get3A_1783 = arith.constant 0 : index
      %get3A_1784 = arith.constant 0 : index
      %get3A_1785 = vector.load %arg4[%get3A_1782, %get3A_1783, %get3A_1784] : memref<128x4x128xf32, #tpu.memory_space<vmem>>, vector<1x4x128xf32>
      %reshape3A_1786 = vector.shape_cast %get3A_1785 : vector<1x4x128xf32> to vector<4x128xf32>
      %eq3A_1787 = vector.broadcast %scan3A_1781 : i32 to vector<1x128xi32>
      %eq3A_1788 = arith.cmpi eq, %iota3A, %eq3A_1787 : vector<1x128xi32>
      %jit3A_1789 = arith.constant 0.000000e+00 : f32
      %broadcast_in_dim3A_1790 = vector.shape_cast %eq3A_1788 : vector<1x128xi1> to vector<1x128xi1>
      %broadcast_in_dim3A_1791 = vector.broadcast %broadcast_in_dim3A_1790 : vector<1x128xi1> to vector<4x128xi1>
      %broadcast_in_dim3A_1792 = vector.broadcast %jit3A_1789 : f32 to vector<4x128xf32>
      %select_n3A_1793 = arith.select %broadcast_in_dim3A_1791, %select_n3A_1779, %broadcast_in_dim3A_1792 : vector<4x128xi1>, vector<4x128xf32>
      %reduce_sum3A_1794 = arith.constant dense<0.000000e+00> : vector<4xf32>
      %reduce_sum3A_1795 = vector.multi_reduction <add>, %select_n3A_1793, %reduce_sum3A_1794 [1] : vector<4x128xf32> to vector<4xf32>
      %broadcast_in_dim3A_1796 = vector.shape_cast %reduce_sum3A_1795 : vector<4xf32> to vector<4x1xf32>
      %gt3A_1797 = arith.constant 0.000000e+00 : f32
      %gt3A_1798 = vector.broadcast %gt3A_1797 : f32 to vector<4x128xf32>
      %gt3A_1799 = arith.cmpf ogt, %reshape3A_1786, %gt3A_1798 : vector<4x128xf32>
      %gt3A_1800 = arith.constant 0.000000e+00 : f32
      %gt3A_1801 = vector.broadcast %gt3A_1800 : f32 to vector<4x1xf32>
      %gt3A_1802 = arith.cmpf ogt, %broadcast_in_dim3A_1796, %gt3A_1801 : vector<4x1xf32>
      %and3A_1803 = vector.broadcast %gt3A_1802 : vector<4x1xi1> to vector<4x128xi1>
      %and3A_1804 = arith.andi %gt3A_1799, %and3A_1803 : vector<4x128xi1>
      %jit3A_1805 = arith.constant 0.000000e+00 : f32
      %broadcast_in_dim3A_1806 = vector.broadcast %jit3A_1805 : f32 to vector<4x128xf32>
      %select_n3A_1807 = arith.select %and3A_1804, %broadcast_in_dim3A_1806, %select_n3A_1779 : vector<4x128xi1>, vector<4x128xf32>
      scf.yield %select_n3A_1807 : vector<4x128xf32>
    }
    %scan3A_507 = arith.constant 128 : i32
    %slice3A_508 = vector.extract_strided_slice %select_n3A_490 {offsets = [0, 0, 128], sizes = [128, 4, 1408], strides = [1, 1, 1]} : vector<128x4x1536xf32> to vector<128x4x1408xf32>
    %transpose3A_509 = tpu.transpose %scan3A_506, [1, 0] : vector<4x128xf32> -> vector<128x4xf32>
    %broadcast_in_dim3A_510 = vector.shape_cast %transpose3A_509 : vector<128x4xf32> to vector<128x4x1xf32>
    %mul3A_511 = vector.broadcast %broadcast_in_dim3A_510 : vector<128x4x1xf32> to vector<128x4x1408xf32>
    %mul3A_512 = arith.mulf %slice3A_508, %mul3A_511 : vector<128x4x1408xf32>
    %reduce_max3A_513 = arith.constant dense<0xFF800000> : vector<4x1408xf32>
    %reduce_max3A_514 = vector.multi_reduction <maximumf>, %mul3A_512, %reduce_max3A_513 [0] : vector<128x4x1408xf32> to vector<4x1408xf32>
    %gt3A_515 = arith.constant 0.000000e+00 : f32
    %gt3A_516 = vector.broadcast %gt3A_515 : f32 to vector<4x1408xf32>
    %gt3A_517 = arith.cmpf ogt, %reduce_max3A_514, %gt3A_516 : vector<4x1408xf32>
    %slice3A_518 = vector.extract_strided_slice %concatenate3A_428 {offsets = [0, 640], sizes = [4, 1408], strides = [1, 1]} : vector<4x2048xf32> to vector<4x1408xf32>
    %jit3A_519 = arith.constant 0.000000e+00 : f32
    %broadcast_in_dim3A_520 = vector.broadcast %jit3A_519 : f32 to vector<4x1408xf32>
    %select_n3A_521 = arith.select %gt3A_517, %broadcast_in_dim3A_520, %slice3A_518 : vector<4x1408xi1>, vector<4x1408xf32>
    %slice3A_522 = vector.extract_strided_slice %concatenate3A_428 {offsets = [0, 0], sizes = [4, 512], strides = [1, 1]} : vector<4x2048xf32> to vector<4x512xf32>
    %concatenate3A_523 = tpu.concatenate %slice3A_522, %scan3A_506, %select_n3A_521 in 1 : vector<4x512xf32>, vector<4x128xf32>, vector<4x1408xf32> -> vector<4x2048xf32>
    %slice3A_524 = vector.extract_strided_slice %min3A_6 {offsets = [0, 640], sizes = [4, 128], strides = [1, 1]} : vector<4x2048xf32> to vector<4x128xf32>
    %transpose3A_525 = tpu.transpose %slice3A_524, [1, 0] : vector<4x128xf32> -> vector<128x4xf32>
    %broadcast_in_dim3A_526 = vector.shape_cast %transpose3A_525 : vector<128x4xf32> to vector<128x4x1xf32>
    %slice3A_527 = vector.extract_strided_slice %min3A_17 {offsets = [0, 640], sizes = [4, 128], strides = [1, 1]} : vector<4x2048xf32> to vector<4x128xf32>
    %transpose3A_528 = tpu.transpose %slice3A_527, [1, 0] : vector<4x128xf32> -> vector<128x4xf32>
    %broadcast_in_dim3A_529 = vector.shape_cast %transpose3A_528 : vector<128x4xf32> to vector<128x4x1xf32>
    %slice3A_530 = vector.extract_strided_slice %min3A_28 {offsets = [0, 640], sizes = [4, 128], strides = [1, 1]} : vector<4x2048xf32> to vector<4x128xf32>
    %transpose3A_531 = tpu.transpose %slice3A_530, [1, 0] : vector<4x128xf32> -> vector<128x4xf32>
    %broadcast_in_dim3A_532 = vector.shape_cast %transpose3A_531 : vector<128x4xf32> to vector<128x4x1xf32>
    %slice3A_533 = vector.extract_strided_slice %min3A_39 {offsets = [0, 640], sizes = [4, 128], strides = [1, 1]} : vector<4x2048xf32> to vector<4x128xf32>
    %transpose3A_534 = tpu.transpose %slice3A_533, [1, 0] : vector<4x128xf32> -> vector<128x4xf32>
    %broadcast_in_dim3A_535 = vector.shape_cast %transpose3A_534 : vector<128x4xf32> to vector<128x4x1xf32>
    %slice3A_536 = vector.extract_strided_slice %mul3A {offsets = [0, 640], sizes = [4, 128], strides = [1, 1]} : vector<4x2048xf32> to vector<4x128xf32>
    %transpose3A_537 = tpu.transpose %slice3A_536, [1, 0] : vector<4x128xf32> -> vector<128x4xf32>
    %broadcast_in_dim3A_538 = vector.shape_cast %transpose3A_537 : vector<128x4xf32> to vector<128x4x1xf32>
    %slice3A_539 = vector.extract_strided_slice %min3A_6 {offsets = [0, 640], sizes = [4, 1408], strides = [1, 1]} : vector<4x2048xf32> to vector<4x1408xf32>
    %broadcast_in_dim3A_540 = vector.shape_cast %slice3A_539 : vector<4x1408xf32> to vector<1x4x1408xf32>
    %slice3A_541 = vector.extract_strided_slice %min3A_17 {offsets = [0, 640], sizes = [4, 1408], strides = [1, 1]} : vector<4x2048xf32> to vector<4x1408xf32>
    %broadcast_in_dim3A_542 = vector.shape_cast %slice3A_541 : vector<4x1408xf32> to vector<1x4x1408xf32>
    %slice3A_543 = vector.extract_strided_slice %min3A_28 {offsets = [0, 640], sizes = [4, 1408], strides = [1, 1]} : vector<4x2048xf32> to vector<4x1408xf32>
    %broadcast_in_dim3A_544 = vector.shape_cast %slice3A_543 : vector<4x1408xf32> to vector<1x4x1408xf32>
    %slice3A_545 = vector.extract_strided_slice %min3A_39 {offsets = [0, 640], sizes = [4, 1408], strides = [1, 1]} : vector<4x2048xf32> to vector<4x1408xf32>
    %broadcast_in_dim3A_546 = vector.shape_cast %slice3A_545 : vector<4x1408xf32> to vector<1x4x1408xf32>
    %slice3A_547 = vector.extract_strided_slice %mul3A {offsets = [0, 640], sizes = [4, 1408], strides = [1, 1]} : vector<4x2048xf32> to vector<4x1408xf32>
    %broadcast_in_dim3A_548 = vector.shape_cast %slice3A_547 : vector<4x1408xf32> to vector<1x4x1408xf32>
    %min3A_549 = vector.broadcast %broadcast_in_dim3A_532 : vector<128x4x1xf32> to vector<128x4x1408xf32>
    %min3A_550 = vector.broadcast %broadcast_in_dim3A_544 : vector<1x4x1408xf32> to vector<128x4x1408xf32>
    %min3A_551 = arith.minimumf %min3A_549, %min3A_550 : vector<128x4x1408xf32>
    %max3A_552 = vector.broadcast %broadcast_in_dim3A_526 : vector<128x4x1xf32> to vector<128x4x1408xf32>
    %max3A_553 = vector.broadcast %broadcast_in_dim3A_540 : vector<1x4x1408xf32> to vector<128x4x1408xf32>
    %max3A_554 = arith.maximumf %max3A_552, %max3A_553 : vector<128x4x1408xf32>
    %sub3A_555 = arith.subf %min3A_551, %max3A_554 : vector<128x4x1408xf32>
    %jit3A_556 = arith.constant 0.000000e+00 : f32
    %max3A_557 = vector.broadcast %jit3A_556 : f32 to vector<128x4x1408xf32>
    %max3A_558 = arith.maximumf %max3A_557, %sub3A_555 : vector<128x4x1408xf32>
    %min3A_559 = vector.broadcast %broadcast_in_dim3A_535 : vector<128x4x1xf32> to vector<128x4x1408xf32>
    %min3A_560 = vector.broadcast %broadcast_in_dim3A_546 : vector<1x4x1408xf32> to vector<128x4x1408xf32>
    %min3A_561 = arith.minimumf %min3A_559, %min3A_560 : vector<128x4x1408xf32>
    %max3A_562 = vector.broadcast %broadcast_in_dim3A_529 : vector<128x4x1xf32> to vector<128x4x1408xf32>
    %max3A_563 = vector.broadcast %broadcast_in_dim3A_542 : vector<1x4x1408xf32> to vector<128x4x1408xf32>
    %max3A_564 = arith.maximumf %max3A_562, %max3A_563 : vector<128x4x1408xf32>
    %sub3A_565 = arith.subf %min3A_561, %max3A_564 : vector<128x4x1408xf32>
    %jit3A_566 = arith.constant 0.000000e+00 : f32
    %max3A_567 = vector.broadcast %jit3A_566 : f32 to vector<128x4x1408xf32>
    %max3A_568 = arith.maximumf %max3A_567, %sub3A_565 : vector<128x4x1408xf32>
    %mul3A_569 = arith.mulf %max3A_558, %max3A_568 : vector<128x4x1408xf32>
    %add3A_570 = vector.broadcast %broadcast_in_dim3A_538 : vector<128x4x1xf32> to vector<128x4x1408xf32>
    %add3A_571 = vector.broadcast %broadcast_in_dim3A_548 : vector<1x4x1408xf32> to vector<128x4x1408xf32>
    %add3A_572 = arith.addf %add3A_570, %add3A_571 : vector<128x4x1408xf32>
    %sub3A_573 = arith.subf %add3A_572, %mul3A_569 : vector<128x4x1408xf32>
    %max3A_574 = arith.constant 9.99999971E-10 : f32
    %max3A_575 = vector.broadcast %max3A_574 : f32 to vector<128x4x1408xf32>
    %max3A_576 = arith.maximumf %sub3A_573, %max3A_575 : vector<128x4x1408xf32>
    %div3A_577 = arith.divf %mul3A_569, %max3A_576 : vector<128x4x1408xf32>
    %gt3A_578 = arith.constant 0.699999988 : f32
    %gt3A_579 = vector.broadcast %gt3A_578 : f32 to vector<128x4x1408xf32>
    %gt3A_580 = arith.cmpf ogt, %div3A_577, %gt3A_579 : vector<128x4x1408xf32>
    %jit3A_581 = arith.constant 1.000000e+00 : f32
    %jit3A_582 = arith.constant 0.000000e+00 : f32
    %broadcast_in_dim3A_583 = vector.broadcast %jit3A_581 : f32 to vector<128x4x1408xf32>
    %broadcast_in_dim3A_584 = vector.broadcast %jit3A_582 : f32 to vector<128x4x1408xf32>
    %select_n3A_585 = arith.select %gt3A_580, %broadcast_in_dim3A_583, %broadcast_in_dim3A_584 : vector<128x4x1408xi1>, vector<128x4x1408xf32>
    %slice3A_586 = vector.extract_strided_slice %select_n3A_585 {offsets = [0, 0, 0], sizes = [128, 4, 128], strides = [1, 1, 1]} : vector<128x4x1408xf32> to vector<128x4x128xf32>
    %jit3A_587 = arith.constant 0.000000e+00 : f32
    %broadcast_in_dim3A_588 = vector.shape_cast %gt3A_62 : vector<128x1x128xi1> to vector<128x1x128xi1>
    %broadcast_in_dim3A_589 = vector.broadcast %broadcast_in_dim3A_588 : vector<128x1x128xi1> to vector<128x4x128xi1>
    %broadcast_in_dim3A_590 = vector.broadcast %jit3A_587 : f32 to vector<128x4x128xf32>
    %select_n3A_591 = arith.select %broadcast_in_dim3A_589, %slice3A_586, %broadcast_in_dim3A_590 : vector<128x4x128xi1>, vector<128x4x128xf32>
    %swap3A_592 = arith.constant 0 : index
    %swap3A_593 = arith.constant 0 : index
    %swap3A_594 = arith.constant 0 : index
    %swap3A_595 = vector.load %arg4[%swap3A_592, %swap3A_593, %swap3A_594] : memref<128x4x128xf32, #tpu.memory_space<vmem>>, vector<128x4x128xf32>
    tpu.vector_store %arg4[%swap3A_592, %swap3A_593, %swap3A_594], %select_n3A_591 {strides = array<i32>} : memref<128x4x128xf32, #tpu.memory_space<vmem>>, vector<128x4x128xf32>,
    %slice3A_596 = vector.extract_strided_slice %concatenate3A_523 {offsets = [0, 640], sizes = [4, 128], strides = [1, 1]} : vector<4x2048xf32> to vector<4x128xf32>
    %scan3A_597 = arith.constant 0 : i32
    %scan3A_598 = arith.constant 128 : i32
    %scan3A_599 = arith.addi %scan3A_597, %scan3A_598 : i32
    %scan3A_600 = arith.constant 8 : i32
    %scan3A_601 = scf.for %scan3A_1587 = %scan3A_597 to %scan3A_599 step %scan3A_600 iter_args(%scan3A_1588 = %slice3A_596) -> (vector<4x128xf32>)  : i32 {
      %get3A_1589 = arith.index_cast %scan3A_1587 : i32 to index
      %get3A_1590 = arith.constant 0 : index
      %get3A_1591 = arith.constant 0 : index
      %get3A_1592 = vector.load %arg4[%get3A_1589, %get3A_1590, %get3A_1591] : memref<128x4x128xf32, #tpu.memory_space<vmem>>, vector<1x4x128xf32>
      %reshape3A = vector.shape_cast %get3A_1592 : vector<1x4x128xf32> to vector<4x128xf32>
      %eq3A = vector.broadcast %scan3A_1587 : i32 to vector<1x128xi32>
      %eq3A_1593 = arith.cmpi eq, %iota3A, %eq3A : vector<1x128xi32>
      %jit3A_1594 = arith.constant 0.000000e+00 : f32
      %broadcast_in_dim3A_1595 = vector.shape_cast %eq3A_1593 : vector<1x128xi1> to vector<1x128xi1>
      %broadcast_in_dim3A_1596 = vector.broadcast %broadcast_in_dim3A_1595 : vector<1x128xi1> to vector<4x128xi1>
      %broadcast_in_dim3A_1597 = vector.broadcast %jit3A_1594 : f32 to vector<4x128xf32>
      %select_n3A_1598 = arith.select %broadcast_in_dim3A_1596, %scan3A_1588, %broadcast_in_dim3A_1597 : vector<4x128xi1>, vector<4x128xf32>
      %reduce_sum3A = arith.constant dense<0.000000e+00> : vector<4xf32>
      %reduce_sum3A_1599 = vector.multi_reduction <add>, %select_n3A_1598, %reduce_sum3A [1] : vector<4x128xf32> to vector<4xf32>
      %broadcast_in_dim3A_1600 = vector.shape_cast %reduce_sum3A_1599 : vector<4xf32> to vector<4x1xf32>
      %gt3A_1601 = arith.constant 0.000000e+00 : f32
      %gt3A_1602 = vector.broadcast %gt3A_1601 : f32 to vector<4x128xf32>
      %gt3A_1603 = arith.cmpf ogt, %reshape3A, %gt3A_1602 : vector<4x128xf32>
      %gt3A_1604 = arith.constant 0.000000e+00 : f32
      %gt3A_1605 = vector.broadcast %gt3A_1604 : f32 to vector<4x1xf32>
      %gt3A_1606 = arith.cmpf ogt, %broadcast_in_dim3A_1600, %gt3A_1605 : vector<4x1xf32>
      %and3A_1607 = vector.broadcast %gt3A_1606 : vector<4x1xi1> to vector<4x128xi1>
      %and3A_1608 = arith.andi %gt3A_1603, %and3A_1607 : vector<4x128xi1>
      %jit3A_1609 = arith.constant 0.000000e+00 : f32
      %broadcast_in_dim3A_1610 = vector.broadcast %jit3A_1609 : f32 to vector<4x128xf32>
      %select_n3A_1611 = arith.select %and3A_1608, %broadcast_in_dim3A_1610, %scan3A_1588 : vector<4x128xi1>, vector<4x128xf32>
      %scan3A_1612 = arith.constant 1 : i32
      %scan3A_1613 = arith.addi %scan3A_1587, %scan3A_1612 : i32
      %get3A_1614 = arith.index_cast %scan3A_1613 : i32 to index
      %get3A_1615 = arith.constant 0 : index
      %get3A_1616 = arith.constant 0 : index
      %get3A_1617 = vector.load %arg4[%get3A_1614, %get3A_1615, %get3A_1616] : memref<128x4x128xf32, #tpu.memory_space<vmem>>, vector<1x4x128xf32>
      %reshape3A_1618 = vector.shape_cast %get3A_1617 : vector<1x4x128xf32> to vector<4x128xf32>
      %eq3A_1619 = vector.broadcast %scan3A_1613 : i32 to vector<1x128xi32>
      %eq3A_1620 = arith.cmpi eq, %iota3A, %eq3A_1619 : vector<1x128xi32>
      %jit3A_1621 = arith.constant 0.000000e+00 : f32
      %broadcast_in_dim3A_1622 = vector.shape_cast %eq3A_1620 : vector<1x128xi1> to vector<1x128xi1>
      %broadcast_in_dim3A_1623 = vector.broadcast %broadcast_in_dim3A_1622 : vector<1x128xi1> to vector<4x128xi1>
      %broadcast_in_dim3A_1624 = vector.broadcast %jit3A_1621 : f32 to vector<4x128xf32>
      %select_n3A_1625 = arith.select %broadcast_in_dim3A_1623, %select_n3A_1611, %broadcast_in_dim3A_1624 : vector<4x128xi1>, vector<4x128xf32>
      %reduce_sum3A_1626 = arith.constant dense<0.000000e+00> : vector<4xf32>
      %reduce_sum3A_1627 = vector.multi_reduction <add>, %select_n3A_1625, %reduce_sum3A_1626 [1] : vector<4x128xf32> to vector<4xf32>
      %broadcast_in_dim3A_1628 = vector.shape_cast %reduce_sum3A_1627 : vector<4xf32> to vector<4x1xf32>
      %gt3A_1629 = arith.constant 0.000000e+00 : f32
      %gt3A_1630 = vector.broadcast %gt3A_1629 : f32 to vector<4x128xf32>
      %gt3A_1631 = arith.cmpf ogt, %reshape3A_1618, %gt3A_1630 : vector<4x128xf32>
      %gt3A_1632 = arith.constant 0.000000e+00 : f32
      %gt3A_1633 = vector.broadcast %gt3A_1632 : f32 to vector<4x1xf32>
      %gt3A_1634 = arith.cmpf ogt, %broadcast_in_dim3A_1628, %gt3A_1633 : vector<4x1xf32>
      %and3A_1635 = vector.broadcast %gt3A_1634 : vector<4x1xi1> to vector<4x128xi1>
      %and3A_1636 = arith.andi %gt3A_1631, %and3A_1635 : vector<4x128xi1>
      %jit3A_1637 = arith.constant 0.000000e+00 : f32
      %broadcast_in_dim3A_1638 = vector.broadcast %jit3A_1637 : f32 to vector<4x128xf32>
      %select_n3A_1639 = arith.select %and3A_1636, %broadcast_in_dim3A_1638, %select_n3A_1611 : vector<4x128xi1>, vector<4x128xf32>
      %scan3A_1640 = arith.constant 2 : i32
      %scan3A_1641 = arith.addi %scan3A_1587, %scan3A_1640 : i32
      %get3A_1642 = arith.index_cast %scan3A_1641 : i32 to index
      %get3A_1643 = arith.constant 0 : index
      %get3A_1644 = arith.constant 0 : index
      %get3A_1645 = vector.load %arg4[%get3A_1642, %get3A_1643, %get3A_1644] : memref<128x4x128xf32, #tpu.memory_space<vmem>>, vector<1x4x128xf32>
      %reshape3A_1646 = vector.shape_cast %get3A_1645 : vector<1x4x128xf32> to vector<4x128xf32>
      %eq3A_1647 = vector.broadcast %scan3A_1641 : i32 to vector<1x128xi32>
      %eq3A_1648 = arith.cmpi eq, %iota3A, %eq3A_1647 : vector<1x128xi32>
      %jit3A_1649 = arith.constant 0.000000e+00 : f32
      %broadcast_in_dim3A_1650 = vector.shape_cast %eq3A_1648 : vector<1x128xi1> to vector<1x128xi1>
      %broadcast_in_dim3A_1651 = vector.broadcast %broadcast_in_dim3A_1650 : vector<1x128xi1> to vector<4x128xi1>
      %broadcast_in_dim3A_1652 = vector.broadcast %jit3A_1649 : f32 to vector<4x128xf32>
      %select_n3A_1653 = arith.select %broadcast_in_dim3A_1651, %select_n3A_1639, %broadcast_in_dim3A_1652 : vector<4x128xi1>, vector<4x128xf32>
      %reduce_sum3A_1654 = arith.constant dense<0.000000e+00> : vector<4xf32>
      %reduce_sum3A_1655 = vector.multi_reduction <add>, %select_n3A_1653, %reduce_sum3A_1654 [1] : vector<4x128xf32> to vector<4xf32>
      %broadcast_in_dim3A_1656 = vector.shape_cast %reduce_sum3A_1655 : vector<4xf32> to vector<4x1xf32>
      %gt3A_1657 = arith.constant 0.000000e+00 : f32
      %gt3A_1658 = vector.broadcast %gt3A_1657 : f32 to vector<4x128xf32>
      %gt3A_1659 = arith.cmpf ogt, %reshape3A_1646, %gt3A_1658 : vector<4x128xf32>
      %gt3A_1660 = arith.constant 0.000000e+00 : f32
      %gt3A_1661 = vector.broadcast %gt3A_1660 : f32 to vector<4x1xf32>
      %gt3A_1662 = arith.cmpf ogt, %broadcast_in_dim3A_1656, %gt3A_1661 : vector<4x1xf32>
      %and3A_1663 = vector.broadcast %gt3A_1662 : vector<4x1xi1> to vector<4x128xi1>
      %and3A_1664 = arith.andi %gt3A_1659, %and3A_1663 : vector<4x128xi1>
      %jit3A_1665 = arith.constant 0.000000e+00 : f32
      %broadcast_in_dim3A_1666 = vector.broadcast %jit3A_1665 : f32 to vector<4x128xf32>
      %select_n3A_1667 = arith.select %and3A_1664, %broadcast_in_dim3A_1666, %select_n3A_1639 : vector<4x128xi1>, vector<4x128xf32>
      %scan3A_1668 = arith.constant 3 : i32
      %scan3A_1669 = arith.addi %scan3A_1587, %scan3A_1668 : i32
      %get3A_1670 = arith.index_cast %scan3A_1669 : i32 to index
      %get3A_1671 = arith.constant 0 : index
      %get3A_1672 = arith.constant 0 : index
      %get3A_1673 = vector.load %arg4[%get3A_1670, %get3A_1671, %get3A_1672] : memref<128x4x128xf32, #tpu.memory_space<vmem>>, vector<1x4x128xf32>
      %reshape3A_1674 = vector.shape_cast %get3A_1673 : vector<1x4x128xf32> to vector<4x128xf32>
      %eq3A_1675 = vector.broadcast %scan3A_1669 : i32 to vector<1x128xi32>
      %eq3A_1676 = arith.cmpi eq, %iota3A, %eq3A_1675 : vector<1x128xi32>
      %jit3A_1677 = arith.constant 0.000000e+00 : f32
      %broadcast_in_dim3A_1678 = vector.shape_cast %eq3A_1676 : vector<1x128xi1> to vector<1x128xi1>
      %broadcast_in_dim3A_1679 = vector.broadcast %broadcast_in_dim3A_1678 : vector<1x128xi1> to vector<4x128xi1>
      %broadcast_in_dim3A_1680 = vector.broadcast %jit3A_1677 : f32 to vector<4x128xf32>
      %select_n3A_1681 = arith.select %broadcast_in_dim3A_1679, %select_n3A_1667, %broadcast_in_dim3A_1680 : vector<4x128xi1>, vector<4x128xf32>
      %reduce_sum3A_1682 = arith.constant dense<0.000000e+00> : vector<4xf32>
      %reduce_sum3A_1683 = vector.multi_reduction <add>, %select_n3A_1681, %reduce_sum3A_1682 [1] : vector<4x128xf32> to vector<4xf32>
      %broadcast_in_dim3A_1684 = vector.shape_cast %reduce_sum3A_1683 : vector<4xf32> to vector<4x1xf32>
      %gt3A_1685 = arith.constant 0.000000e+00 : f32
      %gt3A_1686 = vector.broadcast %gt3A_1685 : f32 to vector<4x128xf32>
      %gt3A_1687 = arith.cmpf ogt, %reshape3A_1674, %gt3A_1686 : vector<4x128xf32>
      %gt3A_1688 = arith.constant 0.000000e+00 : f32
      %gt3A_1689 = vector.broadcast %gt3A_1688 : f32 to vector<4x1xf32>
      %gt3A_1690 = arith.cmpf ogt, %broadcast_in_dim3A_1684, %gt3A_1689 : vector<4x1xf32>
      %and3A_1691 = vector.broadcast %gt3A_1690 : vector<4x1xi1> to vector<4x128xi1>
      %and3A_1692 = arith.andi %gt3A_1687, %and3A_1691 : vector<4x128xi1>
      %jit3A_1693 = arith.constant 0.000000e+00 : f32
      %broadcast_in_dim3A_1694 = vector.broadcast %jit3A_1693 : f32 to vector<4x128xf32>
      %select_n3A_1695 = arith.select %and3A_1692, %broadcast_in_dim3A_1694, %select_n3A_1667 : vector<4x128xi1>, vector<4x128xf32>
      %scan3A_1696 = arith.constant 4 : i32
      %scan3A_1697 = arith.addi %scan3A_1587, %scan3A_1696 : i32
      %get3A_1698 = arith.index_cast %scan3A_1697 : i32 to index
      %get3A_1699 = arith.constant 0 : index
      %get3A_1700 = arith.constant 0 : index
      %get3A_1701 = vector.load %arg4[%get3A_1698, %get3A_1699, %get3A_1700] : memref<128x4x128xf32, #tpu.memory_space<vmem>>, vector<1x4x128xf32>
      %reshape3A_1702 = vector.shape_cast %get3A_1701 : vector<1x4x128xf32> to vector<4x128xf32>
      %eq3A_1703 = vector.broadcast %scan3A_1697 : i32 to vector<1x128xi32>
      %eq3A_1704 = arith.cmpi eq, %iota3A, %eq3A_1703 : vector<1x128xi32>
      %jit3A_1705 = arith.constant 0.000000e+00 : f32
      %broadcast_in_dim3A_1706 = vector.shape_cast %eq3A_1704 : vector<1x128xi1> to vector<1x128xi1>
      %broadcast_in_dim3A_1707 = vector.broadcast %broadcast_in_dim3A_1706 : vector<1x128xi1> to vector<4x128xi1>
      %broadcast_in_dim3A_1708 = vector.broadcast %jit3A_1705 : f32 to vector<4x128xf32>
      %select_n3A_1709 = arith.select %broadcast_in_dim3A_1707, %select_n3A_1695, %broadcast_in_dim3A_1708 : vector<4x128xi1>, vector<4x128xf32>
      %reduce_sum3A_1710 = arith.constant dense<0.000000e+00> : vector<4xf32>
      %reduce_sum3A_1711 = vector.multi_reduction <add>, %select_n3A_1709, %reduce_sum3A_1710 [1] : vector<4x128xf32> to vector<4xf32>
      %broadcast_in_dim3A_1712 = vector.shape_cast %reduce_sum3A_1711 : vector<4xf32> to vector<4x1xf32>
      %gt3A_1713 = arith.constant 0.000000e+00 : f32
      %gt3A_1714 = vector.broadcast %gt3A_1713 : f32 to vector<4x128xf32>
      %gt3A_1715 = arith.cmpf ogt, %reshape3A_1702, %gt3A_1714 : vector<4x128xf32>
      %gt3A_1716 = arith.constant 0.000000e+00 : f32
      %gt3A_1717 = vector.broadcast %gt3A_1716 : f32 to vector<4x1xf32>
      %gt3A_1718 = arith.cmpf ogt, %broadcast_in_dim3A_1712, %gt3A_1717 : vector<4x1xf32>
      %and3A_1719 = vector.broadcast %gt3A_1718 : vector<4x1xi1> to vector<4x128xi1>
      %and3A_1720 = arith.andi %gt3A_1715, %and3A_1719 : vector<4x128xi1>
      %jit3A_1721 = arith.constant 0.000000e+00 : f32
      %broadcast_in_dim3A_1722 = vector.broadcast %jit3A_1721 : f32 to vector<4x128xf32>
      %select_n3A_1723 = arith.select %and3A_1720, %broadcast_in_dim3A_1722, %select_n3A_1695 : vector<4x128xi1>, vector<4x128xf32>
      %scan3A_1724 = arith.constant 5 : i32
      %scan3A_1725 = arith.addi %scan3A_1587, %scan3A_1724 : i32
      %get3A_1726 = arith.index_cast %scan3A_1725 : i32 to index
      %get3A_1727 = arith.constant 0 : index
      %get3A_1728 = arith.constant 0 : index
      %get3A_1729 = vector.load %arg4[%get3A_1726, %get3A_1727, %get3A_1728] : memref<128x4x128xf32, #tpu.memory_space<vmem>>, vector<1x4x128xf32>
      %reshape3A_1730 = vector.shape_cast %get3A_1729 : vector<1x4x128xf32> to vector<4x128xf32>
      %eq3A_1731 = vector.broadcast %scan3A_1725 : i32 to vector<1x128xi32>
      %eq3A_1732 = arith.cmpi eq, %iota3A, %eq3A_1731 : vector<1x128xi32>
      %jit3A_1733 = arith.constant 0.000000e+00 : f32
      %broadcast_in_dim3A_1734 = vector.shape_cast %eq3A_1732 : vector<1x128xi1> to vector<1x128xi1>
      %broadcast_in_dim3A_1735 = vector.broadcast %broadcast_in_dim3A_1734 : vector<1x128xi1> to vector<4x128xi1>
      %broadcast_in_dim3A_1736 = vector.broadcast %jit3A_1733 : f32 to vector<4x128xf32>
      %select_n3A_1737 = arith.select %broadcast_in_dim3A_1735, %select_n3A_1723, %broadcast_in_dim3A_1736 : vector<4x128xi1>, vector<4x128xf32>
      %reduce_sum3A_1738 = arith.constant dense<0.000000e+00> : vector<4xf32>
      %reduce_sum3A_1739 = vector.multi_reduction <add>, %select_n3A_1737, %reduce_sum3A_1738 [1] : vector<4x128xf32> to vector<4xf32>
      %broadcast_in_dim3A_1740 = vector.shape_cast %reduce_sum3A_1739 : vector<4xf32> to vector<4x1xf32>
      %gt3A_1741 = arith.constant 0.000000e+00 : f32
      %gt3A_1742 = vector.broadcast %gt3A_1741 : f32 to vector<4x128xf32>
      %gt3A_1743 = arith.cmpf ogt, %reshape3A_1730, %gt3A_1742 : vector<4x128xf32>
      %gt3A_1744 = arith.constant 0.000000e+00 : f32
      %gt3A_1745 = vector.broadcast %gt3A_1744 : f32 to vector<4x1xf32>
      %gt3A_1746 = arith.cmpf ogt, %broadcast_in_dim3A_1740, %gt3A_1745 : vector<4x1xf32>
      %and3A_1747 = vector.broadcast %gt3A_1746 : vector<4x1xi1> to vector<4x128xi1>
      %and3A_1748 = arith.andi %gt3A_1743, %and3A_1747 : vector<4x128xi1>
      %jit3A_1749 = arith.constant 0.000000e+00 : f32
      %broadcast_in_dim3A_1750 = vector.broadcast %jit3A_1749 : f32 to vector<4x128xf32>
      %select_n3A_1751 = arith.select %and3A_1748, %broadcast_in_dim3A_1750, %select_n3A_1723 : vector<4x128xi1>, vector<4x128xf32>
      %scan3A_1752 = arith.constant 6 : i32
      %scan3A_1753 = arith.addi %scan3A_1587, %scan3A_1752 : i32
      %get3A_1754 = arith.index_cast %scan3A_1753 : i32 to index
      %get3A_1755 = arith.constant 0 : index
      %get3A_1756 = arith.constant 0 : index
      %get3A_1757 = vector.load %arg4[%get3A_1754, %get3A_1755, %get3A_1756] : memref<128x4x128xf32, #tpu.memory_space<vmem>>, vector<1x4x128xf32>
      %reshape3A_1758 = vector.shape_cast %get3A_1757 : vector<1x4x128xf32> to vector<4x128xf32>
      %eq3A_1759 = vector.broadcast %scan3A_1753 : i32 to vector<1x128xi32>
      %eq3A_1760 = arith.cmpi eq, %iota3A, %eq3A_1759 : vector<1x128xi32>
      %jit3A_1761 = arith.constant 0.000000e+00 : f32
      %broadcast_in_dim3A_1762 = vector.shape_cast %eq3A_1760 : vector<1x128xi1> to vector<1x128xi1>
      %broadcast_in_dim3A_1763 = vector.broadcast %broadcast_in_dim3A_1762 : vector<1x128xi1> to vector<4x128xi1>
      %broadcast_in_dim3A_1764 = vector.broadcast %jit3A_1761 : f32 to vector<4x128xf32>
      %select_n3A_1765 = arith.select %broadcast_in_dim3A_1763, %select_n3A_1751, %broadcast_in_dim3A_1764 : vector<4x128xi1>, vector<4x128xf32>
      %reduce_sum3A_1766 = arith.constant dense<0.000000e+00> : vector<4xf32>
      %reduce_sum3A_1767 = vector.multi_reduction <add>, %select_n3A_1765, %reduce_sum3A_1766 [1] : vector<4x128xf32> to vector<4xf32>
      %broadcast_in_dim3A_1768 = vector.shape_cast %reduce_sum3A_1767 : vector<4xf32> to vector<4x1xf32>
      %gt3A_1769 = arith.constant 0.000000e+00 : f32
      %gt3A_1770 = vector.broadcast %gt3A_1769 : f32 to vector<4x128xf32>
      %gt3A_1771 = arith.cmpf ogt, %reshape3A_1758, %gt3A_1770 : vector<4x128xf32>
      %gt3A_1772 = arith.constant 0.000000e+00 : f32
      %gt3A_1773 = vector.broadcast %gt3A_1772 : f32 to vector<4x1xf32>
      %gt3A_1774 = arith.cmpf ogt, %broadcast_in_dim3A_1768, %gt3A_1773 : vector<4x1xf32>
      %and3A_1775 = vector.broadcast %gt3A_1774 : vector<4x1xi1> to vector<4x128xi1>
      %and3A_1776 = arith.andi %gt3A_1771, %and3A_1775 : vector<4x128xi1>
      %jit3A_1777 = arith.constant 0.000000e+00 : f32
      %broadcast_in_dim3A_1778 = vector.broadcast %jit3A_1777 : f32 to vector<4x128xf32>
      %select_n3A_1779 = arith.select %and3A_1776, %broadcast_in_dim3A_1778, %select_n3A_1751 : vector<4x128xi1>, vector<4x128xf32>
      %scan3A_1780 = arith.constant 7 : i32
      %scan3A_1781 = arith.addi %scan3A_1587, %scan3A_1780 : i32
      %get3A_1782 = arith.index_cast %scan3A_1781 : i32 to index
      %get3A_1783 = arith.constant 0 : index
      %get3A_1784 = arith.constant 0 : index
      %get3A_1785 = vector.load %arg4[%get3A_1782, %get3A_1783, %get3A_1784] : memref<128x4x128xf32, #tpu.memory_space<vmem>>, vector<1x4x128xf32>
      %reshape3A_1786 = vector.shape_cast %get3A_1785 : vector<1x4x128xf32> to vector<4x128xf32>
      %eq3A_1787 = vector.broadcast %scan3A_1781 : i32 to vector<1x128xi32>
      %eq3A_1788 = arith.cmpi eq, %iota3A, %eq3A_1787 : vector<1x128xi32>
      %jit3A_1789 = arith.constant 0.000000e+00 : f32
      %broadcast_in_dim3A_1790 = vector.shape_cast %eq3A_1788 : vector<1x128xi1> to vector<1x128xi1>
      %broadcast_in_dim3A_1791 = vector.broadcast %broadcast_in_dim3A_1790 : vector<1x128xi1> to vector<4x128xi1>
      %broadcast_in_dim3A_1792 = vector.broadcast %jit3A_1789 : f32 to vector<4x128xf32>
      %select_n3A_1793 = arith.select %broadcast_in_dim3A_1791, %select_n3A_1779, %broadcast_in_dim3A_1792 : vector<4x128xi1>, vector<4x128xf32>
      %reduce_sum3A_1794 = arith.constant dense<0.000000e+00> : vector<4xf32>
      %reduce_sum3A_1795 = vector.multi_reduction <add>, %select_n3A_1793, %reduce_sum3A_1794 [1] : vector<4x128xf32> to vector<4xf32>
      %broadcast_in_dim3A_1796 = vector.shape_cast %reduce_sum3A_1795 : vector<4xf32> to vector<4x1xf32>
      %gt3A_1797 = arith.constant 0.000000e+00 : f32
      %gt3A_1798 = vector.broadcast %gt3A_1797 : f32 to vector<4x128xf32>
      %gt3A_1799 = arith.cmpf ogt, %reshape3A_1786, %gt3A_1798 : vector<4x128xf32>
      %gt3A_1800 = arith.constant 0.000000e+00 : f32
      %gt3A_1801 = vector.broadcast %gt3A_1800 : f32 to vector<4x1xf32>
      %gt3A_1802 = arith.cmpf ogt, %broadcast_in_dim3A_1796, %gt3A_1801 : vector<4x1xf32>
      %and3A_1803 = vector.broadcast %gt3A_1802 : vector<4x1xi1> to vector<4x128xi1>
      %and3A_1804 = arith.andi %gt3A_1799, %and3A_1803 : vector<4x128xi1>
      %jit3A_1805 = arith.constant 0.000000e+00 : f32
      %broadcast_in_dim3A_1806 = vector.broadcast %jit3A_1805 : f32 to vector<4x128xf32>
      %select_n3A_1807 = arith.select %and3A_1804, %broadcast_in_dim3A_1806, %select_n3A_1779 : vector<4x128xi1>, vector<4x128xf32>
      scf.yield %select_n3A_1807 : vector<4x128xf32>
    }
    %scan3A_602 = arith.constant 128 : i32
    %slice3A_603 = vector.extract_strided_slice %select_n3A_585 {offsets = [0, 0, 128], sizes = [128, 4, 1280], strides = [1, 1, 1]} : vector<128x4x1408xf32> to vector<128x4x1280xf32>
    %transpose3A_604 = tpu.transpose %scan3A_601, [1, 0] : vector<4x128xf32> -> vector<128x4xf32>
    %broadcast_in_dim3A_605 = vector.shape_cast %transpose3A_604 : vector<128x4xf32> to vector<128x4x1xf32>
    %mul3A_606 = vector.broadcast %broadcast_in_dim3A_605 : vector<128x4x1xf32> to vector<128x4x1280xf32>
    %mul3A_607 = arith.mulf %slice3A_603, %mul3A_606 : vector<128x4x1280xf32>
    %reduce_max3A_608 = arith.constant dense<0xFF800000> : vector<4x1280xf32>
    %reduce_max3A_609 = vector.multi_reduction <maximumf>, %mul3A_607, %reduce_max3A_608 [0] : vector<128x4x1280xf32> to vector<4x1280xf32>
    %gt3A_610 = arith.constant 0.000000e+00 : f32
    %gt3A_611 = vector.broadcast %gt3A_610 : f32 to vector<4x1280xf32>
    %gt3A_612 = arith.cmpf ogt, %reduce_max3A_609, %gt3A_611 : vector<4x1280xf32>
    %slice3A_613 = vector.extract_strided_slice %concatenate3A_523 {offsets = [0, 768], sizes = [4, 1280], strides = [1, 1]} : vector<4x2048xf32> to vector<4x1280xf32>
    %jit3A_614 = arith.constant 0.000000e+00 : f32
    %broadcast_in_dim3A_615 = vector.broadcast %jit3A_614 : f32 to vector<4x1280xf32>
    %select_n3A_616 = arith.select %gt3A_612, %broadcast_in_dim3A_615, %slice3A_613 : vector<4x1280xi1>, vector<4x1280xf32>
    %slice3A_617 = vector.extract_strided_slice %concatenate3A_523 {offsets = [0, 0], sizes = [4, 640], strides = [1, 1]} : vector<4x2048xf32> to vector<4x640xf32>
    %concatenate3A_618 = tpu.concatenate %slice3A_617, %scan3A_601, %select_n3A_616 in 1 : vector<4x640xf32>, vector<4x128xf32>, vector<4x1280xf32> -> vector<4x2048xf32>
    %slice3A_619 = vector.extract_strided_slice %min3A_6 {offsets = [0, 768], sizes = [4, 128], strides = [1, 1]} : vector<4x2048xf32> to vector<4x128xf32>
    %transpose3A_620 = tpu.transpose %slice3A_619, [1, 0] : vector<4x128xf32> -> vector<128x4xf32>
    %broadcast_in_dim3A_621 = vector.shape_cast %transpose3A_620 : vector<128x4xf32> to vector<128x4x1xf32>
    %slice3A_622 = vector.extract_strided_slice %min3A_17 {offsets = [0, 768], sizes = [4, 128], strides = [1, 1]} : vector<4x2048xf32> to vector<4x128xf32>
    %transpose3A_623 = tpu.transpose %slice3A_622, [1, 0] : vector<4x128xf32> -> vector<128x4xf32>
    %broadcast_in_dim3A_624 = vector.shape_cast %transpose3A_623 : vector<128x4xf32> to vector<128x4x1xf32>
    %slice3A_625 = vector.extract_strided_slice %min3A_28 {offsets = [0, 768], sizes = [4, 128], strides = [1, 1]} : vector<4x2048xf32> to vector<4x128xf32>
    %transpose3A_626 = tpu.transpose %slice3A_625, [1, 0] : vector<4x128xf32> -> vector<128x4xf32>
    %broadcast_in_dim3A_627 = vector.shape_cast %transpose3A_626 : vector<128x4xf32> to vector<128x4x1xf32>
    %slice3A_628 = vector.extract_strided_slice %min3A_39 {offsets = [0, 768], sizes = [4, 128], strides = [1, 1]} : vector<4x2048xf32> to vector<4x128xf32>
    %transpose3A_629 = tpu.transpose %slice3A_628, [1, 0] : vector<4x128xf32> -> vector<128x4xf32>
    %broadcast_in_dim3A_630 = vector.shape_cast %transpose3A_629 : vector<128x4xf32> to vector<128x4x1xf32>
    %slice3A_631 = vector.extract_strided_slice %mul3A {offsets = [0, 768], sizes = [4, 128], strides = [1, 1]} : vector<4x2048xf32> to vector<4x128xf32>
    %transpose3A_632 = tpu.transpose %slice3A_631, [1, 0] : vector<4x128xf32> -> vector<128x4xf32>
    %broadcast_in_dim3A_633 = vector.shape_cast %transpose3A_632 : vector<128x4xf32> to vector<128x4x1xf32>
    %slice3A_634 = vector.extract_strided_slice %min3A_6 {offsets = [0, 768], sizes = [4, 1280], strides = [1, 1]} : vector<4x2048xf32> to vector<4x1280xf32>
    %broadcast_in_dim3A_635 = vector.shape_cast %slice3A_634 : vector<4x1280xf32> to vector<1x4x1280xf32>
    %slice3A_636 = vector.extract_strided_slice %min3A_17 {offsets = [0, 768], sizes = [4, 1280], strides = [1, 1]} : vector<4x2048xf32> to vector<4x1280xf32>
    %broadcast_in_dim3A_637 = vector.shape_cast %slice3A_636 : vector<4x1280xf32> to vector<1x4x1280xf32>
    %slice3A_638 = vector.extract_strided_slice %min3A_28 {offsets = [0, 768], sizes = [4, 1280], strides = [1, 1]} : vector<4x2048xf32> to vector<4x1280xf32>
    %broadcast_in_dim3A_639 = vector.shape_cast %slice3A_638 : vector<4x1280xf32> to vector<1x4x1280xf32>
    %slice3A_640 = vector.extract_strided_slice %min3A_39 {offsets = [0, 768], sizes = [4, 1280], strides = [1, 1]} : vector<4x2048xf32> to vector<4x1280xf32>
    %broadcast_in_dim3A_641 = vector.shape_cast %slice3A_640 : vector<4x1280xf32> to vector<1x4x1280xf32>
    %slice3A_642 = vector.extract_strided_slice %mul3A {offsets = [0, 768], sizes = [4, 1280], strides = [1, 1]} : vector<4x2048xf32> to vector<4x1280xf32>
    %broadcast_in_dim3A_643 = vector.shape_cast %slice3A_642 : vector<4x1280xf32> to vector<1x4x1280xf32>
    %min3A_644 = vector.broadcast %broadcast_in_dim3A_627 : vector<128x4x1xf32> to vector<128x4x1280xf32>
    %min3A_645 = vector.broadcast %broadcast_in_dim3A_639 : vector<1x4x1280xf32> to vector<128x4x1280xf32>
    %min3A_646 = arith.minimumf %min3A_644, %min3A_645 : vector<128x4x1280xf32>
    %max3A_647 = vector.broadcast %broadcast_in_dim3A_621 : vector<128x4x1xf32> to vector<128x4x1280xf32>
    %max3A_648 = vector.broadcast %broadcast_in_dim3A_635 : vector<1x4x1280xf32> to vector<128x4x1280xf32>
    %max3A_649 = arith.maximumf %max3A_647, %max3A_648 : vector<128x4x1280xf32>
    %sub3A_650 = arith.subf %min3A_646, %max3A_649 : vector<128x4x1280xf32>
    %jit3A_651 = arith.constant 0.000000e+00 : f32
    %max3A_652 = vector.broadcast %jit3A_651 : f32 to vector<128x4x1280xf32>
    %max3A_653 = arith.maximumf %max3A_652, %sub3A_650 : vector<128x4x1280xf32>
    %min3A_654 = vector.broadcast %broadcast_in_dim3A_630 : vector<128x4x1xf32> to vector<128x4x1280xf32>
    %min3A_655 = vector.broadcast %broadcast_in_dim3A_641 : vector<1x4x1280xf32> to vector<128x4x1280xf32>
    %min3A_656 = arith.minimumf %min3A_654, %min3A_655 : vector<128x4x1280xf32>
    %max3A_657 = vector.broadcast %broadcast_in_dim3A_624 : vector<128x4x1xf32> to vector<128x4x1280xf32>
    %max3A_658 = vector.broadcast %broadcast_in_dim3A_637 : vector<1x4x1280xf32> to vector<128x4x1280xf32>
    %max3A_659 = arith.maximumf %max3A_657, %max3A_658 : vector<128x4x1280xf32>
    %sub3A_660 = arith.subf %min3A_656, %max3A_659 : vector<128x4x1280xf32>
    %jit3A_661 = arith.constant 0.000000e+00 : f32
    %max3A_662 = vector.broadcast %jit3A_661 : f32 to vector<128x4x1280xf32>
    %max3A_663 = arith.maximumf %max3A_662, %sub3A_660 : vector<128x4x1280xf32>
    %mul3A_664 = arith.mulf %max3A_653, %max3A_663 : vector<128x4x1280xf32>
    %add3A_665 = vector.broadcast %broadcast_in_dim3A_633 : vector<128x4x1xf32> to vector<128x4x1280xf32>
    %add3A_666 = vector.broadcast %broadcast_in_dim3A_643 : vector<1x4x1280xf32> to vector<128x4x1280xf32>
    %add3A_667 = arith.addf %add3A_665, %add3A_666 : vector<128x4x1280xf32>
    %sub3A_668 = arith.subf %add3A_667, %mul3A_664 : vector<128x4x1280xf32>
    %max3A_669 = arith.constant 9.99999971E-10 : f32
    %max3A_670 = vector.broadcast %max3A_669 : f32 to vector<128x4x1280xf32>
    %max3A_671 = arith.maximumf %sub3A_668, %max3A_670 : vector<128x4x1280xf32>
    %div3A_672 = arith.divf %mul3A_664, %max3A_671 : vector<128x4x1280xf32>
    %gt3A_673 = arith.constant 0.699999988 : f32
    %gt3A_674 = vector.broadcast %gt3A_673 : f32 to vector<128x4x1280xf32>
    %gt3A_675 = arith.cmpf ogt, %div3A_672, %gt3A_674 : vector<128x4x1280xf32>
    %jit3A_676 = arith.constant 1.000000e+00 : f32
    %jit3A_677 = arith.constant 0.000000e+00 : f32
    %broadcast_in_dim3A_678 = vector.broadcast %jit3A_676 : f32 to vector<128x4x1280xf32>
    %broadcast_in_dim3A_679 = vector.broadcast %jit3A_677 : f32 to vector<128x4x1280xf32>
    %select_n3A_680 = arith.select %gt3A_675, %broadcast_in_dim3A_678, %broadcast_in_dim3A_679 : vector<128x4x1280xi1>, vector<128x4x1280xf32>
    %slice3A_681 = vector.extract_strided_slice %select_n3A_680 {offsets = [0, 0, 0], sizes = [128, 4, 128], strides = [1, 1, 1]} : vector<128x4x1280xf32> to vector<128x4x128xf32>
    %jit3A_682 = arith.constant 0.000000e+00 : f32
    %broadcast_in_dim3A_683 = vector.shape_cast %gt3A_62 : vector<128x1x128xi1> to vector<128x1x128xi1>
    %broadcast_in_dim3A_684 = vector.broadcast %broadcast_in_dim3A_683 : vector<128x1x128xi1> to vector<128x4x128xi1>
    %broadcast_in_dim3A_685 = vector.broadcast %jit3A_682 : f32 to vector<128x4x128xf32>
    %select_n3A_686 = arith.select %broadcast_in_dim3A_684, %slice3A_681, %broadcast_in_dim3A_685 : vector<128x4x128xi1>, vector<128x4x128xf32>
    %swap3A_687 = arith.constant 0 : index
    %swap3A_688 = arith.constant 0 : index
    %swap3A_689 = arith.constant 0 : index
    %swap3A_690 = vector.load %arg4[%swap3A_687, %swap3A_688, %swap3A_689] : memref<128x4x128xf32, #tpu.memory_space<vmem>>, vector<128x4x128xf32>
    tpu.vector_store %arg4[%swap3A_687, %swap3A_688, %swap3A_689], %select_n3A_686 {strides = array<i32>} : memref<128x4x128xf32, #tpu.memory_space<vmem>>, vector<128x4x128xf32>,
    %slice3A_691 = vector.extract_strided_slice %concatenate3A_618 {offsets = [0, 768], sizes = [4, 128], strides = [1, 1]} : vector<4x2048xf32> to vector<4x128xf32>
    %scan3A_692 = arith.constant 0 : i32
    %scan3A_693 = arith.constant 128 : i32
    %scan3A_694 = arith.addi %scan3A_692, %scan3A_693 : i32
    %scan3A_695 = arith.constant 8 : i32
    %scan3A_696 = scf.for %scan3A_1587 = %scan3A_692 to %scan3A_694 step %scan3A_695 iter_args(%scan3A_1588 = %slice3A_691) -> (vector<4x128xf32>)  : i32 {
      %get3A_1589 = arith.index_cast %scan3A_1587 : i32 to index
      %get3A_1590 = arith.constant 0 : index
      %get3A_1591 = arith.constant 0 : index
      %get3A_1592 = vector.load %arg4[%get3A_1589, %get3A_1590, %get3A_1591] : memref<128x4x128xf32, #tpu.memory_space<vmem>>, vector<1x4x128xf32>
      %reshape3A = vector.shape_cast %get3A_1592 : vector<1x4x128xf32> to vector<4x128xf32>
      %eq3A = vector.broadcast %scan3A_1587 : i32 to vector<1x128xi32>
      %eq3A_1593 = arith.cmpi eq, %iota3A, %eq3A : vector<1x128xi32>
      %jit3A_1594 = arith.constant 0.000000e+00 : f32
      %broadcast_in_dim3A_1595 = vector.shape_cast %eq3A_1593 : vector<1x128xi1> to vector<1x128xi1>
      %broadcast_in_dim3A_1596 = vector.broadcast %broadcast_in_dim3A_1595 : vector<1x128xi1> to vector<4x128xi1>
      %broadcast_in_dim3A_1597 = vector.broadcast %jit3A_1594 : f32 to vector<4x128xf32>
      %select_n3A_1598 = arith.select %broadcast_in_dim3A_1596, %scan3A_1588, %broadcast_in_dim3A_1597 : vector<4x128xi1>, vector<4x128xf32>
      %reduce_sum3A = arith.constant dense<0.000000e+00> : vector<4xf32>
      %reduce_sum3A_1599 = vector.multi_reduction <add>, %select_n3A_1598, %reduce_sum3A [1] : vector<4x128xf32> to vector<4xf32>
      %broadcast_in_dim3A_1600 = vector.shape_cast %reduce_sum3A_1599 : vector<4xf32> to vector<4x1xf32>
      %gt3A_1601 = arith.constant 0.000000e+00 : f32
      %gt3A_1602 = vector.broadcast %gt3A_1601 : f32 to vector<4x128xf32>
      %gt3A_1603 = arith.cmpf ogt, %reshape3A, %gt3A_1602 : vector<4x128xf32>
      %gt3A_1604 = arith.constant 0.000000e+00 : f32
      %gt3A_1605 = vector.broadcast %gt3A_1604 : f32 to vector<4x1xf32>
      %gt3A_1606 = arith.cmpf ogt, %broadcast_in_dim3A_1600, %gt3A_1605 : vector<4x1xf32>
      %and3A_1607 = vector.broadcast %gt3A_1606 : vector<4x1xi1> to vector<4x128xi1>
      %and3A_1608 = arith.andi %gt3A_1603, %and3A_1607 : vector<4x128xi1>
      %jit3A_1609 = arith.constant 0.000000e+00 : f32
      %broadcast_in_dim3A_1610 = vector.broadcast %jit3A_1609 : f32 to vector<4x128xf32>
      %select_n3A_1611 = arith.select %and3A_1608, %broadcast_in_dim3A_1610, %scan3A_1588 : vector<4x128xi1>, vector<4x128xf32>
      %scan3A_1612 = arith.constant 1 : i32
      %scan3A_1613 = arith.addi %scan3A_1587, %scan3A_1612 : i32
      %get3A_1614 = arith.index_cast %scan3A_1613 : i32 to index
      %get3A_1615 = arith.constant 0 : index
      %get3A_1616 = arith.constant 0 : index
      %get3A_1617 = vector.load %arg4[%get3A_1614, %get3A_1615, %get3A_1616] : memref<128x4x128xf32, #tpu.memory_space<vmem>>, vector<1x4x128xf32>
      %reshape3A_1618 = vector.shape_cast %get3A_1617 : vector<1x4x128xf32> to vector<4x128xf32>
      %eq3A_1619 = vector.broadcast %scan3A_1613 : i32 to vector<1x128xi32>
      %eq3A_1620 = arith.cmpi eq, %iota3A, %eq3A_1619 : vector<1x128xi32>
      %jit3A_1621 = arith.constant 0.000000e+00 : f32
      %broadcast_in_dim3A_1622 = vector.shape_cast %eq3A_1620 : vector<1x128xi1> to vector<1x128xi1>
      %broadcast_in_dim3A_1623 = vector.broadcast %broadcast_in_dim3A_1622 : vector<1x128xi1> to vector<4x128xi1>
      %broadcast_in_dim3A_1624 = vector.broadcast %jit3A_1621 : f32 to vector<4x128xf32>
      %select_n3A_1625 = arith.select %broadcast_in_dim3A_1623, %select_n3A_1611, %broadcast_in_dim3A_1624 : vector<4x128xi1>, vector<4x128xf32>
      %reduce_sum3A_1626 = arith.constant dense<0.000000e+00> : vector<4xf32>
      %reduce_sum3A_1627 = vector.multi_reduction <add>, %select_n3A_1625, %reduce_sum3A_1626 [1] : vector<4x128xf32> to vector<4xf32>
      %broadcast_in_dim3A_1628 = vector.shape_cast %reduce_sum3A_1627 : vector<4xf32> to vector<4x1xf32>
      %gt3A_1629 = arith.constant 0.000000e+00 : f32
      %gt3A_1630 = vector.broadcast %gt3A_1629 : f32 to vector<4x128xf32>
      %gt3A_1631 = arith.cmpf ogt, %reshape3A_1618, %gt3A_1630 : vector<4x128xf32>
      %gt3A_1632 = arith.constant 0.000000e+00 : f32
      %gt3A_1633 = vector.broadcast %gt3A_1632 : f32 to vector<4x1xf32>
      %gt3A_1634 = arith.cmpf ogt, %broadcast_in_dim3A_1628, %gt3A_1633 : vector<4x1xf32>
      %and3A_1635 = vector.broadcast %gt3A_1634 : vector<4x1xi1> to vector<4x128xi1>
      %and3A_1636 = arith.andi %gt3A_1631, %and3A_1635 : vector<4x128xi1>
      %jit3A_1637 = arith.constant 0.000000e+00 : f32
      %broadcast_in_dim3A_1638 = vector.broadcast %jit3A_1637 : f32 to vector<4x128xf32>
      %select_n3A_1639 = arith.select %and3A_1636, %broadcast_in_dim3A_1638, %select_n3A_1611 : vector<4x128xi1>, vector<4x128xf32>
      %scan3A_1640 = arith.constant 2 : i32
      %scan3A_1641 = arith.addi %scan3A_1587, %scan3A_1640 : i32
      %get3A_1642 = arith.index_cast %scan3A_1641 : i32 to index
      %get3A_1643 = arith.constant 0 : index
      %get3A_1644 = arith.constant 0 : index
      %get3A_1645 = vector.load %arg4[%get3A_1642, %get3A_1643, %get3A_1644] : memref<128x4x128xf32, #tpu.memory_space<vmem>>, vector<1x4x128xf32>
      %reshape3A_1646 = vector.shape_cast %get3A_1645 : vector<1x4x128xf32> to vector<4x128xf32>
      %eq3A_1647 = vector.broadcast %scan3A_1641 : i32 to vector<1x128xi32>
      %eq3A_1648 = arith.cmpi eq, %iota3A, %eq3A_1647 : vector<1x128xi32>
      %jit3A_1649 = arith.constant 0.000000e+00 : f32
      %broadcast_in_dim3A_1650 = vector.shape_cast %eq3A_1648 : vector<1x128xi1> to vector<1x128xi1>
      %broadcast_in_dim3A_1651 = vector.broadcast %broadcast_in_dim3A_1650 : vector<1x128xi1> to vector<4x128xi1>
      %broadcast_in_dim3A_1652 = vector.broadcast %jit3A_1649 : f32 to vector<4x128xf32>
      %select_n3A_1653 = arith.select %broadcast_in_dim3A_1651, %select_n3A_1639, %broadcast_in_dim3A_1652 : vector<4x128xi1>, vector<4x128xf32>
      %reduce_sum3A_1654 = arith.constant dense<0.000000e+00> : vector<4xf32>
      %reduce_sum3A_1655 = vector.multi_reduction <add>, %select_n3A_1653, %reduce_sum3A_1654 [1] : vector<4x128xf32> to vector<4xf32>
      %broadcast_in_dim3A_1656 = vector.shape_cast %reduce_sum3A_1655 : vector<4xf32> to vector<4x1xf32>
      %gt3A_1657 = arith.constant 0.000000e+00 : f32
      %gt3A_1658 = vector.broadcast %gt3A_1657 : f32 to vector<4x128xf32>
      %gt3A_1659 = arith.cmpf ogt, %reshape3A_1646, %gt3A_1658 : vector<4x128xf32>
      %gt3A_1660 = arith.constant 0.000000e+00 : f32
      %gt3A_1661 = vector.broadcast %gt3A_1660 : f32 to vector<4x1xf32>
      %gt3A_1662 = arith.cmpf ogt, %broadcast_in_dim3A_1656, %gt3A_1661 : vector<4x1xf32>
      %and3A_1663 = vector.broadcast %gt3A_1662 : vector<4x1xi1> to vector<4x128xi1>
      %and3A_1664 = arith.andi %gt3A_1659, %and3A_1663 : vector<4x128xi1>
      %jit3A_1665 = arith.constant 0.000000e+00 : f32
      %broadcast_in_dim3A_1666 = vector.broadcast %jit3A_1665 : f32 to vector<4x128xf32>
      %select_n3A_1667 = arith.select %and3A_1664, %broadcast_in_dim3A_1666, %select_n3A_1639 : vector<4x128xi1>, vector<4x128xf32>
      %scan3A_1668 = arith.constant 3 : i32
      %scan3A_1669 = arith.addi %scan3A_1587, %scan3A_1668 : i32
      %get3A_1670 = arith.index_cast %scan3A_1669 : i32 to index
      %get3A_1671 = arith.constant 0 : index
      %get3A_1672 = arith.constant 0 : index
      %get3A_1673 = vector.load %arg4[%get3A_1670, %get3A_1671, %get3A_1672] : memref<128x4x128xf32, #tpu.memory_space<vmem>>, vector<1x4x128xf32>
      %reshape3A_1674 = vector.shape_cast %get3A_1673 : vector<1x4x128xf32> to vector<4x128xf32>
      %eq3A_1675 = vector.broadcast %scan3A_1669 : i32 to vector<1x128xi32>
      %eq3A_1676 = arith.cmpi eq, %iota3A, %eq3A_1675 : vector<1x128xi32>
      %jit3A_1677 = arith.constant 0.000000e+00 : f32
      %broadcast_in_dim3A_1678 = vector.shape_cast %eq3A_1676 : vector<1x128xi1> to vector<1x128xi1>
      %broadcast_in_dim3A_1679 = vector.broadcast %broadcast_in_dim3A_1678 : vector<1x128xi1> to vector<4x128xi1>
      %broadcast_in_dim3A_1680 = vector.broadcast %jit3A_1677 : f32 to vector<4x128xf32>
      %select_n3A_1681 = arith.select %broadcast_in_dim3A_1679, %select_n3A_1667, %broadcast_in_dim3A_1680 : vector<4x128xi1>, vector<4x128xf32>
      %reduce_sum3A_1682 = arith.constant dense<0.000000e+00> : vector<4xf32>
      %reduce_sum3A_1683 = vector.multi_reduction <add>, %select_n3A_1681, %reduce_sum3A_1682 [1] : vector<4x128xf32> to vector<4xf32>
      %broadcast_in_dim3A_1684 = vector.shape_cast %reduce_sum3A_1683 : vector<4xf32> to vector<4x1xf32>
      %gt3A_1685 = arith.constant 0.000000e+00 : f32
      %gt3A_1686 = vector.broadcast %gt3A_1685 : f32 to vector<4x128xf32>
      %gt3A_1687 = arith.cmpf ogt, %reshape3A_1674, %gt3A_1686 : vector<4x128xf32>
      %gt3A_1688 = arith.constant 0.000000e+00 : f32
      %gt3A_1689 = vector.broadcast %gt3A_1688 : f32 to vector<4x1xf32>
      %gt3A_1690 = arith.cmpf ogt, %broadcast_in_dim3A_1684, %gt3A_1689 : vector<4x1xf32>
      %and3A_1691 = vector.broadcast %gt3A_1690 : vector<4x1xi1> to vector<4x128xi1>
      %and3A_1692 = arith.andi %gt3A_1687, %and3A_1691 : vector<4x128xi1>
      %jit3A_1693 = arith.constant 0.000000e+00 : f32
      %broadcast_in_dim3A_1694 = vector.broadcast %jit3A_1693 : f32 to vector<4x128xf32>
      %select_n3A_1695 = arith.select %and3A_1692, %broadcast_in_dim3A_1694, %select_n3A_1667 : vector<4x128xi1>, vector<4x128xf32>
      %scan3A_1696 = arith.constant 4 : i32
      %scan3A_1697 = arith.addi %scan3A_1587, %scan3A_1696 : i32
      %get3A_1698 = arith.index_cast %scan3A_1697 : i32 to index
      %get3A_1699 = arith.constant 0 : index
      %get3A_1700 = arith.constant 0 : index
      %get3A_1701 = vector.load %arg4[%get3A_1698, %get3A_1699, %get3A_1700] : memref<128x4x128xf32, #tpu.memory_space<vmem>>, vector<1x4x128xf32>
      %reshape3A_1702 = vector.shape_cast %get3A_1701 : vector<1x4x128xf32> to vector<4x128xf32>
      %eq3A_1703 = vector.broadcast %scan3A_1697 : i32 to vector<1x128xi32>
      %eq3A_1704 = arith.cmpi eq, %iota3A, %eq3A_1703 : vector<1x128xi32>
      %jit3A_1705 = arith.constant 0.000000e+00 : f32
      %broadcast_in_dim3A_1706 = vector.shape_cast %eq3A_1704 : vector<1x128xi1> to vector<1x128xi1>
      %broadcast_in_dim3A_1707 = vector.broadcast %broadcast_in_dim3A_1706 : vector<1x128xi1> to vector<4x128xi1>
      %broadcast_in_dim3A_1708 = vector.broadcast %jit3A_1705 : f32 to vector<4x128xf32>
      %select_n3A_1709 = arith.select %broadcast_in_dim3A_1707, %select_n3A_1695, %broadcast_in_dim3A_1708 : vector<4x128xi1>, vector<4x128xf32>
      %reduce_sum3A_1710 = arith.constant dense<0.000000e+00> : vector<4xf32>
      %reduce_sum3A_1711 = vector.multi_reduction <add>, %select_n3A_1709, %reduce_sum3A_1710 [1] : vector<4x128xf32> to vector<4xf32>
      %broadcast_in_dim3A_1712 = vector.shape_cast %reduce_sum3A_1711 : vector<4xf32> to vector<4x1xf32>
      %gt3A_1713 = arith.constant 0.000000e+00 : f32
      %gt3A_1714 = vector.broadcast %gt3A_1713 : f32 to vector<4x128xf32>
      %gt3A_1715 = arith.cmpf ogt, %reshape3A_1702, %gt3A_1714 : vector<4x128xf32>
      %gt3A_1716 = arith.constant 0.000000e+00 : f32
      %gt3A_1717 = vector.broadcast %gt3A_1716 : f32 to vector<4x1xf32>
      %gt3A_1718 = arith.cmpf ogt, %broadcast_in_dim3A_1712, %gt3A_1717 : vector<4x1xf32>
      %and3A_1719 = vector.broadcast %gt3A_1718 : vector<4x1xi1> to vector<4x128xi1>
      %and3A_1720 = arith.andi %gt3A_1715, %and3A_1719 : vector<4x128xi1>
      %jit3A_1721 = arith.constant 0.000000e+00 : f32
      %broadcast_in_dim3A_1722 = vector.broadcast %jit3A_1721 : f32 to vector<4x128xf32>
      %select_n3A_1723 = arith.select %and3A_1720, %broadcast_in_dim3A_1722, %select_n3A_1695 : vector<4x128xi1>, vector<4x128xf32>
      %scan3A_1724 = arith.constant 5 : i32
      %scan3A_1725 = arith.addi %scan3A_1587, %scan3A_1724 : i32
      %get3A_1726 = arith.index_cast %scan3A_1725 : i32 to index
      %get3A_1727 = arith.constant 0 : index
      %get3A_1728 = arith.constant 0 : index
      %get3A_1729 = vector.load %arg4[%get3A_1726, %get3A_1727, %get3A_1728] : memref<128x4x128xf32, #tpu.memory_space<vmem>>, vector<1x4x128xf32>
      %reshape3A_1730 = vector.shape_cast %get3A_1729 : vector<1x4x128xf32> to vector<4x128xf32>
      %eq3A_1731 = vector.broadcast %scan3A_1725 : i32 to vector<1x128xi32>
      %eq3A_1732 = arith.cmpi eq, %iota3A, %eq3A_1731 : vector<1x128xi32>
      %jit3A_1733 = arith.constant 0.000000e+00 : f32
      %broadcast_in_dim3A_1734 = vector.shape_cast %eq3A_1732 : vector<1x128xi1> to vector<1x128xi1>
      %broadcast_in_dim3A_1735 = vector.broadcast %broadcast_in_dim3A_1734 : vector<1x128xi1> to vector<4x128xi1>
      %broadcast_in_dim3A_1736 = vector.broadcast %jit3A_1733 : f32 to vector<4x128xf32>
      %select_n3A_1737 = arith.select %broadcast_in_dim3A_1735, %select_n3A_1723, %broadcast_in_dim3A_1736 : vector<4x128xi1>, vector<4x128xf32>
      %reduce_sum3A_1738 = arith.constant dense<0.000000e+00> : vector<4xf32>
      %reduce_sum3A_1739 = vector.multi_reduction <add>, %select_n3A_1737, %reduce_sum3A_1738 [1] : vector<4x128xf32> to vector<4xf32>
      %broadcast_in_dim3A_1740 = vector.shape_cast %reduce_sum3A_1739 : vector<4xf32> to vector<4x1xf32>
      %gt3A_1741 = arith.constant 0.000000e+00 : f32
      %gt3A_1742 = vector.broadcast %gt3A_1741 : f32 to vector<4x128xf32>
      %gt3A_1743 = arith.cmpf ogt, %reshape3A_1730, %gt3A_1742 : vector<4x128xf32>
      %gt3A_1744 = arith.constant 0.000000e+00 : f32
      %gt3A_1745 = vector.broadcast %gt3A_1744 : f32 to vector<4x1xf32>
      %gt3A_1746 = arith.cmpf ogt, %broadcast_in_dim3A_1740, %gt3A_1745 : vector<4x1xf32>
      %and3A_1747 = vector.broadcast %gt3A_1746 : vector<4x1xi1> to vector<4x128xi1>
      %and3A_1748 = arith.andi %gt3A_1743, %and3A_1747 : vector<4x128xi1>
      %jit3A_1749 = arith.constant 0.000000e+00 : f32
      %broadcast_in_dim3A_1750 = vector.broadcast %jit3A_1749 : f32 to vector<4x128xf32>
      %select_n3A_1751 = arith.select %and3A_1748, %broadcast_in_dim3A_1750, %select_n3A_1723 : vector<4x128xi1>, vector<4x128xf32>
      %scan3A_1752 = arith.constant 6 : i32
      %scan3A_1753 = arith.addi %scan3A_1587, %scan3A_1752 : i32
      %get3A_1754 = arith.index_cast %scan3A_1753 : i32 to index
      %get3A_1755 = arith.constant 0 : index
      %get3A_1756 = arith.constant 0 : index
      %get3A_1757 = vector.load %arg4[%get3A_1754, %get3A_1755, %get3A_1756] : memref<128x4x128xf32, #tpu.memory_space<vmem>>, vector<1x4x128xf32>
      %reshape3A_1758 = vector.shape_cast %get3A_1757 : vector<1x4x128xf32> to vector<4x128xf32>
      %eq3A_1759 = vector.broadcast %scan3A_1753 : i32 to vector<1x128xi32>
      %eq3A_1760 = arith.cmpi eq, %iota3A, %eq3A_1759 : vector<1x128xi32>
      %jit3A_1761 = arith.constant 0.000000e+00 : f32
      %broadcast_in_dim3A_1762 = vector.shape_cast %eq3A_1760 : vector<1x128xi1> to vector<1x128xi1>
      %broadcast_in_dim3A_1763 = vector.broadcast %broadcast_in_dim3A_1762 : vector<1x128xi1> to vector<4x128xi1>
      %broadcast_in_dim3A_1764 = vector.broadcast %jit3A_1761 : f32 to vector<4x128xf32>
      %select_n3A_1765 = arith.select %broadcast_in_dim3A_1763, %select_n3A_1751, %broadcast_in_dim3A_1764 : vector<4x128xi1>, vector<4x128xf32>
      %reduce_sum3A_1766 = arith.constant dense<0.000000e+00> : vector<4xf32>
      %reduce_sum3A_1767 = vector.multi_reduction <add>, %select_n3A_1765, %reduce_sum3A_1766 [1] : vector<4x128xf32> to vector<4xf32>
      %broadcast_in_dim3A_1768 = vector.shape_cast %reduce_sum3A_1767 : vector<4xf32> to vector<4x1xf32>
      %gt3A_1769 = arith.constant 0.000000e+00 : f32
      %gt3A_1770 = vector.broadcast %gt3A_1769 : f32 to vector<4x128xf32>
      %gt3A_1771 = arith.cmpf ogt, %reshape3A_1758, %gt3A_1770 : vector<4x128xf32>
      %gt3A_1772 = arith.constant 0.000000e+00 : f32
      %gt3A_1773 = vector.broadcast %gt3A_1772 : f32 to vector<4x1xf32>
      %gt3A_1774 = arith.cmpf ogt, %broadcast_in_dim3A_1768, %gt3A_1773 : vector<4x1xf32>
      %and3A_1775 = vector.broadcast %gt3A_1774 : vector<4x1xi1> to vector<4x128xi1>
      %and3A_1776 = arith.andi %gt3A_1771, %and3A_1775 : vector<4x128xi1>
      %jit3A_1777 = arith.constant 0.000000e+00 : f32
      %broadcast_in_dim3A_1778 = vector.broadcast %jit3A_1777 : f32 to vector<4x128xf32>
      %select_n3A_1779 = arith.select %and3A_1776, %broadcast_in_dim3A_1778, %select_n3A_1751 : vector<4x128xi1>, vector<4x128xf32>
      %scan3A_1780 = arith.constant 7 : i32
      %scan3A_1781 = arith.addi %scan3A_1587, %scan3A_1780 : i32
      %get3A_1782 = arith.index_cast %scan3A_1781 : i32 to index
      %get3A_1783 = arith.constant 0 : index
      %get3A_1784 = arith.constant 0 : index
      %get3A_1785 = vector.load %arg4[%get3A_1782, %get3A_1783, %get3A_1784] : memref<128x4x128xf32, #tpu.memory_space<vmem>>, vector<1x4x128xf32>
      %reshape3A_1786 = vector.shape_cast %get3A_1785 : vector<1x4x128xf32> to vector<4x128xf32>
      %eq3A_1787 = vector.broadcast %scan3A_1781 : i32 to vector<1x128xi32>
      %eq3A_1788 = arith.cmpi eq, %iota3A, %eq3A_1787 : vector<1x128xi32>
      %jit3A_1789 = arith.constant 0.000000e+00 : f32
      %broadcast_in_dim3A_1790 = vector.shape_cast %eq3A_1788 : vector<1x128xi1> to vector<1x128xi1>
      %broadcast_in_dim3A_1791 = vector.broadcast %broadcast_in_dim3A_1790 : vector<1x128xi1> to vector<4x128xi1>
      %broadcast_in_dim3A_1792 = vector.broadcast %jit3A_1789 : f32 to vector<4x128xf32>
      %select_n3A_1793 = arith.select %broadcast_in_dim3A_1791, %select_n3A_1779, %broadcast_in_dim3A_1792 : vector<4x128xi1>, vector<4x128xf32>
      %reduce_sum3A_1794 = arith.constant dense<0.000000e+00> : vector<4xf32>
      %reduce_sum3A_1795 = vector.multi_reduction <add>, %select_n3A_1793, %reduce_sum3A_1794 [1] : vector<4x128xf32> to vector<4xf32>
      %broadcast_in_dim3A_1796 = vector.shape_cast %reduce_sum3A_1795 : vector<4xf32> to vector<4x1xf32>
      %gt3A_1797 = arith.constant 0.000000e+00 : f32
      %gt3A_1798 = vector.broadcast %gt3A_1797 : f32 to vector<4x128xf32>
      %gt3A_1799 = arith.cmpf ogt, %reshape3A_1786, %gt3A_1798 : vector<4x128xf32>
      %gt3A_1800 = arith.constant 0.000000e+00 : f32
      %gt3A_1801 = vector.broadcast %gt3A_1800 : f32 to vector<4x1xf32>
      %gt3A_1802 = arith.cmpf ogt, %broadcast_in_dim3A_1796, %gt3A_1801 : vector<4x1xf32>
      %and3A_1803 = vector.broadcast %gt3A_1802 : vector<4x1xi1> to vector<4x128xi1>
      %and3A_1804 = arith.andi %gt3A_1799, %and3A_1803 : vector<4x128xi1>
      %jit3A_1805 = arith.constant 0.000000e+00 : f32
      %broadcast_in_dim3A_1806 = vector.broadcast %jit3A_1805 : f32 to vector<4x128xf32>
      %select_n3A_1807 = arith.select %and3A_1804, %broadcast_in_dim3A_1806, %select_n3A_1779 : vector<4x128xi1>, vector<4x128xf32>
      scf.yield %select_n3A_1807 : vector<4x128xf32>
    }
    %scan3A_697 = arith.constant 128 : i32
    %slice3A_698 = vector.extract_strided_slice %select_n3A_680 {offsets = [0, 0, 128], sizes = [128, 4, 1152], strides = [1, 1, 1]} : vector<128x4x1280xf32> to vector<128x4x1152xf32>
    %transpose3A_699 = tpu.transpose %scan3A_696, [1, 0] : vector<4x128xf32> -> vector<128x4xf32>
    %broadcast_in_dim3A_700 = vector.shape_cast %transpose3A_699 : vector<128x4xf32> to vector<128x4x1xf32>
    %mul3A_701 = vector.broadcast %broadcast_in_dim3A_700 : vector<128x4x1xf32> to vector<128x4x1152xf32>
    %mul3A_702 = arith.mulf %slice3A_698, %mul3A_701 : vector<128x4x1152xf32>
    %reduce_max3A_703 = arith.constant dense<0xFF800000> : vector<4x1152xf32>
    %reduce_max3A_704 = vector.multi_reduction <maximumf>, %mul3A_702, %reduce_max3A_703 [0] : vector<128x4x1152xf32> to vector<4x1152xf32>
    %gt3A_705 = arith.constant 0.000000e+00 : f32
    %gt3A_706 = vector.broadcast %gt3A_705 : f32 to vector<4x1152xf32>
    %gt3A_707 = arith.cmpf ogt, %reduce_max3A_704, %gt3A_706 : vector<4x1152xf32>
    %slice3A_708 = vector.extract_strided_slice %concatenate3A_618 {offsets = [0, 896], sizes = [4, 1152], strides = [1, 1]} : vector<4x2048xf32> to vector<4x1152xf32>
    %jit3A_709 = arith.constant 0.000000e+00 : f32
    %broadcast_in_dim3A_710 = vector.broadcast %jit3A_709 : f32 to vector<4x1152xf32>
    %select_n3A_711 = arith.select %gt3A_707, %broadcast_in_dim3A_710, %slice3A_708 : vector<4x1152xi1>, vector<4x1152xf32>
    %slice3A_712 = vector.extract_strided_slice %concatenate3A_618 {offsets = [0, 0], sizes = [4, 768], strides = [1, 1]} : vector<4x2048xf32> to vector<4x768xf32>
    %concatenate3A_713 = tpu.concatenate %slice3A_712, %scan3A_696, %select_n3A_711 in 1 : vector<4x768xf32>, vector<4x128xf32>, vector<4x1152xf32> -> vector<4x2048xf32>
    %slice3A_714 = vector.extract_strided_slice %min3A_6 {offsets = [0, 896], sizes = [4, 128], strides = [1, 1]} : vector<4x2048xf32> to vector<4x128xf32>
    %transpose3A_715 = tpu.transpose %slice3A_714, [1, 0] : vector<4x128xf32> -> vector<128x4xf32>
    %broadcast_in_dim3A_716 = vector.shape_cast %transpose3A_715 : vector<128x4xf32> to vector<128x4x1xf32>
    %slice3A_717 = vector.extract_strided_slice %min3A_17 {offsets = [0, 896], sizes = [4, 128], strides = [1, 1]} : vector<4x2048xf32> to vector<4x128xf32>
    %transpose3A_718 = tpu.transpose %slice3A_717, [1, 0] : vector<4x128xf32> -> vector<128x4xf32>
    %broadcast_in_dim3A_719 = vector.shape_cast %transpose3A_718 : vector<128x4xf32> to vector<128x4x1xf32>
    %slice3A_720 = vector.extract_strided_slice %min3A_28 {offsets = [0, 896], sizes = [4, 128], strides = [1, 1]} : vector<4x2048xf32> to vector<4x128xf32>
    %transpose3A_721 = tpu.transpose %slice3A_720, [1, 0] : vector<4x128xf32> -> vector<128x4xf32>
    %broadcast_in_dim3A_722 = vector.shape_cast %transpose3A_721 : vector<128x4xf32> to vector<128x4x1xf32>
    %slice3A_723 = vector.extract_strided_slice %min3A_39 {offsets = [0, 896], sizes = [4, 128], strides = [1, 1]} : vector<4x2048xf32> to vector<4x128xf32>
    %transpose3A_724 = tpu.transpose %slice3A_723, [1, 0] : vector<4x128xf32> -> vector<128x4xf32>
    %broadcast_in_dim3A_725 = vector.shape_cast %transpose3A_724 : vector<128x4xf32> to vector<128x4x1xf32>
    %slice3A_726 = vector.extract_strided_slice %mul3A {offsets = [0, 896], sizes = [4, 128], strides = [1, 1]} : vector<4x2048xf32> to vector<4x128xf32>
    %transpose3A_727 = tpu.transpose %slice3A_726, [1, 0] : vector<4x128xf32> -> vector<128x4xf32>
    %broadcast_in_dim3A_728 = vector.shape_cast %transpose3A_727 : vector<128x4xf32> to vector<128x4x1xf32>
    %slice3A_729 = vector.extract_strided_slice %min3A_6 {offsets = [0, 896], sizes = [4, 1152], strides = [1, 1]} : vector<4x2048xf32> to vector<4x1152xf32>
    %broadcast_in_dim3A_730 = vector.shape_cast %slice3A_729 : vector<4x1152xf32> to vector<1x4x1152xf32>
    %slice3A_731 = vector.extract_strided_slice %min3A_17 {offsets = [0, 896], sizes = [4, 1152], strides = [1, 1]} : vector<4x2048xf32> to vector<4x1152xf32>
    %broadcast_in_dim3A_732 = vector.shape_cast %slice3A_731 : vector<4x1152xf32> to vector<1x4x1152xf32>
    %slice3A_733 = vector.extract_strided_slice %min3A_28 {offsets = [0, 896], sizes = [4, 1152], strides = [1, 1]} : vector<4x2048xf32> to vector<4x1152xf32>
    %broadcast_in_dim3A_734 = vector.shape_cast %slice3A_733 : vector<4x1152xf32> to vector<1x4x1152xf32>
    %slice3A_735 = vector.extract_strided_slice %min3A_39 {offsets = [0, 896], sizes = [4, 1152], strides = [1, 1]} : vector<4x2048xf32> to vector<4x1152xf32>
    %broadcast_in_dim3A_736 = vector.shape_cast %slice3A_735 : vector<4x1152xf32> to vector<1x4x1152xf32>
    %slice3A_737 = vector.extract_strided_slice %mul3A {offsets = [0, 896], sizes = [4, 1152], strides = [1, 1]} : vector<4x2048xf32> to vector<4x1152xf32>
    %broadcast_in_dim3A_738 = vector.shape_cast %slice3A_737 : vector<4x1152xf32> to vector<1x4x1152xf32>
    %min3A_739 = vector.broadcast %broadcast_in_dim3A_722 : vector<128x4x1xf32> to vector<128x4x1152xf32>
    %min3A_740 = vector.broadcast %broadcast_in_dim3A_734 : vector<1x4x1152xf32> to vector<128x4x1152xf32>
    %min3A_741 = arith.minimumf %min3A_739, %min3A_740 : vector<128x4x1152xf32>
    %max3A_742 = vector.broadcast %broadcast_in_dim3A_716 : vector<128x4x1xf32> to vector<128x4x1152xf32>
    %max3A_743 = vector.broadcast %broadcast_in_dim3A_730 : vector<1x4x1152xf32> to vector<128x4x1152xf32>
    %max3A_744 = arith.maximumf %max3A_742, %max3A_743 : vector<128x4x1152xf32>
    %sub3A_745 = arith.subf %min3A_741, %max3A_744 : vector<128x4x1152xf32>
    %jit3A_746 = arith.constant 0.000000e+00 : f32
    %max3A_747 = vector.broadcast %jit3A_746 : f32 to vector<128x4x1152xf32>
    %max3A_748 = arith.maximumf %max3A_747, %sub3A_745 : vector<128x4x1152xf32>
    %min3A_749 = vector.broadcast %broadcast_in_dim3A_725 : vector<128x4x1xf32> to vector<128x4x1152xf32>
    %min3A_750 = vector.broadcast %broadcast_in_dim3A_736 : vector<1x4x1152xf32> to vector<128x4x1152xf32>
    %min3A_751 = arith.minimumf %min3A_749, %min3A_750 : vector<128x4x1152xf32>
    %max3A_752 = vector.broadcast %broadcast_in_dim3A_719 : vector<128x4x1xf32> to vector<128x4x1152xf32>
    %max3A_753 = vector.broadcast %broadcast_in_dim3A_732 : vector<1x4x1152xf32> to vector<128x4x1152xf32>
    %max3A_754 = arith.maximumf %max3A_752, %max3A_753 : vector<128x4x1152xf32>
    %sub3A_755 = arith.subf %min3A_751, %max3A_754 : vector<128x4x1152xf32>
    %jit3A_756 = arith.constant 0.000000e+00 : f32
    %max3A_757 = vector.broadcast %jit3A_756 : f32 to vector<128x4x1152xf32>
    %max3A_758 = arith.maximumf %max3A_757, %sub3A_755 : vector<128x4x1152xf32>
    %mul3A_759 = arith.mulf %max3A_748, %max3A_758 : vector<128x4x1152xf32>
    %add3A_760 = vector.broadcast %broadcast_in_dim3A_728 : vector<128x4x1xf32> to vector<128x4x1152xf32>
    %add3A_761 = vector.broadcast %broadcast_in_dim3A_738 : vector<1x4x1152xf32> to vector<128x4x1152xf32>
    %add3A_762 = arith.addf %add3A_760, %add3A_761 : vector<128x4x1152xf32>
    %sub3A_763 = arith.subf %add3A_762, %mul3A_759 : vector<128x4x1152xf32>
    %max3A_764 = arith.constant 9.99999971E-10 : f32
    %max3A_765 = vector.broadcast %max3A_764 : f32 to vector<128x4x1152xf32>
    %max3A_766 = arith.maximumf %sub3A_763, %max3A_765 : vector<128x4x1152xf32>
    %div3A_767 = arith.divf %mul3A_759, %max3A_766 : vector<128x4x1152xf32>
    %gt3A_768 = arith.constant 0.699999988 : f32
    %gt3A_769 = vector.broadcast %gt3A_768 : f32 to vector<128x4x1152xf32>
    %gt3A_770 = arith.cmpf ogt, %div3A_767, %gt3A_769 : vector<128x4x1152xf32>
    %jit3A_771 = arith.constant 1.000000e+00 : f32
    %jit3A_772 = arith.constant 0.000000e+00 : f32
    %broadcast_in_dim3A_773 = vector.broadcast %jit3A_771 : f32 to vector<128x4x1152xf32>
    %broadcast_in_dim3A_774 = vector.broadcast %jit3A_772 : f32 to vector<128x4x1152xf32>
    %select_n3A_775 = arith.select %gt3A_770, %broadcast_in_dim3A_773, %broadcast_in_dim3A_774 : vector<128x4x1152xi1>, vector<128x4x1152xf32>
    %slice3A_776 = vector.extract_strided_slice %select_n3A_775 {offsets = [0, 0, 0], sizes = [128, 4, 128], strides = [1, 1, 1]} : vector<128x4x1152xf32> to vector<128x4x128xf32>
    %jit3A_777 = arith.constant 0.000000e+00 : f32
    %broadcast_in_dim3A_778 = vector.shape_cast %gt3A_62 : vector<128x1x128xi1> to vector<128x1x128xi1>
    %broadcast_in_dim3A_779 = vector.broadcast %broadcast_in_dim3A_778 : vector<128x1x128xi1> to vector<128x4x128xi1>
    %broadcast_in_dim3A_780 = vector.broadcast %jit3A_777 : f32 to vector<128x4x128xf32>
    %select_n3A_781 = arith.select %broadcast_in_dim3A_779, %slice3A_776, %broadcast_in_dim3A_780 : vector<128x4x128xi1>, vector<128x4x128xf32>
    %swap3A_782 = arith.constant 0 : index
    %swap3A_783 = arith.constant 0 : index
    %swap3A_784 = arith.constant 0 : index
    %swap3A_785 = vector.load %arg4[%swap3A_782, %swap3A_783, %swap3A_784] : memref<128x4x128xf32, #tpu.memory_space<vmem>>, vector<128x4x128xf32>
    tpu.vector_store %arg4[%swap3A_782, %swap3A_783, %swap3A_784], %select_n3A_781 {strides = array<i32>} : memref<128x4x128xf32, #tpu.memory_space<vmem>>, vector<128x4x128xf32>,
    %slice3A_786 = vector.extract_strided_slice %concatenate3A_713 {offsets = [0, 896], sizes = [4, 128], strides = [1, 1]} : vector<4x2048xf32> to vector<4x128xf32>
    %scan3A_787 = arith.constant 0 : i32
    %scan3A_788 = arith.constant 128 : i32
    %scan3A_789 = arith.addi %scan3A_787, %scan3A_788 : i32
    %scan3A_790 = arith.constant 8 : i32
    %scan3A_791 = scf.for %scan3A_1587 = %scan3A_787 to %scan3A_789 step %scan3A_790 iter_args(%scan3A_1588 = %slice3A_786) -> (vector<4x128xf32>)  : i32 {
      %get3A_1589 = arith.index_cast %scan3A_1587 : i32 to index
      %get3A_1590 = arith.constant 0 : index
      %get3A_1591 = arith.constant 0 : index
      %get3A_1592 = vector.load %arg4[%get3A_1589, %get3A_1590, %get3A_1591] : memref<128x4x128xf32, #tpu.memory_space<vmem>>, vector<1x4x128xf32>
      %reshape3A = vector.shape_cast %get3A_1592 : vector<1x4x128xf32> to vector<4x128xf32>
      %eq3A = vector.broadcast %scan3A_1587 : i32 to vector<1x128xi32>
      %eq3A_1593 = arith.cmpi eq, %iota3A, %eq3A : vector<1x128xi32>
      %jit3A_1594 = arith.constant 0.000000e+00 : f32
      %broadcast_in_dim3A_1595 = vector.shape_cast %eq3A_1593 : vector<1x128xi1> to vector<1x128xi1>
      %broadcast_in_dim3A_1596 = vector.broadcast %broadcast_in_dim3A_1595 : vector<1x128xi1> to vector<4x128xi1>
      %broadcast_in_dim3A_1597 = vector.broadcast %jit3A_1594 : f32 to vector<4x128xf32>
      %select_n3A_1598 = arith.select %broadcast_in_dim3A_1596, %scan3A_1588, %broadcast_in_dim3A_1597 : vector<4x128xi1>, vector<4x128xf32>
      %reduce_sum3A = arith.constant dense<0.000000e+00> : vector<4xf32>
      %reduce_sum3A_1599 = vector.multi_reduction <add>, %select_n3A_1598, %reduce_sum3A [1] : vector<4x128xf32> to vector<4xf32>
      %broadcast_in_dim3A_1600 = vector.shape_cast %reduce_sum3A_1599 : vector<4xf32> to vector<4x1xf32>
      %gt3A_1601 = arith.constant 0.000000e+00 : f32
      %gt3A_1602 = vector.broadcast %gt3A_1601 : f32 to vector<4x128xf32>
      %gt3A_1603 = arith.cmpf ogt, %reshape3A, %gt3A_1602 : vector<4x128xf32>
      %gt3A_1604 = arith.constant 0.000000e+00 : f32
      %gt3A_1605 = vector.broadcast %gt3A_1604 : f32 to vector<4x1xf32>
      %gt3A_1606 = arith.cmpf ogt, %broadcast_in_dim3A_1600, %gt3A_1605 : vector<4x1xf32>
      %and3A_1607 = vector.broadcast %gt3A_1606 : vector<4x1xi1> to vector<4x128xi1>
      %and3A_1608 = arith.andi %gt3A_1603, %and3A_1607 : vector<4x128xi1>
      %jit3A_1609 = arith.constant 0.000000e+00 : f32
      %broadcast_in_dim3A_1610 = vector.broadcast %jit3A_1609 : f32 to vector<4x128xf32>
      %select_n3A_1611 = arith.select %and3A_1608, %broadcast_in_dim3A_1610, %scan3A_1588 : vector<4x128xi1>, vector<4x128xf32>
      %scan3A_1612 = arith.constant 1 : i32
      %scan3A_1613 = arith.addi %scan3A_1587, %scan3A_1612 : i32
      %get3A_1614 = arith.index_cast %scan3A_1613 : i32 to index
      %get3A_1615 = arith.constant 0 : index
      %get3A_1616 = arith.constant 0 : index
      %get3A_1617 = vector.load %arg4[%get3A_1614, %get3A_1615, %get3A_1616] : memref<128x4x128xf32, #tpu.memory_space<vmem>>, vector<1x4x128xf32>
      %reshape3A_1618 = vector.shape_cast %get3A_1617 : vector<1x4x128xf32> to vector<4x128xf32>
      %eq3A_1619 = vector.broadcast %scan3A_1613 : i32 to vector<1x128xi32>
      %eq3A_1620 = arith.cmpi eq, %iota3A, %eq3A_1619 : vector<1x128xi32>
      %jit3A_1621 = arith.constant 0.000000e+00 : f32
      %broadcast_in_dim3A_1622 = vector.shape_cast %eq3A_1620 : vector<1x128xi1> to vector<1x128xi1>
      %broadcast_in_dim3A_1623 = vector.broadcast %broadcast_in_dim3A_1622 : vector<1x128xi1> to vector<4x128xi1>
      %broadcast_in_dim3A_1624 = vector.broadcast %jit3A_1621 : f32 to vector<4x128xf32>
      %select_n3A_1625 = arith.select %broadcast_in_dim3A_1623, %select_n3A_1611, %broadcast_in_dim3A_1624 : vector<4x128xi1>, vector<4x128xf32>
      %reduce_sum3A_1626 = arith.constant dense<0.000000e+00> : vector<4xf32>
      %reduce_sum3A_1627 = vector.multi_reduction <add>, %select_n3A_1625, %reduce_sum3A_1626 [1] : vector<4x128xf32> to vector<4xf32>
      %broadcast_in_dim3A_1628 = vector.shape_cast %reduce_sum3A_1627 : vector<4xf32> to vector<4x1xf32>
      %gt3A_1629 = arith.constant 0.000000e+00 : f32
      %gt3A_1630 = vector.broadcast %gt3A_1629 : f32 to vector<4x128xf32>
      %gt3A_1631 = arith.cmpf ogt, %reshape3A_1618, %gt3A_1630 : vector<4x128xf32>
      %gt3A_1632 = arith.constant 0.000000e+00 : f32
      %gt3A_1633 = vector.broadcast %gt3A_1632 : f32 to vector<4x1xf32>
      %gt3A_1634 = arith.cmpf ogt, %broadcast_in_dim3A_1628, %gt3A_1633 : vector<4x1xf32>
      %and3A_1635 = vector.broadcast %gt3A_1634 : vector<4x1xi1> to vector<4x128xi1>
      %and3A_1636 = arith.andi %gt3A_1631, %and3A_1635 : vector<4x128xi1>
      %jit3A_1637 = arith.constant 0.000000e+00 : f32
      %broadcast_in_dim3A_1638 = vector.broadcast %jit3A_1637 : f32 to vector<4x128xf32>
      %select_n3A_1639 = arith.select %and3A_1636, %broadcast_in_dim3A_1638, %select_n3A_1611 : vector<4x128xi1>, vector<4x128xf32>
      %scan3A_1640 = arith.constant 2 : i32
      %scan3A_1641 = arith.addi %scan3A_1587, %scan3A_1640 : i32
      %get3A_1642 = arith.index_cast %scan3A_1641 : i32 to index
      %get3A_1643 = arith.constant 0 : index
      %get3A_1644 = arith.constant 0 : index
      %get3A_1645 = vector.load %arg4[%get3A_1642, %get3A_1643, %get3A_1644] : memref<128x4x128xf32, #tpu.memory_space<vmem>>, vector<1x4x128xf32>
      %reshape3A_1646 = vector.shape_cast %get3A_1645 : vector<1x4x128xf32> to vector<4x128xf32>
      %eq3A_1647 = vector.broadcast %scan3A_1641 : i32 to vector<1x128xi32>
      %eq3A_1648 = arith.cmpi eq, %iota3A, %eq3A_1647 : vector<1x128xi32>
      %jit3A_1649 = arith.constant 0.000000e+00 : f32
      %broadcast_in_dim3A_1650 = vector.shape_cast %eq3A_1648 : vector<1x128xi1> to vector<1x128xi1>
      %broadcast_in_dim3A_1651 = vector.broadcast %broadcast_in_dim3A_1650 : vector<1x128xi1> to vector<4x128xi1>
      %broadcast_in_dim3A_1652 = vector.broadcast %jit3A_1649 : f32 to vector<4x128xf32>
      %select_n3A_1653 = arith.select %broadcast_in_dim3A_1651, %select_n3A_1639, %broadcast_in_dim3A_1652 : vector<4x128xi1>, vector<4x128xf32>
      %reduce_sum3A_1654 = arith.constant dense<0.000000e+00> : vector<4xf32>
      %reduce_sum3A_1655 = vector.multi_reduction <add>, %select_n3A_1653, %reduce_sum3A_1654 [1] : vector<4x128xf32> to vector<4xf32>
      %broadcast_in_dim3A_1656 = vector.shape_cast %reduce_sum3A_1655 : vector<4xf32> to vector<4x1xf32>
      %gt3A_1657 = arith.constant 0.000000e+00 : f32
      %gt3A_1658 = vector.broadcast %gt3A_1657 : f32 to vector<4x128xf32>
      %gt3A_1659 = arith.cmpf ogt, %reshape3A_1646, %gt3A_1658 : vector<4x128xf32>
      %gt3A_1660 = arith.constant 0.000000e+00 : f32
      %gt3A_1661 = vector.broadcast %gt3A_1660 : f32 to vector<4x1xf32>
      %gt3A_1662 = arith.cmpf ogt, %broadcast_in_dim3A_1656, %gt3A_1661 : vector<4x1xf32>
      %and3A_1663 = vector.broadcast %gt3A_1662 : vector<4x1xi1> to vector<4x128xi1>
      %and3A_1664 = arith.andi %gt3A_1659, %and3A_1663 : vector<4x128xi1>
      %jit3A_1665 = arith.constant 0.000000e+00 : f32
      %broadcast_in_dim3A_1666 = vector.broadcast %jit3A_1665 : f32 to vector<4x128xf32>
      %select_n3A_1667 = arith.select %and3A_1664, %broadcast_in_dim3A_1666, %select_n3A_1639 : vector<4x128xi1>, vector<4x128xf32>
      %scan3A_1668 = arith.constant 3 : i32
      %scan3A_1669 = arith.addi %scan3A_1587, %scan3A_1668 : i32
      %get3A_1670 = arith.index_cast %scan3A_1669 : i32 to index
      %get3A_1671 = arith.constant 0 : index
      %get3A_1672 = arith.constant 0 : index
      %get3A_1673 = vector.load %arg4[%get3A_1670, %get3A_1671, %get3A_1672] : memref<128x4x128xf32, #tpu.memory_space<vmem>>, vector<1x4x128xf32>
      %reshape3A_1674 = vector.shape_cast %get3A_1673 : vector<1x4x128xf32> to vector<4x128xf32>
      %eq3A_1675 = vector.broadcast %scan3A_1669 : i32 to vector<1x128xi32>
      %eq3A_1676 = arith.cmpi eq, %iota3A, %eq3A_1675 : vector<1x128xi32>
      %jit3A_1677 = arith.constant 0.000000e+00 : f32
      %broadcast_in_dim3A_1678 = vector.shape_cast %eq3A_1676 : vector<1x128xi1> to vector<1x128xi1>
      %broadcast_in_dim3A_1679 = vector.broadcast %broadcast_in_dim3A_1678 : vector<1x128xi1> to vector<4x128xi1>
      %broadcast_in_dim3A_1680 = vector.broadcast %jit3A_1677 : f32 to vector<4x128xf32>
      %select_n3A_1681 = arith.select %broadcast_in_dim3A_1679, %select_n3A_1667, %broadcast_in_dim3A_1680 : vector<4x128xi1>, vector<4x128xf32>
      %reduce_sum3A_1682 = arith.constant dense<0.000000e+00> : vector<4xf32>
      %reduce_sum3A_1683 = vector.multi_reduction <add>, %select_n3A_1681, %reduce_sum3A_1682 [1] : vector<4x128xf32> to vector<4xf32>
      %broadcast_in_dim3A_1684 = vector.shape_cast %reduce_sum3A_1683 : vector<4xf32> to vector<4x1xf32>
      %gt3A_1685 = arith.constant 0.000000e+00 : f32
      %gt3A_1686 = vector.broadcast %gt3A_1685 : f32 to vector<4x128xf32>
      %gt3A_1687 = arith.cmpf ogt, %reshape3A_1674, %gt3A_1686 : vector<4x128xf32>
      %gt3A_1688 = arith.constant 0.000000e+00 : f32
      %gt3A_1689 = vector.broadcast %gt3A_1688 : f32 to vector<4x1xf32>
      %gt3A_1690 = arith.cmpf ogt, %broadcast_in_dim3A_1684, %gt3A_1689 : vector<4x1xf32>
      %and3A_1691 = vector.broadcast %gt3A_1690 : vector<4x1xi1> to vector<4x128xi1>
      %and3A_1692 = arith.andi %gt3A_1687, %and3A_1691 : vector<4x128xi1>
      %jit3A_1693 = arith.constant 0.000000e+00 : f32
      %broadcast_in_dim3A_1694 = vector.broadcast %jit3A_1693 : f32 to vector<4x128xf32>
      %select_n3A_1695 = arith.select %and3A_1692, %broadcast_in_dim3A_1694, %select_n3A_1667 : vector<4x128xi1>, vector<4x128xf32>
      %scan3A_1696 = arith.constant 4 : i32
      %scan3A_1697 = arith.addi %scan3A_1587, %scan3A_1696 : i32
      %get3A_1698 = arith.index_cast %scan3A_1697 : i32 to index
      %get3A_1699 = arith.constant 0 : index
      %get3A_1700 = arith.constant 0 : index
      %get3A_1701 = vector.load %arg4[%get3A_1698, %get3A_1699, %get3A_1700] : memref<128x4x128xf32, #tpu.memory_space<vmem>>, vector<1x4x128xf32>
      %reshape3A_1702 = vector.shape_cast %get3A_1701 : vector<1x4x128xf32> to vector<4x128xf32>
      %eq3A_1703 = vector.broadcast %scan3A_1697 : i32 to vector<1x128xi32>
      %eq3A_1704 = arith.cmpi eq, %iota3A, %eq3A_1703 : vector<1x128xi32>
      %jit3A_1705 = arith.constant 0.000000e+00 : f32
      %broadcast_in_dim3A_1706 = vector.shape_cast %eq3A_1704 : vector<1x128xi1> to vector<1x128xi1>
      %broadcast_in_dim3A_1707 = vector.broadcast %broadcast_in_dim3A_1706 : vector<1x128xi1> to vector<4x128xi1>
      %broadcast_in_dim3A_1708 = vector.broadcast %jit3A_1705 : f32 to vector<4x128xf32>
      %select_n3A_1709 = arith.select %broadcast_in_dim3A_1707, %select_n3A_1695, %broadcast_in_dim3A_1708 : vector<4x128xi1>, vector<4x128xf32>
      %reduce_sum3A_1710 = arith.constant dense<0.000000e+00> : vector<4xf32>
      %reduce_sum3A_1711 = vector.multi_reduction <add>, %select_n3A_1709, %reduce_sum3A_1710 [1] : vector<4x128xf32> to vector<4xf32>
      %broadcast_in_dim3A_1712 = vector.shape_cast %reduce_sum3A_1711 : vector<4xf32> to vector<4x1xf32>
      %gt3A_1713 = arith.constant 0.000000e+00 : f32
      %gt3A_1714 = vector.broadcast %gt3A_1713 : f32 to vector<4x128xf32>
      %gt3A_1715 = arith.cmpf ogt, %reshape3A_1702, %gt3A_1714 : vector<4x128xf32>
      %gt3A_1716 = arith.constant 0.000000e+00 : f32
      %gt3A_1717 = vector.broadcast %gt3A_1716 : f32 to vector<4x1xf32>
      %gt3A_1718 = arith.cmpf ogt, %broadcast_in_dim3A_1712, %gt3A_1717 : vector<4x1xf32>
      %and3A_1719 = vector.broadcast %gt3A_1718 : vector<4x1xi1> to vector<4x128xi1>
      %and3A_1720 = arith.andi %gt3A_1715, %and3A_1719 : vector<4x128xi1>
      %jit3A_1721 = arith.constant 0.000000e+00 : f32
      %broadcast_in_dim3A_1722 = vector.broadcast %jit3A_1721 : f32 to vector<4x128xf32>
      %select_n3A_1723 = arith.select %and3A_1720, %broadcast_in_dim3A_1722, %select_n3A_1695 : vector<4x128xi1>, vector<4x128xf32>
      %scan3A_1724 = arith.constant 5 : i32
      %scan3A_1725 = arith.addi %scan3A_1587, %scan3A_1724 : i32
      %get3A_1726 = arith.index_cast %scan3A_1725 : i32 to index
      %get3A_1727 = arith.constant 0 : index
      %get3A_1728 = arith.constant 0 : index
      %get3A_1729 = vector.load %arg4[%get3A_1726, %get3A_1727, %get3A_1728] : memref<128x4x128xf32, #tpu.memory_space<vmem>>, vector<1x4x128xf32>
      %reshape3A_1730 = vector.shape_cast %get3A_1729 : vector<1x4x128xf32> to vector<4x128xf32>
      %eq3A_1731 = vector.broadcast %scan3A_1725 : i32 to vector<1x128xi32>
      %eq3A_1732 = arith.cmpi eq, %iota3A, %eq3A_1731 : vector<1x128xi32>
      %jit3A_1733 = arith.constant 0.000000e+00 : f32
      %broadcast_in_dim3A_1734 = vector.shape_cast %eq3A_1732 : vector<1x128xi1> to vector<1x128xi1>
      %broadcast_in_dim3A_1735 = vector.broadcast %broadcast_in_dim3A_1734 : vector<1x128xi1> to vector<4x128xi1>
      %broadcast_in_dim3A_1736 = vector.broadcast %jit3A_1733 : f32 to vector<4x128xf32>
      %select_n3A_1737 = arith.select %broadcast_in_dim3A_1735, %select_n3A_1723, %broadcast_in_dim3A_1736 : vector<4x128xi1>, vector<4x128xf32>
      %reduce_sum3A_1738 = arith.constant dense<0.000000e+00> : vector<4xf32>
      %reduce_sum3A_1739 = vector.multi_reduction <add>, %select_n3A_1737, %reduce_sum3A_1738 [1] : vector<4x128xf32> to vector<4xf32>
      %broadcast_in_dim3A_1740 = vector.shape_cast %reduce_sum3A_1739 : vector<4xf32> to vector<4x1xf32>
      %gt3A_1741 = arith.constant 0.000000e+00 : f32
      %gt3A_1742 = vector.broadcast %gt3A_1741 : f32 to vector<4x128xf32>
      %gt3A_1743 = arith.cmpf ogt, %reshape3A_1730, %gt3A_1742 : vector<4x128xf32>
      %gt3A_1744 = arith.constant 0.000000e+00 : f32
      %gt3A_1745 = vector.broadcast %gt3A_1744 : f32 to vector<4x1xf32>
      %gt3A_1746 = arith.cmpf ogt, %broadcast_in_dim3A_1740, %gt3A_1745 : vector<4x1xf32>
      %and3A_1747 = vector.broadcast %gt3A_1746 : vector<4x1xi1> to vector<4x128xi1>
      %and3A_1748 = arith.andi %gt3A_1743, %and3A_1747 : vector<4x128xi1>
      %jit3A_1749 = arith.constant 0.000000e+00 : f32
      %broadcast_in_dim3A_1750 = vector.broadcast %jit3A_1749 : f32 to vector<4x128xf32>
      %select_n3A_1751 = arith.select %and3A_1748, %broadcast_in_dim3A_1750, %select_n3A_1723 : vector<4x128xi1>, vector<4x128xf32>
      %scan3A_1752 = arith.constant 6 : i32
      %scan3A_1753 = arith.addi %scan3A_1587, %scan3A_1752 : i32
      %get3A_1754 = arith.index_cast %scan3A_1753 : i32 to index
      %get3A_1755 = arith.constant 0 : index
      %get3A_1756 = arith.constant 0 : index
      %get3A_1757 = vector.load %arg4[%get3A_1754, %get3A_1755, %get3A_1756] : memref<128x4x128xf32, #tpu.memory_space<vmem>>, vector<1x4x128xf32>
      %reshape3A_1758 = vector.shape_cast %get3A_1757 : vector<1x4x128xf32> to vector<4x128xf32>
      %eq3A_1759 = vector.broadcast %scan3A_1753 : i32 to vector<1x128xi32>
      %eq3A_1760 = arith.cmpi eq, %iota3A, %eq3A_1759 : vector<1x128xi32>
      %jit3A_1761 = arith.constant 0.000000e+00 : f32
      %broadcast_in_dim3A_1762 = vector.shape_cast %eq3A_1760 : vector<1x128xi1> to vector<1x128xi1>
      %broadcast_in_dim3A_1763 = vector.broadcast %broadcast_in_dim3A_1762 : vector<1x128xi1> to vector<4x128xi1>
      %broadcast_in_dim3A_1764 = vector.broadcast %jit3A_1761 : f32 to vector<4x128xf32>
      %select_n3A_1765 = arith.select %broadcast_in_dim3A_1763, %select_n3A_1751, %broadcast_in_dim3A_1764 : vector<4x128xi1>, vector<4x128xf32>
      %reduce_sum3A_1766 = arith.constant dense<0.000000e+00> : vector<4xf32>
      %reduce_sum3A_1767 = vector.multi_reduction <add>, %select_n3A_1765, %reduce_sum3A_1766 [1] : vector<4x128xf32> to vector<4xf32>
      %broadcast_in_dim3A_1768 = vector.shape_cast %reduce_sum3A_1767 : vector<4xf32> to vector<4x1xf32>
      %gt3A_1769 = arith.constant 0.000000e+00 : f32
      %gt3A_1770 = vector.broadcast %gt3A_1769 : f32 to vector<4x128xf32>
      %gt3A_1771 = arith.cmpf ogt, %reshape3A_1758, %gt3A_1770 : vector<4x128xf32>
      %gt3A_1772 = arith.constant 0.000000e+00 : f32
      %gt3A_1773 = vector.broadcast %gt3A_1772 : f32 to vector<4x1xf32>
      %gt3A_1774 = arith.cmpf ogt, %broadcast_in_dim3A_1768, %gt3A_1773 : vector<4x1xf32>
      %and3A_1775 = vector.broadcast %gt3A_1774 : vector<4x1xi1> to vector<4x128xi1>
      %and3A_1776 = arith.andi %gt3A_1771, %and3A_1775 : vector<4x128xi1>
      %jit3A_1777 = arith.constant 0.000000e+00 : f32
      %broadcast_in_dim3A_1778 = vector.broadcast %jit3A_1777 : f32 to vector<4x128xf32>
      %select_n3A_1779 = arith.select %and3A_1776, %broadcast_in_dim3A_1778, %select_n3A_1751 : vector<4x128xi1>, vector<4x128xf32>
      %scan3A_1780 = arith.constant 7 : i32
      %scan3A_1781 = arith.addi %scan3A_1587, %scan3A_1780 : i32
      %get3A_1782 = arith.index_cast %scan3A_1781 : i32 to index
      %get3A_1783 = arith.constant 0 : index
      %get3A_1784 = arith.constant 0 : index
      %get3A_1785 = vector.load %arg4[%get3A_1782, %get3A_1783, %get3A_1784] : memref<128x4x128xf32, #tpu.memory_space<vmem>>, vector<1x4x128xf32>
      %reshape3A_1786 = vector.shape_cast %get3A_1785 : vector<1x4x128xf32> to vector<4x128xf32>
      %eq3A_1787 = vector.broadcast %scan3A_1781 : i32 to vector<1x128xi32>
      %eq3A_1788 = arith.cmpi eq, %iota3A, %eq3A_1787 : vector<1x128xi32>
      %jit3A_1789 = arith.constant 0.000000e+00 : f32
      %broadcast_in_dim3A_1790 = vector.shape_cast %eq3A_1788 : vector<1x128xi1> to vector<1x128xi1>
      %broadcast_in_dim3A_1791 = vector.broadcast %broadcast_in_dim3A_1790 : vector<1x128xi1> to vector<4x128xi1>
      %broadcast_in_dim3A_1792 = vector.broadcast %jit3A_1789 : f32 to vector<4x128xf32>
      %select_n3A_1793 = arith.select %broadcast_in_dim3A_1791, %select_n3A_1779, %broadcast_in_dim3A_1792 : vector<4x128xi1>, vector<4x128xf32>
      %reduce_sum3A_1794 = arith.constant dense<0.000000e+00> : vector<4xf32>
      %reduce_sum3A_1795 = vector.multi_reduction <add>, %select_n3A_1793, %reduce_sum3A_1794 [1] : vector<4x128xf32> to vector<4xf32>
      %broadcast_in_dim3A_1796 = vector.shape_cast %reduce_sum3A_1795 : vector<4xf32> to vector<4x1xf32>
      %gt3A_1797 = arith.constant 0.000000e+00 : f32
      %gt3A_1798 = vector.broadcast %gt3A_1797 : f32 to vector<4x128xf32>
      %gt3A_1799 = arith.cmpf ogt, %reshape3A_1786, %gt3A_1798 : vector<4x128xf32>
      %gt3A_1800 = arith.constant 0.000000e+00 : f32
      %gt3A_1801 = vector.broadcast %gt3A_1800 : f32 to vector<4x1xf32>
      %gt3A_1802 = arith.cmpf ogt, %broadcast_in_dim3A_1796, %gt3A_1801 : vector<4x1xf32>
      %and3A_1803 = vector.broadcast %gt3A_1802 : vector<4x1xi1> to vector<4x128xi1>
      %and3A_1804 = arith.andi %gt3A_1799, %and3A_1803 : vector<4x128xi1>
      %jit3A_1805 = arith.constant 0.000000e+00 : f32
      %broadcast_in_dim3A_1806 = vector.broadcast %jit3A_1805 : f32 to vector<4x128xf32>
      %select_n3A_1807 = arith.select %and3A_1804, %broadcast_in_dim3A_1806, %select_n3A_1779 : vector<4x128xi1>, vector<4x128xf32>
      scf.yield %select_n3A_1807 : vector<4x128xf32>
    }
    %scan3A_792 = arith.constant 128 : i32
    %slice3A_793 = vector.extract_strided_slice %select_n3A_775 {offsets = [0, 0, 128], sizes = [128, 4, 1024], strides = [1, 1, 1]} : vector<128x4x1152xf32> to vector<128x4x1024xf32>
    %transpose3A_794 = tpu.transpose %scan3A_791, [1, 0] : vector<4x128xf32> -> vector<128x4xf32>
    %broadcast_in_dim3A_795 = vector.shape_cast %transpose3A_794 : vector<128x4xf32> to vector<128x4x1xf32>
    %mul3A_796 = vector.broadcast %broadcast_in_dim3A_795 : vector<128x4x1xf32> to vector<128x4x1024xf32>
    %mul3A_797 = arith.mulf %slice3A_793, %mul3A_796 : vector<128x4x1024xf32>
    %reduce_max3A_798 = arith.constant dense<0xFF800000> : vector<4x1024xf32>
    %reduce_max3A_799 = vector.multi_reduction <maximumf>, %mul3A_797, %reduce_max3A_798 [0] : vector<128x4x1024xf32> to vector<4x1024xf32>
    %gt3A_800 = arith.constant 0.000000e+00 : f32
    %gt3A_801 = vector.broadcast %gt3A_800 : f32 to vector<4x1024xf32>
    %gt3A_802 = arith.cmpf ogt, %reduce_max3A_799, %gt3A_801 : vector<4x1024xf32>
    %slice3A_803 = vector.extract_strided_slice %concatenate3A_713 {offsets = [0, 1024], sizes = [4, 1024], strides = [1, 1]} : vector<4x2048xf32> to vector<4x1024xf32>
    %jit3A_804 = arith.constant 0.000000e+00 : f32
    %broadcast_in_dim3A_805 = vector.broadcast %jit3A_804 : f32 to vector<4x1024xf32>
    %select_n3A_806 = arith.select %gt3A_802, %broadcast_in_dim3A_805, %slice3A_803 : vector<4x1024xi1>, vector<4x1024xf32>
    %slice3A_807 = vector.extract_strided_slice %concatenate3A_713 {offsets = [0, 0], sizes = [4, 896], strides = [1, 1]} : vector<4x2048xf32> to vector<4x896xf32>
    %concatenate3A_808 = tpu.concatenate %slice3A_807, %scan3A_791, %select_n3A_806 in 1 : vector<4x896xf32>, vector<4x128xf32>, vector<4x1024xf32> -> vector<4x2048xf32>
    %slice3A_809 = vector.extract_strided_slice %min3A_6 {offsets = [0, 1024], sizes = [4, 128], strides = [1, 1]} : vector<4x2048xf32> to vector<4x128xf32>
    %transpose3A_810 = tpu.transpose %slice3A_809, [1, 0] : vector<4x128xf32> -> vector<128x4xf32>
    %broadcast_in_dim3A_811 = vector.shape_cast %transpose3A_810 : vector<128x4xf32> to vector<128x4x1xf32>
    %slice3A_812 = vector.extract_strided_slice %min3A_17 {offsets = [0, 1024], sizes = [4, 128], strides = [1, 1]} : vector<4x2048xf32> to vector<4x128xf32>
    %transpose3A_813 = tpu.transpose %slice3A_812, [1, 0] : vector<4x128xf32> -> vector<128x4xf32>
    %broadcast_in_dim3A_814 = vector.shape_cast %transpose3A_813 : vector<128x4xf32> to vector<128x4x1xf32>
    %slice3A_815 = vector.extract_strided_slice %min3A_28 {offsets = [0, 1024], sizes = [4, 128], strides = [1, 1]} : vector<4x2048xf32> to vector<4x128xf32>
    %transpose3A_816 = tpu.transpose %slice3A_815, [1, 0] : vector<4x128xf32> -> vector<128x4xf32>
    %broadcast_in_dim3A_817 = vector.shape_cast %transpose3A_816 : vector<128x4xf32> to vector<128x4x1xf32>
    %slice3A_818 = vector.extract_strided_slice %min3A_39 {offsets = [0, 1024], sizes = [4, 128], strides = [1, 1]} : vector<4x2048xf32> to vector<4x128xf32>
    %transpose3A_819 = tpu.transpose %slice3A_818, [1, 0] : vector<4x128xf32> -> vector<128x4xf32>
    %broadcast_in_dim3A_820 = vector.shape_cast %transpose3A_819 : vector<128x4xf32> to vector<128x4x1xf32>
    %slice3A_821 = vector.extract_strided_slice %mul3A {offsets = [0, 1024], sizes = [4, 128], strides = [1, 1]} : vector<4x2048xf32> to vector<4x128xf32>
    %transpose3A_822 = tpu.transpose %slice3A_821, [1, 0] : vector<4x128xf32> -> vector<128x4xf32>
    %broadcast_in_dim3A_823 = vector.shape_cast %transpose3A_822 : vector<128x4xf32> to vector<128x4x1xf32>
    %slice3A_824 = vector.extract_strided_slice %min3A_6 {offsets = [0, 1024], sizes = [4, 1024], strides = [1, 1]} : vector<4x2048xf32> to vector<4x1024xf32>
    %broadcast_in_dim3A_825 = vector.shape_cast %slice3A_824 : vector<4x1024xf32> to vector<1x4x1024xf32>
    %slice3A_826 = vector.extract_strided_slice %min3A_17 {offsets = [0, 1024], sizes = [4, 1024], strides = [1, 1]} : vector<4x2048xf32> to vector<4x1024xf32>
    %broadcast_in_dim3A_827 = vector.shape_cast %slice3A_826 : vector<4x1024xf32> to vector<1x4x1024xf32>
    %slice3A_828 = vector.extract_strided_slice %min3A_28 {offsets = [0, 1024], sizes = [4, 1024], strides = [1, 1]} : vector<4x2048xf32> to vector<4x1024xf32>
    %broadcast_in_dim3A_829 = vector.shape_cast %slice3A_828 : vector<4x1024xf32> to vector<1x4x1024xf32>
    %slice3A_830 = vector.extract_strided_slice %min3A_39 {offsets = [0, 1024], sizes = [4, 1024], strides = [1, 1]} : vector<4x2048xf32> to vector<4x1024xf32>
    %broadcast_in_dim3A_831 = vector.shape_cast %slice3A_830 : vector<4x1024xf32> to vector<1x4x1024xf32>
    %slice3A_832 = vector.extract_strided_slice %mul3A {offsets = [0, 1024], sizes = [4, 1024], strides = [1, 1]} : vector<4x2048xf32> to vector<4x1024xf32>
    %broadcast_in_dim3A_833 = vector.shape_cast %slice3A_832 : vector<4x1024xf32> to vector<1x4x1024xf32>
    %min3A_834 = vector.broadcast %broadcast_in_dim3A_817 : vector<128x4x1xf32> to vector<128x4x1024xf32>
    %min3A_835 = vector.broadcast %broadcast_in_dim3A_829 : vector<1x4x1024xf32> to vector<128x4x1024xf32>
    %min3A_836 = arith.minimumf %min3A_834, %min3A_835 : vector<128x4x1024xf32>
    %max3A_837 = vector.broadcast %broadcast_in_dim3A_811 : vector<128x4x1xf32> to vector<128x4x1024xf32>
    %max3A_838 = vector.broadcast %broadcast_in_dim3A_825 : vector<1x4x1024xf32> to vector<128x4x1024xf32>
    %max3A_839 = arith.maximumf %max3A_837, %max3A_838 : vector<128x4x1024xf32>
    %sub3A_840 = arith.subf %min3A_836, %max3A_839 : vector<128x4x1024xf32>
    %jit3A_841 = arith.constant 0.000000e+00 : f32
    %max3A_842 = vector.broadcast %jit3A_841 : f32 to vector<128x4x1024xf32>
    %max3A_843 = arith.maximumf %max3A_842, %sub3A_840 : vector<128x4x1024xf32>
    %min3A_844 = vector.broadcast %broadcast_in_dim3A_820 : vector<128x4x1xf32> to vector<128x4x1024xf32>
    %min3A_845 = vector.broadcast %broadcast_in_dim3A_831 : vector<1x4x1024xf32> to vector<128x4x1024xf32>
    %min3A_846 = arith.minimumf %min3A_844, %min3A_845 : vector<128x4x1024xf32>
    %max3A_847 = vector.broadcast %broadcast_in_dim3A_814 : vector<128x4x1xf32> to vector<128x4x1024xf32>
    %max3A_848 = vector.broadcast %broadcast_in_dim3A_827 : vector<1x4x1024xf32> to vector<128x4x1024xf32>
    %max3A_849 = arith.maximumf %max3A_847, %max3A_848 : vector<128x4x1024xf32>
    %sub3A_850 = arith.subf %min3A_846, %max3A_849 : vector<128x4x1024xf32>
    %jit3A_851 = arith.constant 0.000000e+00 : f32
    %max3A_852 = vector.broadcast %jit3A_851 : f32 to vector<128x4x1024xf32>
    %max3A_853 = arith.maximumf %max3A_852, %sub3A_850 : vector<128x4x1024xf32>
    %mul3A_854 = arith.mulf %max3A_843, %max3A_853 : vector<128x4x1024xf32>
    %add3A_855 = vector.broadcast %broadcast_in_dim3A_823 : vector<128x4x1xf32> to vector<128x4x1024xf32>
    %add3A_856 = vector.broadcast %broadcast_in_dim3A_833 : vector<1x4x1024xf32> to vector<128x4x1024xf32>
    %add3A_857 = arith.addf %add3A_855, %add3A_856 : vector<128x4x1024xf32>
    %sub3A_858 = arith.subf %add3A_857, %mul3A_854 : vector<128x4x1024xf32>
    %max3A_859 = arith.constant 9.99999971E-10 : f32
    %max3A_860 = vector.broadcast %max3A_859 : f32 to vector<128x4x1024xf32>
    %max3A_861 = arith.maximumf %sub3A_858, %max3A_860 : vector<128x4x1024xf32>
    %div3A_862 = arith.divf %mul3A_854, %max3A_861 : vector<128x4x1024xf32>
    %gt3A_863 = arith.constant 0.699999988 : f32
    %gt3A_864 = vector.broadcast %gt3A_863 : f32 to vector<128x4x1024xf32>
    %gt3A_865 = arith.cmpf ogt, %div3A_862, %gt3A_864 : vector<128x4x1024xf32>
    %jit3A_866 = arith.constant 1.000000e+00 : f32
    %jit3A_867 = arith.constant 0.000000e+00 : f32
    %broadcast_in_dim3A_868 = vector.broadcast %jit3A_866 : f32 to vector<128x4x1024xf32>
    %broadcast_in_dim3A_869 = vector.broadcast %jit3A_867 : f32 to vector<128x4x1024xf32>
    %select_n3A_870 = arith.select %gt3A_865, %broadcast_in_dim3A_868, %broadcast_in_dim3A_869 : vector<128x4x1024xi1>, vector<128x4x1024xf32>
    %slice3A_871 = vector.extract_strided_slice %select_n3A_870 {offsets = [0, 0, 0], sizes = [128, 4, 128], strides = [1, 1, 1]} : vector<128x4x1024xf32> to vector<128x4x128xf32>
    %jit3A_872 = arith.constant 0.000000e+00 : f32
    %broadcast_in_dim3A_873 = vector.shape_cast %gt3A_62 : vector<128x1x128xi1> to vector<128x1x128xi1>
    %broadcast_in_dim3A_874 = vector.broadcast %broadcast_in_dim3A_873 : vector<128x1x128xi1> to vector<128x4x128xi1>
    %broadcast_in_dim3A_875 = vector.broadcast %jit3A_872 : f32 to vector<128x4x128xf32>
    %select_n3A_876 = arith.select %broadcast_in_dim3A_874, %slice3A_871, %broadcast_in_dim3A_875 : vector<128x4x128xi1>, vector<128x4x128xf32>
    %swap3A_877 = arith.constant 0 : index
    %swap3A_878 = arith.constant 0 : index
    %swap3A_879 = arith.constant 0 : index
    %swap3A_880 = vector.load %arg4[%swap3A_877, %swap3A_878, %swap3A_879] : memref<128x4x128xf32, #tpu.memory_space<vmem>>, vector<128x4x128xf32>
    tpu.vector_store %arg4[%swap3A_877, %swap3A_878, %swap3A_879], %select_n3A_876 {strides = array<i32>} : memref<128x4x128xf32, #tpu.memory_space<vmem>>, vector<128x4x128xf32>,
    %slice3A_881 = vector.extract_strided_slice %concatenate3A_808 {offsets = [0, 1024], sizes = [4, 128], strides = [1, 1]} : vector<4x2048xf32> to vector<4x128xf32>
    %scan3A_882 = arith.constant 0 : i32
    %scan3A_883 = arith.constant 128 : i32
    %scan3A_884 = arith.addi %scan3A_882, %scan3A_883 : i32
    %scan3A_885 = arith.constant 8 : i32
    %scan3A_886 = scf.for %scan3A_1587 = %scan3A_882 to %scan3A_884 step %scan3A_885 iter_args(%scan3A_1588 = %slice3A_881) -> (vector<4x128xf32>)  : i32 {
      %get3A_1589 = arith.index_cast %scan3A_1587 : i32 to index
      %get3A_1590 = arith.constant 0 : index
      %get3A_1591 = arith.constant 0 : index
      %get3A_1592 = vector.load %arg4[%get3A_1589, %get3A_1590, %get3A_1591] : memref<128x4x128xf32, #tpu.memory_space<vmem>>, vector<1x4x128xf32>
      %reshape3A = vector.shape_cast %get3A_1592 : vector<1x4x128xf32> to vector<4x128xf32>
      %eq3A = vector.broadcast %scan3A_1587 : i32 to vector<1x128xi32>
      %eq3A_1593 = arith.cmpi eq, %iota3A, %eq3A : vector<1x128xi32>
      %jit3A_1594 = arith.constant 0.000000e+00 : f32
      %broadcast_in_dim3A_1595 = vector.shape_cast %eq3A_1593 : vector<1x128xi1> to vector<1x128xi1>
      %broadcast_in_dim3A_1596 = vector.broadcast %broadcast_in_dim3A_1595 : vector<1x128xi1> to vector<4x128xi1>
      %broadcast_in_dim3A_1597 = vector.broadcast %jit3A_1594 : f32 to vector<4x128xf32>
      %select_n3A_1598 = arith.select %broadcast_in_dim3A_1596, %scan3A_1588, %broadcast_in_dim3A_1597 : vector<4x128xi1>, vector<4x128xf32>
      %reduce_sum3A = arith.constant dense<0.000000e+00> : vector<4xf32>
      %reduce_sum3A_1599 = vector.multi_reduction <add>, %select_n3A_1598, %reduce_sum3A [1] : vector<4x128xf32> to vector<4xf32>
      %broadcast_in_dim3A_1600 = vector.shape_cast %reduce_sum3A_1599 : vector<4xf32> to vector<4x1xf32>
      %gt3A_1601 = arith.constant 0.000000e+00 : f32
      %gt3A_1602 = vector.broadcast %gt3A_1601 : f32 to vector<4x128xf32>
      %gt3A_1603 = arith.cmpf ogt, %reshape3A, %gt3A_1602 : vector<4x128xf32>
      %gt3A_1604 = arith.constant 0.000000e+00 : f32
      %gt3A_1605 = vector.broadcast %gt3A_1604 : f32 to vector<4x1xf32>
      %gt3A_1606 = arith.cmpf ogt, %broadcast_in_dim3A_1600, %gt3A_1605 : vector<4x1xf32>
      %and3A_1607 = vector.broadcast %gt3A_1606 : vector<4x1xi1> to vector<4x128xi1>
      %and3A_1608 = arith.andi %gt3A_1603, %and3A_1607 : vector<4x128xi1>
      %jit3A_1609 = arith.constant 0.000000e+00 : f32
      %broadcast_in_dim3A_1610 = vector.broadcast %jit3A_1609 : f32 to vector<4x128xf32>
      %select_n3A_1611 = arith.select %and3A_1608, %broadcast_in_dim3A_1610, %scan3A_1588 : vector<4x128xi1>, vector<4x128xf32>
      %scan3A_1612 = arith.constant 1 : i32
      %scan3A_1613 = arith.addi %scan3A_1587, %scan3A_1612 : i32
      %get3A_1614 = arith.index_cast %scan3A_1613 : i32 to index
      %get3A_1615 = arith.constant 0 : index
      %get3A_1616 = arith.constant 0 : index
      %get3A_1617 = vector.load %arg4[%get3A_1614, %get3A_1615, %get3A_1616] : memref<128x4x128xf32, #tpu.memory_space<vmem>>, vector<1x4x128xf32>
      %reshape3A_1618 = vector.shape_cast %get3A_1617 : vector<1x4x128xf32> to vector<4x128xf32>
      %eq3A_1619 = vector.broadcast %scan3A_1613 : i32 to vector<1x128xi32>
      %eq3A_1620 = arith.cmpi eq, %iota3A, %eq3A_1619 : vector<1x128xi32>
      %jit3A_1621 = arith.constant 0.000000e+00 : f32
      %broadcast_in_dim3A_1622 = vector.shape_cast %eq3A_1620 : vector<1x128xi1> to vector<1x128xi1>
      %broadcast_in_dim3A_1623 = vector.broadcast %broadcast_in_dim3A_1622 : vector<1x128xi1> to vector<4x128xi1>
      %broadcast_in_dim3A_1624 = vector.broadcast %jit3A_1621 : f32 to vector<4x128xf32>
      %select_n3A_1625 = arith.select %broadcast_in_dim3A_1623, %select_n3A_1611, %broadcast_in_dim3A_1624 : vector<4x128xi1>, vector<4x128xf32>
      %reduce_sum3A_1626 = arith.constant dense<0.000000e+00> : vector<4xf32>
      %reduce_sum3A_1627 = vector.multi_reduction <add>, %select_n3A_1625, %reduce_sum3A_1626 [1] : vector<4x128xf32> to vector<4xf32>
      %broadcast_in_dim3A_1628 = vector.shape_cast %reduce_sum3A_1627 : vector<4xf32> to vector<4x1xf32>
      %gt3A_1629 = arith.constant 0.000000e+00 : f32
      %gt3A_1630 = vector.broadcast %gt3A_1629 : f32 to vector<4x128xf32>
      %gt3A_1631 = arith.cmpf ogt, %reshape3A_1618, %gt3A_1630 : vector<4x128xf32>
      %gt3A_1632 = arith.constant 0.000000e+00 : f32
      %gt3A_1633 = vector.broadcast %gt3A_1632 : f32 to vector<4x1xf32>
      %gt3A_1634 = arith.cmpf ogt, %broadcast_in_dim3A_1628, %gt3A_1633 : vector<4x1xf32>
      %and3A_1635 = vector.broadcast %gt3A_1634 : vector<4x1xi1> to vector<4x128xi1>
      %and3A_1636 = arith.andi %gt3A_1631, %and3A_1635 : vector<4x128xi1>
      %jit3A_1637 = arith.constant 0.000000e+00 : f32
      %broadcast_in_dim3A_1638 = vector.broadcast %jit3A_1637 : f32 to vector<4x128xf32>
      %select_n3A_1639 = arith.select %and3A_1636, %broadcast_in_dim3A_1638, %select_n3A_1611 : vector<4x128xi1>, vector<4x128xf32>
      %scan3A_1640 = arith.constant 2 : i32
      %scan3A_1641 = arith.addi %scan3A_1587, %scan3A_1640 : i32
      %get3A_1642 = arith.index_cast %scan3A_1641 : i32 to index
      %get3A_1643 = arith.constant 0 : index
      %get3A_1644 = arith.constant 0 : index
      %get3A_1645 = vector.load %arg4[%get3A_1642, %get3A_1643, %get3A_1644] : memref<128x4x128xf32, #tpu.memory_space<vmem>>, vector<1x4x128xf32>
      %reshape3A_1646 = vector.shape_cast %get3A_1645 : vector<1x4x128xf32> to vector<4x128xf32>
      %eq3A_1647 = vector.broadcast %scan3A_1641 : i32 to vector<1x128xi32>
      %eq3A_1648 = arith.cmpi eq, %iota3A, %eq3A_1647 : vector<1x128xi32>
      %jit3A_1649 = arith.constant 0.000000e+00 : f32
      %broadcast_in_dim3A_1650 = vector.shape_cast %eq3A_1648 : vector<1x128xi1> to vector<1x128xi1>
      %broadcast_in_dim3A_1651 = vector.broadcast %broadcast_in_dim3A_1650 : vector<1x128xi1> to vector<4x128xi1>
      %broadcast_in_dim3A_1652 = vector.broadcast %jit3A_1649 : f32 to vector<4x128xf32>
      %select_n3A_1653 = arith.select %broadcast_in_dim3A_1651, %select_n3A_1639, %broadcast_in_dim3A_1652 : vector<4x128xi1>, vector<4x128xf32>
      %reduce_sum3A_1654 = arith.constant dense<0.000000e+00> : vector<4xf32>
      %reduce_sum3A_1655 = vector.multi_reduction <add>, %select_n3A_1653, %reduce_sum3A_1654 [1] : vector<4x128xf32> to vector<4xf32>
      %broadcast_in_dim3A_1656 = vector.shape_cast %reduce_sum3A_1655 : vector<4xf32> to vector<4x1xf32>
      %gt3A_1657 = arith.constant 0.000000e+00 : f32
      %gt3A_1658 = vector.broadcast %gt3A_1657 : f32 to vector<4x128xf32>
      %gt3A_1659 = arith.cmpf ogt, %reshape3A_1646, %gt3A_1658 : vector<4x128xf32>
      %gt3A_1660 = arith.constant 0.000000e+00 : f32
      %gt3A_1661 = vector.broadcast %gt3A_1660 : f32 to vector<4x1xf32>
      %gt3A_1662 = arith.cmpf ogt, %broadcast_in_dim3A_1656, %gt3A_1661 : vector<4x1xf32>
      %and3A_1663 = vector.broadcast %gt3A_1662 : vector<4x1xi1> to vector<4x128xi1>
      %and3A_1664 = arith.andi %gt3A_1659, %and3A_1663 : vector<4x128xi1>
      %jit3A_1665 = arith.constant 0.000000e+00 : f32
      %broadcast_in_dim3A_1666 = vector.broadcast %jit3A_1665 : f32 to vector<4x128xf32>
      %select_n3A_1667 = arith.select %and3A_1664, %broadcast_in_dim3A_1666, %select_n3A_1639 : vector<4x128xi1>, vector<4x128xf32>
      %scan3A_1668 = arith.constant 3 : i32
      %scan3A_1669 = arith.addi %scan3A_1587, %scan3A_1668 : i32
      %get3A_1670 = arith.index_cast %scan3A_1669 : i32 to index
      %get3A_1671 = arith.constant 0 : index
      %get3A_1672 = arith.constant 0 : index
      %get3A_1673 = vector.load %arg4[%get3A_1670, %get3A_1671, %get3A_1672] : memref<128x4x128xf32, #tpu.memory_space<vmem>>, vector<1x4x128xf32>
      %reshape3A_1674 = vector.shape_cast %get3A_1673 : vector<1x4x128xf32> to vector<4x128xf32>
      %eq3A_1675 = vector.broadcast %scan3A_1669 : i32 to vector<1x128xi32>
      %eq3A_1676 = arith.cmpi eq, %iota3A, %eq3A_1675 : vector<1x128xi32>
      %jit3A_1677 = arith.constant 0.000000e+00 : f32
      %broadcast_in_dim3A_1678 = vector.shape_cast %eq3A_1676 : vector<1x128xi1> to vector<1x128xi1>
      %broadcast_in_dim3A_1679 = vector.broadcast %broadcast_in_dim3A_1678 : vector<1x128xi1> to vector<4x128xi1>
      %broadcast_in_dim3A_1680 = vector.broadcast %jit3A_1677 : f32 to vector<4x128xf32>
      %select_n3A_1681 = arith.select %broadcast_in_dim3A_1679, %select_n3A_1667, %broadcast_in_dim3A_1680 : vector<4x128xi1>, vector<4x128xf32>
      %reduce_sum3A_1682 = arith.constant dense<0.000000e+00> : vector<4xf32>
      %reduce_sum3A_1683 = vector.multi_reduction <add>, %select_n3A_1681, %reduce_sum3A_1682 [1] : vector<4x128xf32> to vector<4xf32>
      %broadcast_in_dim3A_1684 = vector.shape_cast %reduce_sum3A_1683 : vector<4xf32> to vector<4x1xf32>
      %gt3A_1685 = arith.constant 0.000000e+00 : f32
      %gt3A_1686 = vector.broadcast %gt3A_1685 : f32 to vector<4x128xf32>
      %gt3A_1687 = arith.cmpf ogt, %reshape3A_1674, %gt3A_1686 : vector<4x128xf32>
      %gt3A_1688 = arith.constant 0.000000e+00 : f32
      %gt3A_1689 = vector.broadcast %gt3A_1688 : f32 to vector<4x1xf32>
      %gt3A_1690 = arith.cmpf ogt, %broadcast_in_dim3A_1684, %gt3A_1689 : vector<4x1xf32>
      %and3A_1691 = vector.broadcast %gt3A_1690 : vector<4x1xi1> to vector<4x128xi1>
      %and3A_1692 = arith.andi %gt3A_1687, %and3A_1691 : vector<4x128xi1>
      %jit3A_1693 = arith.constant 0.000000e+00 : f32
      %broadcast_in_dim3A_1694 = vector.broadcast %jit3A_1693 : f32 to vector<4x128xf32>
      %select_n3A_1695 = arith.select %and3A_1692, %broadcast_in_dim3A_1694, %select_n3A_1667 : vector<4x128xi1>, vector<4x128xf32>
      %scan3A_1696 = arith.constant 4 : i32
      %scan3A_1697 = arith.addi %scan3A_1587, %scan3A_1696 : i32
      %get3A_1698 = arith.index_cast %scan3A_1697 : i32 to index
      %get3A_1699 = arith.constant 0 : index
      %get3A_1700 = arith.constant 0 : index
      %get3A_1701 = vector.load %arg4[%get3A_1698, %get3A_1699, %get3A_1700] : memref<128x4x128xf32, #tpu.memory_space<vmem>>, vector<1x4x128xf32>
      %reshape3A_1702 = vector.shape_cast %get3A_1701 : vector<1x4x128xf32> to vector<4x128xf32>
      %eq3A_1703 = vector.broadcast %scan3A_1697 : i32 to vector<1x128xi32>
      %eq3A_1704 = arith.cmpi eq, %iota3A, %eq3A_1703 : vector<1x128xi32>
      %jit3A_1705 = arith.constant 0.000000e+00 : f32
      %broadcast_in_dim3A_1706 = vector.shape_cast %eq3A_1704 : vector<1x128xi1> to vector<1x128xi1>
      %broadcast_in_dim3A_1707 = vector.broadcast %broadcast_in_dim3A_1706 : vector<1x128xi1> to vector<4x128xi1>
      %broadcast_in_dim3A_1708 = vector.broadcast %jit3A_1705 : f32 to vector<4x128xf32>
      %select_n3A_1709 = arith.select %broadcast_in_dim3A_1707, %select_n3A_1695, %broadcast_in_dim3A_1708 : vector<4x128xi1>, vector<4x128xf32>
      %reduce_sum3A_1710 = arith.constant dense<0.000000e+00> : vector<4xf32>
      %reduce_sum3A_1711 = vector.multi_reduction <add>, %select_n3A_1709, %reduce_sum3A_1710 [1] : vector<4x128xf32> to vector<4xf32>
      %broadcast_in_dim3A_1712 = vector.shape_cast %reduce_sum3A_1711 : vector<4xf32> to vector<4x1xf32>
      %gt3A_1713 = arith.constant 0.000000e+00 : f32
      %gt3A_1714 = vector.broadcast %gt3A_1713 : f32 to vector<4x128xf32>
      %gt3A_1715 = arith.cmpf ogt, %reshape3A_1702, %gt3A_1714 : vector<4x128xf32>
      %gt3A_1716 = arith.constant 0.000000e+00 : f32
      %gt3A_1717 = vector.broadcast %gt3A_1716 : f32 to vector<4x1xf32>
      %gt3A_1718 = arith.cmpf ogt, %broadcast_in_dim3A_1712, %gt3A_1717 : vector<4x1xf32>
      %and3A_1719 = vector.broadcast %gt3A_1718 : vector<4x1xi1> to vector<4x128xi1>
      %and3A_1720 = arith.andi %gt3A_1715, %and3A_1719 : vector<4x128xi1>
      %jit3A_1721 = arith.constant 0.000000e+00 : f32
      %broadcast_in_dim3A_1722 = vector.broadcast %jit3A_1721 : f32 to vector<4x128xf32>
      %select_n3A_1723 = arith.select %and3A_1720, %broadcast_in_dim3A_1722, %select_n3A_1695 : vector<4x128xi1>, vector<4x128xf32>
      %scan3A_1724 = arith.constant 5 : i32
      %scan3A_1725 = arith.addi %scan3A_1587, %scan3A_1724 : i32
      %get3A_1726 = arith.index_cast %scan3A_1725 : i32 to index
      %get3A_1727 = arith.constant 0 : index
      %get3A_1728 = arith.constant 0 : index
      %get3A_1729 = vector.load %arg4[%get3A_1726, %get3A_1727, %get3A_1728] : memref<128x4x128xf32, #tpu.memory_space<vmem>>, vector<1x4x128xf32>
      %reshape3A_1730 = vector.shape_cast %get3A_1729 : vector<1x4x128xf32> to vector<4x128xf32>
      %eq3A_1731 = vector.broadcast %scan3A_1725 : i32 to vector<1x128xi32>
      %eq3A_1732 = arith.cmpi eq, %iota3A, %eq3A_1731 : vector<1x128xi32>
      %jit3A_1733 = arith.constant 0.000000e+00 : f32
      %broadcast_in_dim3A_1734 = vector.shape_cast %eq3A_1732 : vector<1x128xi1> to vector<1x128xi1>
      %broadcast_in_dim3A_1735 = vector.broadcast %broadcast_in_dim3A_1734 : vector<1x128xi1> to vector<4x128xi1>
      %broadcast_in_dim3A_1736 = vector.broadcast %jit3A_1733 : f32 to vector<4x128xf32>
      %select_n3A_1737 = arith.select %broadcast_in_dim3A_1735, %select_n3A_1723, %broadcast_in_dim3A_1736 : vector<4x128xi1>, vector<4x128xf32>
      %reduce_sum3A_1738 = arith.constant dense<0.000000e+00> : vector<4xf32>
      %reduce_sum3A_1739 = vector.multi_reduction <add>, %select_n3A_1737, %reduce_sum3A_1738 [1] : vector<4x128xf32> to vector<4xf32>
      %broadcast_in_dim3A_1740 = vector.shape_cast %reduce_sum3A_1739 : vector<4xf32> to vector<4x1xf32>
      %gt3A_1741 = arith.constant 0.000000e+00 : f32
      %gt3A_1742 = vector.broadcast %gt3A_1741 : f32 to vector<4x128xf32>
      %gt3A_1743 = arith.cmpf ogt, %reshape3A_1730, %gt3A_1742 : vector<4x128xf32>
      %gt3A_1744 = arith.constant 0.000000e+00 : f32
      %gt3A_1745 = vector.broadcast %gt3A_1744 : f32 to vector<4x1xf32>
      %gt3A_1746 = arith.cmpf ogt, %broadcast_in_dim3A_1740, %gt3A_1745 : vector<4x1xf32>
      %and3A_1747 = vector.broadcast %gt3A_1746 : vector<4x1xi1> to vector<4x128xi1>
      %and3A_1748 = arith.andi %gt3A_1743, %and3A_1747 : vector<4x128xi1>
      %jit3A_1749 = arith.constant 0.000000e+00 : f32
      %broadcast_in_dim3A_1750 = vector.broadcast %jit3A_1749 : f32 to vector<4x128xf32>
      %select_n3A_1751 = arith.select %and3A_1748, %broadcast_in_dim3A_1750, %select_n3A_1723 : vector<4x128xi1>, vector<4x128xf32>
      %scan3A_1752 = arith.constant 6 : i32
      %scan3A_1753 = arith.addi %scan3A_1587, %scan3A_1752 : i32
      %get3A_1754 = arith.index_cast %scan3A_1753 : i32 to index
      %get3A_1755 = arith.constant 0 : index
      %get3A_1756 = arith.constant 0 : index
      %get3A_1757 = vector.load %arg4[%get3A_1754, %get3A_1755, %get3A_1756] : memref<128x4x128xf32, #tpu.memory_space<vmem>>, vector<1x4x128xf32>
      %reshape3A_1758 = vector.shape_cast %get3A_1757 : vector<1x4x128xf32> to vector<4x128xf32>
      %eq3A_1759 = vector.broadcast %scan3A_1753 : i32 to vector<1x128xi32>
      %eq3A_1760 = arith.cmpi eq, %iota3A, %eq3A_1759 : vector<1x128xi32>
      %jit3A_1761 = arith.constant 0.000000e+00 : f32
      %broadcast_in_dim3A_1762 = vector.shape_cast %eq3A_1760 : vector<1x128xi1> to vector<1x128xi1>
      %broadcast_in_dim3A_1763 = vector.broadcast %broadcast_in_dim3A_1762 : vector<1x128xi1> to vector<4x128xi1>
      %broadcast_in_dim3A_1764 = vector.broadcast %jit3A_1761 : f32 to vector<4x128xf32>
      %select_n3A_1765 = arith.select %broadcast_in_dim3A_1763, %select_n3A_1751, %broadcast_in_dim3A_1764 : vector<4x128xi1>, vector<4x128xf32>
      %reduce_sum3A_1766 = arith.constant dense<0.000000e+00> : vector<4xf32>
      %reduce_sum3A_1767 = vector.multi_reduction <add>, %select_n3A_1765, %reduce_sum3A_1766 [1] : vector<4x128xf32> to vector<4xf32>
      %broadcast_in_dim3A_1768 = vector.shape_cast %reduce_sum3A_1767 : vector<4xf32> to vector<4x1xf32>
      %gt3A_1769 = arith.constant 0.000000e+00 : f32
      %gt3A_1770 = vector.broadcast %gt3A_1769 : f32 to vector<4x128xf32>
      %gt3A_1771 = arith.cmpf ogt, %reshape3A_1758, %gt3A_1770 : vector<4x128xf32>
      %gt3A_1772 = arith.constant 0.000000e+00 : f32
      %gt3A_1773 = vector.broadcast %gt3A_1772 : f32 to vector<4x1xf32>
      %gt3A_1774 = arith.cmpf ogt, %broadcast_in_dim3A_1768, %gt3A_1773 : vector<4x1xf32>
      %and3A_1775 = vector.broadcast %gt3A_1774 : vector<4x1xi1> to vector<4x128xi1>
      %and3A_1776 = arith.andi %gt3A_1771, %and3A_1775 : vector<4x128xi1>
      %jit3A_1777 = arith.constant 0.000000e+00 : f32
      %broadcast_in_dim3A_1778 = vector.broadcast %jit3A_1777 : f32 to vector<4x128xf32>
      %select_n3A_1779 = arith.select %and3A_1776, %broadcast_in_dim3A_1778, %select_n3A_1751 : vector<4x128xi1>, vector<4x128xf32>
      %scan3A_1780 = arith.constant 7 : i32
      %scan3A_1781 = arith.addi %scan3A_1587, %scan3A_1780 : i32
      %get3A_1782 = arith.index_cast %scan3A_1781 : i32 to index
      %get3A_1783 = arith.constant 0 : index
      %get3A_1784 = arith.constant 0 : index
      %get3A_1785 = vector.load %arg4[%get3A_1782, %get3A_1783, %get3A_1784] : memref<128x4x128xf32, #tpu.memory_space<vmem>>, vector<1x4x128xf32>
      %reshape3A_1786 = vector.shape_cast %get3A_1785 : vector<1x4x128xf32> to vector<4x128xf32>
      %eq3A_1787 = vector.broadcast %scan3A_1781 : i32 to vector<1x128xi32>
      %eq3A_1788 = arith.cmpi eq, %iota3A, %eq3A_1787 : vector<1x128xi32>
      %jit3A_1789 = arith.constant 0.000000e+00 : f32
      %broadcast_in_dim3A_1790 = vector.shape_cast %eq3A_1788 : vector<1x128xi1> to vector<1x128xi1>
      %broadcast_in_dim3A_1791 = vector.broadcast %broadcast_in_dim3A_1790 : vector<1x128xi1> to vector<4x128xi1>
      %broadcast_in_dim3A_1792 = vector.broadcast %jit3A_1789 : f32 to vector<4x128xf32>
      %select_n3A_1793 = arith.select %broadcast_in_dim3A_1791, %select_n3A_1779, %broadcast_in_dim3A_1792 : vector<4x128xi1>, vector<4x128xf32>
      %reduce_sum3A_1794 = arith.constant dense<0.000000e+00> : vector<4xf32>
      %reduce_sum3A_1795 = vector.multi_reduction <add>, %select_n3A_1793, %reduce_sum3A_1794 [1] : vector<4x128xf32> to vector<4xf32>
      %broadcast_in_dim3A_1796 = vector.shape_cast %reduce_sum3A_1795 : vector<4xf32> to vector<4x1xf32>
      %gt3A_1797 = arith.constant 0.000000e+00 : f32
      %gt3A_1798 = vector.broadcast %gt3A_1797 : f32 to vector<4x128xf32>
      %gt3A_1799 = arith.cmpf ogt, %reshape3A_1786, %gt3A_1798 : vector<4x128xf32>
      %gt3A_1800 = arith.constant 0.000000e+00 : f32
      %gt3A_1801 = vector.broadcast %gt3A_1800 : f32 to vector<4x1xf32>
      %gt3A_1802 = arith.cmpf ogt, %broadcast_in_dim3A_1796, %gt3A_1801 : vector<4x1xf32>
      %and3A_1803 = vector.broadcast %gt3A_1802 : vector<4x1xi1> to vector<4x128xi1>
      %and3A_1804 = arith.andi %gt3A_1799, %and3A_1803 : vector<4x128xi1>
      %jit3A_1805 = arith.constant 0.000000e+00 : f32
      %broadcast_in_dim3A_1806 = vector.broadcast %jit3A_1805 : f32 to vector<4x128xf32>
      %select_n3A_1807 = arith.select %and3A_1804, %broadcast_in_dim3A_1806, %select_n3A_1779 : vector<4x128xi1>, vector<4x128xf32>
      scf.yield %select_n3A_1807 : vector<4x128xf32>
    }
    %scan3A_887 = arith.constant 128 : i32
    %slice3A_888 = vector.extract_strided_slice %select_n3A_870 {offsets = [0, 0, 128], sizes = [128, 4, 896], strides = [1, 1, 1]} : vector<128x4x1024xf32> to vector<128x4x896xf32>
    %transpose3A_889 = tpu.transpose %scan3A_886, [1, 0] : vector<4x128xf32> -> vector<128x4xf32>
    %broadcast_in_dim3A_890 = vector.shape_cast %transpose3A_889 : vector<128x4xf32> to vector<128x4x1xf32>
    %mul3A_891 = vector.broadcast %broadcast_in_dim3A_890 : vector<128x4x1xf32> to vector<128x4x896xf32>
    %mul3A_892 = arith.mulf %slice3A_888, %mul3A_891 : vector<128x4x896xf32>
    %reduce_max3A_893 = arith.constant dense<0xFF800000> : vector<4x896xf32>
    %reduce_max3A_894 = vector.multi_reduction <maximumf>, %mul3A_892, %reduce_max3A_893 [0] : vector<128x4x896xf32> to vector<4x896xf32>
    %gt3A_895 = arith.constant 0.000000e+00 : f32
    %gt3A_896 = vector.broadcast %gt3A_895 : f32 to vector<4x896xf32>
    %gt3A_897 = arith.cmpf ogt, %reduce_max3A_894, %gt3A_896 : vector<4x896xf32>
    %slice3A_898 = vector.extract_strided_slice %concatenate3A_808 {offsets = [0, 1152], sizes = [4, 896], strides = [1, 1]} : vector<4x2048xf32> to vector<4x896xf32>
    %jit3A_899 = arith.constant 0.000000e+00 : f32
    %broadcast_in_dim3A_900 = vector.broadcast %jit3A_899 : f32 to vector<4x896xf32>
    %select_n3A_901 = arith.select %gt3A_897, %broadcast_in_dim3A_900, %slice3A_898 : vector<4x896xi1>, vector<4x896xf32>
    %slice3A_902 = vector.extract_strided_slice %concatenate3A_808 {offsets = [0, 0], sizes = [4, 1024], strides = [1, 1]} : vector<4x2048xf32> to vector<4x1024xf32>
    %concatenate3A_903 = tpu.concatenate %slice3A_902, %scan3A_886, %select_n3A_901 in 1 : vector<4x1024xf32>, vector<4x128xf32>, vector<4x896xf32> -> vector<4x2048xf32>
    %slice3A_904 = vector.extract_strided_slice %min3A_6 {offsets = [0, 1152], sizes = [4, 128], strides = [1, 1]} : vector<4x2048xf32> to vector<4x128xf32>
    %transpose3A_905 = tpu.transpose %slice3A_904, [1, 0] : vector<4x128xf32> -> vector<128x4xf32>
    %broadcast_in_dim3A_906 = vector.shape_cast %transpose3A_905 : vector<128x4xf32> to vector<128x4x1xf32>
    %slice3A_907 = vector.extract_strided_slice %min3A_17 {offsets = [0, 1152], sizes = [4, 128], strides = [1, 1]} : vector<4x2048xf32> to vector<4x128xf32>
    %transpose3A_908 = tpu.transpose %slice3A_907, [1, 0] : vector<4x128xf32> -> vector<128x4xf32>
    %broadcast_in_dim3A_909 = vector.shape_cast %transpose3A_908 : vector<128x4xf32> to vector<128x4x1xf32>
    %slice3A_910 = vector.extract_strided_slice %min3A_28 {offsets = [0, 1152], sizes = [4, 128], strides = [1, 1]} : vector<4x2048xf32> to vector<4x128xf32>
    %transpose3A_911 = tpu.transpose %slice3A_910, [1, 0] : vector<4x128xf32> -> vector<128x4xf32>
    %broadcast_in_dim3A_912 = vector.shape_cast %transpose3A_911 : vector<128x4xf32> to vector<128x4x1xf32>
    %slice3A_913 = vector.extract_strided_slice %min3A_39 {offsets = [0, 1152], sizes = [4, 128], strides = [1, 1]} : vector<4x2048xf32> to vector<4x128xf32>
    %transpose3A_914 = tpu.transpose %slice3A_913, [1, 0] : vector<4x128xf32> -> vector<128x4xf32>
    %broadcast_in_dim3A_915 = vector.shape_cast %transpose3A_914 : vector<128x4xf32> to vector<128x4x1xf32>
    %slice3A_916 = vector.extract_strided_slice %mul3A {offsets = [0, 1152], sizes = [4, 128], strides = [1, 1]} : vector<4x2048xf32> to vector<4x128xf32>
    %transpose3A_917 = tpu.transpose %slice3A_916, [1, 0] : vector<4x128xf32> -> vector<128x4xf32>
    %broadcast_in_dim3A_918 = vector.shape_cast %transpose3A_917 : vector<128x4xf32> to vector<128x4x1xf32>
    %slice3A_919 = vector.extract_strided_slice %min3A_6 {offsets = [0, 1152], sizes = [4, 896], strides = [1, 1]} : vector<4x2048xf32> to vector<4x896xf32>
    %broadcast_in_dim3A_920 = vector.shape_cast %slice3A_919 : vector<4x896xf32> to vector<1x4x896xf32>
    %slice3A_921 = vector.extract_strided_slice %min3A_17 {offsets = [0, 1152], sizes = [4, 896], strides = [1, 1]} : vector<4x2048xf32> to vector<4x896xf32>
    %broadcast_in_dim3A_922 = vector.shape_cast %slice3A_921 : vector<4x896xf32> to vector<1x4x896xf32>
    %slice3A_923 = vector.extract_strided_slice %min3A_28 {offsets = [0, 1152], sizes = [4, 896], strides = [1, 1]} : vector<4x2048xf32> to vector<4x896xf32>
    %broadcast_in_dim3A_924 = vector.shape_cast %slice3A_923 : vector<4x896xf32> to vector<1x4x896xf32>
    %slice3A_925 = vector.extract_strided_slice %min3A_39 {offsets = [0, 1152], sizes = [4, 896], strides = [1, 1]} : vector<4x2048xf32> to vector<4x896xf32>
    %broadcast_in_dim3A_926 = vector.shape_cast %slice3A_925 : vector<4x896xf32> to vector<1x4x896xf32>
    %slice3A_927 = vector.extract_strided_slice %mul3A {offsets = [0, 1152], sizes = [4, 896], strides = [1, 1]} : vector<4x2048xf32> to vector<4x896xf32>
    %broadcast_in_dim3A_928 = vector.shape_cast %slice3A_927 : vector<4x896xf32> to vector<1x4x896xf32>
    %min3A_929 = vector.broadcast %broadcast_in_dim3A_912 : vector<128x4x1xf32> to vector<128x4x896xf32>
    %min3A_930 = vector.broadcast %broadcast_in_dim3A_924 : vector<1x4x896xf32> to vector<128x4x896xf32>
    %min3A_931 = arith.minimumf %min3A_929, %min3A_930 : vector<128x4x896xf32>
    %max3A_932 = vector.broadcast %broadcast_in_dim3A_906 : vector<128x4x1xf32> to vector<128x4x896xf32>
    %max3A_933 = vector.broadcast %broadcast_in_dim3A_920 : vector<1x4x896xf32> to vector<128x4x896xf32>
    %max3A_934 = arith.maximumf %max3A_932, %max3A_933 : vector<128x4x896xf32>
    %sub3A_935 = arith.subf %min3A_931, %max3A_934 : vector<128x4x896xf32>
    %jit3A_936 = arith.constant 0.000000e+00 : f32
    %max3A_937 = vector.broadcast %jit3A_936 : f32 to vector<128x4x896xf32>
    %max3A_938 = arith.maximumf %max3A_937, %sub3A_935 : vector<128x4x896xf32>
    %min3A_939 = vector.broadcast %broadcast_in_dim3A_915 : vector<128x4x1xf32> to vector<128x4x896xf32>
    %min3A_940 = vector.broadcast %broadcast_in_dim3A_926 : vector<1x4x896xf32> to vector<128x4x896xf32>
    %min3A_941 = arith.minimumf %min3A_939, %min3A_940 : vector<128x4x896xf32>
    %max3A_942 = vector.broadcast %broadcast_in_dim3A_909 : vector<128x4x1xf32> to vector<128x4x896xf32>
    %max3A_943 = vector.broadcast %broadcast_in_dim3A_922 : vector<1x4x896xf32> to vector<128x4x896xf32>
    %max3A_944 = arith.maximumf %max3A_942, %max3A_943 : vector<128x4x896xf32>
    %sub3A_945 = arith.subf %min3A_941, %max3A_944 : vector<128x4x896xf32>
    %jit3A_946 = arith.constant 0.000000e+00 : f32
    %max3A_947 = vector.broadcast %jit3A_946 : f32 to vector<128x4x896xf32>
    %max3A_948 = arith.maximumf %max3A_947, %sub3A_945 : vector<128x4x896xf32>
    %mul3A_949 = arith.mulf %max3A_938, %max3A_948 : vector<128x4x896xf32>
    %add3A_950 = vector.broadcast %broadcast_in_dim3A_918 : vector<128x4x1xf32> to vector<128x4x896xf32>
    %add3A_951 = vector.broadcast %broadcast_in_dim3A_928 : vector<1x4x896xf32> to vector<128x4x896xf32>
    %add3A_952 = arith.addf %add3A_950, %add3A_951 : vector<128x4x896xf32>
    %sub3A_953 = arith.subf %add3A_952, %mul3A_949 : vector<128x4x896xf32>
    %max3A_954 = arith.constant 9.99999971E-10 : f32
    %max3A_955 = vector.broadcast %max3A_954 : f32 to vector<128x4x896xf32>
    %max3A_956 = arith.maximumf %sub3A_953, %max3A_955 : vector<128x4x896xf32>
    %div3A_957 = arith.divf %mul3A_949, %max3A_956 : vector<128x4x896xf32>
    %gt3A_958 = arith.constant 0.699999988 : f32
    %gt3A_959 = vector.broadcast %gt3A_958 : f32 to vector<128x4x896xf32>
    %gt3A_960 = arith.cmpf ogt, %div3A_957, %gt3A_959 : vector<128x4x896xf32>
    %jit3A_961 = arith.constant 1.000000e+00 : f32
    %jit3A_962 = arith.constant 0.000000e+00 : f32
    %broadcast_in_dim3A_963 = vector.broadcast %jit3A_961 : f32 to vector<128x4x896xf32>
    %broadcast_in_dim3A_964 = vector.broadcast %jit3A_962 : f32 to vector<128x4x896xf32>
    %select_n3A_965 = arith.select %gt3A_960, %broadcast_in_dim3A_963, %broadcast_in_dim3A_964 : vector<128x4x896xi1>, vector<128x4x896xf32>
    %slice3A_966 = vector.extract_strided_slice %select_n3A_965 {offsets = [0, 0, 0], sizes = [128, 4, 128], strides = [1, 1, 1]} : vector<128x4x896xf32> to vector<128x4x128xf32>
    %jit3A_967 = arith.constant 0.000000e+00 : f32
    %broadcast_in_dim3A_968 = vector.shape_cast %gt3A_62 : vector<128x1x128xi1> to vector<128x1x128xi1>
    %broadcast_in_dim3A_969 = vector.broadcast %broadcast_in_dim3A_968 : vector<128x1x128xi1> to vector<128x4x128xi1>
    %broadcast_in_dim3A_970 = vector.broadcast %jit3A_967 : f32 to vector<128x4x128xf32>
    %select_n3A_971 = arith.select %broadcast_in_dim3A_969, %slice3A_966, %broadcast_in_dim3A_970 : vector<128x4x128xi1>, vector<128x4x128xf32>
    %swap3A_972 = arith.constant 0 : index
    %swap3A_973 = arith.constant 0 : index
    %swap3A_974 = arith.constant 0 : index
    %swap3A_975 = vector.load %arg4[%swap3A_972, %swap3A_973, %swap3A_974] : memref<128x4x128xf32, #tpu.memory_space<vmem>>, vector<128x4x128xf32>
    tpu.vector_store %arg4[%swap3A_972, %swap3A_973, %swap3A_974], %select_n3A_971 {strides = array<i32>} : memref<128x4x128xf32, #tpu.memory_space<vmem>>, vector<128x4x128xf32>,
    %slice3A_976 = vector.extract_strided_slice %concatenate3A_903 {offsets = [0, 1152], sizes = [4, 128], strides = [1, 1]} : vector<4x2048xf32> to vector<4x128xf32>
    %scan3A_977 = arith.constant 0 : i32
    %scan3A_978 = arith.constant 128 : i32
    %scan3A_979 = arith.addi %scan3A_977, %scan3A_978 : i32
    %scan3A_980 = arith.constant 8 : i32
    %scan3A_981 = scf.for %scan3A_1587 = %scan3A_977 to %scan3A_979 step %scan3A_980 iter_args(%scan3A_1588 = %slice3A_976) -> (vector<4x128xf32>)  : i32 {
      %get3A_1589 = arith.index_cast %scan3A_1587 : i32 to index
      %get3A_1590 = arith.constant 0 : index
      %get3A_1591 = arith.constant 0 : index
      %get3A_1592 = vector.load %arg4[%get3A_1589, %get3A_1590, %get3A_1591] : memref<128x4x128xf32, #tpu.memory_space<vmem>>, vector<1x4x128xf32>
      %reshape3A = vector.shape_cast %get3A_1592 : vector<1x4x128xf32> to vector<4x128xf32>
      %eq3A = vector.broadcast %scan3A_1587 : i32 to vector<1x128xi32>
      %eq3A_1593 = arith.cmpi eq, %iota3A, %eq3A : vector<1x128xi32>
      %jit3A_1594 = arith.constant 0.000000e+00 : f32
      %broadcast_in_dim3A_1595 = vector.shape_cast %eq3A_1593 : vector<1x128xi1> to vector<1x128xi1>
      %broadcast_in_dim3A_1596 = vector.broadcast %broadcast_in_dim3A_1595 : vector<1x128xi1> to vector<4x128xi1>
      %broadcast_in_dim3A_1597 = vector.broadcast %jit3A_1594 : f32 to vector<4x128xf32>
      %select_n3A_1598 = arith.select %broadcast_in_dim3A_1596, %scan3A_1588, %broadcast_in_dim3A_1597 : vector<4x128xi1>, vector<4x128xf32>
      %reduce_sum3A = arith.constant dense<0.000000e+00> : vector<4xf32>
      %reduce_sum3A_1599 = vector.multi_reduction <add>, %select_n3A_1598, %reduce_sum3A [1] : vector<4x128xf32> to vector<4xf32>
      %broadcast_in_dim3A_1600 = vector.shape_cast %reduce_sum3A_1599 : vector<4xf32> to vector<4x1xf32>
      %gt3A_1601 = arith.constant 0.000000e+00 : f32
      %gt3A_1602 = vector.broadcast %gt3A_1601 : f32 to vector<4x128xf32>
      %gt3A_1603 = arith.cmpf ogt, %reshape3A, %gt3A_1602 : vector<4x128xf32>
      %gt3A_1604 = arith.constant 0.000000e+00 : f32
      %gt3A_1605 = vector.broadcast %gt3A_1604 : f32 to vector<4x1xf32>
      %gt3A_1606 = arith.cmpf ogt, %broadcast_in_dim3A_1600, %gt3A_1605 : vector<4x1xf32>
      %and3A_1607 = vector.broadcast %gt3A_1606 : vector<4x1xi1> to vector<4x128xi1>
      %and3A_1608 = arith.andi %gt3A_1603, %and3A_1607 : vector<4x128xi1>
      %jit3A_1609 = arith.constant 0.000000e+00 : f32
      %broadcast_in_dim3A_1610 = vector.broadcast %jit3A_1609 : f32 to vector<4x128xf32>
      %select_n3A_1611 = arith.select %and3A_1608, %broadcast_in_dim3A_1610, %scan3A_1588 : vector<4x128xi1>, vector<4x128xf32>
      %scan3A_1612 = arith.constant 1 : i32
      %scan3A_1613 = arith.addi %scan3A_1587, %scan3A_1612 : i32
      %get3A_1614 = arith.index_cast %scan3A_1613 : i32 to index
      %get3A_1615 = arith.constant 0 : index
      %get3A_1616 = arith.constant 0 : index
      %get3A_1617 = vector.load %arg4[%get3A_1614, %get3A_1615, %get3A_1616] : memref<128x4x128xf32, #tpu.memory_space<vmem>>, vector<1x4x128xf32>
      %reshape3A_1618 = vector.shape_cast %get3A_1617 : vector<1x4x128xf32> to vector<4x128xf32>
      %eq3A_1619 = vector.broadcast %scan3A_1613 : i32 to vector<1x128xi32>
      %eq3A_1620 = arith.cmpi eq, %iota3A, %eq3A_1619 : vector<1x128xi32>
      %jit3A_1621 = arith.constant 0.000000e+00 : f32
      %broadcast_in_dim3A_1622 = vector.shape_cast %eq3A_1620 : vector<1x128xi1> to vector<1x128xi1>
      %broadcast_in_dim3A_1623 = vector.broadcast %broadcast_in_dim3A_1622 : vector<1x128xi1> to vector<4x128xi1>
      %broadcast_in_dim3A_1624 = vector.broadcast %jit3A_1621 : f32 to vector<4x128xf32>
      %select_n3A_1625 = arith.select %broadcast_in_dim3A_1623, %select_n3A_1611, %broadcast_in_dim3A_1624 : vector<4x128xi1>, vector<4x128xf32>
      %reduce_sum3A_1626 = arith.constant dense<0.000000e+00> : vector<4xf32>
      %reduce_sum3A_1627 = vector.multi_reduction <add>, %select_n3A_1625, %reduce_sum3A_1626 [1] : vector<4x128xf32> to vector<4xf32>
      %broadcast_in_dim3A_1628 = vector.shape_cast %reduce_sum3A_1627 : vector<4xf32> to vector<4x1xf32>
      %gt3A_1629 = arith.constant 0.000000e+00 : f32
      %gt3A_1630 = vector.broadcast %gt3A_1629 : f32 to vector<4x128xf32>
      %gt3A_1631 = arith.cmpf ogt, %reshape3A_1618, %gt3A_1630 : vector<4x128xf32>
      %gt3A_1632 = arith.constant 0.000000e+00 : f32
      %gt3A_1633 = vector.broadcast %gt3A_1632 : f32 to vector<4x1xf32>
      %gt3A_1634 = arith.cmpf ogt, %broadcast_in_dim3A_1628, %gt3A_1633 : vector<4x1xf32>
      %and3A_1635 = vector.broadcast %gt3A_1634 : vector<4x1xi1> to vector<4x128xi1>
      %and3A_1636 = arith.andi %gt3A_1631, %and3A_1635 : vector<4x128xi1>
      %jit3A_1637 = arith.constant 0.000000e+00 : f32
      %broadcast_in_dim3A_1638 = vector.broadcast %jit3A_1637 : f32 to vector<4x128xf32>
      %select_n3A_1639 = arith.select %and3A_1636, %broadcast_in_dim3A_1638, %select_n3A_1611 : vector<4x128xi1>, vector<4x128xf32>
      %scan3A_1640 = arith.constant 2 : i32
      %scan3A_1641 = arith.addi %scan3A_1587, %scan3A_1640 : i32
      %get3A_1642 = arith.index_cast %scan3A_1641 : i32 to index
      %get3A_1643 = arith.constant 0 : index
      %get3A_1644 = arith.constant 0 : index
      %get3A_1645 = vector.load %arg4[%get3A_1642, %get3A_1643, %get3A_1644] : memref<128x4x128xf32, #tpu.memory_space<vmem>>, vector<1x4x128xf32>
      %reshape3A_1646 = vector.shape_cast %get3A_1645 : vector<1x4x128xf32> to vector<4x128xf32>
      %eq3A_1647 = vector.broadcast %scan3A_1641 : i32 to vector<1x128xi32>
      %eq3A_1648 = arith.cmpi eq, %iota3A, %eq3A_1647 : vector<1x128xi32>
      %jit3A_1649 = arith.constant 0.000000e+00 : f32
      %broadcast_in_dim3A_1650 = vector.shape_cast %eq3A_1648 : vector<1x128xi1> to vector<1x128xi1>
      %broadcast_in_dim3A_1651 = vector.broadcast %broadcast_in_dim3A_1650 : vector<1x128xi1> to vector<4x128xi1>
      %broadcast_in_dim3A_1652 = vector.broadcast %jit3A_1649 : f32 to vector<4x128xf32>
      %select_n3A_1653 = arith.select %broadcast_in_dim3A_1651, %select_n3A_1639, %broadcast_in_dim3A_1652 : vector<4x128xi1>, vector<4x128xf32>
      %reduce_sum3A_1654 = arith.constant dense<0.000000e+00> : vector<4xf32>
      %reduce_sum3A_1655 = vector.multi_reduction <add>, %select_n3A_1653, %reduce_sum3A_1654 [1] : vector<4x128xf32> to vector<4xf32>
      %broadcast_in_dim3A_1656 = vector.shape_cast %reduce_sum3A_1655 : vector<4xf32> to vector<4x1xf32>
      %gt3A_1657 = arith.constant 0.000000e+00 : f32
      %gt3A_1658 = vector.broadcast %gt3A_1657 : f32 to vector<4x128xf32>
      %gt3A_1659 = arith.cmpf ogt, %reshape3A_1646, %gt3A_1658 : vector<4x128xf32>
      %gt3A_1660 = arith.constant 0.000000e+00 : f32
      %gt3A_1661 = vector.broadcast %gt3A_1660 : f32 to vector<4x1xf32>
      %gt3A_1662 = arith.cmpf ogt, %broadcast_in_dim3A_1656, %gt3A_1661 : vector<4x1xf32>
      %and3A_1663 = vector.broadcast %gt3A_1662 : vector<4x1xi1> to vector<4x128xi1>
      %and3A_1664 = arith.andi %gt3A_1659, %and3A_1663 : vector<4x128xi1>
      %jit3A_1665 = arith.constant 0.000000e+00 : f32
      %broadcast_in_dim3A_1666 = vector.broadcast %jit3A_1665 : f32 to vector<4x128xf32>
      %select_n3A_1667 = arith.select %and3A_1664, %broadcast_in_dim3A_1666, %select_n3A_1639 : vector<4x128xi1>, vector<4x128xf32>
      %scan3A_1668 = arith.constant 3 : i32
      %scan3A_1669 = arith.addi %scan3A_1587, %scan3A_1668 : i32
      %get3A_1670 = arith.index_cast %scan3A_1669 : i32 to index
      %get3A_1671 = arith.constant 0 : index
      %get3A_1672 = arith.constant 0 : index
      %get3A_1673 = vector.load %arg4[%get3A_1670, %get3A_1671, %get3A_1672] : memref<128x4x128xf32, #tpu.memory_space<vmem>>, vector<1x4x128xf32>
      %reshape3A_1674 = vector.shape_cast %get3A_1673 : vector<1x4x128xf32> to vector<4x128xf32>
      %eq3A_1675 = vector.broadcast %scan3A_1669 : i32 to vector<1x128xi32>
      %eq3A_1676 = arith.cmpi eq, %iota3A, %eq3A_1675 : vector<1x128xi32>
      %jit3A_1677 = arith.constant 0.000000e+00 : f32
      %broadcast_in_dim3A_1678 = vector.shape_cast %eq3A_1676 : vector<1x128xi1> to vector<1x128xi1>
      %broadcast_in_dim3A_1679 = vector.broadcast %broadcast_in_dim3A_1678 : vector<1x128xi1> to vector<4x128xi1>
      %broadcast_in_dim3A_1680 = vector.broadcast %jit3A_1677 : f32 to vector<4x128xf32>
      %select_n3A_1681 = arith.select %broadcast_in_dim3A_1679, %select_n3A_1667, %broadcast_in_dim3A_1680 : vector<4x128xi1>, vector<4x128xf32>
      %reduce_sum3A_1682 = arith.constant dense<0.000000e+00> : vector<4xf32>
      %reduce_sum3A_1683 = vector.multi_reduction <add>, %select_n3A_1681, %reduce_sum3A_1682 [1] : vector<4x128xf32> to vector<4xf32>
      %broadcast_in_dim3A_1684 = vector.shape_cast %reduce_sum3A_1683 : vector<4xf32> to vector<4x1xf32>
      %gt3A_1685 = arith.constant 0.000000e+00 : f32
      %gt3A_1686 = vector.broadcast %gt3A_1685 : f32 to vector<4x128xf32>
      %gt3A_1687 = arith.cmpf ogt, %reshape3A_1674, %gt3A_1686 : vector<4x128xf32>
      %gt3A_1688 = arith.constant 0.000000e+00 : f32
      %gt3A_1689 = vector.broadcast %gt3A_1688 : f32 to vector<4x1xf32>
      %gt3A_1690 = arith.cmpf ogt, %broadcast_in_dim3A_1684, %gt3A_1689 : vector<4x1xf32>
      %and3A_1691 = vector.broadcast %gt3A_1690 : vector<4x1xi1> to vector<4x128xi1>
      %and3A_1692 = arith.andi %gt3A_1687, %and3A_1691 : vector<4x128xi1>
      %jit3A_1693 = arith.constant 0.000000e+00 : f32
      %broadcast_in_dim3A_1694 = vector.broadcast %jit3A_1693 : f32 to vector<4x128xf32>
      %select_n3A_1695 = arith.select %and3A_1692, %broadcast_in_dim3A_1694, %select_n3A_1667 : vector<4x128xi1>, vector<4x128xf32>
      %scan3A_1696 = arith.constant 4 : i32
      %scan3A_1697 = arith.addi %scan3A_1587, %scan3A_1696 : i32
      %get3A_1698 = arith.index_cast %scan3A_1697 : i32 to index
      %get3A_1699 = arith.constant 0 : index
      %get3A_1700 = arith.constant 0 : index
      %get3A_1701 = vector.load %arg4[%get3A_1698, %get3A_1699, %get3A_1700] : memref<128x4x128xf32, #tpu.memory_space<vmem>>, vector<1x4x128xf32>
      %reshape3A_1702 = vector.shape_cast %get3A_1701 : vector<1x4x128xf32> to vector<4x128xf32>
      %eq3A_1703 = vector.broadcast %scan3A_1697 : i32 to vector<1x128xi32>
      %eq3A_1704 = arith.cmpi eq, %iota3A, %eq3A_1703 : vector<1x128xi32>
      %jit3A_1705 = arith.constant 0.000000e+00 : f32
      %broadcast_in_dim3A_1706 = vector.shape_cast %eq3A_1704 : vector<1x128xi1> to vector<1x128xi1>
      %broadcast_in_dim3A_1707 = vector.broadcast %broadcast_in_dim3A_1706 : vector<1x128xi1> to vector<4x128xi1>
      %broadcast_in_dim3A_1708 = vector.broadcast %jit3A_1705 : f32 to vector<4x128xf32>
      %select_n3A_1709 = arith.select %broadcast_in_dim3A_1707, %select_n3A_1695, %broadcast_in_dim3A_1708 : vector<4x128xi1>, vector<4x128xf32>
      %reduce_sum3A_1710 = arith.constant dense<0.000000e+00> : vector<4xf32>
      %reduce_sum3A_1711 = vector.multi_reduction <add>, %select_n3A_1709, %reduce_sum3A_1710 [1] : vector<4x128xf32> to vector<4xf32>
      %broadcast_in_dim3A_1712 = vector.shape_cast %reduce_sum3A_1711 : vector<4xf32> to vector<4x1xf32>
      %gt3A_1713 = arith.constant 0.000000e+00 : f32
      %gt3A_1714 = vector.broadcast %gt3A_1713 : f32 to vector<4x128xf32>
      %gt3A_1715 = arith.cmpf ogt, %reshape3A_1702, %gt3A_1714 : vector<4x128xf32>
      %gt3A_1716 = arith.constant 0.000000e+00 : f32
      %gt3A_1717 = vector.broadcast %gt3A_1716 : f32 to vector<4x1xf32>
      %gt3A_1718 = arith.cmpf ogt, %broadcast_in_dim3A_1712, %gt3A_1717 : vector<4x1xf32>
      %and3A_1719 = vector.broadcast %gt3A_1718 : vector<4x1xi1> to vector<4x128xi1>
      %and3A_1720 = arith.andi %gt3A_1715, %and3A_1719 : vector<4x128xi1>
      %jit3A_1721 = arith.constant 0.000000e+00 : f32
      %broadcast_in_dim3A_1722 = vector.broadcast %jit3A_1721 : f32 to vector<4x128xf32>
      %select_n3A_1723 = arith.select %and3A_1720, %broadcast_in_dim3A_1722, %select_n3A_1695 : vector<4x128xi1>, vector<4x128xf32>
      %scan3A_1724 = arith.constant 5 : i32
      %scan3A_1725 = arith.addi %scan3A_1587, %scan3A_1724 : i32
      %get3A_1726 = arith.index_cast %scan3A_1725 : i32 to index
      %get3A_1727 = arith.constant 0 : index
      %get3A_1728 = arith.constant 0 : index
      %get3A_1729 = vector.load %arg4[%get3A_1726, %get3A_1727, %get3A_1728] : memref<128x4x128xf32, #tpu.memory_space<vmem>>, vector<1x4x128xf32>
      %reshape3A_1730 = vector.shape_cast %get3A_1729 : vector<1x4x128xf32> to vector<4x128xf32>
      %eq3A_1731 = vector.broadcast %scan3A_1725 : i32 to vector<1x128xi32>
      %eq3A_1732 = arith.cmpi eq, %iota3A, %eq3A_1731 : vector<1x128xi32>
      %jit3A_1733 = arith.constant 0.000000e+00 : f32
      %broadcast_in_dim3A_1734 = vector.shape_cast %eq3A_1732 : vector<1x128xi1> to vector<1x128xi1>
      %broadcast_in_dim3A_1735 = vector.broadcast %broadcast_in_dim3A_1734 : vector<1x128xi1> to vector<4x128xi1>
      %broadcast_in_dim3A_1736 = vector.broadcast %jit3A_1733 : f32 to vector<4x128xf32>
      %select_n3A_1737 = arith.select %broadcast_in_dim3A_1735, %select_n3A_1723, %broadcast_in_dim3A_1736 : vector<4x128xi1>, vector<4x128xf32>
      %reduce_sum3A_1738 = arith.constant dense<0.000000e+00> : vector<4xf32>
      %reduce_sum3A_1739 = vector.multi_reduction <add>, %select_n3A_1737, %reduce_sum3A_1738 [1] : vector<4x128xf32> to vector<4xf32>
      %broadcast_in_dim3A_1740 = vector.shape_cast %reduce_sum3A_1739 : vector<4xf32> to vector<4x1xf32>
      %gt3A_1741 = arith.constant 0.000000e+00 : f32
      %gt3A_1742 = vector.broadcast %gt3A_1741 : f32 to vector<4x128xf32>
      %gt3A_1743 = arith.cmpf ogt, %reshape3A_1730, %gt3A_1742 : vector<4x128xf32>
      %gt3A_1744 = arith.constant 0.000000e+00 : f32
      %gt3A_1745 = vector.broadcast %gt3A_1744 : f32 to vector<4x1xf32>
      %gt3A_1746 = arith.cmpf ogt, %broadcast_in_dim3A_1740, %gt3A_1745 : vector<4x1xf32>
      %and3A_1747 = vector.broadcast %gt3A_1746 : vector<4x1xi1> to vector<4x128xi1>
      %and3A_1748 = arith.andi %gt3A_1743, %and3A_1747 : vector<4x128xi1>
      %jit3A_1749 = arith.constant 0.000000e+00 : f32
      %broadcast_in_dim3A_1750 = vector.broadcast %jit3A_1749 : f32 to vector<4x128xf32>
      %select_n3A_1751 = arith.select %and3A_1748, %broadcast_in_dim3A_1750, %select_n3A_1723 : vector<4x128xi1>, vector<4x128xf32>
      %scan3A_1752 = arith.constant 6 : i32
      %scan3A_1753 = arith.addi %scan3A_1587, %scan3A_1752 : i32
      %get3A_1754 = arith.index_cast %scan3A_1753 : i32 to index
      %get3A_1755 = arith.constant 0 : index
      %get3A_1756 = arith.constant 0 : index
      %get3A_1757 = vector.load %arg4[%get3A_1754, %get3A_1755, %get3A_1756] : memref<128x4x128xf32, #tpu.memory_space<vmem>>, vector<1x4x128xf32>
      %reshape3A_1758 = vector.shape_cast %get3A_1757 : vector<1x4x128xf32> to vector<4x128xf32>
      %eq3A_1759 = vector.broadcast %scan3A_1753 : i32 to vector<1x128xi32>
      %eq3A_1760 = arith.cmpi eq, %iota3A, %eq3A_1759 : vector<1x128xi32>
      %jit3A_1761 = arith.constant 0.000000e+00 : f32
      %broadcast_in_dim3A_1762 = vector.shape_cast %eq3A_1760 : vector<1x128xi1> to vector<1x128xi1>
      %broadcast_in_dim3A_1763 = vector.broadcast %broadcast_in_dim3A_1762 : vector<1x128xi1> to vector<4x128xi1>
      %broadcast_in_dim3A_1764 = vector.broadcast %jit3A_1761 : f32 to vector<4x128xf32>
      %select_n3A_1765 = arith.select %broadcast_in_dim3A_1763, %select_n3A_1751, %broadcast_in_dim3A_1764 : vector<4x128xi1>, vector<4x128xf32>
      %reduce_sum3A_1766 = arith.constant dense<0.000000e+00> : vector<4xf32>
      %reduce_sum3A_1767 = vector.multi_reduction <add>, %select_n3A_1765, %reduce_sum3A_1766 [1] : vector<4x128xf32> to vector<4xf32>
      %broadcast_in_dim3A_1768 = vector.shape_cast %reduce_sum3A_1767 : vector<4xf32> to vector<4x1xf32>
      %gt3A_1769 = arith.constant 0.000000e+00 : f32
      %gt3A_1770 = vector.broadcast %gt3A_1769 : f32 to vector<4x128xf32>
      %gt3A_1771 = arith.cmpf ogt, %reshape3A_1758, %gt3A_1770 : vector<4x128xf32>
      %gt3A_1772 = arith.constant 0.000000e+00 : f32
      %gt3A_1773 = vector.broadcast %gt3A_1772 : f32 to vector<4x1xf32>
      %gt3A_1774 = arith.cmpf ogt, %broadcast_in_dim3A_1768, %gt3A_1773 : vector<4x1xf32>
      %and3A_1775 = vector.broadcast %gt3A_1774 : vector<4x1xi1> to vector<4x128xi1>
      %and3A_1776 = arith.andi %gt3A_1771, %and3A_1775 : vector<4x128xi1>
      %jit3A_1777 = arith.constant 0.000000e+00 : f32
      %broadcast_in_dim3A_1778 = vector.broadcast %jit3A_1777 : f32 to vector<4x128xf32>
      %select_n3A_1779 = arith.select %and3A_1776, %broadcast_in_dim3A_1778, %select_n3A_1751 : vector<4x128xi1>, vector<4x128xf32>
      %scan3A_1780 = arith.constant 7 : i32
      %scan3A_1781 = arith.addi %scan3A_1587, %scan3A_1780 : i32
      %get3A_1782 = arith.index_cast %scan3A_1781 : i32 to index
      %get3A_1783 = arith.constant 0 : index
      %get3A_1784 = arith.constant 0 : index
      %get3A_1785 = vector.load %arg4[%get3A_1782, %get3A_1783, %get3A_1784] : memref<128x4x128xf32, #tpu.memory_space<vmem>>, vector<1x4x128xf32>
      %reshape3A_1786 = vector.shape_cast %get3A_1785 : vector<1x4x128xf32> to vector<4x128xf32>
      %eq3A_1787 = vector.broadcast %scan3A_1781 : i32 to vector<1x128xi32>
      %eq3A_1788 = arith.cmpi eq, %iota3A, %eq3A_1787 : vector<1x128xi32>
      %jit3A_1789 = arith.constant 0.000000e+00 : f32
      %broadcast_in_dim3A_1790 = vector.shape_cast %eq3A_1788 : vector<1x128xi1> to vector<1x128xi1>
      %broadcast_in_dim3A_1791 = vector.broadcast %broadcast_in_dim3A_1790 : vector<1x128xi1> to vector<4x128xi1>
      %broadcast_in_dim3A_1792 = vector.broadcast %jit3A_1789 : f32 to vector<4x128xf32>
      %select_n3A_1793 = arith.select %broadcast_in_dim3A_1791, %select_n3A_1779, %broadcast_in_dim3A_1792 : vector<4x128xi1>, vector<4x128xf32>
      %reduce_sum3A_1794 = arith.constant dense<0.000000e+00> : vector<4xf32>
      %reduce_sum3A_1795 = vector.multi_reduction <add>, %select_n3A_1793, %reduce_sum3A_1794 [1] : vector<4x128xf32> to vector<4xf32>
      %broadcast_in_dim3A_1796 = vector.shape_cast %reduce_sum3A_1795 : vector<4xf32> to vector<4x1xf32>
      %gt3A_1797 = arith.constant 0.000000e+00 : f32
      %gt3A_1798 = vector.broadcast %gt3A_1797 : f32 to vector<4x128xf32>
      %gt3A_1799 = arith.cmpf ogt, %reshape3A_1786, %gt3A_1798 : vector<4x128xf32>
      %gt3A_1800 = arith.constant 0.000000e+00 : f32
      %gt3A_1801 = vector.broadcast %gt3A_1800 : f32 to vector<4x1xf32>
      %gt3A_1802 = arith.cmpf ogt, %broadcast_in_dim3A_1796, %gt3A_1801 : vector<4x1xf32>
      %and3A_1803 = vector.broadcast %gt3A_1802 : vector<4x1xi1> to vector<4x128xi1>
      %and3A_1804 = arith.andi %gt3A_1799, %and3A_1803 : vector<4x128xi1>
      %jit3A_1805 = arith.constant 0.000000e+00 : f32
      %broadcast_in_dim3A_1806 = vector.broadcast %jit3A_1805 : f32 to vector<4x128xf32>
      %select_n3A_1807 = arith.select %and3A_1804, %broadcast_in_dim3A_1806, %select_n3A_1779 : vector<4x128xi1>, vector<4x128xf32>
      scf.yield %select_n3A_1807 : vector<4x128xf32>
    }
    %scan3A_982 = arith.constant 128 : i32
    %slice3A_983 = vector.extract_strided_slice %select_n3A_965 {offsets = [0, 0, 128], sizes = [128, 4, 768], strides = [1, 1, 1]} : vector<128x4x896xf32> to vector<128x4x768xf32>
    %transpose3A_984 = tpu.transpose %scan3A_981, [1, 0] : vector<4x128xf32> -> vector<128x4xf32>
    %broadcast_in_dim3A_985 = vector.shape_cast %transpose3A_984 : vector<128x4xf32> to vector<128x4x1xf32>
    %mul3A_986 = vector.broadcast %broadcast_in_dim3A_985 : vector<128x4x1xf32> to vector<128x4x768xf32>
    %mul3A_987 = arith.mulf %slice3A_983, %mul3A_986 : vector<128x4x768xf32>
    %reduce_max3A_988 = arith.constant dense<0xFF800000> : vector<4x768xf32>
    %reduce_max3A_989 = vector.multi_reduction <maximumf>, %mul3A_987, %reduce_max3A_988 [0] : vector<128x4x768xf32> to vector<4x768xf32>
    %gt3A_990 = arith.constant 0.000000e+00 : f32
    %gt3A_991 = vector.broadcast %gt3A_990 : f32 to vector<4x768xf32>
    %gt3A_992 = arith.cmpf ogt, %reduce_max3A_989, %gt3A_991 : vector<4x768xf32>
    %slice3A_993 = vector.extract_strided_slice %concatenate3A_903 {offsets = [0, 1280], sizes = [4, 768], strides = [1, 1]} : vector<4x2048xf32> to vector<4x768xf32>
    %jit3A_994 = arith.constant 0.000000e+00 : f32
    %broadcast_in_dim3A_995 = vector.broadcast %jit3A_994 : f32 to vector<4x768xf32>
    %select_n3A_996 = arith.select %gt3A_992, %broadcast_in_dim3A_995, %slice3A_993 : vector<4x768xi1>, vector<4x768xf32>
    %slice3A_997 = vector.extract_strided_slice %concatenate3A_903 {offsets = [0, 0], sizes = [4, 1152], strides = [1, 1]} : vector<4x2048xf32> to vector<4x1152xf32>
    %concatenate3A_998 = tpu.concatenate %slice3A_997, %scan3A_981, %select_n3A_996 in 1 : vector<4x1152xf32>, vector<4x128xf32>, vector<4x768xf32> -> vector<4x2048xf32>
    %slice3A_999 = vector.extract_strided_slice %min3A_6 {offsets = [0, 1280], sizes = [4, 128], strides = [1, 1]} : vector<4x2048xf32> to vector<4x128xf32>
    %transpose3A_1000 = tpu.transpose %slice3A_999, [1, 0] : vector<4x128xf32> -> vector<128x4xf32>
    %broadcast_in_dim3A_1001 = vector.shape_cast %transpose3A_1000 : vector<128x4xf32> to vector<128x4x1xf32>
    %slice3A_1002 = vector.extract_strided_slice %min3A_17 {offsets = [0, 1280], sizes = [4, 128], strides = [1, 1]} : vector<4x2048xf32> to vector<4x128xf32>
    %transpose3A_1003 = tpu.transpose %slice3A_1002, [1, 0] : vector<4x128xf32> -> vector<128x4xf32>
    %broadcast_in_dim3A_1004 = vector.shape_cast %transpose3A_1003 : vector<128x4xf32> to vector<128x4x1xf32>
    %slice3A_1005 = vector.extract_strided_slice %min3A_28 {offsets = [0, 1280], sizes = [4, 128], strides = [1, 1]} : vector<4x2048xf32> to vector<4x128xf32>
    %transpose3A_1006 = tpu.transpose %slice3A_1005, [1, 0] : vector<4x128xf32> -> vector<128x4xf32>
    %broadcast_in_dim3A_1007 = vector.shape_cast %transpose3A_1006 : vector<128x4xf32> to vector<128x4x1xf32>
    %slice3A_1008 = vector.extract_strided_slice %min3A_39 {offsets = [0, 1280], sizes = [4, 128], strides = [1, 1]} : vector<4x2048xf32> to vector<4x128xf32>
    %transpose3A_1009 = tpu.transpose %slice3A_1008, [1, 0] : vector<4x128xf32> -> vector<128x4xf32>
    %broadcast_in_dim3A_1010 = vector.shape_cast %transpose3A_1009 : vector<128x4xf32> to vector<128x4x1xf32>
    %slice3A_1011 = vector.extract_strided_slice %mul3A {offsets = [0, 1280], sizes = [4, 128], strides = [1, 1]} : vector<4x2048xf32> to vector<4x128xf32>
    %transpose3A_1012 = tpu.transpose %slice3A_1011, [1, 0] : vector<4x128xf32> -> vector<128x4xf32>
    %broadcast_in_dim3A_1013 = vector.shape_cast %transpose3A_1012 : vector<128x4xf32> to vector<128x4x1xf32>
    %slice3A_1014 = vector.extract_strided_slice %min3A_6 {offsets = [0, 1280], sizes = [4, 768], strides = [1, 1]} : vector<4x2048xf32> to vector<4x768xf32>
    %broadcast_in_dim3A_1015 = vector.shape_cast %slice3A_1014 : vector<4x768xf32> to vector<1x4x768xf32>
    %slice3A_1016 = vector.extract_strided_slice %min3A_17 {offsets = [0, 1280], sizes = [4, 768], strides = [1, 1]} : vector<4x2048xf32> to vector<4x768xf32>
    %broadcast_in_dim3A_1017 = vector.shape_cast %slice3A_1016 : vector<4x768xf32> to vector<1x4x768xf32>
    %slice3A_1018 = vector.extract_strided_slice %min3A_28 {offsets = [0, 1280], sizes = [4, 768], strides = [1, 1]} : vector<4x2048xf32> to vector<4x768xf32>
    %broadcast_in_dim3A_1019 = vector.shape_cast %slice3A_1018 : vector<4x768xf32> to vector<1x4x768xf32>
    %slice3A_1020 = vector.extract_strided_slice %min3A_39 {offsets = [0, 1280], sizes = [4, 768], strides = [1, 1]} : vector<4x2048xf32> to vector<4x768xf32>
    %broadcast_in_dim3A_1021 = vector.shape_cast %slice3A_1020 : vector<4x768xf32> to vector<1x4x768xf32>
    %slice3A_1022 = vector.extract_strided_slice %mul3A {offsets = [0, 1280], sizes = [4, 768], strides = [1, 1]} : vector<4x2048xf32> to vector<4x768xf32>
    %broadcast_in_dim3A_1023 = vector.shape_cast %slice3A_1022 : vector<4x768xf32> to vector<1x4x768xf32>
    %min3A_1024 = vector.broadcast %broadcast_in_dim3A_1007 : vector<128x4x1xf32> to vector<128x4x768xf32>
    %min3A_1025 = vector.broadcast %broadcast_in_dim3A_1019 : vector<1x4x768xf32> to vector<128x4x768xf32>
    %min3A_1026 = arith.minimumf %min3A_1024, %min3A_1025 : vector<128x4x768xf32>
    %max3A_1027 = vector.broadcast %broadcast_in_dim3A_1001 : vector<128x4x1xf32> to vector<128x4x768xf32>
    %max3A_1028 = vector.broadcast %broadcast_in_dim3A_1015 : vector<1x4x768xf32> to vector<128x4x768xf32>
    %max3A_1029 = arith.maximumf %max3A_1027, %max3A_1028 : vector<128x4x768xf32>
    %sub3A_1030 = arith.subf %min3A_1026, %max3A_1029 : vector<128x4x768xf32>
    %jit3A_1031 = arith.constant 0.000000e+00 : f32
    %max3A_1032 = vector.broadcast %jit3A_1031 : f32 to vector<128x4x768xf32>
    %max3A_1033 = arith.maximumf %max3A_1032, %sub3A_1030 : vector<128x4x768xf32>
    %min3A_1034 = vector.broadcast %broadcast_in_dim3A_1010 : vector<128x4x1xf32> to vector<128x4x768xf32>
    %min3A_1035 = vector.broadcast %broadcast_in_dim3A_1021 : vector<1x4x768xf32> to vector<128x4x768xf32>
    %min3A_1036 = arith.minimumf %min3A_1034, %min3A_1035 : vector<128x4x768xf32>
    %max3A_1037 = vector.broadcast %broadcast_in_dim3A_1004 : vector<128x4x1xf32> to vector<128x4x768xf32>
    %max3A_1038 = vector.broadcast %broadcast_in_dim3A_1017 : vector<1x4x768xf32> to vector<128x4x768xf32>
    %max3A_1039 = arith.maximumf %max3A_1037, %max3A_1038 : vector<128x4x768xf32>
    %sub3A_1040 = arith.subf %min3A_1036, %max3A_1039 : vector<128x4x768xf32>
    %jit3A_1041 = arith.constant 0.000000e+00 : f32
    %max3A_1042 = vector.broadcast %jit3A_1041 : f32 to vector<128x4x768xf32>
    %max3A_1043 = arith.maximumf %max3A_1042, %sub3A_1040 : vector<128x4x768xf32>
    %mul3A_1044 = arith.mulf %max3A_1033, %max3A_1043 : vector<128x4x768xf32>
    %add3A_1045 = vector.broadcast %broadcast_in_dim3A_1013 : vector<128x4x1xf32> to vector<128x4x768xf32>
    %add3A_1046 = vector.broadcast %broadcast_in_dim3A_1023 : vector<1x4x768xf32> to vector<128x4x768xf32>
    %add3A_1047 = arith.addf %add3A_1045, %add3A_1046 : vector<128x4x768xf32>
    %sub3A_1048 = arith.subf %add3A_1047, %mul3A_1044 : vector<128x4x768xf32>
    %max3A_1049 = arith.constant 9.99999971E-10 : f32
    %max3A_1050 = vector.broadcast %max3A_1049 : f32 to vector<128x4x768xf32>
    %max3A_1051 = arith.maximumf %sub3A_1048, %max3A_1050 : vector<128x4x768xf32>
    %div3A_1052 = arith.divf %mul3A_1044, %max3A_1051 : vector<128x4x768xf32>
    %gt3A_1053 = arith.constant 0.699999988 : f32
    %gt3A_1054 = vector.broadcast %gt3A_1053 : f32 to vector<128x4x768xf32>
    %gt3A_1055 = arith.cmpf ogt, %div3A_1052, %gt3A_1054 : vector<128x4x768xf32>
    %jit3A_1056 = arith.constant 1.000000e+00 : f32
    %jit3A_1057 = arith.constant 0.000000e+00 : f32
    %broadcast_in_dim3A_1058 = vector.broadcast %jit3A_1056 : f32 to vector<128x4x768xf32>
    %broadcast_in_dim3A_1059 = vector.broadcast %jit3A_1057 : f32 to vector<128x4x768xf32>
    %select_n3A_1060 = arith.select %gt3A_1055, %broadcast_in_dim3A_1058, %broadcast_in_dim3A_1059 : vector<128x4x768xi1>, vector<128x4x768xf32>
    %slice3A_1061 = vector.extract_strided_slice %select_n3A_1060 {offsets = [0, 0, 0], sizes = [128, 4, 128], strides = [1, 1, 1]} : vector<128x4x768xf32> to vector<128x4x128xf32>
    %jit3A_1062 = arith.constant 0.000000e+00 : f32
    %broadcast_in_dim3A_1063 = vector.shape_cast %gt3A_62 : vector<128x1x128xi1> to vector<128x1x128xi1>
    %broadcast_in_dim3A_1064 = vector.broadcast %broadcast_in_dim3A_1063 : vector<128x1x128xi1> to vector<128x4x128xi1>
    %broadcast_in_dim3A_1065 = vector.broadcast %jit3A_1062 : f32 to vector<128x4x128xf32>
    %select_n3A_1066 = arith.select %broadcast_in_dim3A_1064, %slice3A_1061, %broadcast_in_dim3A_1065 : vector<128x4x128xi1>, vector<128x4x128xf32>
    %swap3A_1067 = arith.constant 0 : index
    %swap3A_1068 = arith.constant 0 : index
    %swap3A_1069 = arith.constant 0 : index
    %swap3A_1070 = vector.load %arg4[%swap3A_1067, %swap3A_1068, %swap3A_1069] : memref<128x4x128xf32, #tpu.memory_space<vmem>>, vector<128x4x128xf32>
    tpu.vector_store %arg4[%swap3A_1067, %swap3A_1068, %swap3A_1069], %select_n3A_1066 {strides = array<i32>} : memref<128x4x128xf32, #tpu.memory_space<vmem>>, vector<128x4x128xf32>,
    %slice3A_1071 = vector.extract_strided_slice %concatenate3A_998 {offsets = [0, 1280], sizes = [4, 128], strides = [1, 1]} : vector<4x2048xf32> to vector<4x128xf32>
    %scan3A_1072 = arith.constant 0 : i32
    %scan3A_1073 = arith.constant 128 : i32
    %scan3A_1074 = arith.addi %scan3A_1072, %scan3A_1073 : i32
    %scan3A_1075 = arith.constant 8 : i32
    %scan3A_1076 = scf.for %scan3A_1587 = %scan3A_1072 to %scan3A_1074 step %scan3A_1075 iter_args(%scan3A_1588 = %slice3A_1071) -> (vector<4x128xf32>)  : i32 {
      %get3A_1589 = arith.index_cast %scan3A_1587 : i32 to index
      %get3A_1590 = arith.constant 0 : index
      %get3A_1591 = arith.constant 0 : index
      %get3A_1592 = vector.load %arg4[%get3A_1589, %get3A_1590, %get3A_1591] : memref<128x4x128xf32, #tpu.memory_space<vmem>>, vector<1x4x128xf32>
      %reshape3A = vector.shape_cast %get3A_1592 : vector<1x4x128xf32> to vector<4x128xf32>
      %eq3A = vector.broadcast %scan3A_1587 : i32 to vector<1x128xi32>
      %eq3A_1593 = arith.cmpi eq, %iota3A, %eq3A : vector<1x128xi32>
      %jit3A_1594 = arith.constant 0.000000e+00 : f32
      %broadcast_in_dim3A_1595 = vector.shape_cast %eq3A_1593 : vector<1x128xi1> to vector<1x128xi1>
      %broadcast_in_dim3A_1596 = vector.broadcast %broadcast_in_dim3A_1595 : vector<1x128xi1> to vector<4x128xi1>
      %broadcast_in_dim3A_1597 = vector.broadcast %jit3A_1594 : f32 to vector<4x128xf32>
      %select_n3A_1598 = arith.select %broadcast_in_dim3A_1596, %scan3A_1588, %broadcast_in_dim3A_1597 : vector<4x128xi1>, vector<4x128xf32>
      %reduce_sum3A = arith.constant dense<0.000000e+00> : vector<4xf32>
      %reduce_sum3A_1599 = vector.multi_reduction <add>, %select_n3A_1598, %reduce_sum3A [1] : vector<4x128xf32> to vector<4xf32>
      %broadcast_in_dim3A_1600 = vector.shape_cast %reduce_sum3A_1599 : vector<4xf32> to vector<4x1xf32>
      %gt3A_1601 = arith.constant 0.000000e+00 : f32
      %gt3A_1602 = vector.broadcast %gt3A_1601 : f32 to vector<4x128xf32>
      %gt3A_1603 = arith.cmpf ogt, %reshape3A, %gt3A_1602 : vector<4x128xf32>
      %gt3A_1604 = arith.constant 0.000000e+00 : f32
      %gt3A_1605 = vector.broadcast %gt3A_1604 : f32 to vector<4x1xf32>
      %gt3A_1606 = arith.cmpf ogt, %broadcast_in_dim3A_1600, %gt3A_1605 : vector<4x1xf32>
      %and3A_1607 = vector.broadcast %gt3A_1606 : vector<4x1xi1> to vector<4x128xi1>
      %and3A_1608 = arith.andi %gt3A_1603, %and3A_1607 : vector<4x128xi1>
      %jit3A_1609 = arith.constant 0.000000e+00 : f32
      %broadcast_in_dim3A_1610 = vector.broadcast %jit3A_1609 : f32 to vector<4x128xf32>
      %select_n3A_1611 = arith.select %and3A_1608, %broadcast_in_dim3A_1610, %scan3A_1588 : vector<4x128xi1>, vector<4x128xf32>
      %scan3A_1612 = arith.constant 1 : i32
      %scan3A_1613 = arith.addi %scan3A_1587, %scan3A_1612 : i32
      %get3A_1614 = arith.index_cast %scan3A_1613 : i32 to index
      %get3A_1615 = arith.constant 0 : index
      %get3A_1616 = arith.constant 0 : index
      %get3A_1617 = vector.load %arg4[%get3A_1614, %get3A_1615, %get3A_1616] : memref<128x4x128xf32, #tpu.memory_space<vmem>>, vector<1x4x128xf32>
      %reshape3A_1618 = vector.shape_cast %get3A_1617 : vector<1x4x128xf32> to vector<4x128xf32>
      %eq3A_1619 = vector.broadcast %scan3A_1613 : i32 to vector<1x128xi32>
      %eq3A_1620 = arith.cmpi eq, %iota3A, %eq3A_1619 : vector<1x128xi32>
      %jit3A_1621 = arith.constant 0.000000e+00 : f32
      %broadcast_in_dim3A_1622 = vector.shape_cast %eq3A_1620 : vector<1x128xi1> to vector<1x128xi1>
      %broadcast_in_dim3A_1623 = vector.broadcast %broadcast_in_dim3A_1622 : vector<1x128xi1> to vector<4x128xi1>
      %broadcast_in_dim3A_1624 = vector.broadcast %jit3A_1621 : f32 to vector<4x128xf32>
      %select_n3A_1625 = arith.select %broadcast_in_dim3A_1623, %select_n3A_1611, %broadcast_in_dim3A_1624 : vector<4x128xi1>, vector<4x128xf32>
      %reduce_sum3A_1626 = arith.constant dense<0.000000e+00> : vector<4xf32>
      %reduce_sum3A_1627 = vector.multi_reduction <add>, %select_n3A_1625, %reduce_sum3A_1626 [1] : vector<4x128xf32> to vector<4xf32>
      %broadcast_in_dim3A_1628 = vector.shape_cast %reduce_sum3A_1627 : vector<4xf32> to vector<4x1xf32>
      %gt3A_1629 = arith.constant 0.000000e+00 : f32
      %gt3A_1630 = vector.broadcast %gt3A_1629 : f32 to vector<4x128xf32>
      %gt3A_1631 = arith.cmpf ogt, %reshape3A_1618, %gt3A_1630 : vector<4x128xf32>
      %gt3A_1632 = arith.constant 0.000000e+00 : f32
      %gt3A_1633 = vector.broadcast %gt3A_1632 : f32 to vector<4x1xf32>
      %gt3A_1634 = arith.cmpf ogt, %broadcast_in_dim3A_1628, %gt3A_1633 : vector<4x1xf32>
      %and3A_1635 = vector.broadcast %gt3A_1634 : vector<4x1xi1> to vector<4x128xi1>
      %and3A_1636 = arith.andi %gt3A_1631, %and3A_1635 : vector<4x128xi1>
      %jit3A_1637 = arith.constant 0.000000e+00 : f32
      %broadcast_in_dim3A_1638 = vector.broadcast %jit3A_1637 : f32 to vector<4x128xf32>
      %select_n3A_1639 = arith.select %and3A_1636, %broadcast_in_dim3A_1638, %select_n3A_1611 : vector<4x128xi1>, vector<4x128xf32>
      %scan3A_1640 = arith.constant 2 : i32
      %scan3A_1641 = arith.addi %scan3A_1587, %scan3A_1640 : i32
      %get3A_1642 = arith.index_cast %scan3A_1641 : i32 to index
      %get3A_1643 = arith.constant 0 : index
      %get3A_1644 = arith.constant 0 : index
      %get3A_1645 = vector.load %arg4[%get3A_1642, %get3A_1643, %get3A_1644] : memref<128x4x128xf32, #tpu.memory_space<vmem>>, vector<1x4x128xf32>
      %reshape3A_1646 = vector.shape_cast %get3A_1645 : vector<1x4x128xf32> to vector<4x128xf32>
      %eq3A_1647 = vector.broadcast %scan3A_1641 : i32 to vector<1x128xi32>
      %eq3A_1648 = arith.cmpi eq, %iota3A, %eq3A_1647 : vector<1x128xi32>
      %jit3A_1649 = arith.constant 0.000000e+00 : f32
      %broadcast_in_dim3A_1650 = vector.shape_cast %eq3A_1648 : vector<1x128xi1> to vector<1x128xi1>
      %broadcast_in_dim3A_1651 = vector.broadcast %broadcast_in_dim3A_1650 : vector<1x128xi1> to vector<4x128xi1>
      %broadcast_in_dim3A_1652 = vector.broadcast %jit3A_1649 : f32 to vector<4x128xf32>
      %select_n3A_1653 = arith.select %broadcast_in_dim3A_1651, %select_n3A_1639, %broadcast_in_dim3A_1652 : vector<4x128xi1>, vector<4x128xf32>
      %reduce_sum3A_1654 = arith.constant dense<0.000000e+00> : vector<4xf32>
      %reduce_sum3A_1655 = vector.multi_reduction <add>, %select_n3A_1653, %reduce_sum3A_1654 [1] : vector<4x128xf32> to vector<4xf32>
      %broadcast_in_dim3A_1656 = vector.shape_cast %reduce_sum3A_1655 : vector<4xf32> to vector<4x1xf32>
      %gt3A_1657 = arith.constant 0.000000e+00 : f32
      %gt3A_1658 = vector.broadcast %gt3A_1657 : f32 to vector<4x128xf32>
      %gt3A_1659 = arith.cmpf ogt, %reshape3A_1646, %gt3A_1658 : vector<4x128xf32>
      %gt3A_1660 = arith.constant 0.000000e+00 : f32
      %gt3A_1661 = vector.broadcast %gt3A_1660 : f32 to vector<4x1xf32>
      %gt3A_1662 = arith.cmpf ogt, %broadcast_in_dim3A_1656, %gt3A_1661 : vector<4x1xf32>
      %and3A_1663 = vector.broadcast %gt3A_1662 : vector<4x1xi1> to vector<4x128xi1>
      %and3A_1664 = arith.andi %gt3A_1659, %and3A_1663 : vector<4x128xi1>
      %jit3A_1665 = arith.constant 0.000000e+00 : f32
      %broadcast_in_dim3A_1666 = vector.broadcast %jit3A_1665 : f32 to vector<4x128xf32>
      %select_n3A_1667 = arith.select %and3A_1664, %broadcast_in_dim3A_1666, %select_n3A_1639 : vector<4x128xi1>, vector<4x128xf32>
      %scan3A_1668 = arith.constant 3 : i32
      %scan3A_1669 = arith.addi %scan3A_1587, %scan3A_1668 : i32
      %get3A_1670 = arith.index_cast %scan3A_1669 : i32 to index
      %get3A_1671 = arith.constant 0 : index
      %get3A_1672 = arith.constant 0 : index
      %get3A_1673 = vector.load %arg4[%get3A_1670, %get3A_1671, %get3A_1672] : memref<128x4x128xf32, #tpu.memory_space<vmem>>, vector<1x4x128xf32>
      %reshape3A_1674 = vector.shape_cast %get3A_1673 : vector<1x4x128xf32> to vector<4x128xf32>
      %eq3A_1675 = vector.broadcast %scan3A_1669 : i32 to vector<1x128xi32>
      %eq3A_1676 = arith.cmpi eq, %iota3A, %eq3A_1675 : vector<1x128xi32>
      %jit3A_1677 = arith.constant 0.000000e+00 : f32
      %broadcast_in_dim3A_1678 = vector.shape_cast %eq3A_1676 : vector<1x128xi1> to vector<1x128xi1>
      %broadcast_in_dim3A_1679 = vector.broadcast %broadcast_in_dim3A_1678 : vector<1x128xi1> to vector<4x128xi1>
      %broadcast_in_dim3A_1680 = vector.broadcast %jit3A_1677 : f32 to vector<4x128xf32>
      %select_n3A_1681 = arith.select %broadcast_in_dim3A_1679, %select_n3A_1667, %broadcast_in_dim3A_1680 : vector<4x128xi1>, vector<4x128xf32>
      %reduce_sum3A_1682 = arith.constant dense<0.000000e+00> : vector<4xf32>
      %reduce_sum3A_1683 = vector.multi_reduction <add>, %select_n3A_1681, %reduce_sum3A_1682 [1] : vector<4x128xf32> to vector<4xf32>
      %broadcast_in_dim3A_1684 = vector.shape_cast %reduce_sum3A_1683 : vector<4xf32> to vector<4x1xf32>
      %gt3A_1685 = arith.constant 0.000000e+00 : f32
      %gt3A_1686 = vector.broadcast %gt3A_1685 : f32 to vector<4x128xf32>
      %gt3A_1687 = arith.cmpf ogt, %reshape3A_1674, %gt3A_1686 : vector<4x128xf32>
      %gt3A_1688 = arith.constant 0.000000e+00 : f32
      %gt3A_1689 = vector.broadcast %gt3A_1688 : f32 to vector<4x1xf32>
      %gt3A_1690 = arith.cmpf ogt, %broadcast_in_dim3A_1684, %gt3A_1689 : vector<4x1xf32>
      %and3A_1691 = vector.broadcast %gt3A_1690 : vector<4x1xi1> to vector<4x128xi1>
      %and3A_1692 = arith.andi %gt3A_1687, %and3A_1691 : vector<4x128xi1>
      %jit3A_1693 = arith.constant 0.000000e+00 : f32
      %broadcast_in_dim3A_1694 = vector.broadcast %jit3A_1693 : f32 to vector<4x128xf32>
      %select_n3A_1695 = arith.select %and3A_1692, %broadcast_in_dim3A_1694, %select_n3A_1667 : vector<4x128xi1>, vector<4x128xf32>
      %scan3A_1696 = arith.constant 4 : i32
      %scan3A_1697 = arith.addi %scan3A_1587, %scan3A_1696 : i32
      %get3A_1698 = arith.index_cast %scan3A_1697 : i32 to index
      %get3A_1699 = arith.constant 0 : index
      %get3A_1700 = arith.constant 0 : index
      %get3A_1701 = vector.load %arg4[%get3A_1698, %get3A_1699, %get3A_1700] : memref<128x4x128xf32, #tpu.memory_space<vmem>>, vector<1x4x128xf32>
      %reshape3A_1702 = vector.shape_cast %get3A_1701 : vector<1x4x128xf32> to vector<4x128xf32>
      %eq3A_1703 = vector.broadcast %scan3A_1697 : i32 to vector<1x128xi32>
      %eq3A_1704 = arith.cmpi eq, %iota3A, %eq3A_1703 : vector<1x128xi32>
      %jit3A_1705 = arith.constant 0.000000e+00 : f32
      %broadcast_in_dim3A_1706 = vector.shape_cast %eq3A_1704 : vector<1x128xi1> to vector<1x128xi1>
      %broadcast_in_dim3A_1707 = vector.broadcast %broadcast_in_dim3A_1706 : vector<1x128xi1> to vector<4x128xi1>
      %broadcast_in_dim3A_1708 = vector.broadcast %jit3A_1705 : f32 to vector<4x128xf32>
      %select_n3A_1709 = arith.select %broadcast_in_dim3A_1707, %select_n3A_1695, %broadcast_in_dim3A_1708 : vector<4x128xi1>, vector<4x128xf32>
      %reduce_sum3A_1710 = arith.constant dense<0.000000e+00> : vector<4xf32>
      %reduce_sum3A_1711 = vector.multi_reduction <add>, %select_n3A_1709, %reduce_sum3A_1710 [1] : vector<4x128xf32> to vector<4xf32>
      %broadcast_in_dim3A_1712 = vector.shape_cast %reduce_sum3A_1711 : vector<4xf32> to vector<4x1xf32>
      %gt3A_1713 = arith.constant 0.000000e+00 : f32
      %gt3A_1714 = vector.broadcast %gt3A_1713 : f32 to vector<4x128xf32>
      %gt3A_1715 = arith.cmpf ogt, %reshape3A_1702, %gt3A_1714 : vector<4x128xf32>
      %gt3A_1716 = arith.constant 0.000000e+00 : f32
      %gt3A_1717 = vector.broadcast %gt3A_1716 : f32 to vector<4x1xf32>
      %gt3A_1718 = arith.cmpf ogt, %broadcast_in_dim3A_1712, %gt3A_1717 : vector<4x1xf32>
      %and3A_1719 = vector.broadcast %gt3A_1718 : vector<4x1xi1> to vector<4x128xi1>
      %and3A_1720 = arith.andi %gt3A_1715, %and3A_1719 : vector<4x128xi1>
      %jit3A_1721 = arith.constant 0.000000e+00 : f32
      %broadcast_in_dim3A_1722 = vector.broadcast %jit3A_1721 : f32 to vector<4x128xf32>
      %select_n3A_1723 = arith.select %and3A_1720, %broadcast_in_dim3A_1722, %select_n3A_1695 : vector<4x128xi1>, vector<4x128xf32>
      %scan3A_1724 = arith.constant 5 : i32
      %scan3A_1725 = arith.addi %scan3A_1587, %scan3A_1724 : i32
      %get3A_1726 = arith.index_cast %scan3A_1725 : i32 to index
      %get3A_1727 = arith.constant 0 : index
      %get3A_1728 = arith.constant 0 : index
      %get3A_1729 = vector.load %arg4[%get3A_1726, %get3A_1727, %get3A_1728] : memref<128x4x128xf32, #tpu.memory_space<vmem>>, vector<1x4x128xf32>
      %reshape3A_1730 = vector.shape_cast %get3A_1729 : vector<1x4x128xf32> to vector<4x128xf32>
      %eq3A_1731 = vector.broadcast %scan3A_1725 : i32 to vector<1x128xi32>
      %eq3A_1732 = arith.cmpi eq, %iota3A, %eq3A_1731 : vector<1x128xi32>
      %jit3A_1733 = arith.constant 0.000000e+00 : f32
      %broadcast_in_dim3A_1734 = vector.shape_cast %eq3A_1732 : vector<1x128xi1> to vector<1x128xi1>
      %broadcast_in_dim3A_1735 = vector.broadcast %broadcast_in_dim3A_1734 : vector<1x128xi1> to vector<4x128xi1>
      %broadcast_in_dim3A_1736 = vector.broadcast %jit3A_1733 : f32 to vector<4x128xf32>
      %select_n3A_1737 = arith.select %broadcast_in_dim3A_1735, %select_n3A_1723, %broadcast_in_dim3A_1736 : vector<4x128xi1>, vector<4x128xf32>
      %reduce_sum3A_1738 = arith.constant dense<0.000000e+00> : vector<4xf32>
      %reduce_sum3A_1739 = vector.multi_reduction <add>, %select_n3A_1737, %reduce_sum3A_1738 [1] : vector<4x128xf32> to vector<4xf32>
      %broadcast_in_dim3A_1740 = vector.shape_cast %reduce_sum3A_1739 : vector<4xf32> to vector<4x1xf32>
      %gt3A_1741 = arith.constant 0.000000e+00 : f32
      %gt3A_1742 = vector.broadcast %gt3A_1741 : f32 to vector<4x128xf32>
      %gt3A_1743 = arith.cmpf ogt, %reshape3A_1730, %gt3A_1742 : vector<4x128xf32>
      %gt3A_1744 = arith.constant 0.000000e+00 : f32
      %gt3A_1745 = vector.broadcast %gt3A_1744 : f32 to vector<4x1xf32>
      %gt3A_1746 = arith.cmpf ogt, %broadcast_in_dim3A_1740, %gt3A_1745 : vector<4x1xf32>
      %and3A_1747 = vector.broadcast %gt3A_1746 : vector<4x1xi1> to vector<4x128xi1>
      %and3A_1748 = arith.andi %gt3A_1743, %and3A_1747 : vector<4x128xi1>
      %jit3A_1749 = arith.constant 0.000000e+00 : f32
      %broadcast_in_dim3A_1750 = vector.broadcast %jit3A_1749 : f32 to vector<4x128xf32>
      %select_n3A_1751 = arith.select %and3A_1748, %broadcast_in_dim3A_1750, %select_n3A_1723 : vector<4x128xi1>, vector<4x128xf32>
      %scan3A_1752 = arith.constant 6 : i32
      %scan3A_1753 = arith.addi %scan3A_1587, %scan3A_1752 : i32
      %get3A_1754 = arith.index_cast %scan3A_1753 : i32 to index
      %get3A_1755 = arith.constant 0 : index
      %get3A_1756 = arith.constant 0 : index
      %get3A_1757 = vector.load %arg4[%get3A_1754, %get3A_1755, %get3A_1756] : memref<128x4x128xf32, #tpu.memory_space<vmem>>, vector<1x4x128xf32>
      %reshape3A_1758 = vector.shape_cast %get3A_1757 : vector<1x4x128xf32> to vector<4x128xf32>
      %eq3A_1759 = vector.broadcast %scan3A_1753 : i32 to vector<1x128xi32>
      %eq3A_1760 = arith.cmpi eq, %iota3A, %eq3A_1759 : vector<1x128xi32>
      %jit3A_1761 = arith.constant 0.000000e+00 : f32
      %broadcast_in_dim3A_1762 = vector.shape_cast %eq3A_1760 : vector<1x128xi1> to vector<1x128xi1>
      %broadcast_in_dim3A_1763 = vector.broadcast %broadcast_in_dim3A_1762 : vector<1x128xi1> to vector<4x128xi1>
      %broadcast_in_dim3A_1764 = vector.broadcast %jit3A_1761 : f32 to vector<4x128xf32>
      %select_n3A_1765 = arith.select %broadcast_in_dim3A_1763, %select_n3A_1751, %broadcast_in_dim3A_1764 : vector<4x128xi1>, vector<4x128xf32>
      %reduce_sum3A_1766 = arith.constant dense<0.000000e+00> : vector<4xf32>
      %reduce_sum3A_1767 = vector.multi_reduction <add>, %select_n3A_1765, %reduce_sum3A_1766 [1] : vector<4x128xf32> to vector<4xf32>
      %broadcast_in_dim3A_1768 = vector.shape_cast %reduce_sum3A_1767 : vector<4xf32> to vector<4x1xf32>
      %gt3A_1769 = arith.constant 0.000000e+00 : f32
      %gt3A_1770 = vector.broadcast %gt3A_1769 : f32 to vector<4x128xf32>
      %gt3A_1771 = arith.cmpf ogt, %reshape3A_1758, %gt3A_1770 : vector<4x128xf32>
      %gt3A_1772 = arith.constant 0.000000e+00 : f32
      %gt3A_1773 = vector.broadcast %gt3A_1772 : f32 to vector<4x1xf32>
      %gt3A_1774 = arith.cmpf ogt, %broadcast_in_dim3A_1768, %gt3A_1773 : vector<4x1xf32>
      %and3A_1775 = vector.broadcast %gt3A_1774 : vector<4x1xi1> to vector<4x128xi1>
      %and3A_1776 = arith.andi %gt3A_1771, %and3A_1775 : vector<4x128xi1>
      %jit3A_1777 = arith.constant 0.000000e+00 : f32
      %broadcast_in_dim3A_1778 = vector.broadcast %jit3A_1777 : f32 to vector<4x128xf32>
      %select_n3A_1779 = arith.select %and3A_1776, %broadcast_in_dim3A_1778, %select_n3A_1751 : vector<4x128xi1>, vector<4x128xf32>
      %scan3A_1780 = arith.constant 7 : i32
      %scan3A_1781 = arith.addi %scan3A_1587, %scan3A_1780 : i32
      %get3A_1782 = arith.index_cast %scan3A_1781 : i32 to index
      %get3A_1783 = arith.constant 0 : index
      %get3A_1784 = arith.constant 0 : index
      %get3A_1785 = vector.load %arg4[%get3A_1782, %get3A_1783, %get3A_1784] : memref<128x4x128xf32, #tpu.memory_space<vmem>>, vector<1x4x128xf32>
      %reshape3A_1786 = vector.shape_cast %get3A_1785 : vector<1x4x128xf32> to vector<4x128xf32>
      %eq3A_1787 = vector.broadcast %scan3A_1781 : i32 to vector<1x128xi32>
      %eq3A_1788 = arith.cmpi eq, %iota3A, %eq3A_1787 : vector<1x128xi32>
      %jit3A_1789 = arith.constant 0.000000e+00 : f32
      %broadcast_in_dim3A_1790 = vector.shape_cast %eq3A_1788 : vector<1x128xi1> to vector<1x128xi1>
      %broadcast_in_dim3A_1791 = vector.broadcast %broadcast_in_dim3A_1790 : vector<1x128xi1> to vector<4x128xi1>
      %broadcast_in_dim3A_1792 = vector.broadcast %jit3A_1789 : f32 to vector<4x128xf32>
      %select_n3A_1793 = arith.select %broadcast_in_dim3A_1791, %select_n3A_1779, %broadcast_in_dim3A_1792 : vector<4x128xi1>, vector<4x128xf32>
      %reduce_sum3A_1794 = arith.constant dense<0.000000e+00> : vector<4xf32>
      %reduce_sum3A_1795 = vector.multi_reduction <add>, %select_n3A_1793, %reduce_sum3A_1794 [1] : vector<4x128xf32> to vector<4xf32>
      %broadcast_in_dim3A_1796 = vector.shape_cast %reduce_sum3A_1795 : vector<4xf32> to vector<4x1xf32>
      %gt3A_1797 = arith.constant 0.000000e+00 : f32
      %gt3A_1798 = vector.broadcast %gt3A_1797 : f32 to vector<4x128xf32>
      %gt3A_1799 = arith.cmpf ogt, %reshape3A_1786, %gt3A_1798 : vector<4x128xf32>
      %gt3A_1800 = arith.constant 0.000000e+00 : f32
      %gt3A_1801 = vector.broadcast %gt3A_1800 : f32 to vector<4x1xf32>
      %gt3A_1802 = arith.cmpf ogt, %broadcast_in_dim3A_1796, %gt3A_1801 : vector<4x1xf32>
      %and3A_1803 = vector.broadcast %gt3A_1802 : vector<4x1xi1> to vector<4x128xi1>
      %and3A_1804 = arith.andi %gt3A_1799, %and3A_1803 : vector<4x128xi1>
      %jit3A_1805 = arith.constant 0.000000e+00 : f32
      %broadcast_in_dim3A_1806 = vector.broadcast %jit3A_1805 : f32 to vector<4x128xf32>
      %select_n3A_1807 = arith.select %and3A_1804, %broadcast_in_dim3A_1806, %select_n3A_1779 : vector<4x128xi1>, vector<4x128xf32>
      scf.yield %select_n3A_1807 : vector<4x128xf32>
    }
    %scan3A_1077 = arith.constant 128 : i32
    %slice3A_1078 = vector.extract_strided_slice %select_n3A_1060 {offsets = [0, 0, 128], sizes = [128, 4, 640], strides = [1, 1, 1]} : vector<128x4x768xf32> to vector<128x4x640xf32>
    %transpose3A_1079 = tpu.transpose %scan3A_1076, [1, 0] : vector<4x128xf32> -> vector<128x4xf32>
    %broadcast_in_dim3A_1080 = vector.shape_cast %transpose3A_1079 : vector<128x4xf32> to vector<128x4x1xf32>
    %mul3A_1081 = vector.broadcast %broadcast_in_dim3A_1080 : vector<128x4x1xf32> to vector<128x4x640xf32>
    %mul3A_1082 = arith.mulf %slice3A_1078, %mul3A_1081 : vector<128x4x640xf32>
    %reduce_max3A_1083 = arith.constant dense<0xFF800000> : vector<4x640xf32>
    %reduce_max3A_1084 = vector.multi_reduction <maximumf>, %mul3A_1082, %reduce_max3A_1083 [0] : vector<128x4x640xf32> to vector<4x640xf32>
    %gt3A_1085 = arith.constant 0.000000e+00 : f32
    %gt3A_1086 = vector.broadcast %gt3A_1085 : f32 to vector<4x640xf32>
    %gt3A_1087 = arith.cmpf ogt, %reduce_max3A_1084, %gt3A_1086 : vector<4x640xf32>
    %slice3A_1088 = vector.extract_strided_slice %concatenate3A_998 {offsets = [0, 1408], sizes = [4, 640], strides = [1, 1]} : vector<4x2048xf32> to vector<4x640xf32>
    %jit3A_1089 = arith.constant 0.000000e+00 : f32
    %broadcast_in_dim3A_1090 = vector.broadcast %jit3A_1089 : f32 to vector<4x640xf32>
    %select_n3A_1091 = arith.select %gt3A_1087, %broadcast_in_dim3A_1090, %slice3A_1088 : vector<4x640xi1>, vector<4x640xf32>
    %slice3A_1092 = vector.extract_strided_slice %concatenate3A_998 {offsets = [0, 0], sizes = [4, 1280], strides = [1, 1]} : vector<4x2048xf32> to vector<4x1280xf32>
    %concatenate3A_1093 = tpu.concatenate %slice3A_1092, %scan3A_1076, %select_n3A_1091 in 1 : vector<4x1280xf32>, vector<4x128xf32>, vector<4x640xf32> -> vector<4x2048xf32>
    %slice3A_1094 = vector.extract_strided_slice %min3A_6 {offsets = [0, 1408], sizes = [4, 128], strides = [1, 1]} : vector<4x2048xf32> to vector<4x128xf32>
    %transpose3A_1095 = tpu.transpose %slice3A_1094, [1, 0] : vector<4x128xf32> -> vector<128x4xf32>
    %broadcast_in_dim3A_1096 = vector.shape_cast %transpose3A_1095 : vector<128x4xf32> to vector<128x4x1xf32>
    %slice3A_1097 = vector.extract_strided_slice %min3A_17 {offsets = [0, 1408], sizes = [4, 128], strides = [1, 1]} : vector<4x2048xf32> to vector<4x128xf32>
    %transpose3A_1098 = tpu.transpose %slice3A_1097, [1, 0] : vector<4x128xf32> -> vector<128x4xf32>
    %broadcast_in_dim3A_1099 = vector.shape_cast %transpose3A_1098 : vector<128x4xf32> to vector<128x4x1xf32>
    %slice3A_1100 = vector.extract_strided_slice %min3A_28 {offsets = [0, 1408], sizes = [4, 128], strides = [1, 1]} : vector<4x2048xf32> to vector<4x128xf32>
    %transpose3A_1101 = tpu.transpose %slice3A_1100, [1, 0] : vector<4x128xf32> -> vector<128x4xf32>
    %broadcast_in_dim3A_1102 = vector.shape_cast %transpose3A_1101 : vector<128x4xf32> to vector<128x4x1xf32>
    %slice3A_1103 = vector.extract_strided_slice %min3A_39 {offsets = [0, 1408], sizes = [4, 128], strides = [1, 1]} : vector<4x2048xf32> to vector<4x128xf32>
    %transpose3A_1104 = tpu.transpose %slice3A_1103, [1, 0] : vector<4x128xf32> -> vector<128x4xf32>
    %broadcast_in_dim3A_1105 = vector.shape_cast %transpose3A_1104 : vector<128x4xf32> to vector<128x4x1xf32>
    %slice3A_1106 = vector.extract_strided_slice %mul3A {offsets = [0, 1408], sizes = [4, 128], strides = [1, 1]} : vector<4x2048xf32> to vector<4x128xf32>
    %transpose3A_1107 = tpu.transpose %slice3A_1106, [1, 0] : vector<4x128xf32> -> vector<128x4xf32>
    %broadcast_in_dim3A_1108 = vector.shape_cast %transpose3A_1107 : vector<128x4xf32> to vector<128x4x1xf32>
    %slice3A_1109 = vector.extract_strided_slice %min3A_6 {offsets = [0, 1408], sizes = [4, 640], strides = [1, 1]} : vector<4x2048xf32> to vector<4x640xf32>
    %broadcast_in_dim3A_1110 = vector.shape_cast %slice3A_1109 : vector<4x640xf32> to vector<1x4x640xf32>
    %slice3A_1111 = vector.extract_strided_slice %min3A_17 {offsets = [0, 1408], sizes = [4, 640], strides = [1, 1]} : vector<4x2048xf32> to vector<4x640xf32>
    %broadcast_in_dim3A_1112 = vector.shape_cast %slice3A_1111 : vector<4x640xf32> to vector<1x4x640xf32>
    %slice3A_1113 = vector.extract_strided_slice %min3A_28 {offsets = [0, 1408], sizes = [4, 640], strides = [1, 1]} : vector<4x2048xf32> to vector<4x640xf32>
    %broadcast_in_dim3A_1114 = vector.shape_cast %slice3A_1113 : vector<4x640xf32> to vector<1x4x640xf32>
    %slice3A_1115 = vector.extract_strided_slice %min3A_39 {offsets = [0, 1408], sizes = [4, 640], strides = [1, 1]} : vector<4x2048xf32> to vector<4x640xf32>
    %broadcast_in_dim3A_1116 = vector.shape_cast %slice3A_1115 : vector<4x640xf32> to vector<1x4x640xf32>
    %slice3A_1117 = vector.extract_strided_slice %mul3A {offsets = [0, 1408], sizes = [4, 640], strides = [1, 1]} : vector<4x2048xf32> to vector<4x640xf32>
    %broadcast_in_dim3A_1118 = vector.shape_cast %slice3A_1117 : vector<4x640xf32> to vector<1x4x640xf32>
    %min3A_1119 = vector.broadcast %broadcast_in_dim3A_1102 : vector<128x4x1xf32> to vector<128x4x640xf32>
    %min3A_1120 = vector.broadcast %broadcast_in_dim3A_1114 : vector<1x4x640xf32> to vector<128x4x640xf32>
    %min3A_1121 = arith.minimumf %min3A_1119, %min3A_1120 : vector<128x4x640xf32>
    %max3A_1122 = vector.broadcast %broadcast_in_dim3A_1096 : vector<128x4x1xf32> to vector<128x4x640xf32>
    %max3A_1123 = vector.broadcast %broadcast_in_dim3A_1110 : vector<1x4x640xf32> to vector<128x4x640xf32>
    %max3A_1124 = arith.maximumf %max3A_1122, %max3A_1123 : vector<128x4x640xf32>
    %sub3A_1125 = arith.subf %min3A_1121, %max3A_1124 : vector<128x4x640xf32>
    %jit3A_1126 = arith.constant 0.000000e+00 : f32
    %max3A_1127 = vector.broadcast %jit3A_1126 : f32 to vector<128x4x640xf32>
    %max3A_1128 = arith.maximumf %max3A_1127, %sub3A_1125 : vector<128x4x640xf32>
    %min3A_1129 = vector.broadcast %broadcast_in_dim3A_1105 : vector<128x4x1xf32> to vector<128x4x640xf32>
    %min3A_1130 = vector.broadcast %broadcast_in_dim3A_1116 : vector<1x4x640xf32> to vector<128x4x640xf32>
    %min3A_1131 = arith.minimumf %min3A_1129, %min3A_1130 : vector<128x4x640xf32>
    %max3A_1132 = vector.broadcast %broadcast_in_dim3A_1099 : vector<128x4x1xf32> to vector<128x4x640xf32>
    %max3A_1133 = vector.broadcast %broadcast_in_dim3A_1112 : vector<1x4x640xf32> to vector<128x4x640xf32>
    %max3A_1134 = arith.maximumf %max3A_1132, %max3A_1133 : vector<128x4x640xf32>
    %sub3A_1135 = arith.subf %min3A_1131, %max3A_1134 : vector<128x4x640xf32>
    %jit3A_1136 = arith.constant 0.000000e+00 : f32
    %max3A_1137 = vector.broadcast %jit3A_1136 : f32 to vector<128x4x640xf32>
    %max3A_1138 = arith.maximumf %max3A_1137, %sub3A_1135 : vector<128x4x640xf32>
    %mul3A_1139 = arith.mulf %max3A_1128, %max3A_1138 : vector<128x4x640xf32>
    %add3A_1140 = vector.broadcast %broadcast_in_dim3A_1108 : vector<128x4x1xf32> to vector<128x4x640xf32>
    %add3A_1141 = vector.broadcast %broadcast_in_dim3A_1118 : vector<1x4x640xf32> to vector<128x4x640xf32>
    %add3A_1142 = arith.addf %add3A_1140, %add3A_1141 : vector<128x4x640xf32>
    %sub3A_1143 = arith.subf %add3A_1142, %mul3A_1139 : vector<128x4x640xf32>
    %max3A_1144 = arith.constant 9.99999971E-10 : f32
    %max3A_1145 = vector.broadcast %max3A_1144 : f32 to vector<128x4x640xf32>
    %max3A_1146 = arith.maximumf %sub3A_1143, %max3A_1145 : vector<128x4x640xf32>
    %div3A_1147 = arith.divf %mul3A_1139, %max3A_1146 : vector<128x4x640xf32>
    %gt3A_1148 = arith.constant 0.699999988 : f32
    %gt3A_1149 = vector.broadcast %gt3A_1148 : f32 to vector<128x4x640xf32>
    %gt3A_1150 = arith.cmpf ogt, %div3A_1147, %gt3A_1149 : vector<128x4x640xf32>
    %jit3A_1151 = arith.constant 1.000000e+00 : f32
    %jit3A_1152 = arith.constant 0.000000e+00 : f32
    %broadcast_in_dim3A_1153 = vector.broadcast %jit3A_1151 : f32 to vector<128x4x640xf32>
    %broadcast_in_dim3A_1154 = vector.broadcast %jit3A_1152 : f32 to vector<128x4x640xf32>
    %select_n3A_1155 = arith.select %gt3A_1150, %broadcast_in_dim3A_1153, %broadcast_in_dim3A_1154 : vector<128x4x640xi1>, vector<128x4x640xf32>
    %slice3A_1156 = vector.extract_strided_slice %select_n3A_1155 {offsets = [0, 0, 0], sizes = [128, 4, 128], strides = [1, 1, 1]} : vector<128x4x640xf32> to vector<128x4x128xf32>
    %jit3A_1157 = arith.constant 0.000000e+00 : f32
    %broadcast_in_dim3A_1158 = vector.shape_cast %gt3A_62 : vector<128x1x128xi1> to vector<128x1x128xi1>
    %broadcast_in_dim3A_1159 = vector.broadcast %broadcast_in_dim3A_1158 : vector<128x1x128xi1> to vector<128x4x128xi1>
    %broadcast_in_dim3A_1160 = vector.broadcast %jit3A_1157 : f32 to vector<128x4x128xf32>
    %select_n3A_1161 = arith.select %broadcast_in_dim3A_1159, %slice3A_1156, %broadcast_in_dim3A_1160 : vector<128x4x128xi1>, vector<128x4x128xf32>
    %swap3A_1162 = arith.constant 0 : index
    %swap3A_1163 = arith.constant 0 : index
    %swap3A_1164 = arith.constant 0 : index
    %swap3A_1165 = vector.load %arg4[%swap3A_1162, %swap3A_1163, %swap3A_1164] : memref<128x4x128xf32, #tpu.memory_space<vmem>>, vector<128x4x128xf32>
    tpu.vector_store %arg4[%swap3A_1162, %swap3A_1163, %swap3A_1164], %select_n3A_1161 {strides = array<i32>} : memref<128x4x128xf32, #tpu.memory_space<vmem>>, vector<128x4x128xf32>,
    %slice3A_1166 = vector.extract_strided_slice %concatenate3A_1093 {offsets = [0, 1408], sizes = [4, 128], strides = [1, 1]} : vector<4x2048xf32> to vector<4x128xf32>
    %scan3A_1167 = arith.constant 0 : i32
    %scan3A_1168 = arith.constant 128 : i32
    %scan3A_1169 = arith.addi %scan3A_1167, %scan3A_1168 : i32
    %scan3A_1170 = arith.constant 8 : i32
    %scan3A_1171 = scf.for %scan3A_1587 = %scan3A_1167 to %scan3A_1169 step %scan3A_1170 iter_args(%scan3A_1588 = %slice3A_1166) -> (vector<4x128xf32>)  : i32 {
      %get3A_1589 = arith.index_cast %scan3A_1587 : i32 to index
      %get3A_1590 = arith.constant 0 : index
      %get3A_1591 = arith.constant 0 : index
      %get3A_1592 = vector.load %arg4[%get3A_1589, %get3A_1590, %get3A_1591] : memref<128x4x128xf32, #tpu.memory_space<vmem>>, vector<1x4x128xf32>
      %reshape3A = vector.shape_cast %get3A_1592 : vector<1x4x128xf32> to vector<4x128xf32>
      %eq3A = vector.broadcast %scan3A_1587 : i32 to vector<1x128xi32>
      %eq3A_1593 = arith.cmpi eq, %iota3A, %eq3A : vector<1x128xi32>
      %jit3A_1594 = arith.constant 0.000000e+00 : f32
      %broadcast_in_dim3A_1595 = vector.shape_cast %eq3A_1593 : vector<1x128xi1> to vector<1x128xi1>
      %broadcast_in_dim3A_1596 = vector.broadcast %broadcast_in_dim3A_1595 : vector<1x128xi1> to vector<4x128xi1>
      %broadcast_in_dim3A_1597 = vector.broadcast %jit3A_1594 : f32 to vector<4x128xf32>
      %select_n3A_1598 = arith.select %broadcast_in_dim3A_1596, %scan3A_1588, %broadcast_in_dim3A_1597 : vector<4x128xi1>, vector<4x128xf32>
      %reduce_sum3A = arith.constant dense<0.000000e+00> : vector<4xf32>
      %reduce_sum3A_1599 = vector.multi_reduction <add>, %select_n3A_1598, %reduce_sum3A [1] : vector<4x128xf32> to vector<4xf32>
      %broadcast_in_dim3A_1600 = vector.shape_cast %reduce_sum3A_1599 : vector<4xf32> to vector<4x1xf32>
      %gt3A_1601 = arith.constant 0.000000e+00 : f32
      %gt3A_1602 = vector.broadcast %gt3A_1601 : f32 to vector<4x128xf32>
      %gt3A_1603 = arith.cmpf ogt, %reshape3A, %gt3A_1602 : vector<4x128xf32>
      %gt3A_1604 = arith.constant 0.000000e+00 : f32
      %gt3A_1605 = vector.broadcast %gt3A_1604 : f32 to vector<4x1xf32>
      %gt3A_1606 = arith.cmpf ogt, %broadcast_in_dim3A_1600, %gt3A_1605 : vector<4x1xf32>
      %and3A_1607 = vector.broadcast %gt3A_1606 : vector<4x1xi1> to vector<4x128xi1>
      %and3A_1608 = arith.andi %gt3A_1603, %and3A_1607 : vector<4x128xi1>
      %jit3A_1609 = arith.constant 0.000000e+00 : f32
      %broadcast_in_dim3A_1610 = vector.broadcast %jit3A_1609 : f32 to vector<4x128xf32>
      %select_n3A_1611 = arith.select %and3A_1608, %broadcast_in_dim3A_1610, %scan3A_1588 : vector<4x128xi1>, vector<4x128xf32>
      %scan3A_1612 = arith.constant 1 : i32
      %scan3A_1613 = arith.addi %scan3A_1587, %scan3A_1612 : i32
      %get3A_1614 = arith.index_cast %scan3A_1613 : i32 to index
      %get3A_1615 = arith.constant 0 : index
      %get3A_1616 = arith.constant 0 : index
      %get3A_1617 = vector.load %arg4[%get3A_1614, %get3A_1615, %get3A_1616] : memref<128x4x128xf32, #tpu.memory_space<vmem>>, vector<1x4x128xf32>
      %reshape3A_1618 = vector.shape_cast %get3A_1617 : vector<1x4x128xf32> to vector<4x128xf32>
      %eq3A_1619 = vector.broadcast %scan3A_1613 : i32 to vector<1x128xi32>
      %eq3A_1620 = arith.cmpi eq, %iota3A, %eq3A_1619 : vector<1x128xi32>
      %jit3A_1621 = arith.constant 0.000000e+00 : f32
      %broadcast_in_dim3A_1622 = vector.shape_cast %eq3A_1620 : vector<1x128xi1> to vector<1x128xi1>
      %broadcast_in_dim3A_1623 = vector.broadcast %broadcast_in_dim3A_1622 : vector<1x128xi1> to vector<4x128xi1>
      %broadcast_in_dim3A_1624 = vector.broadcast %jit3A_1621 : f32 to vector<4x128xf32>
      %select_n3A_1625 = arith.select %broadcast_in_dim3A_1623, %select_n3A_1611, %broadcast_in_dim3A_1624 : vector<4x128xi1>, vector<4x128xf32>
      %reduce_sum3A_1626 = arith.constant dense<0.000000e+00> : vector<4xf32>
      %reduce_sum3A_1627 = vector.multi_reduction <add>, %select_n3A_1625, %reduce_sum3A_1626 [1] : vector<4x128xf32> to vector<4xf32>
      %broadcast_in_dim3A_1628 = vector.shape_cast %reduce_sum3A_1627 : vector<4xf32> to vector<4x1xf32>
      %gt3A_1629 = arith.constant 0.000000e+00 : f32
      %gt3A_1630 = vector.broadcast %gt3A_1629 : f32 to vector<4x128xf32>
      %gt3A_1631 = arith.cmpf ogt, %reshape3A_1618, %gt3A_1630 : vector<4x128xf32>
      %gt3A_1632 = arith.constant 0.000000e+00 : f32
      %gt3A_1633 = vector.broadcast %gt3A_1632 : f32 to vector<4x1xf32>
      %gt3A_1634 = arith.cmpf ogt, %broadcast_in_dim3A_1628, %gt3A_1633 : vector<4x1xf32>
      %and3A_1635 = vector.broadcast %gt3A_1634 : vector<4x1xi1> to vector<4x128xi1>
      %and3A_1636 = arith.andi %gt3A_1631, %and3A_1635 : vector<4x128xi1>
      %jit3A_1637 = arith.constant 0.000000e+00 : f32
      %broadcast_in_dim3A_1638 = vector.broadcast %jit3A_1637 : f32 to vector<4x128xf32>
      %select_n3A_1639 = arith.select %and3A_1636, %broadcast_in_dim3A_1638, %select_n3A_1611 : vector<4x128xi1>, vector<4x128xf32>
      %scan3A_1640 = arith.constant 2 : i32
      %scan3A_1641 = arith.addi %scan3A_1587, %scan3A_1640 : i32
      %get3A_1642 = arith.index_cast %scan3A_1641 : i32 to index
      %get3A_1643 = arith.constant 0 : index
      %get3A_1644 = arith.constant 0 : index
      %get3A_1645 = vector.load %arg4[%get3A_1642, %get3A_1643, %get3A_1644] : memref<128x4x128xf32, #tpu.memory_space<vmem>>, vector<1x4x128xf32>
      %reshape3A_1646 = vector.shape_cast %get3A_1645 : vector<1x4x128xf32> to vector<4x128xf32>
      %eq3A_1647 = vector.broadcast %scan3A_1641 : i32 to vector<1x128xi32>
      %eq3A_1648 = arith.cmpi eq, %iota3A, %eq3A_1647 : vector<1x128xi32>
      %jit3A_1649 = arith.constant 0.000000e+00 : f32
      %broadcast_in_dim3A_1650 = vector.shape_cast %eq3A_1648 : vector<1x128xi1> to vector<1x128xi1>
      %broadcast_in_dim3A_1651 = vector.broadcast %broadcast_in_dim3A_1650 : vector<1x128xi1> to vector<4x128xi1>
      %broadcast_in_dim3A_1652 = vector.broadcast %jit3A_1649 : f32 to vector<4x128xf32>
      %select_n3A_1653 = arith.select %broadcast_in_dim3A_1651, %select_n3A_1639, %broadcast_in_dim3A_1652 : vector<4x128xi1>, vector<4x128xf32>
      %reduce_sum3A_1654 = arith.constant dense<0.000000e+00> : vector<4xf32>
      %reduce_sum3A_1655 = vector.multi_reduction <add>, %select_n3A_1653, %reduce_sum3A_1654 [1] : vector<4x128xf32> to vector<4xf32>
      %broadcast_in_dim3A_1656 = vector.shape_cast %reduce_sum3A_1655 : vector<4xf32> to vector<4x1xf32>
      %gt3A_1657 = arith.constant 0.000000e+00 : f32
      %gt3A_1658 = vector.broadcast %gt3A_1657 : f32 to vector<4x128xf32>
      %gt3A_1659 = arith.cmpf ogt, %reshape3A_1646, %gt3A_1658 : vector<4x128xf32>
      %gt3A_1660 = arith.constant 0.000000e+00 : f32
      %gt3A_1661 = vector.broadcast %gt3A_1660 : f32 to vector<4x1xf32>
      %gt3A_1662 = arith.cmpf ogt, %broadcast_in_dim3A_1656, %gt3A_1661 : vector<4x1xf32>
      %and3A_1663 = vector.broadcast %gt3A_1662 : vector<4x1xi1> to vector<4x128xi1>
      %and3A_1664 = arith.andi %gt3A_1659, %and3A_1663 : vector<4x128xi1>
      %jit3A_1665 = arith.constant 0.000000e+00 : f32
      %broadcast_in_dim3A_1666 = vector.broadcast %jit3A_1665 : f32 to vector<4x128xf32>
      %select_n3A_1667 = arith.select %and3A_1664, %broadcast_in_dim3A_1666, %select_n3A_1639 : vector<4x128xi1>, vector<4x128xf32>
      %scan3A_1668 = arith.constant 3 : i32
      %scan3A_1669 = arith.addi %scan3A_1587, %scan3A_1668 : i32
      %get3A_1670 = arith.index_cast %scan3A_1669 : i32 to index
      %get3A_1671 = arith.constant 0 : index
      %get3A_1672 = arith.constant 0 : index
      %get3A_1673 = vector.load %arg4[%get3A_1670, %get3A_1671, %get3A_1672] : memref<128x4x128xf32, #tpu.memory_space<vmem>>, vector<1x4x128xf32>
      %reshape3A_1674 = vector.shape_cast %get3A_1673 : vector<1x4x128xf32> to vector<4x128xf32>
      %eq3A_1675 = vector.broadcast %scan3A_1669 : i32 to vector<1x128xi32>
      %eq3A_1676 = arith.cmpi eq, %iota3A, %eq3A_1675 : vector<1x128xi32>
      %jit3A_1677 = arith.constant 0.000000e+00 : f32
      %broadcast_in_dim3A_1678 = vector.shape_cast %eq3A_1676 : vector<1x128xi1> to vector<1x128xi1>
      %broadcast_in_dim3A_1679 = vector.broadcast %broadcast_in_dim3A_1678 : vector<1x128xi1> to vector<4x128xi1>
      %broadcast_in_dim3A_1680 = vector.broadcast %jit3A_1677 : f32 to vector<4x128xf32>
      %select_n3A_1681 = arith.select %broadcast_in_dim3A_1679, %select_n3A_1667, %broadcast_in_dim3A_1680 : vector<4x128xi1>, vector<4x128xf32>
      %reduce_sum3A_1682 = arith.constant dense<0.000000e+00> : vector<4xf32>
      %reduce_sum3A_1683 = vector.multi_reduction <add>, %select_n3A_1681, %reduce_sum3A_1682 [1] : vector<4x128xf32> to vector<4xf32>
      %broadcast_in_dim3A_1684 = vector.shape_cast %reduce_sum3A_1683 : vector<4xf32> to vector<4x1xf32>
      %gt3A_1685 = arith.constant 0.000000e+00 : f32
      %gt3A_1686 = vector.broadcast %gt3A_1685 : f32 to vector<4x128xf32>
      %gt3A_1687 = arith.cmpf ogt, %reshape3A_1674, %gt3A_1686 : vector<4x128xf32>
      %gt3A_1688 = arith.constant 0.000000e+00 : f32
      %gt3A_1689 = vector.broadcast %gt3A_1688 : f32 to vector<4x1xf32>
      %gt3A_1690 = arith.cmpf ogt, %broadcast_in_dim3A_1684, %gt3A_1689 : vector<4x1xf32>
      %and3A_1691 = vector.broadcast %gt3A_1690 : vector<4x1xi1> to vector<4x128xi1>
      %and3A_1692 = arith.andi %gt3A_1687, %and3A_1691 : vector<4x128xi1>
      %jit3A_1693 = arith.constant 0.000000e+00 : f32
      %broadcast_in_dim3A_1694 = vector.broadcast %jit3A_1693 : f32 to vector<4x128xf32>
      %select_n3A_1695 = arith.select %and3A_1692, %broadcast_in_dim3A_1694, %select_n3A_1667 : vector<4x128xi1>, vector<4x128xf32>
      %scan3A_1696 = arith.constant 4 : i32
      %scan3A_1697 = arith.addi %scan3A_1587, %scan3A_1696 : i32
      %get3A_1698 = arith.index_cast %scan3A_1697 : i32 to index
      %get3A_1699 = arith.constant 0 : index
      %get3A_1700 = arith.constant 0 : index
      %get3A_1701 = vector.load %arg4[%get3A_1698, %get3A_1699, %get3A_1700] : memref<128x4x128xf32, #tpu.memory_space<vmem>>, vector<1x4x128xf32>
      %reshape3A_1702 = vector.shape_cast %get3A_1701 : vector<1x4x128xf32> to vector<4x128xf32>
      %eq3A_1703 = vector.broadcast %scan3A_1697 : i32 to vector<1x128xi32>
      %eq3A_1704 = arith.cmpi eq, %iota3A, %eq3A_1703 : vector<1x128xi32>
      %jit3A_1705 = arith.constant 0.000000e+00 : f32
      %broadcast_in_dim3A_1706 = vector.shape_cast %eq3A_1704 : vector<1x128xi1> to vector<1x128xi1>
      %broadcast_in_dim3A_1707 = vector.broadcast %broadcast_in_dim3A_1706 : vector<1x128xi1> to vector<4x128xi1>
      %broadcast_in_dim3A_1708 = vector.broadcast %jit3A_1705 : f32 to vector<4x128xf32>
      %select_n3A_1709 = arith.select %broadcast_in_dim3A_1707, %select_n3A_1695, %broadcast_in_dim3A_1708 : vector<4x128xi1>, vector<4x128xf32>
      %reduce_sum3A_1710 = arith.constant dense<0.000000e+00> : vector<4xf32>
      %reduce_sum3A_1711 = vector.multi_reduction <add>, %select_n3A_1709, %reduce_sum3A_1710 [1] : vector<4x128xf32> to vector<4xf32>
      %broadcast_in_dim3A_1712 = vector.shape_cast %reduce_sum3A_1711 : vector<4xf32> to vector<4x1xf32>
      %gt3A_1713 = arith.constant 0.000000e+00 : f32
      %gt3A_1714 = vector.broadcast %gt3A_1713 : f32 to vector<4x128xf32>
      %gt3A_1715 = arith.cmpf ogt, %reshape3A_1702, %gt3A_1714 : vector<4x128xf32>
      %gt3A_1716 = arith.constant 0.000000e+00 : f32
      %gt3A_1717 = vector.broadcast %gt3A_1716 : f32 to vector<4x1xf32>
      %gt3A_1718 = arith.cmpf ogt, %broadcast_in_dim3A_1712, %gt3A_1717 : vector<4x1xf32>
      %and3A_1719 = vector.broadcast %gt3A_1718 : vector<4x1xi1> to vector<4x128xi1>
      %and3A_1720 = arith.andi %gt3A_1715, %and3A_1719 : vector<4x128xi1>
      %jit3A_1721 = arith.constant 0.000000e+00 : f32
      %broadcast_in_dim3A_1722 = vector.broadcast %jit3A_1721 : f32 to vector<4x128xf32>
      %select_n3A_1723 = arith.select %and3A_1720, %broadcast_in_dim3A_1722, %select_n3A_1695 : vector<4x128xi1>, vector<4x128xf32>
      %scan3A_1724 = arith.constant 5 : i32
      %scan3A_1725 = arith.addi %scan3A_1587, %scan3A_1724 : i32
      %get3A_1726 = arith.index_cast %scan3A_1725 : i32 to index
      %get3A_1727 = arith.constant 0 : index
      %get3A_1728 = arith.constant 0 : index
      %get3A_1729 = vector.load %arg4[%get3A_1726, %get3A_1727, %get3A_1728] : memref<128x4x128xf32, #tpu.memory_space<vmem>>, vector<1x4x128xf32>
      %reshape3A_1730 = vector.shape_cast %get3A_1729 : vector<1x4x128xf32> to vector<4x128xf32>
      %eq3A_1731 = vector.broadcast %scan3A_1725 : i32 to vector<1x128xi32>
      %eq3A_1732 = arith.cmpi eq, %iota3A, %eq3A_1731 : vector<1x128xi32>
      %jit3A_1733 = arith.constant 0.000000e+00 : f32
      %broadcast_in_dim3A_1734 = vector.shape_cast %eq3A_1732 : vector<1x128xi1> to vector<1x128xi1>
      %broadcast_in_dim3A_1735 = vector.broadcast %broadcast_in_dim3A_1734 : vector<1x128xi1> to vector<4x128xi1>
      %broadcast_in_dim3A_1736 = vector.broadcast %jit3A_1733 : f32 to vector<4x128xf32>
      %select_n3A_1737 = arith.select %broadcast_in_dim3A_1735, %select_n3A_1723, %broadcast_in_dim3A_1736 : vector<4x128xi1>, vector<4x128xf32>
      %reduce_sum3A_1738 = arith.constant dense<0.000000e+00> : vector<4xf32>
      %reduce_sum3A_1739 = vector.multi_reduction <add>, %select_n3A_1737, %reduce_sum3A_1738 [1] : vector<4x128xf32> to vector<4xf32>
      %broadcast_in_dim3A_1740 = vector.shape_cast %reduce_sum3A_1739 : vector<4xf32> to vector<4x1xf32>
      %gt3A_1741 = arith.constant 0.000000e+00 : f32
      %gt3A_1742 = vector.broadcast %gt3A_1741 : f32 to vector<4x128xf32>
      %gt3A_1743 = arith.cmpf ogt, %reshape3A_1730, %gt3A_1742 : vector<4x128xf32>
      %gt3A_1744 = arith.constant 0.000000e+00 : f32
      %gt3A_1745 = vector.broadcast %gt3A_1744 : f32 to vector<4x1xf32>
      %gt3A_1746 = arith.cmpf ogt, %broadcast_in_dim3A_1740, %gt3A_1745 : vector<4x1xf32>
      %and3A_1747 = vector.broadcast %gt3A_1746 : vector<4x1xi1> to vector<4x128xi1>
      %and3A_1748 = arith.andi %gt3A_1743, %and3A_1747 : vector<4x128xi1>
      %jit3A_1749 = arith.constant 0.000000e+00 : f32
      %broadcast_in_dim3A_1750 = vector.broadcast %jit3A_1749 : f32 to vector<4x128xf32>
      %select_n3A_1751 = arith.select %and3A_1748, %broadcast_in_dim3A_1750, %select_n3A_1723 : vector<4x128xi1>, vector<4x128xf32>
      %scan3A_1752 = arith.constant 6 : i32
      %scan3A_1753 = arith.addi %scan3A_1587, %scan3A_1752 : i32
      %get3A_1754 = arith.index_cast %scan3A_1753 : i32 to index
      %get3A_1755 = arith.constant 0 : index
      %get3A_1756 = arith.constant 0 : index
      %get3A_1757 = vector.load %arg4[%get3A_1754, %get3A_1755, %get3A_1756] : memref<128x4x128xf32, #tpu.memory_space<vmem>>, vector<1x4x128xf32>
      %reshape3A_1758 = vector.shape_cast %get3A_1757 : vector<1x4x128xf32> to vector<4x128xf32>
      %eq3A_1759 = vector.broadcast %scan3A_1753 : i32 to vector<1x128xi32>
      %eq3A_1760 = arith.cmpi eq, %iota3A, %eq3A_1759 : vector<1x128xi32>
      %jit3A_1761 = arith.constant 0.000000e+00 : f32
      %broadcast_in_dim3A_1762 = vector.shape_cast %eq3A_1760 : vector<1x128xi1> to vector<1x128xi1>
      %broadcast_in_dim3A_1763 = vector.broadcast %broadcast_in_dim3A_1762 : vector<1x128xi1> to vector<4x128xi1>
      %broadcast_in_dim3A_1764 = vector.broadcast %jit3A_1761 : f32 to vector<4x128xf32>
      %select_n3A_1765 = arith.select %broadcast_in_dim3A_1763, %select_n3A_1751, %broadcast_in_dim3A_1764 : vector<4x128xi1>, vector<4x128xf32>
      %reduce_sum3A_1766 = arith.constant dense<0.000000e+00> : vector<4xf32>
      %reduce_sum3A_1767 = vector.multi_reduction <add>, %select_n3A_1765, %reduce_sum3A_1766 [1] : vector<4x128xf32> to vector<4xf32>
      %broadcast_in_dim3A_1768 = vector.shape_cast %reduce_sum3A_1767 : vector<4xf32> to vector<4x1xf32>
      %gt3A_1769 = arith.constant 0.000000e+00 : f32
      %gt3A_1770 = vector.broadcast %gt3A_1769 : f32 to vector<4x128xf32>
      %gt3A_1771 = arith.cmpf ogt, %reshape3A_1758, %gt3A_1770 : vector<4x128xf32>
      %gt3A_1772 = arith.constant 0.000000e+00 : f32
      %gt3A_1773 = vector.broadcast %gt3A_1772 : f32 to vector<4x1xf32>
      %gt3A_1774 = arith.cmpf ogt, %broadcast_in_dim3A_1768, %gt3A_1773 : vector<4x1xf32>
      %and3A_1775 = vector.broadcast %gt3A_1774 : vector<4x1xi1> to vector<4x128xi1>
      %and3A_1776 = arith.andi %gt3A_1771, %and3A_1775 : vector<4x128xi1>
      %jit3A_1777 = arith.constant 0.000000e+00 : f32
      %broadcast_in_dim3A_1778 = vector.broadcast %jit3A_1777 : f32 to vector<4x128xf32>
      %select_n3A_1779 = arith.select %and3A_1776, %broadcast_in_dim3A_1778, %select_n3A_1751 : vector<4x128xi1>, vector<4x128xf32>
      %scan3A_1780 = arith.constant 7 : i32
      %scan3A_1781 = arith.addi %scan3A_1587, %scan3A_1780 : i32
      %get3A_1782 = arith.index_cast %scan3A_1781 : i32 to index
      %get3A_1783 = arith.constant 0 : index
      %get3A_1784 = arith.constant 0 : index
      %get3A_1785 = vector.load %arg4[%get3A_1782, %get3A_1783, %get3A_1784] : memref<128x4x128xf32, #tpu.memory_space<vmem>>, vector<1x4x128xf32>
      %reshape3A_1786 = vector.shape_cast %get3A_1785 : vector<1x4x128xf32> to vector<4x128xf32>
      %eq3A_1787 = vector.broadcast %scan3A_1781 : i32 to vector<1x128xi32>
      %eq3A_1788 = arith.cmpi eq, %iota3A, %eq3A_1787 : vector<1x128xi32>
      %jit3A_1789 = arith.constant 0.000000e+00 : f32
      %broadcast_in_dim3A_1790 = vector.shape_cast %eq3A_1788 : vector<1x128xi1> to vector<1x128xi1>
      %broadcast_in_dim3A_1791 = vector.broadcast %broadcast_in_dim3A_1790 : vector<1x128xi1> to vector<4x128xi1>
      %broadcast_in_dim3A_1792 = vector.broadcast %jit3A_1789 : f32 to vector<4x128xf32>
      %select_n3A_1793 = arith.select %broadcast_in_dim3A_1791, %select_n3A_1779, %broadcast_in_dim3A_1792 : vector<4x128xi1>, vector<4x128xf32>
      %reduce_sum3A_1794 = arith.constant dense<0.000000e+00> : vector<4xf32>
      %reduce_sum3A_1795 = vector.multi_reduction <add>, %select_n3A_1793, %reduce_sum3A_1794 [1] : vector<4x128xf32> to vector<4xf32>
      %broadcast_in_dim3A_1796 = vector.shape_cast %reduce_sum3A_1795 : vector<4xf32> to vector<4x1xf32>
      %gt3A_1797 = arith.constant 0.000000e+00 : f32
      %gt3A_1798 = vector.broadcast %gt3A_1797 : f32 to vector<4x128xf32>
      %gt3A_1799 = arith.cmpf ogt, %reshape3A_1786, %gt3A_1798 : vector<4x128xf32>
      %gt3A_1800 = arith.constant 0.000000e+00 : f32
      %gt3A_1801 = vector.broadcast %gt3A_1800 : f32 to vector<4x1xf32>
      %gt3A_1802 = arith.cmpf ogt, %broadcast_in_dim3A_1796, %gt3A_1801 : vector<4x1xf32>
      %and3A_1803 = vector.broadcast %gt3A_1802 : vector<4x1xi1> to vector<4x128xi1>
      %and3A_1804 = arith.andi %gt3A_1799, %and3A_1803 : vector<4x128xi1>
      %jit3A_1805 = arith.constant 0.000000e+00 : f32
      %broadcast_in_dim3A_1806 = vector.broadcast %jit3A_1805 : f32 to vector<4x128xf32>
      %select_n3A_1807 = arith.select %and3A_1804, %broadcast_in_dim3A_1806, %select_n3A_1779 : vector<4x128xi1>, vector<4x128xf32>
      scf.yield %select_n3A_1807 : vector<4x128xf32>
    }
    %scan3A_1172 = arith.constant 128 : i32
    %slice3A_1173 = vector.extract_strided_slice %select_n3A_1155 {offsets = [0, 0, 128], sizes = [128, 4, 512], strides = [1, 1, 1]} : vector<128x4x640xf32> to vector<128x4x512xf32>
    %transpose3A_1174 = tpu.transpose %scan3A_1171, [1, 0] : vector<4x128xf32> -> vector<128x4xf32>
    %broadcast_in_dim3A_1175 = vector.shape_cast %transpose3A_1174 : vector<128x4xf32> to vector<128x4x1xf32>
    %mul3A_1176 = vector.broadcast %broadcast_in_dim3A_1175 : vector<128x4x1xf32> to vector<128x4x512xf32>
    %mul3A_1177 = arith.mulf %slice3A_1173, %mul3A_1176 : vector<128x4x512xf32>
    %reduce_max3A_1178 = arith.constant dense<0xFF800000> : vector<4x512xf32>
    %reduce_max3A_1179 = vector.multi_reduction <maximumf>, %mul3A_1177, %reduce_max3A_1178 [0] : vector<128x4x512xf32> to vector<4x512xf32>
    %gt3A_1180 = arith.constant 0.000000e+00 : f32
    %gt3A_1181 = vector.broadcast %gt3A_1180 : f32 to vector<4x512xf32>
    %gt3A_1182 = arith.cmpf ogt, %reduce_max3A_1179, %gt3A_1181 : vector<4x512xf32>
    %slice3A_1183 = vector.extract_strided_slice %concatenate3A_1093 {offsets = [0, 1536], sizes = [4, 512], strides = [1, 1]} : vector<4x2048xf32> to vector<4x512xf32>
    %jit3A_1184 = arith.constant 0.000000e+00 : f32
    %broadcast_in_dim3A_1185 = vector.broadcast %jit3A_1184 : f32 to vector<4x512xf32>
    %select_n3A_1186 = arith.select %gt3A_1182, %broadcast_in_dim3A_1185, %slice3A_1183 : vector<4x512xi1>, vector<4x512xf32>
    %slice3A_1187 = vector.extract_strided_slice %concatenate3A_1093 {offsets = [0, 0], sizes = [4, 1408], strides = [1, 1]} : vector<4x2048xf32> to vector<4x1408xf32>
    %concatenate3A_1188 = tpu.concatenate %slice3A_1187, %scan3A_1171, %select_n3A_1186 in 1 : vector<4x1408xf32>, vector<4x128xf32>, vector<4x512xf32> -> vector<4x2048xf32>
    %slice3A_1189 = vector.extract_strided_slice %min3A_6 {offsets = [0, 1536], sizes = [4, 128], strides = [1, 1]} : vector<4x2048xf32> to vector<4x128xf32>
    %transpose3A_1190 = tpu.transpose %slice3A_1189, [1, 0] : vector<4x128xf32> -> vector<128x4xf32>
    %broadcast_in_dim3A_1191 = vector.shape_cast %transpose3A_1190 : vector<128x4xf32> to vector<128x4x1xf32>
    %slice3A_1192 = vector.extract_strided_slice %min3A_17 {offsets = [0, 1536], sizes = [4, 128], strides = [1, 1]} : vector<4x2048xf32> to vector<4x128xf32>
    %transpose3A_1193 = tpu.transpose %slice3A_1192, [1, 0] : vector<4x128xf32> -> vector<128x4xf32>
    %broadcast_in_dim3A_1194 = vector.shape_cast %transpose3A_1193 : vector<128x4xf32> to vector<128x4x1xf32>
    %slice3A_1195 = vector.extract_strided_slice %min3A_28 {offsets = [0, 1536], sizes = [4, 128], strides = [1, 1]} : vector<4x2048xf32> to vector<4x128xf32>
    %transpose3A_1196 = tpu.transpose %slice3A_1195, [1, 0] : vector<4x128xf32> -> vector<128x4xf32>
    %broadcast_in_dim3A_1197 = vector.shape_cast %transpose3A_1196 : vector<128x4xf32> to vector<128x4x1xf32>
    %slice3A_1198 = vector.extract_strided_slice %min3A_39 {offsets = [0, 1536], sizes = [4, 128], strides = [1, 1]} : vector<4x2048xf32> to vector<4x128xf32>
    %transpose3A_1199 = tpu.transpose %slice3A_1198, [1, 0] : vector<4x128xf32> -> vector<128x4xf32>
    %broadcast_in_dim3A_1200 = vector.shape_cast %transpose3A_1199 : vector<128x4xf32> to vector<128x4x1xf32>
    %slice3A_1201 = vector.extract_strided_slice %mul3A {offsets = [0, 1536], sizes = [4, 128], strides = [1, 1]} : vector<4x2048xf32> to vector<4x128xf32>
    %transpose3A_1202 = tpu.transpose %slice3A_1201, [1, 0] : vector<4x128xf32> -> vector<128x4xf32>
    %broadcast_in_dim3A_1203 = vector.shape_cast %transpose3A_1202 : vector<128x4xf32> to vector<128x4x1xf32>
    %slice3A_1204 = vector.extract_strided_slice %min3A_6 {offsets = [0, 1536], sizes = [4, 512], strides = [1, 1]} : vector<4x2048xf32> to vector<4x512xf32>
    %broadcast_in_dim3A_1205 = vector.shape_cast %slice3A_1204 : vector<4x512xf32> to vector<1x4x512xf32>
    %slice3A_1206 = vector.extract_strided_slice %min3A_17 {offsets = [0, 1536], sizes = [4, 512], strides = [1, 1]} : vector<4x2048xf32> to vector<4x512xf32>
    %broadcast_in_dim3A_1207 = vector.shape_cast %slice3A_1206 : vector<4x512xf32> to vector<1x4x512xf32>
    %slice3A_1208 = vector.extract_strided_slice %min3A_28 {offsets = [0, 1536], sizes = [4, 512], strides = [1, 1]} : vector<4x2048xf32> to vector<4x512xf32>
    %broadcast_in_dim3A_1209 = vector.shape_cast %slice3A_1208 : vector<4x512xf32> to vector<1x4x512xf32>
    %slice3A_1210 = vector.extract_strided_slice %min3A_39 {offsets = [0, 1536], sizes = [4, 512], strides = [1, 1]} : vector<4x2048xf32> to vector<4x512xf32>
    %broadcast_in_dim3A_1211 = vector.shape_cast %slice3A_1210 : vector<4x512xf32> to vector<1x4x512xf32>
    %slice3A_1212 = vector.extract_strided_slice %mul3A {offsets = [0, 1536], sizes = [4, 512], strides = [1, 1]} : vector<4x2048xf32> to vector<4x512xf32>
    %broadcast_in_dim3A_1213 = vector.shape_cast %slice3A_1212 : vector<4x512xf32> to vector<1x4x512xf32>
    %min3A_1214 = vector.broadcast %broadcast_in_dim3A_1197 : vector<128x4x1xf32> to vector<128x4x512xf32>
    %min3A_1215 = vector.broadcast %broadcast_in_dim3A_1209 : vector<1x4x512xf32> to vector<128x4x512xf32>
    %min3A_1216 = arith.minimumf %min3A_1214, %min3A_1215 : vector<128x4x512xf32>
    %max3A_1217 = vector.broadcast %broadcast_in_dim3A_1191 : vector<128x4x1xf32> to vector<128x4x512xf32>
    %max3A_1218 = vector.broadcast %broadcast_in_dim3A_1205 : vector<1x4x512xf32> to vector<128x4x512xf32>
    %max3A_1219 = arith.maximumf %max3A_1217, %max3A_1218 : vector<128x4x512xf32>
    %sub3A_1220 = arith.subf %min3A_1216, %max3A_1219 : vector<128x4x512xf32>
    %jit3A_1221 = arith.constant 0.000000e+00 : f32
    %max3A_1222 = vector.broadcast %jit3A_1221 : f32 to vector<128x4x512xf32>
    %max3A_1223 = arith.maximumf %max3A_1222, %sub3A_1220 : vector<128x4x512xf32>
    %min3A_1224 = vector.broadcast %broadcast_in_dim3A_1200 : vector<128x4x1xf32> to vector<128x4x512xf32>
    %min3A_1225 = vector.broadcast %broadcast_in_dim3A_1211 : vector<1x4x512xf32> to vector<128x4x512xf32>
    %min3A_1226 = arith.minimumf %min3A_1224, %min3A_1225 : vector<128x4x512xf32>
    %max3A_1227 = vector.broadcast %broadcast_in_dim3A_1194 : vector<128x4x1xf32> to vector<128x4x512xf32>
    %max3A_1228 = vector.broadcast %broadcast_in_dim3A_1207 : vector<1x4x512xf32> to vector<128x4x512xf32>
    %max3A_1229 = arith.maximumf %max3A_1227, %max3A_1228 : vector<128x4x512xf32>
    %sub3A_1230 = arith.subf %min3A_1226, %max3A_1229 : vector<128x4x512xf32>
    %jit3A_1231 = arith.constant 0.000000e+00 : f32
    %max3A_1232 = vector.broadcast %jit3A_1231 : f32 to vector<128x4x512xf32>
    %max3A_1233 = arith.maximumf %max3A_1232, %sub3A_1230 : vector<128x4x512xf32>
    %mul3A_1234 = arith.mulf %max3A_1223, %max3A_1233 : vector<128x4x512xf32>
    %add3A_1235 = vector.broadcast %broadcast_in_dim3A_1203 : vector<128x4x1xf32> to vector<128x4x512xf32>
    %add3A_1236 = vector.broadcast %broadcast_in_dim3A_1213 : vector<1x4x512xf32> to vector<128x4x512xf32>
    %add3A_1237 = arith.addf %add3A_1235, %add3A_1236 : vector<128x4x512xf32>
    %sub3A_1238 = arith.subf %add3A_1237, %mul3A_1234 : vector<128x4x512xf32>
    %max3A_1239 = arith.constant 9.99999971E-10 : f32
    %max3A_1240 = vector.broadcast %max3A_1239 : f32 to vector<128x4x512xf32>
    %max3A_1241 = arith.maximumf %sub3A_1238, %max3A_1240 : vector<128x4x512xf32>
    %div3A_1242 = arith.divf %mul3A_1234, %max3A_1241 : vector<128x4x512xf32>
    %gt3A_1243 = arith.constant 0.699999988 : f32
    %gt3A_1244 = vector.broadcast %gt3A_1243 : f32 to vector<128x4x512xf32>
    %gt3A_1245 = arith.cmpf ogt, %div3A_1242, %gt3A_1244 : vector<128x4x512xf32>
    %jit3A_1246 = arith.constant 1.000000e+00 : f32
    %jit3A_1247 = arith.constant 0.000000e+00 : f32
    %broadcast_in_dim3A_1248 = vector.broadcast %jit3A_1246 : f32 to vector<128x4x512xf32>
    %broadcast_in_dim3A_1249 = vector.broadcast %jit3A_1247 : f32 to vector<128x4x512xf32>
    %select_n3A_1250 = arith.select %gt3A_1245, %broadcast_in_dim3A_1248, %broadcast_in_dim3A_1249 : vector<128x4x512xi1>, vector<128x4x512xf32>
    %slice3A_1251 = vector.extract_strided_slice %select_n3A_1250 {offsets = [0, 0, 0], sizes = [128, 4, 128], strides = [1, 1, 1]} : vector<128x4x512xf32> to vector<128x4x128xf32>
    %jit3A_1252 = arith.constant 0.000000e+00 : f32
    %broadcast_in_dim3A_1253 = vector.shape_cast %gt3A_62 : vector<128x1x128xi1> to vector<128x1x128xi1>
    %broadcast_in_dim3A_1254 = vector.broadcast %broadcast_in_dim3A_1253 : vector<128x1x128xi1> to vector<128x4x128xi1>
    %broadcast_in_dim3A_1255 = vector.broadcast %jit3A_1252 : f32 to vector<128x4x128xf32>
    %select_n3A_1256 = arith.select %broadcast_in_dim3A_1254, %slice3A_1251, %broadcast_in_dim3A_1255 : vector<128x4x128xi1>, vector<128x4x128xf32>
    %swap3A_1257 = arith.constant 0 : index
    %swap3A_1258 = arith.constant 0 : index
    %swap3A_1259 = arith.constant 0 : index
    %swap3A_1260 = vector.load %arg4[%swap3A_1257, %swap3A_1258, %swap3A_1259] : memref<128x4x128xf32, #tpu.memory_space<vmem>>, vector<128x4x128xf32>
    tpu.vector_store %arg4[%swap3A_1257, %swap3A_1258, %swap3A_1259], %select_n3A_1256 {strides = array<i32>} : memref<128x4x128xf32, #tpu.memory_space<vmem>>, vector<128x4x128xf32>,
    %slice3A_1261 = vector.extract_strided_slice %concatenate3A_1188 {offsets = [0, 1536], sizes = [4, 128], strides = [1, 1]} : vector<4x2048xf32> to vector<4x128xf32>
    %scan3A_1262 = arith.constant 0 : i32
    %scan3A_1263 = arith.constant 128 : i32
    %scan3A_1264 = arith.addi %scan3A_1262, %scan3A_1263 : i32
    %scan3A_1265 = arith.constant 8 : i32
    %scan3A_1266 = scf.for %scan3A_1587 = %scan3A_1262 to %scan3A_1264 step %scan3A_1265 iter_args(%scan3A_1588 = %slice3A_1261) -> (vector<4x128xf32>)  : i32 {
      %get3A_1589 = arith.index_cast %scan3A_1587 : i32 to index
      %get3A_1590 = arith.constant 0 : index
      %get3A_1591 = arith.constant 0 : index
      %get3A_1592 = vector.load %arg4[%get3A_1589, %get3A_1590, %get3A_1591] : memref<128x4x128xf32, #tpu.memory_space<vmem>>, vector<1x4x128xf32>
      %reshape3A = vector.shape_cast %get3A_1592 : vector<1x4x128xf32> to vector<4x128xf32>
      %eq3A = vector.broadcast %scan3A_1587 : i32 to vector<1x128xi32>
      %eq3A_1593 = arith.cmpi eq, %iota3A, %eq3A : vector<1x128xi32>
      %jit3A_1594 = arith.constant 0.000000e+00 : f32
      %broadcast_in_dim3A_1595 = vector.shape_cast %eq3A_1593 : vector<1x128xi1> to vector<1x128xi1>
      %broadcast_in_dim3A_1596 = vector.broadcast %broadcast_in_dim3A_1595 : vector<1x128xi1> to vector<4x128xi1>
      %broadcast_in_dim3A_1597 = vector.broadcast %jit3A_1594 : f32 to vector<4x128xf32>
      %select_n3A_1598 = arith.select %broadcast_in_dim3A_1596, %scan3A_1588, %broadcast_in_dim3A_1597 : vector<4x128xi1>, vector<4x128xf32>
      %reduce_sum3A = arith.constant dense<0.000000e+00> : vector<4xf32>
      %reduce_sum3A_1599 = vector.multi_reduction <add>, %select_n3A_1598, %reduce_sum3A [1] : vector<4x128xf32> to vector<4xf32>
      %broadcast_in_dim3A_1600 = vector.shape_cast %reduce_sum3A_1599 : vector<4xf32> to vector<4x1xf32>
      %gt3A_1601 = arith.constant 0.000000e+00 : f32
      %gt3A_1602 = vector.broadcast %gt3A_1601 : f32 to vector<4x128xf32>
      %gt3A_1603 = arith.cmpf ogt, %reshape3A, %gt3A_1602 : vector<4x128xf32>
      %gt3A_1604 = arith.constant 0.000000e+00 : f32
      %gt3A_1605 = vector.broadcast %gt3A_1604 : f32 to vector<4x1xf32>
      %gt3A_1606 = arith.cmpf ogt, %broadcast_in_dim3A_1600, %gt3A_1605 : vector<4x1xf32>
      %and3A_1607 = vector.broadcast %gt3A_1606 : vector<4x1xi1> to vector<4x128xi1>
      %and3A_1608 = arith.andi %gt3A_1603, %and3A_1607 : vector<4x128xi1>
      %jit3A_1609 = arith.constant 0.000000e+00 : f32
      %broadcast_in_dim3A_1610 = vector.broadcast %jit3A_1609 : f32 to vector<4x128xf32>
      %select_n3A_1611 = arith.select %and3A_1608, %broadcast_in_dim3A_1610, %scan3A_1588 : vector<4x128xi1>, vector<4x128xf32>
      %scan3A_1612 = arith.constant 1 : i32
      %scan3A_1613 = arith.addi %scan3A_1587, %scan3A_1612 : i32
      %get3A_1614 = arith.index_cast %scan3A_1613 : i32 to index
      %get3A_1615 = arith.constant 0 : index
      %get3A_1616 = arith.constant 0 : index
      %get3A_1617 = vector.load %arg4[%get3A_1614, %get3A_1615, %get3A_1616] : memref<128x4x128xf32, #tpu.memory_space<vmem>>, vector<1x4x128xf32>
      %reshape3A_1618 = vector.shape_cast %get3A_1617 : vector<1x4x128xf32> to vector<4x128xf32>
      %eq3A_1619 = vector.broadcast %scan3A_1613 : i32 to vector<1x128xi32>
      %eq3A_1620 = arith.cmpi eq, %iota3A, %eq3A_1619 : vector<1x128xi32>
      %jit3A_1621 = arith.constant 0.000000e+00 : f32
      %broadcast_in_dim3A_1622 = vector.shape_cast %eq3A_1620 : vector<1x128xi1> to vector<1x128xi1>
      %broadcast_in_dim3A_1623 = vector.broadcast %broadcast_in_dim3A_1622 : vector<1x128xi1> to vector<4x128xi1>
      %broadcast_in_dim3A_1624 = vector.broadcast %jit3A_1621 : f32 to vector<4x128xf32>
      %select_n3A_1625 = arith.select %broadcast_in_dim3A_1623, %select_n3A_1611, %broadcast_in_dim3A_1624 : vector<4x128xi1>, vector<4x128xf32>
      %reduce_sum3A_1626 = arith.constant dense<0.000000e+00> : vector<4xf32>
      %reduce_sum3A_1627 = vector.multi_reduction <add>, %select_n3A_1625, %reduce_sum3A_1626 [1] : vector<4x128xf32> to vector<4xf32>
      %broadcast_in_dim3A_1628 = vector.shape_cast %reduce_sum3A_1627 : vector<4xf32> to vector<4x1xf32>
      %gt3A_1629 = arith.constant 0.000000e+00 : f32
      %gt3A_1630 = vector.broadcast %gt3A_1629 : f32 to vector<4x128xf32>
      %gt3A_1631 = arith.cmpf ogt, %reshape3A_1618, %gt3A_1630 : vector<4x128xf32>
      %gt3A_1632 = arith.constant 0.000000e+00 : f32
      %gt3A_1633 = vector.broadcast %gt3A_1632 : f32 to vector<4x1xf32>
      %gt3A_1634 = arith.cmpf ogt, %broadcast_in_dim3A_1628, %gt3A_1633 : vector<4x1xf32>
      %and3A_1635 = vector.broadcast %gt3A_1634 : vector<4x1xi1> to vector<4x128xi1>
      %and3A_1636 = arith.andi %gt3A_1631, %and3A_1635 : vector<4x128xi1>
      %jit3A_1637 = arith.constant 0.000000e+00 : f32
      %broadcast_in_dim3A_1638 = vector.broadcast %jit3A_1637 : f32 to vector<4x128xf32>
      %select_n3A_1639 = arith.select %and3A_1636, %broadcast_in_dim3A_1638, %select_n3A_1611 : vector<4x128xi1>, vector<4x128xf32>
      %scan3A_1640 = arith.constant 2 : i32
      %scan3A_1641 = arith.addi %scan3A_1587, %scan3A_1640 : i32
      %get3A_1642 = arith.index_cast %scan3A_1641 : i32 to index
      %get3A_1643 = arith.constant 0 : index
      %get3A_1644 = arith.constant 0 : index
      %get3A_1645 = vector.load %arg4[%get3A_1642, %get3A_1643, %get3A_1644] : memref<128x4x128xf32, #tpu.memory_space<vmem>>, vector<1x4x128xf32>
      %reshape3A_1646 = vector.shape_cast %get3A_1645 : vector<1x4x128xf32> to vector<4x128xf32>
      %eq3A_1647 = vector.broadcast %scan3A_1641 : i32 to vector<1x128xi32>
      %eq3A_1648 = arith.cmpi eq, %iota3A, %eq3A_1647 : vector<1x128xi32>
      %jit3A_1649 = arith.constant 0.000000e+00 : f32
      %broadcast_in_dim3A_1650 = vector.shape_cast %eq3A_1648 : vector<1x128xi1> to vector<1x128xi1>
      %broadcast_in_dim3A_1651 = vector.broadcast %broadcast_in_dim3A_1650 : vector<1x128xi1> to vector<4x128xi1>
      %broadcast_in_dim3A_1652 = vector.broadcast %jit3A_1649 : f32 to vector<4x128xf32>
      %select_n3A_1653 = arith.select %broadcast_in_dim3A_1651, %select_n3A_1639, %broadcast_in_dim3A_1652 : vector<4x128xi1>, vector<4x128xf32>
      %reduce_sum3A_1654 = arith.constant dense<0.000000e+00> : vector<4xf32>
      %reduce_sum3A_1655 = vector.multi_reduction <add>, %select_n3A_1653, %reduce_sum3A_1654 [1] : vector<4x128xf32> to vector<4xf32>
      %broadcast_in_dim3A_1656 = vector.shape_cast %reduce_sum3A_1655 : vector<4xf32> to vector<4x1xf32>
      %gt3A_1657 = arith.constant 0.000000e+00 : f32
      %gt3A_1658 = vector.broadcast %gt3A_1657 : f32 to vector<4x128xf32>
      %gt3A_1659 = arith.cmpf ogt, %reshape3A_1646, %gt3A_1658 : vector<4x128xf32>
      %gt3A_1660 = arith.constant 0.000000e+00 : f32
      %gt3A_1661 = vector.broadcast %gt3A_1660 : f32 to vector<4x1xf32>
      %gt3A_1662 = arith.cmpf ogt, %broadcast_in_dim3A_1656, %gt3A_1661 : vector<4x1xf32>
      %and3A_1663 = vector.broadcast %gt3A_1662 : vector<4x1xi1> to vector<4x128xi1>
      %and3A_1664 = arith.andi %gt3A_1659, %and3A_1663 : vector<4x128xi1>
      %jit3A_1665 = arith.constant 0.000000e+00 : f32
      %broadcast_in_dim3A_1666 = vector.broadcast %jit3A_1665 : f32 to vector<4x128xf32>
      %select_n3A_1667 = arith.select %and3A_1664, %broadcast_in_dim3A_1666, %select_n3A_1639 : vector<4x128xi1>, vector<4x128xf32>
      %scan3A_1668 = arith.constant 3 : i32
      %scan3A_1669 = arith.addi %scan3A_1587, %scan3A_1668 : i32
      %get3A_1670 = arith.index_cast %scan3A_1669 : i32 to index
      %get3A_1671 = arith.constant 0 : index
      %get3A_1672 = arith.constant 0 : index
      %get3A_1673 = vector.load %arg4[%get3A_1670, %get3A_1671, %get3A_1672] : memref<128x4x128xf32, #tpu.memory_space<vmem>>, vector<1x4x128xf32>
      %reshape3A_1674 = vector.shape_cast %get3A_1673 : vector<1x4x128xf32> to vector<4x128xf32>
      %eq3A_1675 = vector.broadcast %scan3A_1669 : i32 to vector<1x128xi32>
      %eq3A_1676 = arith.cmpi eq, %iota3A, %eq3A_1675 : vector<1x128xi32>
      %jit3A_1677 = arith.constant 0.000000e+00 : f32
      %broadcast_in_dim3A_1678 = vector.shape_cast %eq3A_1676 : vector<1x128xi1> to vector<1x128xi1>
      %broadcast_in_dim3A_1679 = vector.broadcast %broadcast_in_dim3A_1678 : vector<1x128xi1> to vector<4x128xi1>
      %broadcast_in_dim3A_1680 = vector.broadcast %jit3A_1677 : f32 to vector<4x128xf32>
      %select_n3A_1681 = arith.select %broadcast_in_dim3A_1679, %select_n3A_1667, %broadcast_in_dim3A_1680 : vector<4x128xi1>, vector<4x128xf32>
      %reduce_sum3A_1682 = arith.constant dense<0.000000e+00> : vector<4xf32>
      %reduce_sum3A_1683 = vector.multi_reduction <add>, %select_n3A_1681, %reduce_sum3A_1682 [1] : vector<4x128xf32> to vector<4xf32>
      %broadcast_in_dim3A_1684 = vector.shape_cast %reduce_sum3A_1683 : vector<4xf32> to vector<4x1xf32>
      %gt3A_1685 = arith.constant 0.000000e+00 : f32
      %gt3A_1686 = vector.broadcast %gt3A_1685 : f32 to vector<4x128xf32>
      %gt3A_1687 = arith.cmpf ogt, %reshape3A_1674, %gt3A_1686 : vector<4x128xf32>
      %gt3A_1688 = arith.constant 0.000000e+00 : f32
      %gt3A_1689 = vector.broadcast %gt3A_1688 : f32 to vector<4x1xf32>
      %gt3A_1690 = arith.cmpf ogt, %broadcast_in_dim3A_1684, %gt3A_1689 : vector<4x1xf32>
      %and3A_1691 = vector.broadcast %gt3A_1690 : vector<4x1xi1> to vector<4x128xi1>
      %and3A_1692 = arith.andi %gt3A_1687, %and3A_1691 : vector<4x128xi1>
      %jit3A_1693 = arith.constant 0.000000e+00 : f32
      %broadcast_in_dim3A_1694 = vector.broadcast %jit3A_1693 : f32 to vector<4x128xf32>
      %select_n3A_1695 = arith.select %and3A_1692, %broadcast_in_dim3A_1694, %select_n3A_1667 : vector<4x128xi1>, vector<4x128xf32>
      %scan3A_1696 = arith.constant 4 : i32
      %scan3A_1697 = arith.addi %scan3A_1587, %scan3A_1696 : i32
      %get3A_1698 = arith.index_cast %scan3A_1697 : i32 to index
      %get3A_1699 = arith.constant 0 : index
      %get3A_1700 = arith.constant 0 : index
      %get3A_1701 = vector.load %arg4[%get3A_1698, %get3A_1699, %get3A_1700] : memref<128x4x128xf32, #tpu.memory_space<vmem>>, vector<1x4x128xf32>
      %reshape3A_1702 = vector.shape_cast %get3A_1701 : vector<1x4x128xf32> to vector<4x128xf32>
      %eq3A_1703 = vector.broadcast %scan3A_1697 : i32 to vector<1x128xi32>
      %eq3A_1704 = arith.cmpi eq, %iota3A, %eq3A_1703 : vector<1x128xi32>
      %jit3A_1705 = arith.constant 0.000000e+00 : f32
      %broadcast_in_dim3A_1706 = vector.shape_cast %eq3A_1704 : vector<1x128xi1> to vector<1x128xi1>
      %broadcast_in_dim3A_1707 = vector.broadcast %broadcast_in_dim3A_1706 : vector<1x128xi1> to vector<4x128xi1>
      %broadcast_in_dim3A_1708 = vector.broadcast %jit3A_1705 : f32 to vector<4x128xf32>
      %select_n3A_1709 = arith.select %broadcast_in_dim3A_1707, %select_n3A_1695, %broadcast_in_dim3A_1708 : vector<4x128xi1>, vector<4x128xf32>
      %reduce_sum3A_1710 = arith.constant dense<0.000000e+00> : vector<4xf32>
      %reduce_sum3A_1711 = vector.multi_reduction <add>, %select_n3A_1709, %reduce_sum3A_1710 [1] : vector<4x128xf32> to vector<4xf32>
      %broadcast_in_dim3A_1712 = vector.shape_cast %reduce_sum3A_1711 : vector<4xf32> to vector<4x1xf32>
      %gt3A_1713 = arith.constant 0.000000e+00 : f32
      %gt3A_1714 = vector.broadcast %gt3A_1713 : f32 to vector<4x128xf32>
      %gt3A_1715 = arith.cmpf ogt, %reshape3A_1702, %gt3A_1714 : vector<4x128xf32>
      %gt3A_1716 = arith.constant 0.000000e+00 : f32
      %gt3A_1717 = vector.broadcast %gt3A_1716 : f32 to vector<4x1xf32>
      %gt3A_1718 = arith.cmpf ogt, %broadcast_in_dim3A_1712, %gt3A_1717 : vector<4x1xf32>
      %and3A_1719 = vector.broadcast %gt3A_1718 : vector<4x1xi1> to vector<4x128xi1>
      %and3A_1720 = arith.andi %gt3A_1715, %and3A_1719 : vector<4x128xi1>
      %jit3A_1721 = arith.constant 0.000000e+00 : f32
      %broadcast_in_dim3A_1722 = vector.broadcast %jit3A_1721 : f32 to vector<4x128xf32>
      %select_n3A_1723 = arith.select %and3A_1720, %broadcast_in_dim3A_1722, %select_n3A_1695 : vector<4x128xi1>, vector<4x128xf32>
      %scan3A_1724 = arith.constant 5 : i32
      %scan3A_1725 = arith.addi %scan3A_1587, %scan3A_1724 : i32
      %get3A_1726 = arith.index_cast %scan3A_1725 : i32 to index
      %get3A_1727 = arith.constant 0 : index
      %get3A_1728 = arith.constant 0 : index
      %get3A_1729 = vector.load %arg4[%get3A_1726, %get3A_1727, %get3A_1728] : memref<128x4x128xf32, #tpu.memory_space<vmem>>, vector<1x4x128xf32>
      %reshape3A_1730 = vector.shape_cast %get3A_1729 : vector<1x4x128xf32> to vector<4x128xf32>
      %eq3A_1731 = vector.broadcast %scan3A_1725 : i32 to vector<1x128xi32>
      %eq3A_1732 = arith.cmpi eq, %iota3A, %eq3A_1731 : vector<1x128xi32>
      %jit3A_1733 = arith.constant 0.000000e+00 : f32
      %broadcast_in_dim3A_1734 = vector.shape_cast %eq3A_1732 : vector<1x128xi1> to vector<1x128xi1>
      %broadcast_in_dim3A_1735 = vector.broadcast %broadcast_in_dim3A_1734 : vector<1x128xi1> to vector<4x128xi1>
      %broadcast_in_dim3A_1736 = vector.broadcast %jit3A_1733 : f32 to vector<4x128xf32>
      %select_n3A_1737 = arith.select %broadcast_in_dim3A_1735, %select_n3A_1723, %broadcast_in_dim3A_1736 : vector<4x128xi1>, vector<4x128xf32>
      %reduce_sum3A_1738 = arith.constant dense<0.000000e+00> : vector<4xf32>
      %reduce_sum3A_1739 = vector.multi_reduction <add>, %select_n3A_1737, %reduce_sum3A_1738 [1] : vector<4x128xf32> to vector<4xf32>
      %broadcast_in_dim3A_1740 = vector.shape_cast %reduce_sum3A_1739 : vector<4xf32> to vector<4x1xf32>
      %gt3A_1741 = arith.constant 0.000000e+00 : f32
      %gt3A_1742 = vector.broadcast %gt3A_1741 : f32 to vector<4x128xf32>
      %gt3A_1743 = arith.cmpf ogt, %reshape3A_1730, %gt3A_1742 : vector<4x128xf32>
      %gt3A_1744 = arith.constant 0.000000e+00 : f32
      %gt3A_1745 = vector.broadcast %gt3A_1744 : f32 to vector<4x1xf32>
      %gt3A_1746 = arith.cmpf ogt, %broadcast_in_dim3A_1740, %gt3A_1745 : vector<4x1xf32>
      %and3A_1747 = vector.broadcast %gt3A_1746 : vector<4x1xi1> to vector<4x128xi1>
      %and3A_1748 = arith.andi %gt3A_1743, %and3A_1747 : vector<4x128xi1>
      %jit3A_1749 = arith.constant 0.000000e+00 : f32
      %broadcast_in_dim3A_1750 = vector.broadcast %jit3A_1749 : f32 to vector<4x128xf32>
      %select_n3A_1751 = arith.select %and3A_1748, %broadcast_in_dim3A_1750, %select_n3A_1723 : vector<4x128xi1>, vector<4x128xf32>
      %scan3A_1752 = arith.constant 6 : i32
      %scan3A_1753 = arith.addi %scan3A_1587, %scan3A_1752 : i32
      %get3A_1754 = arith.index_cast %scan3A_1753 : i32 to index
      %get3A_1755 = arith.constant 0 : index
      %get3A_1756 = arith.constant 0 : index
      %get3A_1757 = vector.load %arg4[%get3A_1754, %get3A_1755, %get3A_1756] : memref<128x4x128xf32, #tpu.memory_space<vmem>>, vector<1x4x128xf32>
      %reshape3A_1758 = vector.shape_cast %get3A_1757 : vector<1x4x128xf32> to vector<4x128xf32>
      %eq3A_1759 = vector.broadcast %scan3A_1753 : i32 to vector<1x128xi32>
      %eq3A_1760 = arith.cmpi eq, %iota3A, %eq3A_1759 : vector<1x128xi32>
      %jit3A_1761 = arith.constant 0.000000e+00 : f32
      %broadcast_in_dim3A_1762 = vector.shape_cast %eq3A_1760 : vector<1x128xi1> to vector<1x128xi1>
      %broadcast_in_dim3A_1763 = vector.broadcast %broadcast_in_dim3A_1762 : vector<1x128xi1> to vector<4x128xi1>
      %broadcast_in_dim3A_1764 = vector.broadcast %jit3A_1761 : f32 to vector<4x128xf32>
      %select_n3A_1765 = arith.select %broadcast_in_dim3A_1763, %select_n3A_1751, %broadcast_in_dim3A_1764 : vector<4x128xi1>, vector<4x128xf32>
      %reduce_sum3A_1766 = arith.constant dense<0.000000e+00> : vector<4xf32>
      %reduce_sum3A_1767 = vector.multi_reduction <add>, %select_n3A_1765, %reduce_sum3A_1766 [1] : vector<4x128xf32> to vector<4xf32>
      %broadcast_in_dim3A_1768 = vector.shape_cast %reduce_sum3A_1767 : vector<4xf32> to vector<4x1xf32>
      %gt3A_1769 = arith.constant 0.000000e+00 : f32
      %gt3A_1770 = vector.broadcast %gt3A_1769 : f32 to vector<4x128xf32>
      %gt3A_1771 = arith.cmpf ogt, %reshape3A_1758, %gt3A_1770 : vector<4x128xf32>
      %gt3A_1772 = arith.constant 0.000000e+00 : f32
      %gt3A_1773 = vector.broadcast %gt3A_1772 : f32 to vector<4x1xf32>
      %gt3A_1774 = arith.cmpf ogt, %broadcast_in_dim3A_1768, %gt3A_1773 : vector<4x1xf32>
      %and3A_1775 = vector.broadcast %gt3A_1774 : vector<4x1xi1> to vector<4x128xi1>
      %and3A_1776 = arith.andi %gt3A_1771, %and3A_1775 : vector<4x128xi1>
      %jit3A_1777 = arith.constant 0.000000e+00 : f32
      %broadcast_in_dim3A_1778 = vector.broadcast %jit3A_1777 : f32 to vector<4x128xf32>
      %select_n3A_1779 = arith.select %and3A_1776, %broadcast_in_dim3A_1778, %select_n3A_1751 : vector<4x128xi1>, vector<4x128xf32>
      %scan3A_1780 = arith.constant 7 : i32
      %scan3A_1781 = arith.addi %scan3A_1587, %scan3A_1780 : i32
      %get3A_1782 = arith.index_cast %scan3A_1781 : i32 to index
      %get3A_1783 = arith.constant 0 : index
      %get3A_1784 = arith.constant 0 : index
      %get3A_1785 = vector.load %arg4[%get3A_1782, %get3A_1783, %get3A_1784] : memref<128x4x128xf32, #tpu.memory_space<vmem>>, vector<1x4x128xf32>
      %reshape3A_1786 = vector.shape_cast %get3A_1785 : vector<1x4x128xf32> to vector<4x128xf32>
      %eq3A_1787 = vector.broadcast %scan3A_1781 : i32 to vector<1x128xi32>
      %eq3A_1788 = arith.cmpi eq, %iota3A, %eq3A_1787 : vector<1x128xi32>
      %jit3A_1789 = arith.constant 0.000000e+00 : f32
      %broadcast_in_dim3A_1790 = vector.shape_cast %eq3A_1788 : vector<1x128xi1> to vector<1x128xi1>
      %broadcast_in_dim3A_1791 = vector.broadcast %broadcast_in_dim3A_1790 : vector<1x128xi1> to vector<4x128xi1>
      %broadcast_in_dim3A_1792 = vector.broadcast %jit3A_1789 : f32 to vector<4x128xf32>
      %select_n3A_1793 = arith.select %broadcast_in_dim3A_1791, %select_n3A_1779, %broadcast_in_dim3A_1792 : vector<4x128xi1>, vector<4x128xf32>
      %reduce_sum3A_1794 = arith.constant dense<0.000000e+00> : vector<4xf32>
      %reduce_sum3A_1795 = vector.multi_reduction <add>, %select_n3A_1793, %reduce_sum3A_1794 [1] : vector<4x128xf32> to vector<4xf32>
      %broadcast_in_dim3A_1796 = vector.shape_cast %reduce_sum3A_1795 : vector<4xf32> to vector<4x1xf32>
      %gt3A_1797 = arith.constant 0.000000e+00 : f32
      %gt3A_1798 = vector.broadcast %gt3A_1797 : f32 to vector<4x128xf32>
      %gt3A_1799 = arith.cmpf ogt, %reshape3A_1786, %gt3A_1798 : vector<4x128xf32>
      %gt3A_1800 = arith.constant 0.000000e+00 : f32
      %gt3A_1801 = vector.broadcast %gt3A_1800 : f32 to vector<4x1xf32>
      %gt3A_1802 = arith.cmpf ogt, %broadcast_in_dim3A_1796, %gt3A_1801 : vector<4x1xf32>
      %and3A_1803 = vector.broadcast %gt3A_1802 : vector<4x1xi1> to vector<4x128xi1>
      %and3A_1804 = arith.andi %gt3A_1799, %and3A_1803 : vector<4x128xi1>
      %jit3A_1805 = arith.constant 0.000000e+00 : f32
      %broadcast_in_dim3A_1806 = vector.broadcast %jit3A_1805 : f32 to vector<4x128xf32>
      %select_n3A_1807 = arith.select %and3A_1804, %broadcast_in_dim3A_1806, %select_n3A_1779 : vector<4x128xi1>, vector<4x128xf32>
      scf.yield %select_n3A_1807 : vector<4x128xf32>
    }
    %scan3A_1267 = arith.constant 128 : i32
    %slice3A_1268 = vector.extract_strided_slice %select_n3A_1250 {offsets = [0, 0, 128], sizes = [128, 4, 384], strides = [1, 1, 1]} : vector<128x4x512xf32> to vector<128x4x384xf32>
    %transpose3A_1269 = tpu.transpose %scan3A_1266, [1, 0] : vector<4x128xf32> -> vector<128x4xf32>
    %broadcast_in_dim3A_1270 = vector.shape_cast %transpose3A_1269 : vector<128x4xf32> to vector<128x4x1xf32>
    %mul3A_1271 = vector.broadcast %broadcast_in_dim3A_1270 : vector<128x4x1xf32> to vector<128x4x384xf32>
    %mul3A_1272 = arith.mulf %slice3A_1268, %mul3A_1271 : vector<128x4x384xf32>
    %reduce_max3A_1273 = arith.constant dense<0xFF800000> : vector<4x384xf32>
    %reduce_max3A_1274 = vector.multi_reduction <maximumf>, %mul3A_1272, %reduce_max3A_1273 [0] : vector<128x4x384xf32> to vector<4x384xf32>
    %gt3A_1275 = arith.constant 0.000000e+00 : f32
    %gt3A_1276 = vector.broadcast %gt3A_1275 : f32 to vector<4x384xf32>
    %gt3A_1277 = arith.cmpf ogt, %reduce_max3A_1274, %gt3A_1276 : vector<4x384xf32>
    %slice3A_1278 = vector.extract_strided_slice %concatenate3A_1188 {offsets = [0, 1664], sizes = [4, 384], strides = [1, 1]} : vector<4x2048xf32> to vector<4x384xf32>
    %jit3A_1279 = arith.constant 0.000000e+00 : f32
    %broadcast_in_dim3A_1280 = vector.broadcast %jit3A_1279 : f32 to vector<4x384xf32>
    %select_n3A_1281 = arith.select %gt3A_1277, %broadcast_in_dim3A_1280, %slice3A_1278 : vector<4x384xi1>, vector<4x384xf32>
    %slice3A_1282 = vector.extract_strided_slice %concatenate3A_1188 {offsets = [0, 0], sizes = [4, 1536], strides = [1, 1]} : vector<4x2048xf32> to vector<4x1536xf32>
    %concatenate3A_1283 = tpu.concatenate %slice3A_1282, %scan3A_1266, %select_n3A_1281 in 1 : vector<4x1536xf32>, vector<4x128xf32>, vector<4x384xf32> -> vector<4x2048xf32>
    %slice3A_1284 = vector.extract_strided_slice %min3A_6 {offsets = [0, 1664], sizes = [4, 128], strides = [1, 1]} : vector<4x2048xf32> to vector<4x128xf32>
    %transpose3A_1285 = tpu.transpose %slice3A_1284, [1, 0] : vector<4x128xf32> -> vector<128x4xf32>
    %broadcast_in_dim3A_1286 = vector.shape_cast %transpose3A_1285 : vector<128x4xf32> to vector<128x4x1xf32>
    %slice3A_1287 = vector.extract_strided_slice %min3A_17 {offsets = [0, 1664], sizes = [4, 128], strides = [1, 1]} : vector<4x2048xf32> to vector<4x128xf32>
    %transpose3A_1288 = tpu.transpose %slice3A_1287, [1, 0] : vector<4x128xf32> -> vector<128x4xf32>
    %broadcast_in_dim3A_1289 = vector.shape_cast %transpose3A_1288 : vector<128x4xf32> to vector<128x4x1xf32>
    %slice3A_1290 = vector.extract_strided_slice %min3A_28 {offsets = [0, 1664], sizes = [4, 128], strides = [1, 1]} : vector<4x2048xf32> to vector<4x128xf32>
    %transpose3A_1291 = tpu.transpose %slice3A_1290, [1, 0] : vector<4x128xf32> -> vector<128x4xf32>
    %broadcast_in_dim3A_1292 = vector.shape_cast %transpose3A_1291 : vector<128x4xf32> to vector<128x4x1xf32>
    %slice3A_1293 = vector.extract_strided_slice %min3A_39 {offsets = [0, 1664], sizes = [4, 128], strides = [1, 1]} : vector<4x2048xf32> to vector<4x128xf32>
    %transpose3A_1294 = tpu.transpose %slice3A_1293, [1, 0] : vector<4x128xf32> -> vector<128x4xf32>
    %broadcast_in_dim3A_1295 = vector.shape_cast %transpose3A_1294 : vector<128x4xf32> to vector<128x4x1xf32>
    %slice3A_1296 = vector.extract_strided_slice %mul3A {offsets = [0, 1664], sizes = [4, 128], strides = [1, 1]} : vector<4x2048xf32> to vector<4x128xf32>
    %transpose3A_1297 = tpu.transpose %slice3A_1296, [1, 0] : vector<4x128xf32> -> vector<128x4xf32>
    %broadcast_in_dim3A_1298 = vector.shape_cast %transpose3A_1297 : vector<128x4xf32> to vector<128x4x1xf32>
    %slice3A_1299 = vector.extract_strided_slice %min3A_6 {offsets = [0, 1664], sizes = [4, 384], strides = [1, 1]} : vector<4x2048xf32> to vector<4x384xf32>
    %broadcast_in_dim3A_1300 = vector.shape_cast %slice3A_1299 : vector<4x384xf32> to vector<1x4x384xf32>
    %slice3A_1301 = vector.extract_strided_slice %min3A_17 {offsets = [0, 1664], sizes = [4, 384], strides = [1, 1]} : vector<4x2048xf32> to vector<4x384xf32>
    %broadcast_in_dim3A_1302 = vector.shape_cast %slice3A_1301 : vector<4x384xf32> to vector<1x4x384xf32>
    %slice3A_1303 = vector.extract_strided_slice %min3A_28 {offsets = [0, 1664], sizes = [4, 384], strides = [1, 1]} : vector<4x2048xf32> to vector<4x384xf32>
    %broadcast_in_dim3A_1304 = vector.shape_cast %slice3A_1303 : vector<4x384xf32> to vector<1x4x384xf32>
    %slice3A_1305 = vector.extract_strided_slice %min3A_39 {offsets = [0, 1664], sizes = [4, 384], strides = [1, 1]} : vector<4x2048xf32> to vector<4x384xf32>
    %broadcast_in_dim3A_1306 = vector.shape_cast %slice3A_1305 : vector<4x384xf32> to vector<1x4x384xf32>
    %slice3A_1307 = vector.extract_strided_slice %mul3A {offsets = [0, 1664], sizes = [4, 384], strides = [1, 1]} : vector<4x2048xf32> to vector<4x384xf32>
    %broadcast_in_dim3A_1308 = vector.shape_cast %slice3A_1307 : vector<4x384xf32> to vector<1x4x384xf32>
    %min3A_1309 = vector.broadcast %broadcast_in_dim3A_1292 : vector<128x4x1xf32> to vector<128x4x384xf32>
    %min3A_1310 = vector.broadcast %broadcast_in_dim3A_1304 : vector<1x4x384xf32> to vector<128x4x384xf32>
    %min3A_1311 = arith.minimumf %min3A_1309, %min3A_1310 : vector<128x4x384xf32>
    %max3A_1312 = vector.broadcast %broadcast_in_dim3A_1286 : vector<128x4x1xf32> to vector<128x4x384xf32>
    %max3A_1313 = vector.broadcast %broadcast_in_dim3A_1300 : vector<1x4x384xf32> to vector<128x4x384xf32>
    %max3A_1314 = arith.maximumf %max3A_1312, %max3A_1313 : vector<128x4x384xf32>
    %sub3A_1315 = arith.subf %min3A_1311, %max3A_1314 : vector<128x4x384xf32>
    %jit3A_1316 = arith.constant 0.000000e+00 : f32
    %max3A_1317 = vector.broadcast %jit3A_1316 : f32 to vector<128x4x384xf32>
    %max3A_1318 = arith.maximumf %max3A_1317, %sub3A_1315 : vector<128x4x384xf32>
    %min3A_1319 = vector.broadcast %broadcast_in_dim3A_1295 : vector<128x4x1xf32> to vector<128x4x384xf32>
    %min3A_1320 = vector.broadcast %broadcast_in_dim3A_1306 : vector<1x4x384xf32> to vector<128x4x384xf32>
    %min3A_1321 = arith.minimumf %min3A_1319, %min3A_1320 : vector<128x4x384xf32>
    %max3A_1322 = vector.broadcast %broadcast_in_dim3A_1289 : vector<128x4x1xf32> to vector<128x4x384xf32>
    %max3A_1323 = vector.broadcast %broadcast_in_dim3A_1302 : vector<1x4x384xf32> to vector<128x4x384xf32>
    %max3A_1324 = arith.maximumf %max3A_1322, %max3A_1323 : vector<128x4x384xf32>
    %sub3A_1325 = arith.subf %min3A_1321, %max3A_1324 : vector<128x4x384xf32>
    %jit3A_1326 = arith.constant 0.000000e+00 : f32
    %max3A_1327 = vector.broadcast %jit3A_1326 : f32 to vector<128x4x384xf32>
    %max3A_1328 = arith.maximumf %max3A_1327, %sub3A_1325 : vector<128x4x384xf32>
    %mul3A_1329 = arith.mulf %max3A_1318, %max3A_1328 : vector<128x4x384xf32>
    %add3A_1330 = vector.broadcast %broadcast_in_dim3A_1298 : vector<128x4x1xf32> to vector<128x4x384xf32>
    %add3A_1331 = vector.broadcast %broadcast_in_dim3A_1308 : vector<1x4x384xf32> to vector<128x4x384xf32>
    %add3A_1332 = arith.addf %add3A_1330, %add3A_1331 : vector<128x4x384xf32>
    %sub3A_1333 = arith.subf %add3A_1332, %mul3A_1329 : vector<128x4x384xf32>
    %max3A_1334 = arith.constant 9.99999971E-10 : f32
    %max3A_1335 = vector.broadcast %max3A_1334 : f32 to vector<128x4x384xf32>
    %max3A_1336 = arith.maximumf %sub3A_1333, %max3A_1335 : vector<128x4x384xf32>
    %div3A_1337 = arith.divf %mul3A_1329, %max3A_1336 : vector<128x4x384xf32>
    %gt3A_1338 = arith.constant 0.699999988 : f32
    %gt3A_1339 = vector.broadcast %gt3A_1338 : f32 to vector<128x4x384xf32>
    %gt3A_1340 = arith.cmpf ogt, %div3A_1337, %gt3A_1339 : vector<128x4x384xf32>
    %jit3A_1341 = arith.constant 1.000000e+00 : f32
    %jit3A_1342 = arith.constant 0.000000e+00 : f32
    %broadcast_in_dim3A_1343 = vector.broadcast %jit3A_1341 : f32 to vector<128x4x384xf32>
    %broadcast_in_dim3A_1344 = vector.broadcast %jit3A_1342 : f32 to vector<128x4x384xf32>
    %select_n3A_1345 = arith.select %gt3A_1340, %broadcast_in_dim3A_1343, %broadcast_in_dim3A_1344 : vector<128x4x384xi1>, vector<128x4x384xf32>
    %slice3A_1346 = vector.extract_strided_slice %select_n3A_1345 {offsets = [0, 0, 0], sizes = [128, 4, 128], strides = [1, 1, 1]} : vector<128x4x384xf32> to vector<128x4x128xf32>
    %jit3A_1347 = arith.constant 0.000000e+00 : f32
    %broadcast_in_dim3A_1348 = vector.shape_cast %gt3A_62 : vector<128x1x128xi1> to vector<128x1x128xi1>
    %broadcast_in_dim3A_1349 = vector.broadcast %broadcast_in_dim3A_1348 : vector<128x1x128xi1> to vector<128x4x128xi1>
    %broadcast_in_dim3A_1350 = vector.broadcast %jit3A_1347 : f32 to vector<128x4x128xf32>
    %select_n3A_1351 = arith.select %broadcast_in_dim3A_1349, %slice3A_1346, %broadcast_in_dim3A_1350 : vector<128x4x128xi1>, vector<128x4x128xf32>
    %swap3A_1352 = arith.constant 0 : index
    %swap3A_1353 = arith.constant 0 : index
    %swap3A_1354 = arith.constant 0 : index
    %swap3A_1355 = vector.load %arg4[%swap3A_1352, %swap3A_1353, %swap3A_1354] : memref<128x4x128xf32, #tpu.memory_space<vmem>>, vector<128x4x128xf32>
    tpu.vector_store %arg4[%swap3A_1352, %swap3A_1353, %swap3A_1354], %select_n3A_1351 {strides = array<i32>} : memref<128x4x128xf32, #tpu.memory_space<vmem>>, vector<128x4x128xf32>,
    %slice3A_1356 = vector.extract_strided_slice %concatenate3A_1283 {offsets = [0, 1664], sizes = [4, 128], strides = [1, 1]} : vector<4x2048xf32> to vector<4x128xf32>
    %scan3A_1357 = arith.constant 0 : i32
    %scan3A_1358 = arith.constant 128 : i32
    %scan3A_1359 = arith.addi %scan3A_1357, %scan3A_1358 : i32
    %scan3A_1360 = arith.constant 8 : i32
    %scan3A_1361 = scf.for %scan3A_1587 = %scan3A_1357 to %scan3A_1359 step %scan3A_1360 iter_args(%scan3A_1588 = %slice3A_1356) -> (vector<4x128xf32>)  : i32 {
      %get3A_1589 = arith.index_cast %scan3A_1587 : i32 to index
      %get3A_1590 = arith.constant 0 : index
      %get3A_1591 = arith.constant 0 : index
      %get3A_1592 = vector.load %arg4[%get3A_1589, %get3A_1590, %get3A_1591] : memref<128x4x128xf32, #tpu.memory_space<vmem>>, vector<1x4x128xf32>
      %reshape3A = vector.shape_cast %get3A_1592 : vector<1x4x128xf32> to vector<4x128xf32>
      %eq3A = vector.broadcast %scan3A_1587 : i32 to vector<1x128xi32>
      %eq3A_1593 = arith.cmpi eq, %iota3A, %eq3A : vector<1x128xi32>
      %jit3A_1594 = arith.constant 0.000000e+00 : f32
      %broadcast_in_dim3A_1595 = vector.shape_cast %eq3A_1593 : vector<1x128xi1> to vector<1x128xi1>
      %broadcast_in_dim3A_1596 = vector.broadcast %broadcast_in_dim3A_1595 : vector<1x128xi1> to vector<4x128xi1>
      %broadcast_in_dim3A_1597 = vector.broadcast %jit3A_1594 : f32 to vector<4x128xf32>
      %select_n3A_1598 = arith.select %broadcast_in_dim3A_1596, %scan3A_1588, %broadcast_in_dim3A_1597 : vector<4x128xi1>, vector<4x128xf32>
      %reduce_sum3A = arith.constant dense<0.000000e+00> : vector<4xf32>
      %reduce_sum3A_1599 = vector.multi_reduction <add>, %select_n3A_1598, %reduce_sum3A [1] : vector<4x128xf32> to vector<4xf32>
      %broadcast_in_dim3A_1600 = vector.shape_cast %reduce_sum3A_1599 : vector<4xf32> to vector<4x1xf32>
      %gt3A_1601 = arith.constant 0.000000e+00 : f32
      %gt3A_1602 = vector.broadcast %gt3A_1601 : f32 to vector<4x128xf32>
      %gt3A_1603 = arith.cmpf ogt, %reshape3A, %gt3A_1602 : vector<4x128xf32>
      %gt3A_1604 = arith.constant 0.000000e+00 : f32
      %gt3A_1605 = vector.broadcast %gt3A_1604 : f32 to vector<4x1xf32>
      %gt3A_1606 = arith.cmpf ogt, %broadcast_in_dim3A_1600, %gt3A_1605 : vector<4x1xf32>
      %and3A_1607 = vector.broadcast %gt3A_1606 : vector<4x1xi1> to vector<4x128xi1>
      %and3A_1608 = arith.andi %gt3A_1603, %and3A_1607 : vector<4x128xi1>
      %jit3A_1609 = arith.constant 0.000000e+00 : f32
      %broadcast_in_dim3A_1610 = vector.broadcast %jit3A_1609 : f32 to vector<4x128xf32>
      %select_n3A_1611 = arith.select %and3A_1608, %broadcast_in_dim3A_1610, %scan3A_1588 : vector<4x128xi1>, vector<4x128xf32>
      %scan3A_1612 = arith.constant 1 : i32
      %scan3A_1613 = arith.addi %scan3A_1587, %scan3A_1612 : i32
      %get3A_1614 = arith.index_cast %scan3A_1613 : i32 to index
      %get3A_1615 = arith.constant 0 : index
      %get3A_1616 = arith.constant 0 : index
      %get3A_1617 = vector.load %arg4[%get3A_1614, %get3A_1615, %get3A_1616] : memref<128x4x128xf32, #tpu.memory_space<vmem>>, vector<1x4x128xf32>
      %reshape3A_1618 = vector.shape_cast %get3A_1617 : vector<1x4x128xf32> to vector<4x128xf32>
      %eq3A_1619 = vector.broadcast %scan3A_1613 : i32 to vector<1x128xi32>
      %eq3A_1620 = arith.cmpi eq, %iota3A, %eq3A_1619 : vector<1x128xi32>
      %jit3A_1621 = arith.constant 0.000000e+00 : f32
      %broadcast_in_dim3A_1622 = vector.shape_cast %eq3A_1620 : vector<1x128xi1> to vector<1x128xi1>
      %broadcast_in_dim3A_1623 = vector.broadcast %broadcast_in_dim3A_1622 : vector<1x128xi1> to vector<4x128xi1>
      %broadcast_in_dim3A_1624 = vector.broadcast %jit3A_1621 : f32 to vector<4x128xf32>
      %select_n3A_1625 = arith.select %broadcast_in_dim3A_1623, %select_n3A_1611, %broadcast_in_dim3A_1624 : vector<4x128xi1>, vector<4x128xf32>
      %reduce_sum3A_1626 = arith.constant dense<0.000000e+00> : vector<4xf32>
      %reduce_sum3A_1627 = vector.multi_reduction <add>, %select_n3A_1625, %reduce_sum3A_1626 [1] : vector<4x128xf32> to vector<4xf32>
      %broadcast_in_dim3A_1628 = vector.shape_cast %reduce_sum3A_1627 : vector<4xf32> to vector<4x1xf32>
      %gt3A_1629 = arith.constant 0.000000e+00 : f32
      %gt3A_1630 = vector.broadcast %gt3A_1629 : f32 to vector<4x128xf32>
      %gt3A_1631 = arith.cmpf ogt, %reshape3A_1618, %gt3A_1630 : vector<4x128xf32>
      %gt3A_1632 = arith.constant 0.000000e+00 : f32
      %gt3A_1633 = vector.broadcast %gt3A_1632 : f32 to vector<4x1xf32>
      %gt3A_1634 = arith.cmpf ogt, %broadcast_in_dim3A_1628, %gt3A_1633 : vector<4x1xf32>
      %and3A_1635 = vector.broadcast %gt3A_1634 : vector<4x1xi1> to vector<4x128xi1>
      %and3A_1636 = arith.andi %gt3A_1631, %and3A_1635 : vector<4x128xi1>
      %jit3A_1637 = arith.constant 0.000000e+00 : f32
      %broadcast_in_dim3A_1638 = vector.broadcast %jit3A_1637 : f32 to vector<4x128xf32>
      %select_n3A_1639 = arith.select %and3A_1636, %broadcast_in_dim3A_1638, %select_n3A_1611 : vector<4x128xi1>, vector<4x128xf32>
      %scan3A_1640 = arith.constant 2 : i32
      %scan3A_1641 = arith.addi %scan3A_1587, %scan3A_1640 : i32
      %get3A_1642 = arith.index_cast %scan3A_1641 : i32 to index
      %get3A_1643 = arith.constant 0 : index
      %get3A_1644 = arith.constant 0 : index
      %get3A_1645 = vector.load %arg4[%get3A_1642, %get3A_1643, %get3A_1644] : memref<128x4x128xf32, #tpu.memory_space<vmem>>, vector<1x4x128xf32>
      %reshape3A_1646 = vector.shape_cast %get3A_1645 : vector<1x4x128xf32> to vector<4x128xf32>
      %eq3A_1647 = vector.broadcast %scan3A_1641 : i32 to vector<1x128xi32>
      %eq3A_1648 = arith.cmpi eq, %iota3A, %eq3A_1647 : vector<1x128xi32>
      %jit3A_1649 = arith.constant 0.000000e+00 : f32
      %broadcast_in_dim3A_1650 = vector.shape_cast %eq3A_1648 : vector<1x128xi1> to vector<1x128xi1>
      %broadcast_in_dim3A_1651 = vector.broadcast %broadcast_in_dim3A_1650 : vector<1x128xi1> to vector<4x128xi1>
      %broadcast_in_dim3A_1652 = vector.broadcast %jit3A_1649 : f32 to vector<4x128xf32>
      %select_n3A_1653 = arith.select %broadcast_in_dim3A_1651, %select_n3A_1639, %broadcast_in_dim3A_1652 : vector<4x128xi1>, vector<4x128xf32>
      %reduce_sum3A_1654 = arith.constant dense<0.000000e+00> : vector<4xf32>
      %reduce_sum3A_1655 = vector.multi_reduction <add>, %select_n3A_1653, %reduce_sum3A_1654 [1] : vector<4x128xf32> to vector<4xf32>
      %broadcast_in_dim3A_1656 = vector.shape_cast %reduce_sum3A_1655 : vector<4xf32> to vector<4x1xf32>
      %gt3A_1657 = arith.constant 0.000000e+00 : f32
      %gt3A_1658 = vector.broadcast %gt3A_1657 : f32 to vector<4x128xf32>
      %gt3A_1659 = arith.cmpf ogt, %reshape3A_1646, %gt3A_1658 : vector<4x128xf32>
      %gt3A_1660 = arith.constant 0.000000e+00 : f32
      %gt3A_1661 = vector.broadcast %gt3A_1660 : f32 to vector<4x1xf32>
      %gt3A_1662 = arith.cmpf ogt, %broadcast_in_dim3A_1656, %gt3A_1661 : vector<4x1xf32>
      %and3A_1663 = vector.broadcast %gt3A_1662 : vector<4x1xi1> to vector<4x128xi1>
      %and3A_1664 = arith.andi %gt3A_1659, %and3A_1663 : vector<4x128xi1>
      %jit3A_1665 = arith.constant 0.000000e+00 : f32
      %broadcast_in_dim3A_1666 = vector.broadcast %jit3A_1665 : f32 to vector<4x128xf32>
      %select_n3A_1667 = arith.select %and3A_1664, %broadcast_in_dim3A_1666, %select_n3A_1639 : vector<4x128xi1>, vector<4x128xf32>
      %scan3A_1668 = arith.constant 3 : i32
      %scan3A_1669 = arith.addi %scan3A_1587, %scan3A_1668 : i32
      %get3A_1670 = arith.index_cast %scan3A_1669 : i32 to index
      %get3A_1671 = arith.constant 0 : index
      %get3A_1672 = arith.constant 0 : index
      %get3A_1673 = vector.load %arg4[%get3A_1670, %get3A_1671, %get3A_1672] : memref<128x4x128xf32, #tpu.memory_space<vmem>>, vector<1x4x128xf32>
      %reshape3A_1674 = vector.shape_cast %get3A_1673 : vector<1x4x128xf32> to vector<4x128xf32>
      %eq3A_1675 = vector.broadcast %scan3A_1669 : i32 to vector<1x128xi32>
      %eq3A_1676 = arith.cmpi eq, %iota3A, %eq3A_1675 : vector<1x128xi32>
      %jit3A_1677 = arith.constant 0.000000e+00 : f32
      %broadcast_in_dim3A_1678 = vector.shape_cast %eq3A_1676 : vector<1x128xi1> to vector<1x128xi1>
      %broadcast_in_dim3A_1679 = vector.broadcast %broadcast_in_dim3A_1678 : vector<1x128xi1> to vector<4x128xi1>
      %broadcast_in_dim3A_1680 = vector.broadcast %jit3A_1677 : f32 to vector<4x128xf32>
      %select_n3A_1681 = arith.select %broadcast_in_dim3A_1679, %select_n3A_1667, %broadcast_in_dim3A_1680 : vector<4x128xi1>, vector<4x128xf32>
      %reduce_sum3A_1682 = arith.constant dense<0.000000e+00> : vector<4xf32>
      %reduce_sum3A_1683 = vector.multi_reduction <add>, %select_n3A_1681, %reduce_sum3A_1682 [1] : vector<4x128xf32> to vector<4xf32>
      %broadcast_in_dim3A_1684 = vector.shape_cast %reduce_sum3A_1683 : vector<4xf32> to vector<4x1xf32>
      %gt3A_1685 = arith.constant 0.000000e+00 : f32
      %gt3A_1686 = vector.broadcast %gt3A_1685 : f32 to vector<4x128xf32>
      %gt3A_1687 = arith.cmpf ogt, %reshape3A_1674, %gt3A_1686 : vector<4x128xf32>
      %gt3A_1688 = arith.constant 0.000000e+00 : f32
      %gt3A_1689 = vector.broadcast %gt3A_1688 : f32 to vector<4x1xf32>
      %gt3A_1690 = arith.cmpf ogt, %broadcast_in_dim3A_1684, %gt3A_1689 : vector<4x1xf32>
      %and3A_1691 = vector.broadcast %gt3A_1690 : vector<4x1xi1> to vector<4x128xi1>
      %and3A_1692 = arith.andi %gt3A_1687, %and3A_1691 : vector<4x128xi1>
      %jit3A_1693 = arith.constant 0.000000e+00 : f32
      %broadcast_in_dim3A_1694 = vector.broadcast %jit3A_1693 : f32 to vector<4x128xf32>
      %select_n3A_1695 = arith.select %and3A_1692, %broadcast_in_dim3A_1694, %select_n3A_1667 : vector<4x128xi1>, vector<4x128xf32>
      %scan3A_1696 = arith.constant 4 : i32
      %scan3A_1697 = arith.addi %scan3A_1587, %scan3A_1696 : i32
      %get3A_1698 = arith.index_cast %scan3A_1697 : i32 to index
      %get3A_1699 = arith.constant 0 : index
      %get3A_1700 = arith.constant 0 : index
      %get3A_1701 = vector.load %arg4[%get3A_1698, %get3A_1699, %get3A_1700] : memref<128x4x128xf32, #tpu.memory_space<vmem>>, vector<1x4x128xf32>
      %reshape3A_1702 = vector.shape_cast %get3A_1701 : vector<1x4x128xf32> to vector<4x128xf32>
      %eq3A_1703 = vector.broadcast %scan3A_1697 : i32 to vector<1x128xi32>
      %eq3A_1704 = arith.cmpi eq, %iota3A, %eq3A_1703 : vector<1x128xi32>
      %jit3A_1705 = arith.constant 0.000000e+00 : f32
      %broadcast_in_dim3A_1706 = vector.shape_cast %eq3A_1704 : vector<1x128xi1> to vector<1x128xi1>
      %broadcast_in_dim3A_1707 = vector.broadcast %broadcast_in_dim3A_1706 : vector<1x128xi1> to vector<4x128xi1>
      %broadcast_in_dim3A_1708 = vector.broadcast %jit3A_1705 : f32 to vector<4x128xf32>
      %select_n3A_1709 = arith.select %broadcast_in_dim3A_1707, %select_n3A_1695, %broadcast_in_dim3A_1708 : vector<4x128xi1>, vector<4x128xf32>
      %reduce_sum3A_1710 = arith.constant dense<0.000000e+00> : vector<4xf32>
      %reduce_sum3A_1711 = vector.multi_reduction <add>, %select_n3A_1709, %reduce_sum3A_1710 [1] : vector<4x128xf32> to vector<4xf32>
      %broadcast_in_dim3A_1712 = vector.shape_cast %reduce_sum3A_1711 : vector<4xf32> to vector<4x1xf32>
      %gt3A_1713 = arith.constant 0.000000e+00 : f32
      %gt3A_1714 = vector.broadcast %gt3A_1713 : f32 to vector<4x128xf32>
      %gt3A_1715 = arith.cmpf ogt, %reshape3A_1702, %gt3A_1714 : vector<4x128xf32>
      %gt3A_1716 = arith.constant 0.000000e+00 : f32
      %gt3A_1717 = vector.broadcast %gt3A_1716 : f32 to vector<4x1xf32>
      %gt3A_1718 = arith.cmpf ogt, %broadcast_in_dim3A_1712, %gt3A_1717 : vector<4x1xf32>
      %and3A_1719 = vector.broadcast %gt3A_1718 : vector<4x1xi1> to vector<4x128xi1>
      %and3A_1720 = arith.andi %gt3A_1715, %and3A_1719 : vector<4x128xi1>
      %jit3A_1721 = arith.constant 0.000000e+00 : f32
      %broadcast_in_dim3A_1722 = vector.broadcast %jit3A_1721 : f32 to vector<4x128xf32>
      %select_n3A_1723 = arith.select %and3A_1720, %broadcast_in_dim3A_1722, %select_n3A_1695 : vector<4x128xi1>, vector<4x128xf32>
      %scan3A_1724 = arith.constant 5 : i32
      %scan3A_1725 = arith.addi %scan3A_1587, %scan3A_1724 : i32
      %get3A_1726 = arith.index_cast %scan3A_1725 : i32 to index
      %get3A_1727 = arith.constant 0 : index
      %get3A_1728 = arith.constant 0 : index
      %get3A_1729 = vector.load %arg4[%get3A_1726, %get3A_1727, %get3A_1728] : memref<128x4x128xf32, #tpu.memory_space<vmem>>, vector<1x4x128xf32>
      %reshape3A_1730 = vector.shape_cast %get3A_1729 : vector<1x4x128xf32> to vector<4x128xf32>
      %eq3A_1731 = vector.broadcast %scan3A_1725 : i32 to vector<1x128xi32>
      %eq3A_1732 = arith.cmpi eq, %iota3A, %eq3A_1731 : vector<1x128xi32>
      %jit3A_1733 = arith.constant 0.000000e+00 : f32
      %broadcast_in_dim3A_1734 = vector.shape_cast %eq3A_1732 : vector<1x128xi1> to vector<1x128xi1>
      %broadcast_in_dim3A_1735 = vector.broadcast %broadcast_in_dim3A_1734 : vector<1x128xi1> to vector<4x128xi1>
      %broadcast_in_dim3A_1736 = vector.broadcast %jit3A_1733 : f32 to vector<4x128xf32>
      %select_n3A_1737 = arith.select %broadcast_in_dim3A_1735, %select_n3A_1723, %broadcast_in_dim3A_1736 : vector<4x128xi1>, vector<4x128xf32>
      %reduce_sum3A_1738 = arith.constant dense<0.000000e+00> : vector<4xf32>
      %reduce_sum3A_1739 = vector.multi_reduction <add>, %select_n3A_1737, %reduce_sum3A_1738 [1] : vector<4x128xf32> to vector<4xf32>
      %broadcast_in_dim3A_1740 = vector.shape_cast %reduce_sum3A_1739 : vector<4xf32> to vector<4x1xf32>
      %gt3A_1741 = arith.constant 0.000000e+00 : f32
      %gt3A_1742 = vector.broadcast %gt3A_1741 : f32 to vector<4x128xf32>
      %gt3A_1743 = arith.cmpf ogt, %reshape3A_1730, %gt3A_1742 : vector<4x128xf32>
      %gt3A_1744 = arith.constant 0.000000e+00 : f32
      %gt3A_1745 = vector.broadcast %gt3A_1744 : f32 to vector<4x1xf32>
      %gt3A_1746 = arith.cmpf ogt, %broadcast_in_dim3A_1740, %gt3A_1745 : vector<4x1xf32>
      %and3A_1747 = vector.broadcast %gt3A_1746 : vector<4x1xi1> to vector<4x128xi1>
      %and3A_1748 = arith.andi %gt3A_1743, %and3A_1747 : vector<4x128xi1>
      %jit3A_1749 = arith.constant 0.000000e+00 : f32
      %broadcast_in_dim3A_1750 = vector.broadcast %jit3A_1749 : f32 to vector<4x128xf32>
      %select_n3A_1751 = arith.select %and3A_1748, %broadcast_in_dim3A_1750, %select_n3A_1723 : vector<4x128xi1>, vector<4x128xf32>
      %scan3A_1752 = arith.constant 6 : i32
      %scan3A_1753 = arith.addi %scan3A_1587, %scan3A_1752 : i32
      %get3A_1754 = arith.index_cast %scan3A_1753 : i32 to index
      %get3A_1755 = arith.constant 0 : index
      %get3A_1756 = arith.constant 0 : index
      %get3A_1757 = vector.load %arg4[%get3A_1754, %get3A_1755, %get3A_1756] : memref<128x4x128xf32, #tpu.memory_space<vmem>>, vector<1x4x128xf32>
      %reshape3A_1758 = vector.shape_cast %get3A_1757 : vector<1x4x128xf32> to vector<4x128xf32>
      %eq3A_1759 = vector.broadcast %scan3A_1753 : i32 to vector<1x128xi32>
      %eq3A_1760 = arith.cmpi eq, %iota3A, %eq3A_1759 : vector<1x128xi32>
      %jit3A_1761 = arith.constant 0.000000e+00 : f32
      %broadcast_in_dim3A_1762 = vector.shape_cast %eq3A_1760 : vector<1x128xi1> to vector<1x128xi1>
      %broadcast_in_dim3A_1763 = vector.broadcast %broadcast_in_dim3A_1762 : vector<1x128xi1> to vector<4x128xi1>
      %broadcast_in_dim3A_1764 = vector.broadcast %jit3A_1761 : f32 to vector<4x128xf32>
      %select_n3A_1765 = arith.select %broadcast_in_dim3A_1763, %select_n3A_1751, %broadcast_in_dim3A_1764 : vector<4x128xi1>, vector<4x128xf32>
      %reduce_sum3A_1766 = arith.constant dense<0.000000e+00> : vector<4xf32>
      %reduce_sum3A_1767 = vector.multi_reduction <add>, %select_n3A_1765, %reduce_sum3A_1766 [1] : vector<4x128xf32> to vector<4xf32>
      %broadcast_in_dim3A_1768 = vector.shape_cast %reduce_sum3A_1767 : vector<4xf32> to vector<4x1xf32>
      %gt3A_1769 = arith.constant 0.000000e+00 : f32
      %gt3A_1770 = vector.broadcast %gt3A_1769 : f32 to vector<4x128xf32>
      %gt3A_1771 = arith.cmpf ogt, %reshape3A_1758, %gt3A_1770 : vector<4x128xf32>
      %gt3A_1772 = arith.constant 0.000000e+00 : f32
      %gt3A_1773 = vector.broadcast %gt3A_1772 : f32 to vector<4x1xf32>
      %gt3A_1774 = arith.cmpf ogt, %broadcast_in_dim3A_1768, %gt3A_1773 : vector<4x1xf32>
      %and3A_1775 = vector.broadcast %gt3A_1774 : vector<4x1xi1> to vector<4x128xi1>
      %and3A_1776 = arith.andi %gt3A_1771, %and3A_1775 : vector<4x128xi1>
      %jit3A_1777 = arith.constant 0.000000e+00 : f32
      %broadcast_in_dim3A_1778 = vector.broadcast %jit3A_1777 : f32 to vector<4x128xf32>
      %select_n3A_1779 = arith.select %and3A_1776, %broadcast_in_dim3A_1778, %select_n3A_1751 : vector<4x128xi1>, vector<4x128xf32>
      %scan3A_1780 = arith.constant 7 : i32
      %scan3A_1781 = arith.addi %scan3A_1587, %scan3A_1780 : i32
      %get3A_1782 = arith.index_cast %scan3A_1781 : i32 to index
      %get3A_1783 = arith.constant 0 : index
      %get3A_1784 = arith.constant 0 : index
      %get3A_1785 = vector.load %arg4[%get3A_1782, %get3A_1783, %get3A_1784] : memref<128x4x128xf32, #tpu.memory_space<vmem>>, vector<1x4x128xf32>
      %reshape3A_1786 = vector.shape_cast %get3A_1785 : vector<1x4x128xf32> to vector<4x128xf32>
      %eq3A_1787 = vector.broadcast %scan3A_1781 : i32 to vector<1x128xi32>
      %eq3A_1788 = arith.cmpi eq, %iota3A, %eq3A_1787 : vector<1x128xi32>
      %jit3A_1789 = arith.constant 0.000000e+00 : f32
      %broadcast_in_dim3A_1790 = vector.shape_cast %eq3A_1788 : vector<1x128xi1> to vector<1x128xi1>
      %broadcast_in_dim3A_1791 = vector.broadcast %broadcast_in_dim3A_1790 : vector<1x128xi1> to vector<4x128xi1>
      %broadcast_in_dim3A_1792 = vector.broadcast %jit3A_1789 : f32 to vector<4x128xf32>
      %select_n3A_1793 = arith.select %broadcast_in_dim3A_1791, %select_n3A_1779, %broadcast_in_dim3A_1792 : vector<4x128xi1>, vector<4x128xf32>
      %reduce_sum3A_1794 = arith.constant dense<0.000000e+00> : vector<4xf32>
      %reduce_sum3A_1795 = vector.multi_reduction <add>, %select_n3A_1793, %reduce_sum3A_1794 [1] : vector<4x128xf32> to vector<4xf32>
      %broadcast_in_dim3A_1796 = vector.shape_cast %reduce_sum3A_1795 : vector<4xf32> to vector<4x1xf32>
      %gt3A_1797 = arith.constant 0.000000e+00 : f32
      %gt3A_1798 = vector.broadcast %gt3A_1797 : f32 to vector<4x128xf32>
      %gt3A_1799 = arith.cmpf ogt, %reshape3A_1786, %gt3A_1798 : vector<4x128xf32>
      %gt3A_1800 = arith.constant 0.000000e+00 : f32
      %gt3A_1801 = vector.broadcast %gt3A_1800 : f32 to vector<4x1xf32>
      %gt3A_1802 = arith.cmpf ogt, %broadcast_in_dim3A_1796, %gt3A_1801 : vector<4x1xf32>
      %and3A_1803 = vector.broadcast %gt3A_1802 : vector<4x1xi1> to vector<4x128xi1>
      %and3A_1804 = arith.andi %gt3A_1799, %and3A_1803 : vector<4x128xi1>
      %jit3A_1805 = arith.constant 0.000000e+00 : f32
      %broadcast_in_dim3A_1806 = vector.broadcast %jit3A_1805 : f32 to vector<4x128xf32>
      %select_n3A_1807 = arith.select %and3A_1804, %broadcast_in_dim3A_1806, %select_n3A_1779 : vector<4x128xi1>, vector<4x128xf32>
      scf.yield %select_n3A_1807 : vector<4x128xf32>
    }
    %scan3A_1362 = arith.constant 128 : i32
    %slice3A_1363 = vector.extract_strided_slice %select_n3A_1345 {offsets = [0, 0, 128], sizes = [128, 4, 256], strides = [1, 1, 1]} : vector<128x4x384xf32> to vector<128x4x256xf32>
    %transpose3A_1364 = tpu.transpose %scan3A_1361, [1, 0] : vector<4x128xf32> -> vector<128x4xf32>
    %broadcast_in_dim3A_1365 = vector.shape_cast %transpose3A_1364 : vector<128x4xf32> to vector<128x4x1xf32>
    %mul3A_1366 = vector.broadcast %broadcast_in_dim3A_1365 : vector<128x4x1xf32> to vector<128x4x256xf32>
    %mul3A_1367 = arith.mulf %slice3A_1363, %mul3A_1366 : vector<128x4x256xf32>
    %reduce_max3A_1368 = arith.constant dense<0xFF800000> : vector<4x256xf32>
    %reduce_max3A_1369 = vector.multi_reduction <maximumf>, %mul3A_1367, %reduce_max3A_1368 [0] : vector<128x4x256xf32> to vector<4x256xf32>
    %gt3A_1370 = arith.constant 0.000000e+00 : f32
    %gt3A_1371 = vector.broadcast %gt3A_1370 : f32 to vector<4x256xf32>
    %gt3A_1372 = arith.cmpf ogt, %reduce_max3A_1369, %gt3A_1371 : vector<4x256xf32>
    %slice3A_1373 = vector.extract_strided_slice %concatenate3A_1283 {offsets = [0, 1792], sizes = [4, 256], strides = [1, 1]} : vector<4x2048xf32> to vector<4x256xf32>
    %jit3A_1374 = arith.constant 0.000000e+00 : f32
    %broadcast_in_dim3A_1375 = vector.broadcast %jit3A_1374 : f32 to vector<4x256xf32>
    %select_n3A_1376 = arith.select %gt3A_1372, %broadcast_in_dim3A_1375, %slice3A_1373 : vector<4x256xi1>, vector<4x256xf32>
    %slice3A_1377 = vector.extract_strided_slice %concatenate3A_1283 {offsets = [0, 0], sizes = [4, 1664], strides = [1, 1]} : vector<4x2048xf32> to vector<4x1664xf32>
    %concatenate3A_1378 = tpu.concatenate %slice3A_1377, %scan3A_1361, %select_n3A_1376 in 1 : vector<4x1664xf32>, vector<4x128xf32>, vector<4x256xf32> -> vector<4x2048xf32>
    %slice3A_1379 = vector.extract_strided_slice %min3A_6 {offsets = [0, 1792], sizes = [4, 128], strides = [1, 1]} : vector<4x2048xf32> to vector<4x128xf32>
    %transpose3A_1380 = tpu.transpose %slice3A_1379, [1, 0] : vector<4x128xf32> -> vector<128x4xf32>
    %broadcast_in_dim3A_1381 = vector.shape_cast %transpose3A_1380 : vector<128x4xf32> to vector<128x4x1xf32>
    %slice3A_1382 = vector.extract_strided_slice %min3A_17 {offsets = [0, 1792], sizes = [4, 128], strides = [1, 1]} : vector<4x2048xf32> to vector<4x128xf32>
    %transpose3A_1383 = tpu.transpose %slice3A_1382, [1, 0] : vector<4x128xf32> -> vector<128x4xf32>
    %broadcast_in_dim3A_1384 = vector.shape_cast %transpose3A_1383 : vector<128x4xf32> to vector<128x4x1xf32>
    %slice3A_1385 = vector.extract_strided_slice %min3A_28 {offsets = [0, 1792], sizes = [4, 128], strides = [1, 1]} : vector<4x2048xf32> to vector<4x128xf32>
    %transpose3A_1386 = tpu.transpose %slice3A_1385, [1, 0] : vector<4x128xf32> -> vector<128x4xf32>
    %broadcast_in_dim3A_1387 = vector.shape_cast %transpose3A_1386 : vector<128x4xf32> to vector<128x4x1xf32>
    %slice3A_1388 = vector.extract_strided_slice %min3A_39 {offsets = [0, 1792], sizes = [4, 128], strides = [1, 1]} : vector<4x2048xf32> to vector<4x128xf32>
    %transpose3A_1389 = tpu.transpose %slice3A_1388, [1, 0] : vector<4x128xf32> -> vector<128x4xf32>
    %broadcast_in_dim3A_1390 = vector.shape_cast %transpose3A_1389 : vector<128x4xf32> to vector<128x4x1xf32>
    %slice3A_1391 = vector.extract_strided_slice %mul3A {offsets = [0, 1792], sizes = [4, 128], strides = [1, 1]} : vector<4x2048xf32> to vector<4x128xf32>
    %transpose3A_1392 = tpu.transpose %slice3A_1391, [1, 0] : vector<4x128xf32> -> vector<128x4xf32>
    %broadcast_in_dim3A_1393 = vector.shape_cast %transpose3A_1392 : vector<128x4xf32> to vector<128x4x1xf32>
    %slice3A_1394 = vector.extract_strided_slice %min3A_6 {offsets = [0, 1792], sizes = [4, 256], strides = [1, 1]} : vector<4x2048xf32> to vector<4x256xf32>
    %broadcast_in_dim3A_1395 = vector.shape_cast %slice3A_1394 : vector<4x256xf32> to vector<1x4x256xf32>
    %slice3A_1396 = vector.extract_strided_slice %min3A_17 {offsets = [0, 1792], sizes = [4, 256], strides = [1, 1]} : vector<4x2048xf32> to vector<4x256xf32>
    %broadcast_in_dim3A_1397 = vector.shape_cast %slice3A_1396 : vector<4x256xf32> to vector<1x4x256xf32>
    %slice3A_1398 = vector.extract_strided_slice %min3A_28 {offsets = [0, 1792], sizes = [4, 256], strides = [1, 1]} : vector<4x2048xf32> to vector<4x256xf32>
    %broadcast_in_dim3A_1399 = vector.shape_cast %slice3A_1398 : vector<4x256xf32> to vector<1x4x256xf32>
    %slice3A_1400 = vector.extract_strided_slice %min3A_39 {offsets = [0, 1792], sizes = [4, 256], strides = [1, 1]} : vector<4x2048xf32> to vector<4x256xf32>
    %broadcast_in_dim3A_1401 = vector.shape_cast %slice3A_1400 : vector<4x256xf32> to vector<1x4x256xf32>
    %slice3A_1402 = vector.extract_strided_slice %mul3A {offsets = [0, 1792], sizes = [4, 256], strides = [1, 1]} : vector<4x2048xf32> to vector<4x256xf32>
    %broadcast_in_dim3A_1403 = vector.shape_cast %slice3A_1402 : vector<4x256xf32> to vector<1x4x256xf32>
    %min3A_1404 = vector.broadcast %broadcast_in_dim3A_1387 : vector<128x4x1xf32> to vector<128x4x256xf32>
    %min3A_1405 = vector.broadcast %broadcast_in_dim3A_1399 : vector<1x4x256xf32> to vector<128x4x256xf32>
    %min3A_1406 = arith.minimumf %min3A_1404, %min3A_1405 : vector<128x4x256xf32>
    %max3A_1407 = vector.broadcast %broadcast_in_dim3A_1381 : vector<128x4x1xf32> to vector<128x4x256xf32>
    %max3A_1408 = vector.broadcast %broadcast_in_dim3A_1395 : vector<1x4x256xf32> to vector<128x4x256xf32>
    %max3A_1409 = arith.maximumf %max3A_1407, %max3A_1408 : vector<128x4x256xf32>
    %sub3A_1410 = arith.subf %min3A_1406, %max3A_1409 : vector<128x4x256xf32>
    %jit3A_1411 = arith.constant 0.000000e+00 : f32
    %max3A_1412 = vector.broadcast %jit3A_1411 : f32 to vector<128x4x256xf32>
    %max3A_1413 = arith.maximumf %max3A_1412, %sub3A_1410 : vector<128x4x256xf32>
    %min3A_1414 = vector.broadcast %broadcast_in_dim3A_1390 : vector<128x4x1xf32> to vector<128x4x256xf32>
    %min3A_1415 = vector.broadcast %broadcast_in_dim3A_1401 : vector<1x4x256xf32> to vector<128x4x256xf32>
    %min3A_1416 = arith.minimumf %min3A_1414, %min3A_1415 : vector<128x4x256xf32>
    %max3A_1417 = vector.broadcast %broadcast_in_dim3A_1384 : vector<128x4x1xf32> to vector<128x4x256xf32>
    %max3A_1418 = vector.broadcast %broadcast_in_dim3A_1397 : vector<1x4x256xf32> to vector<128x4x256xf32>
    %max3A_1419 = arith.maximumf %max3A_1417, %max3A_1418 : vector<128x4x256xf32>
    %sub3A_1420 = arith.subf %min3A_1416, %max3A_1419 : vector<128x4x256xf32>
    %jit3A_1421 = arith.constant 0.000000e+00 : f32
    %max3A_1422 = vector.broadcast %jit3A_1421 : f32 to vector<128x4x256xf32>
    %max3A_1423 = arith.maximumf %max3A_1422, %sub3A_1420 : vector<128x4x256xf32>
    %mul3A_1424 = arith.mulf %max3A_1413, %max3A_1423 : vector<128x4x256xf32>
    %add3A_1425 = vector.broadcast %broadcast_in_dim3A_1393 : vector<128x4x1xf32> to vector<128x4x256xf32>
    %add3A_1426 = vector.broadcast %broadcast_in_dim3A_1403 : vector<1x4x256xf32> to vector<128x4x256xf32>
    %add3A_1427 = arith.addf %add3A_1425, %add3A_1426 : vector<128x4x256xf32>
    %sub3A_1428 = arith.subf %add3A_1427, %mul3A_1424 : vector<128x4x256xf32>
    %max3A_1429 = arith.constant 9.99999971E-10 : f32
    %max3A_1430 = vector.broadcast %max3A_1429 : f32 to vector<128x4x256xf32>
    %max3A_1431 = arith.maximumf %sub3A_1428, %max3A_1430 : vector<128x4x256xf32>
    %div3A_1432 = arith.divf %mul3A_1424, %max3A_1431 : vector<128x4x256xf32>
    %gt3A_1433 = arith.constant 0.699999988 : f32
    %gt3A_1434 = vector.broadcast %gt3A_1433 : f32 to vector<128x4x256xf32>
    %gt3A_1435 = arith.cmpf ogt, %div3A_1432, %gt3A_1434 : vector<128x4x256xf32>
    %jit3A_1436 = arith.constant 1.000000e+00 : f32
    %jit3A_1437 = arith.constant 0.000000e+00 : f32
    %broadcast_in_dim3A_1438 = vector.broadcast %jit3A_1436 : f32 to vector<128x4x256xf32>
    %broadcast_in_dim3A_1439 = vector.broadcast %jit3A_1437 : f32 to vector<128x4x256xf32>
    %select_n3A_1440 = arith.select %gt3A_1435, %broadcast_in_dim3A_1438, %broadcast_in_dim3A_1439 : vector<128x4x256xi1>, vector<128x4x256xf32>
    %slice3A_1441 = vector.extract_strided_slice %select_n3A_1440 {offsets = [0, 0, 0], sizes = [128, 4, 128], strides = [1, 1, 1]} : vector<128x4x256xf32> to vector<128x4x128xf32>
    %jit3A_1442 = arith.constant 0.000000e+00 : f32
    %broadcast_in_dim3A_1443 = vector.shape_cast %gt3A_62 : vector<128x1x128xi1> to vector<128x1x128xi1>
    %broadcast_in_dim3A_1444 = vector.broadcast %broadcast_in_dim3A_1443 : vector<128x1x128xi1> to vector<128x4x128xi1>
    %broadcast_in_dim3A_1445 = vector.broadcast %jit3A_1442 : f32 to vector<128x4x128xf32>
    %select_n3A_1446 = arith.select %broadcast_in_dim3A_1444, %slice3A_1441, %broadcast_in_dim3A_1445 : vector<128x4x128xi1>, vector<128x4x128xf32>
    %swap3A_1447 = arith.constant 0 : index
    %swap3A_1448 = arith.constant 0 : index
    %swap3A_1449 = arith.constant 0 : index
    %swap3A_1450 = vector.load %arg4[%swap3A_1447, %swap3A_1448, %swap3A_1449] : memref<128x4x128xf32, #tpu.memory_space<vmem>>, vector<128x4x128xf32>
    tpu.vector_store %arg4[%swap3A_1447, %swap3A_1448, %swap3A_1449], %select_n3A_1446 {strides = array<i32>} : memref<128x4x128xf32, #tpu.memory_space<vmem>>, vector<128x4x128xf32>,
    %slice3A_1451 = vector.extract_strided_slice %concatenate3A_1378 {offsets = [0, 1792], sizes = [4, 128], strides = [1, 1]} : vector<4x2048xf32> to vector<4x128xf32>
    %scan3A_1452 = arith.constant 0 : i32
    %scan3A_1453 = arith.constant 128 : i32
    %scan3A_1454 = arith.addi %scan3A_1452, %scan3A_1453 : i32
    %scan3A_1455 = arith.constant 8 : i32
    %scan3A_1456 = scf.for %scan3A_1587 = %scan3A_1452 to %scan3A_1454 step %scan3A_1455 iter_args(%scan3A_1588 = %slice3A_1451) -> (vector<4x128xf32>)  : i32 {
      %get3A_1589 = arith.index_cast %scan3A_1587 : i32 to index
      %get3A_1590 = arith.constant 0 : index
      %get3A_1591 = arith.constant 0 : index
      %get3A_1592 = vector.load %arg4[%get3A_1589, %get3A_1590, %get3A_1591] : memref<128x4x128xf32, #tpu.memory_space<vmem>>, vector<1x4x128xf32>
      %reshape3A = vector.shape_cast %get3A_1592 : vector<1x4x128xf32> to vector<4x128xf32>
      %eq3A = vector.broadcast %scan3A_1587 : i32 to vector<1x128xi32>
      %eq3A_1593 = arith.cmpi eq, %iota3A, %eq3A : vector<1x128xi32>
      %jit3A_1594 = arith.constant 0.000000e+00 : f32
      %broadcast_in_dim3A_1595 = vector.shape_cast %eq3A_1593 : vector<1x128xi1> to vector<1x128xi1>
      %broadcast_in_dim3A_1596 = vector.broadcast %broadcast_in_dim3A_1595 : vector<1x128xi1> to vector<4x128xi1>
      %broadcast_in_dim3A_1597 = vector.broadcast %jit3A_1594 : f32 to vector<4x128xf32>
      %select_n3A_1598 = arith.select %broadcast_in_dim3A_1596, %scan3A_1588, %broadcast_in_dim3A_1597 : vector<4x128xi1>, vector<4x128xf32>
      %reduce_sum3A = arith.constant dense<0.000000e+00> : vector<4xf32>
      %reduce_sum3A_1599 = vector.multi_reduction <add>, %select_n3A_1598, %reduce_sum3A [1] : vector<4x128xf32> to vector<4xf32>
      %broadcast_in_dim3A_1600 = vector.shape_cast %reduce_sum3A_1599 : vector<4xf32> to vector<4x1xf32>
      %gt3A_1601 = arith.constant 0.000000e+00 : f32
      %gt3A_1602 = vector.broadcast %gt3A_1601 : f32 to vector<4x128xf32>
      %gt3A_1603 = arith.cmpf ogt, %reshape3A, %gt3A_1602 : vector<4x128xf32>
      %gt3A_1604 = arith.constant 0.000000e+00 : f32
      %gt3A_1605 = vector.broadcast %gt3A_1604 : f32 to vector<4x1xf32>
      %gt3A_1606 = arith.cmpf ogt, %broadcast_in_dim3A_1600, %gt3A_1605 : vector<4x1xf32>
      %and3A_1607 = vector.broadcast %gt3A_1606 : vector<4x1xi1> to vector<4x128xi1>
      %and3A_1608 = arith.andi %gt3A_1603, %and3A_1607 : vector<4x128xi1>
      %jit3A_1609 = arith.constant 0.000000e+00 : f32
      %broadcast_in_dim3A_1610 = vector.broadcast %jit3A_1609 : f32 to vector<4x128xf32>
      %select_n3A_1611 = arith.select %and3A_1608, %broadcast_in_dim3A_1610, %scan3A_1588 : vector<4x128xi1>, vector<4x128xf32>
      %scan3A_1612 = arith.constant 1 : i32
      %scan3A_1613 = arith.addi %scan3A_1587, %scan3A_1612 : i32
      %get3A_1614 = arith.index_cast %scan3A_1613 : i32 to index
      %get3A_1615 = arith.constant 0 : index
      %get3A_1616 = arith.constant 0 : index
      %get3A_1617 = vector.load %arg4[%get3A_1614, %get3A_1615, %get3A_1616] : memref<128x4x128xf32, #tpu.memory_space<vmem>>, vector<1x4x128xf32>
      %reshape3A_1618 = vector.shape_cast %get3A_1617 : vector<1x4x128xf32> to vector<4x128xf32>
      %eq3A_1619 = vector.broadcast %scan3A_1613 : i32 to vector<1x128xi32>
      %eq3A_1620 = arith.cmpi eq, %iota3A, %eq3A_1619 : vector<1x128xi32>
      %jit3A_1621 = arith.constant 0.000000e+00 : f32
      %broadcast_in_dim3A_1622 = vector.shape_cast %eq3A_1620 : vector<1x128xi1> to vector<1x128xi1>
      %broadcast_in_dim3A_1623 = vector.broadcast %broadcast_in_dim3A_1622 : vector<1x128xi1> to vector<4x128xi1>
      %broadcast_in_dim3A_1624 = vector.broadcast %jit3A_1621 : f32 to vector<4x128xf32>
      %select_n3A_1625 = arith.select %broadcast_in_dim3A_1623, %select_n3A_1611, %broadcast_in_dim3A_1624 : vector<4x128xi1>, vector<4x128xf32>
      %reduce_sum3A_1626 = arith.constant dense<0.000000e+00> : vector<4xf32>
      %reduce_sum3A_1627 = vector.multi_reduction <add>, %select_n3A_1625, %reduce_sum3A_1626 [1] : vector<4x128xf32> to vector<4xf32>
      %broadcast_in_dim3A_1628 = vector.shape_cast %reduce_sum3A_1627 : vector<4xf32> to vector<4x1xf32>
      %gt3A_1629 = arith.constant 0.000000e+00 : f32
      %gt3A_1630 = vector.broadcast %gt3A_1629 : f32 to vector<4x128xf32>
      %gt3A_1631 = arith.cmpf ogt, %reshape3A_1618, %gt3A_1630 : vector<4x128xf32>
      %gt3A_1632 = arith.constant 0.000000e+00 : f32
      %gt3A_1633 = vector.broadcast %gt3A_1632 : f32 to vector<4x1xf32>
      %gt3A_1634 = arith.cmpf ogt, %broadcast_in_dim3A_1628, %gt3A_1633 : vector<4x1xf32>
      %and3A_1635 = vector.broadcast %gt3A_1634 : vector<4x1xi1> to vector<4x128xi1>
      %and3A_1636 = arith.andi %gt3A_1631, %and3A_1635 : vector<4x128xi1>
      %jit3A_1637 = arith.constant 0.000000e+00 : f32
      %broadcast_in_dim3A_1638 = vector.broadcast %jit3A_1637 : f32 to vector<4x128xf32>
      %select_n3A_1639 = arith.select %and3A_1636, %broadcast_in_dim3A_1638, %select_n3A_1611 : vector<4x128xi1>, vector<4x128xf32>
      %scan3A_1640 = arith.constant 2 : i32
      %scan3A_1641 = arith.addi %scan3A_1587, %scan3A_1640 : i32
      %get3A_1642 = arith.index_cast %scan3A_1641 : i32 to index
      %get3A_1643 = arith.constant 0 : index
      %get3A_1644 = arith.constant 0 : index
      %get3A_1645 = vector.load %arg4[%get3A_1642, %get3A_1643, %get3A_1644] : memref<128x4x128xf32, #tpu.memory_space<vmem>>, vector<1x4x128xf32>
      %reshape3A_1646 = vector.shape_cast %get3A_1645 : vector<1x4x128xf32> to vector<4x128xf32>
      %eq3A_1647 = vector.broadcast %scan3A_1641 : i32 to vector<1x128xi32>
      %eq3A_1648 = arith.cmpi eq, %iota3A, %eq3A_1647 : vector<1x128xi32>
      %jit3A_1649 = arith.constant 0.000000e+00 : f32
      %broadcast_in_dim3A_1650 = vector.shape_cast %eq3A_1648 : vector<1x128xi1> to vector<1x128xi1>
      %broadcast_in_dim3A_1651 = vector.broadcast %broadcast_in_dim3A_1650 : vector<1x128xi1> to vector<4x128xi1>
      %broadcast_in_dim3A_1652 = vector.broadcast %jit3A_1649 : f32 to vector<4x128xf32>
      %select_n3A_1653 = arith.select %broadcast_in_dim3A_1651, %select_n3A_1639, %broadcast_in_dim3A_1652 : vector<4x128xi1>, vector<4x128xf32>
      %reduce_sum3A_1654 = arith.constant dense<0.000000e+00> : vector<4xf32>
      %reduce_sum3A_1655 = vector.multi_reduction <add>, %select_n3A_1653, %reduce_sum3A_1654 [1] : vector<4x128xf32> to vector<4xf32>
      %broadcast_in_dim3A_1656 = vector.shape_cast %reduce_sum3A_1655 : vector<4xf32> to vector<4x1xf32>
      %gt3A_1657 = arith.constant 0.000000e+00 : f32
      %gt3A_1658 = vector.broadcast %gt3A_1657 : f32 to vector<4x128xf32>
      %gt3A_1659 = arith.cmpf ogt, %reshape3A_1646, %gt3A_1658 : vector<4x128xf32>
      %gt3A_1660 = arith.constant 0.000000e+00 : f32
      %gt3A_1661 = vector.broadcast %gt3A_1660 : f32 to vector<4x1xf32>
      %gt3A_1662 = arith.cmpf ogt, %broadcast_in_dim3A_1656, %gt3A_1661 : vector<4x1xf32>
      %and3A_1663 = vector.broadcast %gt3A_1662 : vector<4x1xi1> to vector<4x128xi1>
      %and3A_1664 = arith.andi %gt3A_1659, %and3A_1663 : vector<4x128xi1>
      %jit3A_1665 = arith.constant 0.000000e+00 : f32
      %broadcast_in_dim3A_1666 = vector.broadcast %jit3A_1665 : f32 to vector<4x128xf32>
      %select_n3A_1667 = arith.select %and3A_1664, %broadcast_in_dim3A_1666, %select_n3A_1639 : vector<4x128xi1>, vector<4x128xf32>
      %scan3A_1668 = arith.constant 3 : i32
      %scan3A_1669 = arith.addi %scan3A_1587, %scan3A_1668 : i32
      %get3A_1670 = arith.index_cast %scan3A_1669 : i32 to index
      %get3A_1671 = arith.constant 0 : index
      %get3A_1672 = arith.constant 0 : index
      %get3A_1673 = vector.load %arg4[%get3A_1670, %get3A_1671, %get3A_1672] : memref<128x4x128xf32, #tpu.memory_space<vmem>>, vector<1x4x128xf32>
      %reshape3A_1674 = vector.shape_cast %get3A_1673 : vector<1x4x128xf32> to vector<4x128xf32>
      %eq3A_1675 = vector.broadcast %scan3A_1669 : i32 to vector<1x128xi32>
      %eq3A_1676 = arith.cmpi eq, %iota3A, %eq3A_1675 : vector<1x128xi32>
      %jit3A_1677 = arith.constant 0.000000e+00 : f32
      %broadcast_in_dim3A_1678 = vector.shape_cast %eq3A_1676 : vector<1x128xi1> to vector<1x128xi1>
      %broadcast_in_dim3A_1679 = vector.broadcast %broadcast_in_dim3A_1678 : vector<1x128xi1> to vector<4x128xi1>
      %broadcast_in_dim3A_1680 = vector.broadcast %jit3A_1677 : f32 to vector<4x128xf32>
      %select_n3A_1681 = arith.select %broadcast_in_dim3A_1679, %select_n3A_1667, %broadcast_in_dim3A_1680 : vector<4x128xi1>, vector<4x128xf32>
      %reduce_sum3A_1682 = arith.constant dense<0.000000e+00> : vector<4xf32>
      %reduce_sum3A_1683 = vector.multi_reduction <add>, %select_n3A_1681, %reduce_sum3A_1682 [1] : vector<4x128xf32> to vector<4xf32>
      %broadcast_in_dim3A_1684 = vector.shape_cast %reduce_sum3A_1683 : vector<4xf32> to vector<4x1xf32>
      %gt3A_1685 = arith.constant 0.000000e+00 : f32
      %gt3A_1686 = vector.broadcast %gt3A_1685 : f32 to vector<4x128xf32>
      %gt3A_1687 = arith.cmpf ogt, %reshape3A_1674, %gt3A_1686 : vector<4x128xf32>
      %gt3A_1688 = arith.constant 0.000000e+00 : f32
      %gt3A_1689 = vector.broadcast %gt3A_1688 : f32 to vector<4x1xf32>
      %gt3A_1690 = arith.cmpf ogt, %broadcast_in_dim3A_1684, %gt3A_1689 : vector<4x1xf32>
      %and3A_1691 = vector.broadcast %gt3A_1690 : vector<4x1xi1> to vector<4x128xi1>
      %and3A_1692 = arith.andi %gt3A_1687, %and3A_1691 : vector<4x128xi1>
      %jit3A_1693 = arith.constant 0.000000e+00 : f32
      %broadcast_in_dim3A_1694 = vector.broadcast %jit3A_1693 : f32 to vector<4x128xf32>
      %select_n3A_1695 = arith.select %and3A_1692, %broadcast_in_dim3A_1694, %select_n3A_1667 : vector<4x128xi1>, vector<4x128xf32>
      %scan3A_1696 = arith.constant 4 : i32
      %scan3A_1697 = arith.addi %scan3A_1587, %scan3A_1696 : i32
      %get3A_1698 = arith.index_cast %scan3A_1697 : i32 to index
      %get3A_1699 = arith.constant 0 : index
      %get3A_1700 = arith.constant 0 : index
      %get3A_1701 = vector.load %arg4[%get3A_1698, %get3A_1699, %get3A_1700] : memref<128x4x128xf32, #tpu.memory_space<vmem>>, vector<1x4x128xf32>
      %reshape3A_1702 = vector.shape_cast %get3A_1701 : vector<1x4x128xf32> to vector<4x128xf32>
      %eq3A_1703 = vector.broadcast %scan3A_1697 : i32 to vector<1x128xi32>
      %eq3A_1704 = arith.cmpi eq, %iota3A, %eq3A_1703 : vector<1x128xi32>
      %jit3A_1705 = arith.constant 0.000000e+00 : f32
      %broadcast_in_dim3A_1706 = vector.shape_cast %eq3A_1704 : vector<1x128xi1> to vector<1x128xi1>
      %broadcast_in_dim3A_1707 = vector.broadcast %broadcast_in_dim3A_1706 : vector<1x128xi1> to vector<4x128xi1>
      %broadcast_in_dim3A_1708 = vector.broadcast %jit3A_1705 : f32 to vector<4x128xf32>
      %select_n3A_1709 = arith.select %broadcast_in_dim3A_1707, %select_n3A_1695, %broadcast_in_dim3A_1708 : vector<4x128xi1>, vector<4x128xf32>
      %reduce_sum3A_1710 = arith.constant dense<0.000000e+00> : vector<4xf32>
      %reduce_sum3A_1711 = vector.multi_reduction <add>, %select_n3A_1709, %reduce_sum3A_1710 [1] : vector<4x128xf32> to vector<4xf32>
      %broadcast_in_dim3A_1712 = vector.shape_cast %reduce_sum3A_1711 : vector<4xf32> to vector<4x1xf32>
      %gt3A_1713 = arith.constant 0.000000e+00 : f32
      %gt3A_1714 = vector.broadcast %gt3A_1713 : f32 to vector<4x128xf32>
      %gt3A_1715 = arith.cmpf ogt, %reshape3A_1702, %gt3A_1714 : vector<4x128xf32>
      %gt3A_1716 = arith.constant 0.000000e+00 : f32
      %gt3A_1717 = vector.broadcast %gt3A_1716 : f32 to vector<4x1xf32>
      %gt3A_1718 = arith.cmpf ogt, %broadcast_in_dim3A_1712, %gt3A_1717 : vector<4x1xf32>
      %and3A_1719 = vector.broadcast %gt3A_1718 : vector<4x1xi1> to vector<4x128xi1>
      %and3A_1720 = arith.andi %gt3A_1715, %and3A_1719 : vector<4x128xi1>
      %jit3A_1721 = arith.constant 0.000000e+00 : f32
      %broadcast_in_dim3A_1722 = vector.broadcast %jit3A_1721 : f32 to vector<4x128xf32>
      %select_n3A_1723 = arith.select %and3A_1720, %broadcast_in_dim3A_1722, %select_n3A_1695 : vector<4x128xi1>, vector<4x128xf32>
      %scan3A_1724 = arith.constant 5 : i32
      %scan3A_1725 = arith.addi %scan3A_1587, %scan3A_1724 : i32
      %get3A_1726 = arith.index_cast %scan3A_1725 : i32 to index
      %get3A_1727 = arith.constant 0 : index
      %get3A_1728 = arith.constant 0 : index
      %get3A_1729 = vector.load %arg4[%get3A_1726, %get3A_1727, %get3A_1728] : memref<128x4x128xf32, #tpu.memory_space<vmem>>, vector<1x4x128xf32>
      %reshape3A_1730 = vector.shape_cast %get3A_1729 : vector<1x4x128xf32> to vector<4x128xf32>
      %eq3A_1731 = vector.broadcast %scan3A_1725 : i32 to vector<1x128xi32>
      %eq3A_1732 = arith.cmpi eq, %iota3A, %eq3A_1731 : vector<1x128xi32>
      %jit3A_1733 = arith.constant 0.000000e+00 : f32
      %broadcast_in_dim3A_1734 = vector.shape_cast %eq3A_1732 : vector<1x128xi1> to vector<1x128xi1>
      %broadcast_in_dim3A_1735 = vector.broadcast %broadcast_in_dim3A_1734 : vector<1x128xi1> to vector<4x128xi1>
      %broadcast_in_dim3A_1736 = vector.broadcast %jit3A_1733 : f32 to vector<4x128xf32>
      %select_n3A_1737 = arith.select %broadcast_in_dim3A_1735, %select_n3A_1723, %broadcast_in_dim3A_1736 : vector<4x128xi1>, vector<4x128xf32>
      %reduce_sum3A_1738 = arith.constant dense<0.000000e+00> : vector<4xf32>
      %reduce_sum3A_1739 = vector.multi_reduction <add>, %select_n3A_1737, %reduce_sum3A_1738 [1] : vector<4x128xf32> to vector<4xf32>
      %broadcast_in_dim3A_1740 = vector.shape_cast %reduce_sum3A_1739 : vector<4xf32> to vector<4x1xf32>
      %gt3A_1741 = arith.constant 0.000000e+00 : f32
      %gt3A_1742 = vector.broadcast %gt3A_1741 : f32 to vector<4x128xf32>
      %gt3A_1743 = arith.cmpf ogt, %reshape3A_1730, %gt3A_1742 : vector<4x128xf32>
      %gt3A_1744 = arith.constant 0.000000e+00 : f32
      %gt3A_1745 = vector.broadcast %gt3A_1744 : f32 to vector<4x1xf32>
      %gt3A_1746 = arith.cmpf ogt, %broadcast_in_dim3A_1740, %gt3A_1745 : vector<4x1xf32>
      %and3A_1747 = vector.broadcast %gt3A_1746 : vector<4x1xi1> to vector<4x128xi1>
      %and3A_1748 = arith.andi %gt3A_1743, %and3A_1747 : vector<4x128xi1>
      %jit3A_1749 = arith.constant 0.000000e+00 : f32
      %broadcast_in_dim3A_1750 = vector.broadcast %jit3A_1749 : f32 to vector<4x128xf32>
      %select_n3A_1751 = arith.select %and3A_1748, %broadcast_in_dim3A_1750, %select_n3A_1723 : vector<4x128xi1>, vector<4x128xf32>
      %scan3A_1752 = arith.constant 6 : i32
      %scan3A_1753 = arith.addi %scan3A_1587, %scan3A_1752 : i32
      %get3A_1754 = arith.index_cast %scan3A_1753 : i32 to index
      %get3A_1755 = arith.constant 0 : index
      %get3A_1756 = arith.constant 0 : index
      %get3A_1757 = vector.load %arg4[%get3A_1754, %get3A_1755, %get3A_1756] : memref<128x4x128xf32, #tpu.memory_space<vmem>>, vector<1x4x128xf32>
      %reshape3A_1758 = vector.shape_cast %get3A_1757 : vector<1x4x128xf32> to vector<4x128xf32>
      %eq3A_1759 = vector.broadcast %scan3A_1753 : i32 to vector<1x128xi32>
      %eq3A_1760 = arith.cmpi eq, %iota3A, %eq3A_1759 : vector<1x128xi32>
      %jit3A_1761 = arith.constant 0.000000e+00 : f32
      %broadcast_in_dim3A_1762 = vector.shape_cast %eq3A_1760 : vector<1x128xi1> to vector<1x128xi1>
      %broadcast_in_dim3A_1763 = vector.broadcast %broadcast_in_dim3A_1762 : vector<1x128xi1> to vector<4x128xi1>
      %broadcast_in_dim3A_1764 = vector.broadcast %jit3A_1761 : f32 to vector<4x128xf32>
      %select_n3A_1765 = arith.select %broadcast_in_dim3A_1763, %select_n3A_1751, %broadcast_in_dim3A_1764 : vector<4x128xi1>, vector<4x128xf32>
      %reduce_sum3A_1766 = arith.constant dense<0.000000e+00> : vector<4xf32>
      %reduce_sum3A_1767 = vector.multi_reduction <add>, %select_n3A_1765, %reduce_sum3A_1766 [1] : vector<4x128xf32> to vector<4xf32>
      %broadcast_in_dim3A_1768 = vector.shape_cast %reduce_sum3A_1767 : vector<4xf32> to vector<4x1xf32>
      %gt3A_1769 = arith.constant 0.000000e+00 : f32
      %gt3A_1770 = vector.broadcast %gt3A_1769 : f32 to vector<4x128xf32>
      %gt3A_1771 = arith.cmpf ogt, %reshape3A_1758, %gt3A_1770 : vector<4x128xf32>
      %gt3A_1772 = arith.constant 0.000000e+00 : f32
      %gt3A_1773 = vector.broadcast %gt3A_1772 : f32 to vector<4x1xf32>
      %gt3A_1774 = arith.cmpf ogt, %broadcast_in_dim3A_1768, %gt3A_1773 : vector<4x1xf32>
      %and3A_1775 = vector.broadcast %gt3A_1774 : vector<4x1xi1> to vector<4x128xi1>
      %and3A_1776 = arith.andi %gt3A_1771, %and3A_1775 : vector<4x128xi1>
      %jit3A_1777 = arith.constant 0.000000e+00 : f32
      %broadcast_in_dim3A_1778 = vector.broadcast %jit3A_1777 : f32 to vector<4x128xf32>
      %select_n3A_1779 = arith.select %and3A_1776, %broadcast_in_dim3A_1778, %select_n3A_1751 : vector<4x128xi1>, vector<4x128xf32>
      %scan3A_1780 = arith.constant 7 : i32
      %scan3A_1781 = arith.addi %scan3A_1587, %scan3A_1780 : i32
      %get3A_1782 = arith.index_cast %scan3A_1781 : i32 to index
      %get3A_1783 = arith.constant 0 : index
      %get3A_1784 = arith.constant 0 : index
      %get3A_1785 = vector.load %arg4[%get3A_1782, %get3A_1783, %get3A_1784] : memref<128x4x128xf32, #tpu.memory_space<vmem>>, vector<1x4x128xf32>
      %reshape3A_1786 = vector.shape_cast %get3A_1785 : vector<1x4x128xf32> to vector<4x128xf32>
      %eq3A_1787 = vector.broadcast %scan3A_1781 : i32 to vector<1x128xi32>
      %eq3A_1788 = arith.cmpi eq, %iota3A, %eq3A_1787 : vector<1x128xi32>
      %jit3A_1789 = arith.constant 0.000000e+00 : f32
      %broadcast_in_dim3A_1790 = vector.shape_cast %eq3A_1788 : vector<1x128xi1> to vector<1x128xi1>
      %broadcast_in_dim3A_1791 = vector.broadcast %broadcast_in_dim3A_1790 : vector<1x128xi1> to vector<4x128xi1>
      %broadcast_in_dim3A_1792 = vector.broadcast %jit3A_1789 : f32 to vector<4x128xf32>
      %select_n3A_1793 = arith.select %broadcast_in_dim3A_1791, %select_n3A_1779, %broadcast_in_dim3A_1792 : vector<4x128xi1>, vector<4x128xf32>
      %reduce_sum3A_1794 = arith.constant dense<0.000000e+00> : vector<4xf32>
      %reduce_sum3A_1795 = vector.multi_reduction <add>, %select_n3A_1793, %reduce_sum3A_1794 [1] : vector<4x128xf32> to vector<4xf32>
      %broadcast_in_dim3A_1796 = vector.shape_cast %reduce_sum3A_1795 : vector<4xf32> to vector<4x1xf32>
      %gt3A_1797 = arith.constant 0.000000e+00 : f32
      %gt3A_1798 = vector.broadcast %gt3A_1797 : f32 to vector<4x128xf32>
      %gt3A_1799 = arith.cmpf ogt, %reshape3A_1786, %gt3A_1798 : vector<4x128xf32>
      %gt3A_1800 = arith.constant 0.000000e+00 : f32
      %gt3A_1801 = vector.broadcast %gt3A_1800 : f32 to vector<4x1xf32>
      %gt3A_1802 = arith.cmpf ogt, %broadcast_in_dim3A_1796, %gt3A_1801 : vector<4x1xf32>
      %and3A_1803 = vector.broadcast %gt3A_1802 : vector<4x1xi1> to vector<4x128xi1>
      %and3A_1804 = arith.andi %gt3A_1799, %and3A_1803 : vector<4x128xi1>
      %jit3A_1805 = arith.constant 0.000000e+00 : f32
      %broadcast_in_dim3A_1806 = vector.broadcast %jit3A_1805 : f32 to vector<4x128xf32>
      %select_n3A_1807 = arith.select %and3A_1804, %broadcast_in_dim3A_1806, %select_n3A_1779 : vector<4x128xi1>, vector<4x128xf32>
      scf.yield %select_n3A_1807 : vector<4x128xf32>
    }
    %scan3A_1457 = arith.constant 128 : i32
    %slice3A_1458 = vector.extract_strided_slice %select_n3A_1440 {offsets = [0, 0, 128], sizes = [128, 4, 128], strides = [1, 1, 1]} : vector<128x4x256xf32> to vector<128x4x128xf32>
    %transpose3A_1459 = tpu.transpose %scan3A_1456, [1, 0] : vector<4x128xf32> -> vector<128x4xf32>
    %broadcast_in_dim3A_1460 = vector.shape_cast %transpose3A_1459 : vector<128x4xf32> to vector<128x4x1xf32>
    %mul3A_1461 = vector.broadcast %broadcast_in_dim3A_1460 : vector<128x4x1xf32> to vector<128x4x128xf32>
    %mul3A_1462 = arith.mulf %slice3A_1458, %mul3A_1461 : vector<128x4x128xf32>
    %reduce_max3A_1463 = arith.constant dense<0xFF800000> : vector<4x128xf32>
    %reduce_max3A_1464 = vector.multi_reduction <maximumf>, %mul3A_1462, %reduce_max3A_1463 [0] : vector<128x4x128xf32> to vector<4x128xf32>
    %gt3A_1465 = arith.constant 0.000000e+00 : f32
    %gt3A_1466 = vector.broadcast %gt3A_1465 : f32 to vector<4x128xf32>
    %gt3A_1467 = arith.cmpf ogt, %reduce_max3A_1464, %gt3A_1466 : vector<4x128xf32>
    %slice3A_1468 = vector.extract_strided_slice %concatenate3A_1378 {offsets = [0, 1920], sizes = [4, 128], strides = [1, 1]} : vector<4x2048xf32> to vector<4x128xf32>
    %jit3A_1469 = arith.constant 0.000000e+00 : f32
    %broadcast_in_dim3A_1470 = vector.broadcast %jit3A_1469 : f32 to vector<4x128xf32>
    %select_n3A_1471 = arith.select %gt3A_1467, %broadcast_in_dim3A_1470, %slice3A_1468 : vector<4x128xi1>, vector<4x128xf32>
    %slice3A_1472 = vector.extract_strided_slice %concatenate3A_1378 {offsets = [0, 0], sizes = [4, 1792], strides = [1, 1]} : vector<4x2048xf32> to vector<4x1792xf32>
    %concatenate3A_1473 = tpu.concatenate %slice3A_1472, %scan3A_1456, %select_n3A_1471 in 1 : vector<4x1792xf32>, vector<4x128xf32>, vector<4x128xf32> -> vector<4x2048xf32>
    %slice3A_1474 = vector.extract_strided_slice %min3A_6 {offsets = [0, 1920], sizes = [4, 128], strides = [1, 1]} : vector<4x2048xf32> to vector<4x128xf32>
    %transpose3A_1475 = tpu.transpose %slice3A_1474, [1, 0] : vector<4x128xf32> -> vector<128x4xf32>
    %broadcast_in_dim3A_1476 = vector.shape_cast %transpose3A_1475 : vector<128x4xf32> to vector<128x4x1xf32>
    %slice3A_1477 = vector.extract_strided_slice %min3A_17 {offsets = [0, 1920], sizes = [4, 128], strides = [1, 1]} : vector<4x2048xf32> to vector<4x128xf32>
    %transpose3A_1478 = tpu.transpose %slice3A_1477, [1, 0] : vector<4x128xf32> -> vector<128x4xf32>
    %broadcast_in_dim3A_1479 = vector.shape_cast %transpose3A_1478 : vector<128x4xf32> to vector<128x4x1xf32>
    %slice3A_1480 = vector.extract_strided_slice %min3A_28 {offsets = [0, 1920], sizes = [4, 128], strides = [1, 1]} : vector<4x2048xf32> to vector<4x128xf32>
    %transpose3A_1481 = tpu.transpose %slice3A_1480, [1, 0] : vector<4x128xf32> -> vector<128x4xf32>
    %broadcast_in_dim3A_1482 = vector.shape_cast %transpose3A_1481 : vector<128x4xf32> to vector<128x4x1xf32>
    %slice3A_1483 = vector.extract_strided_slice %min3A_39 {offsets = [0, 1920], sizes = [4, 128], strides = [1, 1]} : vector<4x2048xf32> to vector<4x128xf32>
    %transpose3A_1484 = tpu.transpose %slice3A_1483, [1, 0] : vector<4x128xf32> -> vector<128x4xf32>
    %broadcast_in_dim3A_1485 = vector.shape_cast %transpose3A_1484 : vector<128x4xf32> to vector<128x4x1xf32>
    %slice3A_1486 = vector.extract_strided_slice %mul3A {offsets = [0, 1920], sizes = [4, 128], strides = [1, 1]} : vector<4x2048xf32> to vector<4x128xf32>
    %transpose3A_1487 = tpu.transpose %slice3A_1486, [1, 0] : vector<4x128xf32> -> vector<128x4xf32>
    %broadcast_in_dim3A_1488 = vector.shape_cast %transpose3A_1487 : vector<128x4xf32> to vector<128x4x1xf32>
    %slice3A_1489 = vector.extract_strided_slice %min3A_6 {offsets = [0, 1920], sizes = [4, 128], strides = [1, 1]} : vector<4x2048xf32> to vector<4x128xf32>
    %broadcast_in_dim3A_1490 = vector.shape_cast %slice3A_1489 : vector<4x128xf32> to vector<1x4x128xf32>
    %slice3A_1491 = vector.extract_strided_slice %min3A_17 {offsets = [0, 1920], sizes = [4, 128], strides = [1, 1]} : vector<4x2048xf32> to vector<4x128xf32>
    %broadcast_in_dim3A_1492 = vector.shape_cast %slice3A_1491 : vector<4x128xf32> to vector<1x4x128xf32>
    %slice3A_1493 = vector.extract_strided_slice %min3A_28 {offsets = [0, 1920], sizes = [4, 128], strides = [1, 1]} : vector<4x2048xf32> to vector<4x128xf32>
    %broadcast_in_dim3A_1494 = vector.shape_cast %slice3A_1493 : vector<4x128xf32> to vector<1x4x128xf32>
    %slice3A_1495 = vector.extract_strided_slice %min3A_39 {offsets = [0, 1920], sizes = [4, 128], strides = [1, 1]} : vector<4x2048xf32> to vector<4x128xf32>
    %broadcast_in_dim3A_1496 = vector.shape_cast %slice3A_1495 : vector<4x128xf32> to vector<1x4x128xf32>
    %slice3A_1497 = vector.extract_strided_slice %mul3A {offsets = [0, 1920], sizes = [4, 128], strides = [1, 1]} : vector<4x2048xf32> to vector<4x128xf32>
    %broadcast_in_dim3A_1498 = vector.shape_cast %slice3A_1497 : vector<4x128xf32> to vector<1x4x128xf32>
    %min3A_1499 = vector.broadcast %broadcast_in_dim3A_1482 : vector<128x4x1xf32> to vector<128x4x128xf32>
    %min3A_1500 = vector.broadcast %broadcast_in_dim3A_1494 : vector<1x4x128xf32> to vector<128x4x128xf32>
    %min3A_1501 = arith.minimumf %min3A_1499, %min3A_1500 : vector<128x4x128xf32>
    %max3A_1502 = vector.broadcast %broadcast_in_dim3A_1476 : vector<128x4x1xf32> to vector<128x4x128xf32>
    %max3A_1503 = vector.broadcast %broadcast_in_dim3A_1490 : vector<1x4x128xf32> to vector<128x4x128xf32>
    %max3A_1504 = arith.maximumf %max3A_1502, %max3A_1503 : vector<128x4x128xf32>
    %sub3A_1505 = arith.subf %min3A_1501, %max3A_1504 : vector<128x4x128xf32>
    %jit3A_1506 = arith.constant 0.000000e+00 : f32
    %max3A_1507 = vector.broadcast %jit3A_1506 : f32 to vector<128x4x128xf32>
    %max3A_1508 = arith.maximumf %max3A_1507, %sub3A_1505 : vector<128x4x128xf32>
    %min3A_1509 = vector.broadcast %broadcast_in_dim3A_1485 : vector<128x4x1xf32> to vector<128x4x128xf32>
    %min3A_1510 = vector.broadcast %broadcast_in_dim3A_1496 : vector<1x4x128xf32> to vector<128x4x128xf32>
    %min3A_1511 = arith.minimumf %min3A_1509, %min3A_1510 : vector<128x4x128xf32>
    %max3A_1512 = vector.broadcast %broadcast_in_dim3A_1479 : vector<128x4x1xf32> to vector<128x4x128xf32>
    %max3A_1513 = vector.broadcast %broadcast_in_dim3A_1492 : vector<1x4x128xf32> to vector<128x4x128xf32>
    %max3A_1514 = arith.maximumf %max3A_1512, %max3A_1513 : vector<128x4x128xf32>
    %sub3A_1515 = arith.subf %min3A_1511, %max3A_1514 : vector<128x4x128xf32>
    %jit3A_1516 = arith.constant 0.000000e+00 : f32
    %max3A_1517 = vector.broadcast %jit3A_1516 : f32 to vector<128x4x128xf32>
    %max3A_1518 = arith.maximumf %max3A_1517, %sub3A_1515 : vector<128x4x128xf32>
    %mul3A_1519 = arith.mulf %max3A_1508, %max3A_1518 : vector<128x4x128xf32>
    %add3A_1520 = vector.broadcast %broadcast_in_dim3A_1488 : vector<128x4x1xf32> to vector<128x4x128xf32>
    %add3A_1521 = vector.broadcast %broadcast_in_dim3A_1498 : vector<1x4x128xf32> to vector<128x4x128xf32>
    %add3A_1522 = arith.addf %add3A_1520, %add3A_1521 : vector<128x4x128xf32>
    %sub3A_1523 = arith.subf %add3A_1522, %mul3A_1519 : vector<128x4x128xf32>
    %max3A_1524 = arith.constant 9.99999971E-10 : f32
    %max3A_1525 = vector.broadcast %max3A_1524 : f32 to vector<128x4x128xf32>
    %max3A_1526 = arith.maximumf %sub3A_1523, %max3A_1525 : vector<128x4x128xf32>
    %div3A_1527 = arith.divf %mul3A_1519, %max3A_1526 : vector<128x4x128xf32>
    %gt3A_1528 = arith.constant 0.699999988 : f32
    %gt3A_1529 = vector.broadcast %gt3A_1528 : f32 to vector<128x4x128xf32>
    %gt3A_1530 = arith.cmpf ogt, %div3A_1527, %gt3A_1529 : vector<128x4x128xf32>
    %jit3A_1531 = arith.constant 1.000000e+00 : f32
    %jit3A_1532 = arith.constant 0.000000e+00 : f32
    %broadcast_in_dim3A_1533 = vector.broadcast %jit3A_1531 : f32 to vector<128x4x128xf32>
    %broadcast_in_dim3A_1534 = vector.broadcast %jit3A_1532 : f32 to vector<128x4x128xf32>
    %select_n3A_1535 = arith.select %gt3A_1530, %broadcast_in_dim3A_1533, %broadcast_in_dim3A_1534 : vector<128x4x128xi1>, vector<128x4x128xf32>
    %jit3A_1536 = arith.constant 0.000000e+00 : f32
    %broadcast_in_dim3A_1537 = vector.shape_cast %gt3A_62 : vector<128x1x128xi1> to vector<128x1x128xi1>
    %broadcast_in_dim3A_1538 = vector.broadcast %broadcast_in_dim3A_1537 : vector<128x1x128xi1> to vector<128x4x128xi1>
    %broadcast_in_dim3A_1539 = vector.broadcast %jit3A_1536 : f32 to vector<128x4x128xf32>
    %select_n3A_1540 = arith.select %broadcast_in_dim3A_1538, %select_n3A_1535, %broadcast_in_dim3A_1539 : vector<128x4x128xi1>, vector<128x4x128xf32>
    %swap3A_1541 = arith.constant 0 : index
    %swap3A_1542 = arith.constant 0 : index
    %swap3A_1543 = arith.constant 0 : index
    %swap3A_1544 = vector.load %arg4[%swap3A_1541, %swap3A_1542, %swap3A_1543] : memref<128x4x128xf32, #tpu.memory_space<vmem>>, vector<128x4x128xf32>
    tpu.vector_store %arg4[%swap3A_1541, %swap3A_1542, %swap3A_1543], %select_n3A_1540 {strides = array<i32>} : memref<128x4x128xf32, #tpu.memory_space<vmem>>, vector<128x4x128xf32>,
    %slice3A_1545 = vector.extract_strided_slice %concatenate3A_1473 {offsets = [0, 1920], sizes = [4, 128], strides = [1, 1]} : vector<4x2048xf32> to vector<4x128xf32>
    %scan3A_1546 = arith.constant 0 : i32
    %scan3A_1547 = arith.constant 128 : i32
    %scan3A_1548 = arith.addi %scan3A_1546, %scan3A_1547 : i32
    %scan3A_1549 = arith.constant 8 : i32
    %scan3A_1550 = scf.for %scan3A_1587 = %scan3A_1546 to %scan3A_1548 step %scan3A_1549 iter_args(%scan3A_1588 = %slice3A_1545) -> (vector<4x128xf32>)  : i32 {
      %get3A_1589 = arith.index_cast %scan3A_1587 : i32 to index
      %get3A_1590 = arith.constant 0 : index
      %get3A_1591 = arith.constant 0 : index
      %get3A_1592 = vector.load %arg4[%get3A_1589, %get3A_1590, %get3A_1591] : memref<128x4x128xf32, #tpu.memory_space<vmem>>, vector<1x4x128xf32>
      %reshape3A = vector.shape_cast %get3A_1592 : vector<1x4x128xf32> to vector<4x128xf32>
      %eq3A = vector.broadcast %scan3A_1587 : i32 to vector<1x128xi32>
      %eq3A_1593 = arith.cmpi eq, %iota3A, %eq3A : vector<1x128xi32>
      %jit3A_1594 = arith.constant 0.000000e+00 : f32
      %broadcast_in_dim3A_1595 = vector.shape_cast %eq3A_1593 : vector<1x128xi1> to vector<1x128xi1>
      %broadcast_in_dim3A_1596 = vector.broadcast %broadcast_in_dim3A_1595 : vector<1x128xi1> to vector<4x128xi1>
      %broadcast_in_dim3A_1597 = vector.broadcast %jit3A_1594 : f32 to vector<4x128xf32>
      %select_n3A_1598 = arith.select %broadcast_in_dim3A_1596, %scan3A_1588, %broadcast_in_dim3A_1597 : vector<4x128xi1>, vector<4x128xf32>
      %reduce_sum3A = arith.constant dense<0.000000e+00> : vector<4xf32>
      %reduce_sum3A_1599 = vector.multi_reduction <add>, %select_n3A_1598, %reduce_sum3A [1] : vector<4x128xf32> to vector<4xf32>
      %broadcast_in_dim3A_1600 = vector.shape_cast %reduce_sum3A_1599 : vector<4xf32> to vector<4x1xf32>
      %gt3A_1601 = arith.constant 0.000000e+00 : f32
      %gt3A_1602 = vector.broadcast %gt3A_1601 : f32 to vector<4x128xf32>
      %gt3A_1603 = arith.cmpf ogt, %reshape3A, %gt3A_1602 : vector<4x128xf32>
      %gt3A_1604 = arith.constant 0.000000e+00 : f32
      %gt3A_1605 = vector.broadcast %gt3A_1604 : f32 to vector<4x1xf32>
      %gt3A_1606 = arith.cmpf ogt, %broadcast_in_dim3A_1600, %gt3A_1605 : vector<4x1xf32>
      %and3A_1607 = vector.broadcast %gt3A_1606 : vector<4x1xi1> to vector<4x128xi1>
      %and3A_1608 = arith.andi %gt3A_1603, %and3A_1607 : vector<4x128xi1>
      %jit3A_1609 = arith.constant 0.000000e+00 : f32
      %broadcast_in_dim3A_1610 = vector.broadcast %jit3A_1609 : f32 to vector<4x128xf32>
      %select_n3A_1611 = arith.select %and3A_1608, %broadcast_in_dim3A_1610, %scan3A_1588 : vector<4x128xi1>, vector<4x128xf32>
      %scan3A_1612 = arith.constant 1 : i32
      %scan3A_1613 = arith.addi %scan3A_1587, %scan3A_1612 : i32
      %get3A_1614 = arith.index_cast %scan3A_1613 : i32 to index
      %get3A_1615 = arith.constant 0 : index
      %get3A_1616 = arith.constant 0 : index
      %get3A_1617 = vector.load %arg4[%get3A_1614, %get3A_1615, %get3A_1616] : memref<128x4x128xf32, #tpu.memory_space<vmem>>, vector<1x4x128xf32>
      %reshape3A_1618 = vector.shape_cast %get3A_1617 : vector<1x4x128xf32> to vector<4x128xf32>
      %eq3A_1619 = vector.broadcast %scan3A_1613 : i32 to vector<1x128xi32>
      %eq3A_1620 = arith.cmpi eq, %iota3A, %eq3A_1619 : vector<1x128xi32>
      %jit3A_1621 = arith.constant 0.000000e+00 : f32
      %broadcast_in_dim3A_1622 = vector.shape_cast %eq3A_1620 : vector<1x128xi1> to vector<1x128xi1>
      %broadcast_in_dim3A_1623 = vector.broadcast %broadcast_in_dim3A_1622 : vector<1x128xi1> to vector<4x128xi1>
      %broadcast_in_dim3A_1624 = vector.broadcast %jit3A_1621 : f32 to vector<4x128xf32>
      %select_n3A_1625 = arith.select %broadcast_in_dim3A_1623, %select_n3A_1611, %broadcast_in_dim3A_1624 : vector<4x128xi1>, vector<4x128xf32>
      %reduce_sum3A_1626 = arith.constant dense<0.000000e+00> : vector<4xf32>
      %reduce_sum3A_1627 = vector.multi_reduction <add>, %select_n3A_1625, %reduce_sum3A_1626 [1] : vector<4x128xf32> to vector<4xf32>
      %broadcast_in_dim3A_1628 = vector.shape_cast %reduce_sum3A_1627 : vector<4xf32> to vector<4x1xf32>
      %gt3A_1629 = arith.constant 0.000000e+00 : f32
      %gt3A_1630 = vector.broadcast %gt3A_1629 : f32 to vector<4x128xf32>
      %gt3A_1631 = arith.cmpf ogt, %reshape3A_1618, %gt3A_1630 : vector<4x128xf32>
      %gt3A_1632 = arith.constant 0.000000e+00 : f32
      %gt3A_1633 = vector.broadcast %gt3A_1632 : f32 to vector<4x1xf32>
      %gt3A_1634 = arith.cmpf ogt, %broadcast_in_dim3A_1628, %gt3A_1633 : vector<4x1xf32>
      %and3A_1635 = vector.broadcast %gt3A_1634 : vector<4x1xi1> to vector<4x128xi1>
      %and3A_1636 = arith.andi %gt3A_1631, %and3A_1635 : vector<4x128xi1>
      %jit3A_1637 = arith.constant 0.000000e+00 : f32
      %broadcast_in_dim3A_1638 = vector.broadcast %jit3A_1637 : f32 to vector<4x128xf32>
      %select_n3A_1639 = arith.select %and3A_1636, %broadcast_in_dim3A_1638, %select_n3A_1611 : vector<4x128xi1>, vector<4x128xf32>
      %scan3A_1640 = arith.constant 2 : i32
      %scan3A_1641 = arith.addi %scan3A_1587, %scan3A_1640 : i32
      %get3A_1642 = arith.index_cast %scan3A_1641 : i32 to index
      %get3A_1643 = arith.constant 0 : index
      %get3A_1644 = arith.constant 0 : index
      %get3A_1645 = vector.load %arg4[%get3A_1642, %get3A_1643, %get3A_1644] : memref<128x4x128xf32, #tpu.memory_space<vmem>>, vector<1x4x128xf32>
      %reshape3A_1646 = vector.shape_cast %get3A_1645 : vector<1x4x128xf32> to vector<4x128xf32>
      %eq3A_1647 = vector.broadcast %scan3A_1641 : i32 to vector<1x128xi32>
      %eq3A_1648 = arith.cmpi eq, %iota3A, %eq3A_1647 : vector<1x128xi32>
      %jit3A_1649 = arith.constant 0.000000e+00 : f32
      %broadcast_in_dim3A_1650 = vector.shape_cast %eq3A_1648 : vector<1x128xi1> to vector<1x128xi1>
      %broadcast_in_dim3A_1651 = vector.broadcast %broadcast_in_dim3A_1650 : vector<1x128xi1> to vector<4x128xi1>
      %broadcast_in_dim3A_1652 = vector.broadcast %jit3A_1649 : f32 to vector<4x128xf32>
      %select_n3A_1653 = arith.select %broadcast_in_dim3A_1651, %select_n3A_1639, %broadcast_in_dim3A_1652 : vector<4x128xi1>, vector<4x128xf32>
      %reduce_sum3A_1654 = arith.constant dense<0.000000e+00> : vector<4xf32>
      %reduce_sum3A_1655 = vector.multi_reduction <add>, %select_n3A_1653, %reduce_sum3A_1654 [1] : vector<4x128xf32> to vector<4xf32>
      %broadcast_in_dim3A_1656 = vector.shape_cast %reduce_sum3A_1655 : vector<4xf32> to vector<4x1xf32>
      %gt3A_1657 = arith.constant 0.000000e+00 : f32
      %gt3A_1658 = vector.broadcast %gt3A_1657 : f32 to vector<4x128xf32>
      %gt3A_1659 = arith.cmpf ogt, %reshape3A_1646, %gt3A_1658 : vector<4x128xf32>
      %gt3A_1660 = arith.constant 0.000000e+00 : f32
      %gt3A_1661 = vector.broadcast %gt3A_1660 : f32 to vector<4x1xf32>
      %gt3A_1662 = arith.cmpf ogt, %broadcast_in_dim3A_1656, %gt3A_1661 : vector<4x1xf32>
      %and3A_1663 = vector.broadcast %gt3A_1662 : vector<4x1xi1> to vector<4x128xi1>
      %and3A_1664 = arith.andi %gt3A_1659, %and3A_1663 : vector<4x128xi1>
      %jit3A_1665 = arith.constant 0.000000e+00 : f32
      %broadcast_in_dim3A_1666 = vector.broadcast %jit3A_1665 : f32 to vector<4x128xf32>
      %select_n3A_1667 = arith.select %and3A_1664, %broadcast_in_dim3A_1666, %select_n3A_1639 : vector<4x128xi1>, vector<4x128xf32>
      %scan3A_1668 = arith.constant 3 : i32
      %scan3A_1669 = arith.addi %scan3A_1587, %scan3A_1668 : i32
      %get3A_1670 = arith.index_cast %scan3A_1669 : i32 to index
      %get3A_1671 = arith.constant 0 : index
      %get3A_1672 = arith.constant 0 : index
      %get3A_1673 = vector.load %arg4[%get3A_1670, %get3A_1671, %get3A_1672] : memref<128x4x128xf32, #tpu.memory_space<vmem>>, vector<1x4x128xf32>
      %reshape3A_1674 = vector.shape_cast %get3A_1673 : vector<1x4x128xf32> to vector<4x128xf32>
      %eq3A_1675 = vector.broadcast %scan3A_1669 : i32 to vector<1x128xi32>
      %eq3A_1676 = arith.cmpi eq, %iota3A, %eq3A_1675 : vector<1x128xi32>
      %jit3A_1677 = arith.constant 0.000000e+00 : f32
      %broadcast_in_dim3A_1678 = vector.shape_cast %eq3A_1676 : vector<1x128xi1> to vector<1x128xi1>
      %broadcast_in_dim3A_1679 = vector.broadcast %broadcast_in_dim3A_1678 : vector<1x128xi1> to vector<4x128xi1>
      %broadcast_in_dim3A_1680 = vector.broadcast %jit3A_1677 : f32 to vector<4x128xf32>
      %select_n3A_1681 = arith.select %broadcast_in_dim3A_1679, %select_n3A_1667, %broadcast_in_dim3A_1680 : vector<4x128xi1>, vector<4x128xf32>
      %reduce_sum3A_1682 = arith.constant dense<0.000000e+00> : vector<4xf32>
      %reduce_sum3A_1683 = vector.multi_reduction <add>, %select_n3A_1681, %reduce_sum3A_1682 [1] : vector<4x128xf32> to vector<4xf32>
      %broadcast_in_dim3A_1684 = vector.shape_cast %reduce_sum3A_1683 : vector<4xf32> to vector<4x1xf32>
      %gt3A_1685 = arith.constant 0.000000e+00 : f32
      %gt3A_1686 = vector.broadcast %gt3A_1685 : f32 to vector<4x128xf32>
      %gt3A_1687 = arith.cmpf ogt, %reshape3A_1674, %gt3A_1686 : vector<4x128xf32>
      %gt3A_1688 = arith.constant 0.000000e+00 : f32
      %gt3A_1689 = vector.broadcast %gt3A_1688 : f32 to vector<4x1xf32>
      %gt3A_1690 = arith.cmpf ogt, %broadcast_in_dim3A_1684, %gt3A_1689 : vector<4x1xf32>
      %and3A_1691 = vector.broadcast %gt3A_1690 : vector<4x1xi1> to vector<4x128xi1>
      %and3A_1692 = arith.andi %gt3A_1687, %and3A_1691 : vector<4x128xi1>
      %jit3A_1693 = arith.constant 0.000000e+00 : f32
      %broadcast_in_dim3A_1694 = vector.broadcast %jit3A_1693 : f32 to vector<4x128xf32>
      %select_n3A_1695 = arith.select %and3A_1692, %broadcast_in_dim3A_1694, %select_n3A_1667 : vector<4x128xi1>, vector<4x128xf32>
      %scan3A_1696 = arith.constant 4 : i32
      %scan3A_1697 = arith.addi %scan3A_1587, %scan3A_1696 : i32
      %get3A_1698 = arith.index_cast %scan3A_1697 : i32 to index
      %get3A_1699 = arith.constant 0 : index
      %get3A_1700 = arith.constant 0 : index
      %get3A_1701 = vector.load %arg4[%get3A_1698, %get3A_1699, %get3A_1700] : memref<128x4x128xf32, #tpu.memory_space<vmem>>, vector<1x4x128xf32>
      %reshape3A_1702 = vector.shape_cast %get3A_1701 : vector<1x4x128xf32> to vector<4x128xf32>
      %eq3A_1703 = vector.broadcast %scan3A_1697 : i32 to vector<1x128xi32>
      %eq3A_1704 = arith.cmpi eq, %iota3A, %eq3A_1703 : vector<1x128xi32>
      %jit3A_1705 = arith.constant 0.000000e+00 : f32
      %broadcast_in_dim3A_1706 = vector.shape_cast %eq3A_1704 : vector<1x128xi1> to vector<1x128xi1>
      %broadcast_in_dim3A_1707 = vector.broadcast %broadcast_in_dim3A_1706 : vector<1x128xi1> to vector<4x128xi1>
      %broadcast_in_dim3A_1708 = vector.broadcast %jit3A_1705 : f32 to vector<4x128xf32>
      %select_n3A_1709 = arith.select %broadcast_in_dim3A_1707, %select_n3A_1695, %broadcast_in_dim3A_1708 : vector<4x128xi1>, vector<4x128xf32>
      %reduce_sum3A_1710 = arith.constant dense<0.000000e+00> : vector<4xf32>
      %reduce_sum3A_1711 = vector.multi_reduction <add>, %select_n3A_1709, %reduce_sum3A_1710 [1] : vector<4x128xf32> to vector<4xf32>
      %broadcast_in_dim3A_1712 = vector.shape_cast %reduce_sum3A_1711 : vector<4xf32> to vector<4x1xf32>
      %gt3A_1713 = arith.constant 0.000000e+00 : f32
      %gt3A_1714 = vector.broadcast %gt3A_1713 : f32 to vector<4x128xf32>
      %gt3A_1715 = arith.cmpf ogt, %reshape3A_1702, %gt3A_1714 : vector<4x128xf32>
      %gt3A_1716 = arith.constant 0.000000e+00 : f32
      %gt3A_1717 = vector.broadcast %gt3A_1716 : f32 to vector<4x1xf32>
      %gt3A_1718 = arith.cmpf ogt, %broadcast_in_dim3A_1712, %gt3A_1717 : vector<4x1xf32>
      %and3A_1719 = vector.broadcast %gt3A_1718 : vector<4x1xi1> to vector<4x128xi1>
      %and3A_1720 = arith.andi %gt3A_1715, %and3A_1719 : vector<4x128xi1>
      %jit3A_1721 = arith.constant 0.000000e+00 : f32
      %broadcast_in_dim3A_1722 = vector.broadcast %jit3A_1721 : f32 to vector<4x128xf32>
      %select_n3A_1723 = arith.select %and3A_1720, %broadcast_in_dim3A_1722, %select_n3A_1695 : vector<4x128xi1>, vector<4x128xf32>
      %scan3A_1724 = arith.constant 5 : i32
      %scan3A_1725 = arith.addi %scan3A_1587, %scan3A_1724 : i32
      %get3A_1726 = arith.index_cast %scan3A_1725 : i32 to index
      %get3A_1727 = arith.constant 0 : index
      %get3A_1728 = arith.constant 0 : index
      %get3A_1729 = vector.load %arg4[%get3A_1726, %get3A_1727, %get3A_1728] : memref<128x4x128xf32, #tpu.memory_space<vmem>>, vector<1x4x128xf32>
      %reshape3A_1730 = vector.shape_cast %get3A_1729 : vector<1x4x128xf32> to vector<4x128xf32>
      %eq3A_1731 = vector.broadcast %scan3A_1725 : i32 to vector<1x128xi32>
      %eq3A_1732 = arith.cmpi eq, %iota3A, %eq3A_1731 : vector<1x128xi32>
      %jit3A_1733 = arith.constant 0.000000e+00 : f32
      %broadcast_in_dim3A_1734 = vector.shape_cast %eq3A_1732 : vector<1x128xi1> to vector<1x128xi1>
      %broadcast_in_dim3A_1735 = vector.broadcast %broadcast_in_dim3A_1734 : vector<1x128xi1> to vector<4x128xi1>
      %broadcast_in_dim3A_1736 = vector.broadcast %jit3A_1733 : f32 to vector<4x128xf32>
      %select_n3A_1737 = arith.select %broadcast_in_dim3A_1735, %select_n3A_1723, %broadcast_in_dim3A_1736 : vector<4x128xi1>, vector<4x128xf32>
      %reduce_sum3A_1738 = arith.constant dense<0.000000e+00> : vector<4xf32>
      %reduce_sum3A_1739 = vector.multi_reduction <add>, %select_n3A_1737, %reduce_sum3A_1738 [1] : vector<4x128xf32> to vector<4xf32>
      %broadcast_in_dim3A_1740 = vector.shape_cast %reduce_sum3A_1739 : vector<4xf32> to vector<4x1xf32>
      %gt3A_1741 = arith.constant 0.000000e+00 : f32
      %gt3A_1742 = vector.broadcast %gt3A_1741 : f32 to vector<4x128xf32>
      %gt3A_1743 = arith.cmpf ogt, %reshape3A_1730, %gt3A_1742 : vector<4x128xf32>
      %gt3A_1744 = arith.constant 0.000000e+00 : f32
      %gt3A_1745 = vector.broadcast %gt3A_1744 : f32 to vector<4x1xf32>
      %gt3A_1746 = arith.cmpf ogt, %broadcast_in_dim3A_1740, %gt3A_1745 : vector<4x1xf32>
      %and3A_1747 = vector.broadcast %gt3A_1746 : vector<4x1xi1> to vector<4x128xi1>
      %and3A_1748 = arith.andi %gt3A_1743, %and3A_1747 : vector<4x128xi1>
      %jit3A_1749 = arith.constant 0.000000e+00 : f32
      %broadcast_in_dim3A_1750 = vector.broadcast %jit3A_1749 : f32 to vector<4x128xf32>
      %select_n3A_1751 = arith.select %and3A_1748, %broadcast_in_dim3A_1750, %select_n3A_1723 : vector<4x128xi1>, vector<4x128xf32>
      %scan3A_1752 = arith.constant 6 : i32
      %scan3A_1753 = arith.addi %scan3A_1587, %scan3A_1752 : i32
      %get3A_1754 = arith.index_cast %scan3A_1753 : i32 to index
      %get3A_1755 = arith.constant 0 : index
      %get3A_1756 = arith.constant 0 : index
      %get3A_1757 = vector.load %arg4[%get3A_1754, %get3A_1755, %get3A_1756] : memref<128x4x128xf32, #tpu.memory_space<vmem>>, vector<1x4x128xf32>
      %reshape3A_1758 = vector.shape_cast %get3A_1757 : vector<1x4x128xf32> to vector<4x128xf32>
      %eq3A_1759 = vector.broadcast %scan3A_1753 : i32 to vector<1x128xi32>
      %eq3A_1760 = arith.cmpi eq, %iota3A, %eq3A_1759 : vector<1x128xi32>
      %jit3A_1761 = arith.constant 0.000000e+00 : f32
      %broadcast_in_dim3A_1762 = vector.shape_cast %eq3A_1760 : vector<1x128xi1> to vector<1x128xi1>
      %broadcast_in_dim3A_1763 = vector.broadcast %broadcast_in_dim3A_1762 : vector<1x128xi1> to vector<4x128xi1>
      %broadcast_in_dim3A_1764 = vector.broadcast %jit3A_1761 : f32 to vector<4x128xf32>
      %select_n3A_1765 = arith.select %broadcast_in_dim3A_1763, %select_n3A_1751, %broadcast_in_dim3A_1764 : vector<4x128xi1>, vector<4x128xf32>
      %reduce_sum3A_1766 = arith.constant dense<0.000000e+00> : vector<4xf32>
      %reduce_sum3A_1767 = vector.multi_reduction <add>, %select_n3A_1765, %reduce_sum3A_1766 [1] : vector<4x128xf32> to vector<4xf32>
      %broadcast_in_dim3A_1768 = vector.shape_cast %reduce_sum3A_1767 : vector<4xf32> to vector<4x1xf32>
      %gt3A_1769 = arith.constant 0.000000e+00 : f32
      %gt3A_1770 = vector.broadcast %gt3A_1769 : f32 to vector<4x128xf32>
      %gt3A_1771 = arith.cmpf ogt, %reshape3A_1758, %gt3A_1770 : vector<4x128xf32>
      %gt3A_1772 = arith.constant 0.000000e+00 : f32
      %gt3A_1773 = vector.broadcast %gt3A_1772 : f32 to vector<4x1xf32>
      %gt3A_1774 = arith.cmpf ogt, %broadcast_in_dim3A_1768, %gt3A_1773 : vector<4x1xf32>
      %and3A_1775 = vector.broadcast %gt3A_1774 : vector<4x1xi1> to vector<4x128xi1>
      %and3A_1776 = arith.andi %gt3A_1771, %and3A_1775 : vector<4x128xi1>
      %jit3A_1777 = arith.constant 0.000000e+00 : f32
      %broadcast_in_dim3A_1778 = vector.broadcast %jit3A_1777 : f32 to vector<4x128xf32>
      %select_n3A_1779 = arith.select %and3A_1776, %broadcast_in_dim3A_1778, %select_n3A_1751 : vector<4x128xi1>, vector<4x128xf32>
      %scan3A_1780 = arith.constant 7 : i32
      %scan3A_1781 = arith.addi %scan3A_1587, %scan3A_1780 : i32
      %get3A_1782 = arith.index_cast %scan3A_1781 : i32 to index
      %get3A_1783 = arith.constant 0 : index
      %get3A_1784 = arith.constant 0 : index
      %get3A_1785 = vector.load %arg4[%get3A_1782, %get3A_1783, %get3A_1784] : memref<128x4x128xf32, #tpu.memory_space<vmem>>, vector<1x4x128xf32>
      %reshape3A_1786 = vector.shape_cast %get3A_1785 : vector<1x4x128xf32> to vector<4x128xf32>
      %eq3A_1787 = vector.broadcast %scan3A_1781 : i32 to vector<1x128xi32>
      %eq3A_1788 = arith.cmpi eq, %iota3A, %eq3A_1787 : vector<1x128xi32>
      %jit3A_1789 = arith.constant 0.000000e+00 : f32
      %broadcast_in_dim3A_1790 = vector.shape_cast %eq3A_1788 : vector<1x128xi1> to vector<1x128xi1>
      %broadcast_in_dim3A_1791 = vector.broadcast %broadcast_in_dim3A_1790 : vector<1x128xi1> to vector<4x128xi1>
      %broadcast_in_dim3A_1792 = vector.broadcast %jit3A_1789 : f32 to vector<4x128xf32>
      %select_n3A_1793 = arith.select %broadcast_in_dim3A_1791, %select_n3A_1779, %broadcast_in_dim3A_1792 : vector<4x128xi1>, vector<4x128xf32>
      %reduce_sum3A_1794 = arith.constant dense<0.000000e+00> : vector<4xf32>
      %reduce_sum3A_1795 = vector.multi_reduction <add>, %select_n3A_1793, %reduce_sum3A_1794 [1] : vector<4x128xf32> to vector<4xf32>
      %broadcast_in_dim3A_1796 = vector.shape_cast %reduce_sum3A_1795 : vector<4xf32> to vector<4x1xf32>
      %gt3A_1797 = arith.constant 0.000000e+00 : f32
      %gt3A_1798 = vector.broadcast %gt3A_1797 : f32 to vector<4x128xf32>
      %gt3A_1799 = arith.cmpf ogt, %reshape3A_1786, %gt3A_1798 : vector<4x128xf32>
      %gt3A_1800 = arith.constant 0.000000e+00 : f32
      %gt3A_1801 = vector.broadcast %gt3A_1800 : f32 to vector<4x1xf32>
      %gt3A_1802 = arith.cmpf ogt, %broadcast_in_dim3A_1796, %gt3A_1801 : vector<4x1xf32>
      %and3A_1803 = vector.broadcast %gt3A_1802 : vector<4x1xi1> to vector<4x128xi1>
      %and3A_1804 = arith.andi %gt3A_1799, %and3A_1803 : vector<4x128xi1>
      %jit3A_1805 = arith.constant 0.000000e+00 : f32
      %broadcast_in_dim3A_1806 = vector.broadcast %jit3A_1805 : f32 to vector<4x128xf32>
      %select_n3A_1807 = arith.select %and3A_1804, %broadcast_in_dim3A_1806, %select_n3A_1779 : vector<4x128xi1>, vector<4x128xf32>
      scf.yield %select_n3A_1807 : vector<4x128xf32>
    }
    %scan3A_1551 = arith.constant 128 : i32
    %slice3A_1552 = vector.extract_strided_slice %concatenate3A_1473 {offsets = [0, 0], sizes = [4, 1920], strides = [1, 1]} : vector<4x2048xf32> to vector<4x1920xf32>
    %concatenate3A_1553 = tpu.concatenate %slice3A_1552, %scan3A_1550 in 1 : vector<4x1920xf32>, vector<4x128xf32> -> vector<4x2048xf32>
    %gt3A_1554 = arith.constant 0.000000e+00 : f32
    %gt3A_1555 = vector.broadcast %gt3A_1554 : f32 to vector<4x2048xf32>
    %gt3A_1556 = arith.cmpf ogt, %concatenate3A_1553, %gt3A_1555 : vector<4x2048xf32>
    %jit3A_1557 = arith.constant -1.000000e+00 : f32
    %broadcast_in_dim3A_1558 = vector.broadcast %jit3A_1557 : f32 to vector<4x2048xf32>
    %select_n3A_1559 = arith.select %gt3A_1556, %logistic3A_47, %broadcast_in_dim3A_1558 : vector<4x2048xi1>, vector<4x2048xf32>
    %swap3A_1560 = arith.constant 0 : index
    %swap3A_1561 = arith.constant 0 : index
    %swap3A_1562 = vector.load %arg2[%swap3A_1560, %swap3A_1561] : memref<4x2048xf32, #tpu.memory_space<vmem>>, vector<4x2048xf32>
    tpu.vector_store %arg2[%swap3A_1560, %swap3A_1561], %select_n3A_1559 {strides = array<i32>} : memref<4x2048xf32, #tpu.memory_space<vmem>>, vector<4x2048xf32>,
    %swap3A_1563 = arith.constant 0 : index
    %swap3A_1564 = arith.constant 0 : index
    %swap3A_1565 = arith.constant 0 : index
    %swap3A_1566 = vector.load %arg3[%swap3A_1563, %swap3A_1564, %swap3A_1565] : memref<4x4x2048xf32, #tpu.memory_space<vmem>>, vector<1x4x2048xf32>
    %swap3A_1567 = vector.shape_cast %swap3A_1566 : vector<1x4x2048xf32> to vector<4x2048xf32>
    %swap3A_1568 = vector.shape_cast %min3A_6 : vector<4x2048xf32> to vector<1x4x2048xf32>
    tpu.vector_store %arg3[%swap3A_1563, %swap3A_1564, %swap3A_1565], %swap3A_1568 {strides = array<i32>} : memref<4x4x2048xf32, #tpu.memory_space<vmem>>, vector<1x4x2048xf32>,
    %swap3A_1569 = arith.constant 1 : index
    %swap3A_1570 = arith.constant 0 : index
    %swap3A_1571 = arith.constant 0 : index
    %swap3A_1572 = vector.load %arg3[%swap3A_1569, %swap3A_1570, %swap3A_1571] : memref<4x4x2048xf32, #tpu.memory_space<vmem>>, vector<1x4x2048xf32>
    %swap3A_1573 = vector.shape_cast %swap3A_1572 : vector<1x4x2048xf32> to vector<4x2048xf32>
    %swap3A_1574 = vector.shape_cast %min3A_17 : vector<4x2048xf32> to vector<1x4x2048xf32>
    tpu.vector_store %arg3[%swap3A_1569, %swap3A_1570, %swap3A_1571], %swap3A_1574 {strides = array<i32>} : memref<4x4x2048xf32, #tpu.memory_space<vmem>>, vector<1x4x2048xf32>,
    %swap3A_1575 = arith.constant 2 : index
    %swap3A_1576 = arith.constant 0 : index
    %swap3A_1577 = arith.constant 0 : index
    %swap3A_1578 = vector.load %arg3[%swap3A_1575, %swap3A_1576, %swap3A_1577] : memref<4x4x2048xf32, #tpu.memory_space<vmem>>, vector<1x4x2048xf32>
    %swap3A_1579 = vector.shape_cast %swap3A_1578 : vector<1x4x2048xf32> to vector<4x2048xf32>
    %swap3A_1580 = vector.shape_cast %min3A_28 : vector<4x2048xf32> to vector<1x4x2048xf32>
    tpu.vector_store %arg3[%swap3A_1575, %swap3A_1576, %swap3A_1577], %swap3A_1580 {strides = array<i32>} : memref<4x4x2048xf32, #tpu.memory_space<vmem>>, vector<1x4x2048xf32>,
    %swap3A_1581 = arith.constant 3 : index
    %swap3A_1582 = arith.constant 0 : index
    %swap3A_1583 = arith.constant 0 : index
    %swap3A_1584 = vector.load %arg3[%swap3A_1581, %swap3A_1582, %swap3A_1583] : memref<4x4x2048xf32, #tpu.memory_space<vmem>>, vector<1x4x2048xf32>
    %swap3A_1585 = vector.shape_cast %swap3A_1584 : vector<1x4x2048xf32> to vector<4x2048xf32>
    %swap3A_1586 = vector.shape_cast %min3A_39 : vector<4x2048xf32> to vector<1x4x2048xf32>
    tpu.vector_store %arg3[%swap3A_1581, %swap3A_1582, %swap3A_1583], %swap3A_1586 {strides = array<i32>} : memref<4x4x2048xf32, #tpu.memory_space<vmem>>, vector<1x4x2048xf32>,
    return
  }
}

</mosaic_0001>

<sc_bundles>
// kernel: gather_offload_async_start.1
scs
__scs_entry_jumppad:
0x0: {  	(pc) =	sbr.rel $0x88, $3  }
0x1: {  	(tag) =	ssettag $0x0;
	lr =	simm.s32 $0x1  }
0x2: {  	[smem:$0x3F9F] =	sst lr;
	_ =	strace $0xD0000000  }
0x3: {  	_ = 	snop  }
0x4: {  	_ = 	snop  }
0x5: {  	_ = 	snop  }
0x6: {  	_ = 	snop  }
0x7: {  	_ = 	snop  }
__scs_overlays_trampoline_lowered:
0x8: {  	[smem:$0x3FAE] =	sst s0  }
0x9: {  	[smem:$0x3FAF] =	sst s1  }
0xa: {  	[smem:$0x3FB0] =	sst s2  }
0xb: {  	[smem:$0x3FB1] =	sst s3  }
0xc: {  	[smem:$0x3FB2] =	sst s4  }
0xd: {  	[smem:$0x3FB3] =	sst s5  }
0xe: {  	[smem:$0x3FB4] =	sst s6  }
0xf: {  	[smem:$0x3FB5] =	sst s7  }
0x10: {  	[smem:$0x3FB6] =	sst s8  }
0x11: {  	[smem:$0x3FB7] =	sst s9;
	s0 =	simm.s32 @!p0 $0x0  }
0x12: {  	s1 =	sld [smem:$0x3F9D];
	s0 =	simm.s32 @p0 $0x1  }
0x13: {  	[smem:$0x3FB8] =	sst s0;
	s0 =	simm.s32 @!p1 $0x0  }
0x14: {  	s2 =	sld [smem:$0x3F9C];
	s0 =	simm.s32 @p1 $0x1  }
0x15: {  	[smem:$0x3FB9] =	sst s0;
	s0 =	simm.s32 @!p2 $0x0  }
0x16: {  	s3 =	sld [smem:$0x3FDB];
	s0 =	simm.s32 @p2 $0x1  }
0x17: {  	s4 =	simm.s32 $0x1BF5;
	[smem:$0x3FBB] =	sst s0  }
0x18: {  	s0 =	sld [smem:$0x3F9E];
	_ =	swait.ge [sflag:s4], $0x0  }
0x19: {  	s7 =	sld [smem:$0x3F9F]  }
0x1a: {  	s8 =	sadd.s32 $0xFFFFE003, lr  }
0x1b: {  	s9 =	sadd.s32 $0xFFFFFEF7, lr;
	s5 =	simm.s32 $0xFFFFFFFF;
	p2 =	slt.u32 s8, $0xFFFFF086  }
0x1c: {  	p1 =	slt.u32 s9, $0xF7A;
	s5 =	simm.s32 @!p2 $0x0  }
0x1d: {  	s5 =	simm.s32 @p1 $0x1;
	p0 =	seq.s32 s7, s2  }
0x1e: {  	s7 =	smul.u32 @!p0 $0xF7A, s2;
	p2 =	seq.s32 @!p0 s5, $0x0  }
0x1f: {  	s9 =	smul.u32 $0xF7A, s1;
	s8 =	simm.s32 @!p0 $0x1BF5;
	p2 =	por !p2, p0  }
0x20: {  	[sflag:s8] =	ssyncset.s32 @!p0 $0xFFFFF086;
	s6 =	sadd.s32 @!p0 s3, s7;
	s7 =	simm.s32 @!p0 $0x108  }
0x21: {  	s3 =	sadd.s32 s3, s9;
	s6 =	sadd.s32 @!p0 $0x88, s6;
	s7 =	simm.s32 @p2 $0x1082  }
0x22: {  	[simem:s7], [sflag:s8] =	dma.local @!p0 [hbm:s6], $0xF7A  }
0x23: {  	s9 =	sor.u32 $0xD0000000, s2;
	s6 =	simm.s32 $0x108;
	_ =	swait.ge @!p0 [sflag:s8], $0x0  }
0x24: {  	s3 =	sadd.s32 $0x88, s3;
	s6 =	simm.s32 @!p1 $0x1082;
	[sflag:s4] =	ssyncset.s32 $0xFFFFF086  }
0x25: {  	[simem:s6], [sflag:s4] =	dma.local [hbm:s3], $0xF7A  }
0x26: {  	[smem:$0x3F9F] =	sst s1;
	(tag) =	ssettag s2;
	_ =	strace s9  }
0x27: {  	s1 =	sld [smem:$0x3FAF]  }
0x28: {  	s2 =	sld [smem:$0x3FB0]  }
0x29: {  	s4 =	sld [smem:$0x3FB2]  }
0x2a: {  	p0 =	seq.s32 s5, $0x0;
	s5 =	sld [smem:$0x3FB3]  }
0x2b: {  	s6 =	sld [smem:$0x3FB4]  }
0x2c: {  	s7 =	sld [smem:$0x3FB5]  }
0x2d: {  	s3 =	simm.s32 $0x108;
	s8 =	sld [smem:$0x3FB6]  }
0x2e: {  	s3 =	simm.s32 @!p0 $0x1082;
	s9 =	sld [smem:$0x3FB7]  }
0x2f: {  	lr =	sadd.s32 s0, s3;
	s0 =	sld [smem:$0x3FAE]  }
0x30: {  	s3 =	sld [smem:$0x3FB1]  }
0x31: {  	[smem:$0x3FBA] =	sst s10  }
0x32: {  	s10 =	sld [smem:$0x3FB8];
	_ =	sdelay $0x3  }
0x33: {  	p0 =	seq.s32 s10, $0x1;
	s10 =	sld [smem:$0x3FBA];
	_ =	sdelay $0x3  }
0x34: {  	[smem:$0x3FBA] =	sst s10  }
0x35: {  	s10 =	sld [smem:$0x3FB9];
	_ =	sdelay $0x3  }
0x36: {  	p1 =	seq.s32 s10, $0x1;
	s10 =	sld [smem:$0x3FBA];
	_ =	sdelay $0x3  }
0x37: {  	[smem:$0x3FBA] =	sst s10  }
0x38: {  	s10 =	sld [smem:$0x3FBB]  }
0x39: {  	_ = 	snop;
	(pc) =	sbr.ind lr, $3  }
0x3a: {  	_ = 	snop  }
0x3b: {  	_ = 	snop  }
0x3c: {  	p2 =	seq.s32 s10, $0x1;
	s10 =	sld [smem:$0x3FBA]  }
0x3d: {  	_ =	shalt  }
0x3e: {  	_ =	shalt  }
0x3f: {  	_ =	shalt  }
0x40: {  	_ =	shalt  }
0x41: {  	_ =	shalt  }
0x42: {  	_ =	shalt  }
0x43: {  	_ =	shalt  }
0x44: {  	_ =	shalt  }
0x45: {  	_ =	shalt  }
0x46: {  	_ =	shalt  }
0x47: {  	_ =	shalt  }
0x48: {  	_ =	shalt  }
0x49: {  	_ =	shalt  }
0x4a: {  	_ =	shalt  }
0x4b: {  	_ =	shalt  }
0x4c: {  	_ =	shalt  }
0x4d: {  	_ =	shalt  }
0x4e: {  	_ =	shalt  }
0x4f: {  	_ =	shalt  }
0x50: {  	_ =	shalt  }
0x51: {  	_ =	shalt  }
0x52: {  	_ =	shalt  }
0x53: {  	_ =	shalt  }
0x54: {  	_ =	shalt  }
0x55: {  	_ =	shalt  }
0x56: {  	_ =	shalt  }
0x57: {  	_ =	shalt  }
0x58: {  	_ =	shalt  }
0x59: {  	_ =	shalt  }
0x5a: {  	_ =	shalt  }
0x5b: {  	_ =	shalt  }
0x5c: {  	_ =	shalt  }
0x5d: {  	_ =	shalt  }
0x5e: {  	_ =	shalt  }
0x5f: {  	_ =	shalt  }
0x60: {  	_ =	shalt  }
0x61: {  	_ =	shalt  }
0x62: {  	_ =	shalt  }
0x63: {  	_ =	shalt  }
0x64: {  	_ =	shalt  }
0x65: {  	_ =	shalt  }
0x66: {  	_ =	shalt  }
0x67: {  	_ =	shalt  }
0x68: {  	_ =	shalt  }
0x69: {  	_ =	shalt  }
0x6a: {  	_ =	shalt  }
0x6b: {  	_ =	shalt  }
0x6c: {  	_ =	shalt  }
0x6d: {  	_ =	shalt  }
0x6e: {  	_ =	shalt  }
0x6f: {  	_ =	shalt  }
0x70: {  	_ =	shalt  }
0x71: {  	_ =	shalt  }
0x72: {  	_ =	shalt  }
0x73: {  	_ =	shalt  }
0x74: {  	_ =	shalt  }
0x75: {  	_ =	shalt  }
0x76: {  	_ =	shalt  }
0x77: {  	_ =	shalt  }
0x78: {  	_ =	shalt  }
0x79: {  	_ =	shalt  }
0x7a: {  	_ =	shalt  }
0x7b: {  	_ =	shalt  }
0x7c: {  	_ =	shalt  }
0x7d: {  	_ =	shalt  }
0x7e: {  	_ =	shalt  }
0x7f: {  	_ =	shalt  }
0x80: {  	_ =	shalt  }
0x81: {  	_ =	shalt  }
0x82: {  	_ =	shalt  }
0x83: {  	_ =	shalt  }
0x84: {  	_ =	shalt  }
0x85: {  	_ =	shalt  }
0x86: {  	_ =	shalt  }
0x87: {  	_ =	shalt  }
.Lfunc_end0:
.L_simem_size_0:
called_computation.1_lowered:
.L_overlay_start_0:
0x88: {  	s2 =	sld [smem:$0x3FD9]  }
0x89: {  	s3 =	sld [smem:$0x3FFE];
	_ =	sdelay $0x1  }
0x8a: {  	s1 =	srdreg.scid  }
0x8b: {  	s0 =	sand.u32 $0x1, s1  }
0x8c: {  	s17 =	sshll.u32 s0, $0xA;
	s2 =	sadd.s32 s3, s2  }
0x8d: {  	s2 =	sadd.s32 s2, s17  }
0x8e: {  	[smem:$0x3FC6] =	sst s2  }
0x8f: {  	_ = 	snop  }
0x90: {  	s2 =	sld [smem:$0x3FD0];
	(tm) =	ssettm $0x1  }
0x91: {  	s18 =	sld [smem:$0x3FFB];
	_ =	sdelay $0x3  }
0x92: {  	_ =	strace s18  }
0x93: {  	s3 =	sld [smem:$0x3FFC];
	_ =	sdelay $0x3  }
0x94: {  	_ =	strace s3  }
0x95: {  	s3 =	sld [smem:$0x3FFD];
	_ =	sdelay $0x3  }
0x96: {  	_ =	strace s3  }
0x97: {  	_ =	strace $0x8FFFFFFF  }
0x98: {  	s19 =	sld [smem:$0x3FDB];
	_ =	sdelay $0x1  }
0x99: {  	s4 =	simm.s32 $_scs_section_size  }
0x9a: {  	s5 =	simm.s32 $_size__tile_overlayer_lowered;
	s6 =	simm.s32 $_tile_overlayer_lowered  }
0x9b: {  	s22 =	simm.s32 $0x1BFF;
	s21 =	sshll.u32 s6, $0x1;
	s3 =	sadd.s32 s4, s19  }
0x9c: {  	s7 =	simm.s32 $0x0;
	s20 =	sshll.u32 s5, $0x1;
	s5 =	sadd.s32 s21, s3  }
0x9d: {  	[timem:s7], [sflag:s22] =	dma.local [hbm:s5], s20  }
0x9e: {  	_ =	swait.ge [sflag:s22], s20  }
0x9f: {  	s4 =	ssub.s32 $0x0, s20;
	[sflag:s22] =	ssyncset.done $0x0  }
0xa0: {  	[sflag:s22] =	ssyncadd.s32 s4;
	_ =	sdelay $0x1  }
0xa1: {  	s23 =	simm.s32 $0x1B8B  }
0xa2: {  	_ =	swait.ge [sflag:s23], $0x1  }
0xa3: {  	[sflag:s23] =	ssyncset.done $0x0  }
0xa4: {  	s25 =	simm.s32 $0x1B8E;
	s24 =	sld [smem:$0x3FFE];
	[sflag:s23] =	ssyncadd.s32 $0xFFFFFFFF  }
0xa5: {  	s26 =	simm.s32 $execute0_lowered;
	[smem:$0x3FD2] =	sst s25  }
0xa6: {  	s5 =	sshll.u32 s26, $0x1;
	_ =	strace $0x80000049;
	[dreg:$0x1] =	wrdreg $0xFFFFFFFF  }
0xa7: {  	s28 =	simm.s32 $_size_execute0_lowered;
	s3 =	sadd.s32 s3, s5;
	[dreg:$0x0] =	wrdreg $0x0  }
0xa8: {  	s5 =	sshll.u32 s28, $0x1;
	[dreg:$0x2] =	wrdreg s3  }
0xa9: {  	[dreg:$0x3] =	wrdreg s5  }
0xaa: {  	[dreg:$0x4] =	wrdreg $0xC0  }
0xab: {  	_ =	task [dreg:s7], $0x5FFFF  }
0xac: {  	[dreg:$0x1] =	wrdreg $0xFFFFFFFF  }
0xad: {  	[dreg:$0x0] =	wrdreg $0x60  }
0xae: {  	[dreg:$0x2] =	wrdreg s24  }
0xaf: {  	[dreg:$0x3] =	wrdreg s2  }
0xb0: {  	[dreg:$0x4] =	wrdreg $0x9  }
0xb1: {  	_ =	task.clear_ibuf [dreg:s7], $0x5FFFF;
	_ =	strace $0x90000049  }
0xb2: {  	s29 =	simm.s32 $0x9;
	_ =	strace $0x8000004B  }
0xb3: {  	_ =	swait.ge [sflag:s29], $0x1  }
0xb4: {  	[sflag:s29] =	ssyncadd.s32 $0xFFFFFFFF  }
0xb5: {  	_ =	strace $0x9000004B  }
0xb6: {  	_ =	sfence  }
0xb7: {  	s30 =	sld [smem:$0x0];
	_ =	sdelay $0x2  }
0xb8: {  	s31 =	sshll.u32 s1, $0xD;
	s1 =	sshrl.u32 s1, $0x2  }
0xb9: {  	s3 =	sand.u32 $0x4000, s31;
	s1 =	sadd.s32 s1, s30  }
0xba: {  	s0 =	sor.u32 s3, s0;
	s1 =	sshll.u32 s1, $0x11  }
0xbb: {  	s0 =	sor.u32 s1, s0  }
0xbc: {  	s0 =	sadd.s32 $0x8F2B, s0  }
0xbd: {  	[sflag:s0] =	ssyncadd.remote.s32 $0x1  }
0xbe: {  	_ =	sfence.sel $0xFFFF  }
0xbf: {  	[dreg:$0x0] =	wrdreg $0xFFFFFFFF;
	(pc) =	sbr.abs _section_cstart, $3  }
0xc0: {  	[dreg:$0x1] =	wrdreg $0xFFFFFFFF  }
0xc1: {  	_ =	task.clear_ibuf [dreg:s7], $0x2FFFF;
	_ =	strace $0x9FFFFFFF  }
0xc2: {  	(tm) =	ssettm $0x7FFFFFFF  }
0xc3: {  	_ =	shalt  }
tec
execute0_lowered:
.L_overlay_start_1:
0x0: {  	(tag) =	ssettag $0x1  }
0x1: {  	s0 =	srdreg.scid  }
0x2: {  	s1 =	sshll.u32 s0, $0x4  }
0x3: {  	s0 =	stileid.u32;
	s1 =	sand.u32 $0x10, s1  }
0x4: {  	s2 =	sor.u32 s0, s1  }
0x5: {  	s1 =	smin.u32 s2, $0x12  }
0x6: {  	s1 =	sadd.s32 s2, s1  }
0x7: {  	p0 =	slt.u32 s2, $0x12;
	s2 =	simm.s32 $0xA0;
	s1 =	smul.u32 $0x50, s1  }
0x8: {  	s2 =	simm.s32 @!p0 $0x50  }
0x9: {  	s2 =	sadd.s32 s2, s1  }
0xa: {  	s3 =	smin.u32 s2, $0xFA0  }
0xb: {  	s7 =	ssub.s32 s3, s1  }
0xc: {  	p0 =	sgt.s32 s7, $0x0  }
0xd: {  	s7 =	simm.s32 @!p0 $0x0  }
0xe: {  	s4 =	rddreg [dreg:$0x0];
	s31 =	smul.u32 $0xCCCD, s7  }
0xf: {  	s5 =	rddreg [dreg:$0x1]  }
0x10: {  	s6 =	simm.s32 $0x1;
	s10 =	simm.s32 $0x3;
	s8 =	sshrl.u32 s31, $0x16  }
0x11: {  	s13 =	simm.s32 $0x0;
	s12 =	simm.s32 $0x0;
	s9 =	smul.u32 $0x50, s8  }
.Ltmp0:
0x12: {  	s11 =	smov.u32 s1;
	s2 =	rddreg [dreg:$0x2];
	(pc) =	sbr.rel .LBB2_1-.Ltmp0, $4  }
0x13: {  	_ =	strace $0x8000004A;
	p0 =	sne.s32 s7, s9;
	s9 =	simm.s32 $0x1  }
0x14: {  	[sflag:s6] =	ssyncpa.u1 $0x0;
	s7 =	simm.s32 $0x2;
	s9 =	simm.s32 @!p0 $0x0  }
0x15: {  	[sflag:s7] =	ssyncpa.u1 $0x0;
	p0 =	por $0x0, $0x0;
	s8 =	sadd.s32 s8, s9  }
0x16: {  	vm0 =	vmmov $0xff;
	vm1 =	vcmask $0x3F20;
	s9 =	sadd.s32 $0x1F400, s4;
	[sflag:s10] =	ssyncpa.u1 $0x0;
	s10 =	sadd.s32 $0x1, s8  }
.LBB2_6:
0x17: {  	[hbm:s17] =	stream.linear.scatter [tilespmem:s14], [sflag:$0x3], $0x400, $0x38;
	[tilespmem:$0x50A0] =	vst v63  }
.LBB2_7:
0x18: {  	s13 =	sadd.s32 $0x50, s11  }
0x19: {  	s15 =	smov.u32 s1;
	p2 =	slt.s32 s13, s3  }
0x1a: {  	s15 =	smov.u32 @p2 s13;
	p2 =	sne.s32 s12, s10  }
.Ltmp1:
0x1b: {  	p1 =	slt.u32 s12, $0x2;
	(pc) =	sbr.rel @!p2 .LBB2_8-.Ltmp1, $4  }
0x1c: {  	s14 =	simm.s32 @!p1 $0x3  }
0x1d: {  	s16 =	sadd.s32 $0x1, s12;
	_ =	swait.ge @!p1 [sflag:s14], $0x2800  }
0x1e: {  	p0 =	por !p0, !p0;
	s13 =	smov.u32 s11;
	[sflag:s14] =	ssyncset.done @!p1 $0x0  }
0x1f: {  	s12 =	smov.u32 s16;
	s11 =	smov.u32 s15;
	[sflag:s14] =	ssyncadd.s32 @!p1 $0xFFFFD800  }
.LBB2_1:
0x20: {  	p1 =	sge.u32 s12, s8  }
0x21: {  	s14 =	sxor.u32 @!p1 $0xFFFFFFFF, s12  }
0x22: {  	s14 =	sand.u32 @!p1 $0x1, s14  }
0x23: {  	s14 =	smul.u32 @!p1 $0x140, s14  }
0x24: {  	s31 =	sadd.s32 $0xFFFFFFFF, s12;
	s15 =	sshrl.u32 @!p1 s11, $0x3  }
0x25: {  	s16 =	sand.u32 @!p1 $0x7, s11;
	s15 =	sadd.s32 @!p1 s5, s15;
	s14 =	sshrl.u32 @!p1 s14, $0x2  }
0x26: {  	[tilespmem:s14], [sflag:$0x2] =	stream.linear.gather @!p1 [hbm4b:s15+s16], $0x50, $0x38;
	[tilespmem:$0x50A0] =	vst v63  }
0x27: {  	p1 =	sge.u32 s31, s8  }
.Ltmp2:
0x28: {  	_ = 	snop;
	(pc) =	sbr.rel @p1 .LBB2_7-.Ltmp2, $1  }
0x29: {  	_ =	sdelay $0x3  }
0x2a: {  	s14 =	simm.s32 $0x1  }
0x2b: {  	s14 =	simm.s32 @!p0 $0x0  }
0x2c: {  	s15 =	smul.u32 $0x140, s14  }
0x2d: {  	_ =	swait.ge [sflag:s7], $0x50  }
0x2e: {  	[sflag:s7] =	ssyncset.done $0x0;
	s16 =	sshrl.u32 s15, $0x2  }
0x2f: {  	[sflag:s7] =	ssyncadd.s32 $0xFFFFFFB0;
	s15 =	sadd.s32 $0x0, s16  }
0x30: {  	v0 =	vld.msk [tilespmem:s15+$0x0 ss:$0x1], $0xffff;
	_ =	sdelay $0x4  }
0x31: {  	v1 =	vand.u32 $0x3, v0;
	v2 =	vshll.u32 v0, $0x5  }
0x32: {  	vm2 =	veq.s32 v0, $0x80000000;
	v0 =	vmul.u32 $0x3E800, v1;
	v1 =	vand.u32 $0x3FF80, v2  }
0x33: {  	v1 =	vsel vm2, $0xFFFFFF80, v1  }
0x34: {  	v0 =	vsel vm2, $0xFFFC1800, v0;
	v2 =	vand.u32 $0xFFFFFC00, v1  }
0x35: {  	v1 =	vand.u32 $0x380, v1;
	v0 =	vadd.s32 v0, v2  }
0x36: {  	v0 =	vor.u32 v1, v0  }
0x37: {  	v0 =	vshrl.u32 v0, $0x3  }
0x38: {  	s14 =	smul.u32 $0xA000, s14;
	_ =	sdelay $0x1  }
0x39: {  	s14 =	sshrl.u32 s14, $0x2  }
0x3a: {  	s14 =	sor.u32 $0xA0, s14  }
0x3b: {  	[tilespmem:s14], [sflag:$0x1] =	stream.indirect_vreg.gather [hbm:s4], $0x80, v0, vm0, $0x38;
	[tilespmem:$0x50A0] =	vst v63  }
0x3c: {  	s17 =	sadd.s32 $0x10, s16;
	s15 =	sadd.s32 $0x400, s14  }
0x3d: {  	[tilespmem:s15], [sflag:$0x1] =	stream.indirect_vreg.gather [hbm:s4], $0x80, v0, vm1, $0x38;
	[tilespmem:$0x50A0] =	vst v63  }
0x3e: {  	s18 =	simm.s32 $0x80;
	v0 =	vld.msk [tilespmem:s17+$0x0 ss:$0x1], $0xffff;
	s17 =	smov.u32 s14  }
.LBB2_3:
0x3f: {  	p1 =	sne.s32 s18, $0x100;
	_ =	sdelay $0x4  }
0x40: {  	v1 =	vand.u32 $0x3, v0;
	v2 =	vshll.u32 v0, $0x5  }
0x41: {  	vm2 =	veq.s32 v0, $0x80000000;
	v0 =	vmul.u32 $0x3E800, v1;
	v1 =	vand.u32 $0x3FF80, v2  }
0x42: {  	v1 =	vsel vm2, $0xFFFFFF80, v1  }
0x43: {  	v0 =	vsel vm2, $0xFFFC1800, v0;
	v2 =	vand.u32 $0xFFFFFC00, v1  }
0x44: {  	v1 =	vand.u32 $0x380, v1;
	v0 =	vadd.s32 v0, v2  }
0x45: {  	v0 =	vor.u32 v1, v0  }
0x46: {  	v0 =	vshrl.u32 v0, $0x3;
	_ =	sdelay $0x3  }
.Ltmp3:
0x47: {  	s19 =	sshra.s32 s18, $0x2;
	s17 =	sadd.s32 $0x800, s17;
	(pc) =	sbr.rel @p1 .LBB2_3-.Ltmp3, $4  }
0x48: {  	[tilespmem:s17], [sflag:$0x1] =	stream.indirect_vreg.gather [hbm:s4], $0x80, v0, vm0, $0x38;
	[tilespmem:$0x50A0] =	vst v63  }
0x49: {  	s19 =	sadd.s32 s19, s16;
	s20 =	sadd.s32 $0x400, s17  }
0x4a: {  	[tilespmem:s20], [sflag:$0x1] =	stream.indirect_vreg.gather [hbm:s4], $0x80, v0, vm1, $0x38;
	[tilespmem:$0x50A0] =	vst v63  }
0x4b: {  	s18 =	sadd.s32 $0x40, s18;
	v0 =	vld.msk [tilespmem:s19+$0x0 ss:$0x1], $0xffff  }
0x4c: {  	_ =	sdelay $0x3  }
0x4d: {  	v1 =	vand.u32 $0x3, v0;
	v2 =	vshll.u32 v0, $0x5  }
0x4e: {  	vm2 =	veq.s32 v0, $0x80000000;
	v61 =	vmul.u32 $0x3E800, v1;
	v62 =	vand.u32 $0x3FF80, v2  }
0x4f: {  	v1 =	vsel vm2, $0xFFFFFF80, v62  }
0x50: {  	v0 =	vsel vm2, $0xFFFC1800, v61;
	v63 =	vand.u32 $0xFFFFFC00, v1  }
0x51: {  	v1 =	vand.u32 $0x380, v1;
	v0 =	vadd.s32 v0, v63  }
0x52: {  	v0 =	vor.u32 v1, v0  }
0x53: {  	v0 =	vshrl.u32 v0, $0x3;
	_ =	sdelay $0x3  }
0x54: {  	s16 =	sadd.s32 $0x800, s17  }
0x55: {  	[tilespmem:s16], [sflag:$0x1] =	stream.indirect_vreg.gather [hbm:s4], $0x80, v0, vm0, $0x38;
	[tilespmem:$0x50A0] =	vst v63  }
0x56: {  	s16 =	sadd.s32 $0x400, s16  }
0x57: {  	[tilespmem:s16], [sflag:$0x1] =	stream.indirect_vreg.gather [hbm:s4], $0x80, v0, vm1, $0x38;
	[tilespmem:$0x50A0] =	vst v63  }
0x58: {  	s13 =	sshll.u32 s13, $0x4;
	_ =	swait.ge [sflag:s6], $0x2800  }
0x59: {  	s13 =	sadd.s32 s13, s9;
	[sflag:s6] =	ssyncset.done $0x0  }
0x5a: {  	s17 =	sadd.s32 $0x0, s13;
	s16 =	simm.s32 $0x80;
	[sflag:s6] =	ssyncadd.s32 $0xFFFFD800  }
.LBB2_5:
0x5b: {  	[hbm:s17] =	stream.linear.scatter [tilespmem:s14], [sflag:$0x3], $0x400, $0x38;
	[tilespmem:$0x50A0] =	vst v63  }
0x5c: {  	s17 =	smov.u32 s16;
	s14 =	smov.u32 s15;
	p1 =	sne.s32 s16, $0x480  }
.Ltmp4:
0x5d: {  	s16 =	sadd.s32 $0x80, s16;
	(pc) =	sbr.rel @p1 .LBB2_5-.Ltmp4, $2  }
0x5e: {  	_ =	sdelay $0x2  }
0x5f: {  	s15 =	sadd.s32 $0x400, s15;
	s17 =	sadd.s32 s17, s13  }
.Ltmp5:
0x60: {  	_ = 	snop;
	(pc) =	sbr.rel .LBB2_6-.Ltmp5, $1  }
0x61: {  	_ =	sdelay $0x3  }
.LBB2_8:
0x62: {  	_ =	sfence.sel $0x180000  }
0x63: {  	s1 =	simm.s32 $0x2;
	[bflag:$0x0] =	sbarrier.arrive $0xFFFF  }
0x64: {  	s30 =	simm.s32 $0x3;
	[sflag:s1] =	ssyncpa.u1 $0x1  }
0x65: {  	s31 =	simm.s32 $0x1;
	[sflag:s30] =	ssyncpa.u1 $0x1  }
0x66: {  	[sflag:s31] =	ssyncpa.u1 $0x1  }
0x67: {  	p0 =	sne.s32 s0, $0x0;
	_ =	strace $0x9000004A  }
0x68: {  	s0 =	sadd.s32 @!p0 $0x100000, s2;
	[bflag:$0x2] =	sbarrier.arrive $0xFFFF  }
0x69: {  	[sflag:s0] =	ssyncadd.tile.s32 @!p0 $0x1;
	_ =	shalt  }
.Lfunc_end2:
_tile_overlayer_lowered:
.L_overlay_start_2:
0x6a: {  	(tag) =	ssettag $0x2  }
0x6b: {  	s0 =	rddreg [dreg:$0x0];
	s2 =	stileid.u32  }
0x6c: {  	s1 =	rddreg [dreg:$0x1];
	p0 =	sne.s32 s2, $0x0  }
0x6d: {  	s3 =	rddreg [dreg:$0x2];
	[bflag:$0x3] =	sbarrier.arrive $0xFFFF;
	s2 =	simm.s32 @!p0 $0x1C01  }
0x6e: {  	[timem:s3], [sflag:s2] =	dma.local @!p0 [hbm:s0], s1  }
0x6f: {  	s0 =	simm.s32 @!p0 $0x1  }
0x70: {  	_ =	swait.ge @!p0 [sflag:s0], s1  }
0x71: {  	s1 =	ssub.s32 @!p0 $0x0, s1;
	[sflag:s0] =	ssyncset.done @!p0 $0x0  }
0x72: {  	[sflag:s0] =	ssyncadd.s32 @!p0 s1  }
0x73: {  	[bflag:$0x3] =	sbarrier.arrive $0xFFFF  }
0x74: {  	_ =	shalt  }

// kernel: gather_offload_async_start
scs
__scs_entry_jumppad:
0x0: {  	(pc) =	sbr.rel $0x88, $3  }
0x1: {  	(tag) =	ssettag $0x0;
	lr =	simm.s32 $0x1  }
0x2: {  	[smem:$0x3F9F] =	sst lr;
	_ =	strace $0xD0000000  }
0x3: {  	_ = 	snop  }
0x4: {  	_ = 	snop  }
0x5: {  	_ = 	snop  }
0x6: {  	_ = 	snop  }
0x7: {  	_ = 	snop  }
__scs_overlays_trampoline_lowered:
0x8: {  	[smem:$0x3FAE] =	sst s0  }
0x9: {  	[smem:$0x3FAF] =	sst s1  }
0xa: {  	[smem:$0x3FB0] =	sst s2  }
0xb: {  	[smem:$0x3FB1] =	sst s3  }
0xc: {  	[smem:$0x3FB2] =	sst s4  }
0xd: {  	[smem:$0x3FB3] =	sst s5  }
0xe: {  	[smem:$0x3FB4] =	sst s6  }
0xf: {  	[smem:$0x3FB5] =	sst s7  }
0x10: {  	[smem:$0x3FB6] =	sst s8  }
0x11: {  	[smem:$0x3FB7] =	sst s9;
	s0 =	simm.s32 @!p0 $0x0  }
0x12: {  	s1 =	sld [smem:$0x3F9D];
	s0 =	simm.s32 @p0 $0x1  }
0x13: {  	[smem:$0x3FB8] =	sst s0;
	s0 =	simm.s32 @!p1 $0x0  }
0x14: {  	s2 =	sld [smem:$0x3F9C];
	s0 =	simm.s32 @p1 $0x1  }
0x15: {  	[smem:$0x3FB9] =	sst s0;
	s0 =	simm.s32 @!p2 $0x0  }
0x16: {  	s3 =	sld [smem:$0x3FDB];
	s0 =	simm.s32 @p2 $0x1  }
0x17: {  	s4 =	simm.s32 $0x1BF5;
	[smem:$0x3FBB] =	sst s0  }
0x18: {  	s0 =	sld [smem:$0x3F9E];
	_ =	swait.ge [sflag:s4], $0x0  }
0x19: {  	s7 =	sld [smem:$0x3F9F]  }
0x1a: {  	s8 =	sadd.s32 $0xFFFFE003, lr  }
0x1b: {  	s9 =	sadd.s32 $0xFFFFFEF7, lr;
	s5 =	simm.s32 $0xFFFFFFFF;
	p2 =	slt.u32 s8, $0xFFFFF086  }
0x1c: {  	p1 =	slt.u32 s9, $0xF7A;
	s5 =	simm.s32 @!p2 $0x0  }
0x1d: {  	s5 =	simm.s32 @p1 $0x1;
	p0 =	seq.s32 s7, s2  }
0x1e: {  	s7 =	smul.u32 @!p0 $0xF7A, s2;
	p2 =	seq.s32 @!p0 s5, $0x0  }
0x1f: {  	s9 =	smul.u32 $0xF7A, s1;
	s8 =	simm.s32 @!p0 $0x1BF5;
	p2 =	por !p2, p0  }
0x20: {  	[sflag:s8] =	ssyncset.s32 @!p0 $0xFFFFF086;
	s6 =	sadd.s32 @!p0 s3, s7;
	s7 =	simm.s32 @!p0 $0x108  }
0x21: {  	s3 =	sadd.s32 s3, s9;
	s6 =	sadd.s32 @!p0 $0x88, s6;
	s7 =	simm.s32 @p2 $0x1082  }
0x22: {  	[simem:s7], [sflag:s8] =	dma.local @!p0 [hbm:s6], $0xF7A  }
0x23: {  	s9 =	sor.u32 $0xD0000000, s2;
	s6 =	simm.s32 $0x108;
	_ =	swait.ge @!p0 [sflag:s8], $0x0  }
0x24: {  	s3 =	sadd.s32 $0x88, s3;
	s6 =	simm.s32 @!p1 $0x1082;
	[sflag:s4] =	ssyncset.s32 $0xFFFFF086  }
0x25: {  	[simem:s6], [sflag:s4] =	dma.local [hbm:s3], $0xF7A  }
0x26: {  	[smem:$0x3F9F] =	sst s1;
	(tag) =	ssettag s2;
	_ =	strace s9  }
0x27: {  	s1 =	sld [smem:$0x3FAF]  }
0x28: {  	s2 =	sld [smem:$0x3FB0]  }
0x29: {  	s4 =	sld [smem:$0x3FB2]  }
0x2a: {  	p0 =	seq.s32 s5, $0x0;
	s5 =	sld [smem:$0x3FB3]  }
0x2b: {  	s6 =	sld [smem:$0x3FB4]  }
0x2c: {  	s7 =	sld [smem:$0x3FB5]  }
0x2d: {  	s3 =	simm.s32 $0x108;
	s8 =	sld [smem:$0x3FB6]  }
0x2e: {  	s3 =	simm.s32 @!p0 $0x1082;
	s9 =	sld [smem:$0x3FB7]  }
0x2f: {  	lr =	sadd.s32 s0, s3;
	s0 =	sld [smem:$0x3FAE]  }
0x30: {  	s3 =	sld [smem:$0x3FB1]  }
0x31: {  	[smem:$0x3FBA] =	sst s10  }
0x32: {  	s10 =	sld [smem:$0x3FB8];
	_ =	sdelay $0x3  }
0x33: {  	p0 =	seq.s32 s10, $0x1;
	s10 =	sld [smem:$0x3FBA];
	_ =	sdelay $0x3  }
0x34: {  	[smem:$0x3FBA] =	sst s10  }
0x35: {  	s10 =	sld [smem:$0x3FB9];
	_ =	sdelay $0x3  }
0x36: {  	p1 =	seq.s32 s10, $0x1;
	s10 =	sld [smem:$0x3FBA];
	_ =	sdelay $0x3  }
0x37: {  	[smem:$0x3FBA] =	sst s10  }
0x38: {  	s10 =	sld [smem:$0x3FBB]  }
0x39: {  	_ = 	snop;
	(pc) =	sbr.ind lr, $3  }
0x3a: {  	_ = 	snop  }
0x3b: {  	_ = 	snop  }
0x3c: {  	p2 =	seq.s32 s10, $0x1;
	s10 =	sld [smem:$0x3FBA]  }
0x3d: {  	_ =	shalt  }
0x3e: {  	_ =	shalt  }
0x3f: {  	_ =	shalt  }
0x40: {  	_ =	shalt  }
0x41: {  	_ =	shalt  }
0x42: {  	_ =	shalt  }
0x43: {  	_ =	shalt  }
0x44: {  	_ =	shalt  }
0x45: {  	_ =	shalt  }
0x46: {  	_ =	shalt  }
0x47: {  	_ =	shalt  }
0x48: {  	_ =	shalt  }
0x49: {  	_ =	shalt  }
0x4a: {  	_ =	shalt  }
0x4b: {  	_ =	shalt  }
0x4c: {  	_ =	shalt  }
0x4d: {  	_ =	shalt  }
0x4e: {  	_ =	shalt  }
0x4f: {  	_ =	shalt  }
0x50: {  	_ =	shalt  }
0x51: {  	_ =	shalt  }
0x52: {  	_ =	shalt  }
0x53: {  	_ =	shalt  }
0x54: {  	_ =	shalt  }
0x55: {  	_ =	shalt  }
0x56: {  	_ =	shalt  }
0x57: {  	_ =	shalt  }
0x58: {  	_ =	shalt  }
0x59: {  	_ =	shalt  }
0x5a: {  	_ =	shalt  }
0x5b: {  	_ =	shalt  }
0x5c: {  	_ =	shalt  }
0x5d: {  	_ =	shalt  }
0x5e: {  	_ =	shalt  }
0x5f: {  	_ =	shalt  }
0x60: {  	_ =	shalt  }
0x61: {  	_ =	shalt  }
0x62: {  	_ =	shalt  }
0x63: {  	_ =	shalt  }
0x64: {  	_ =	shalt  }
0x65: {  	_ =	shalt  }
0x66: {  	_ =	shalt  }
0x67: {  	_ =	shalt  }
0x68: {  	_ =	shalt  }
0x69: {  	_ =	shalt  }
0x6a: {  	_ =	shalt  }
0x6b: {  	_ =	shalt  }
0x6c: {  	_ =	shalt  }
0x6d: {  	_ =	shalt  }
0x6e: {  	_ =	shalt  }
0x6f: {  	_ =	shalt  }
0x70: {  	_ =	shalt  }
0x71: {  	_ =	shalt  }
0x72: {  	_ =	shalt  }
0x73: {  	_ =	shalt  }
0x74: {  	_ =	shalt  }
0x75: {  	_ =	shalt  }
0x76: {  	_ =	shalt  }
0x77: {  	_ =	shalt  }
0x78: {  	_ =	shalt  }
0x79: {  	_ =	shalt  }
0x7a: {  	_ =	shalt  }
0x7b: {  	_ =	shalt  }
0x7c: {  	_ =	shalt  }
0x7d: {  	_ =	shalt  }
0x7e: {  	_ =	shalt  }
0x7f: {  	_ =	shalt  }
0x80: {  	_ =	shalt  }
0x81: {  	_ =	shalt  }
0x82: {  	_ =	shalt  }
0x83: {  	_ =	shalt  }
0x84: {  	_ =	shalt  }
0x85: {  	_ =	shalt  }
0x86: {  	_ =	shalt  }
0x87: {  	_ =	shalt  }
.Lfunc_end0:
.L_simem_size_0:
called_computation_lowered:
.L_overlay_start_0:
0x88: {  	s2 =	sld [smem:$0x3FD9]  }
0x89: {  	s3 =	sld [smem:$0x3FFE];
	_ =	sdelay $0x1  }
0x8a: {  	s1 =	srdreg.scid  }
0x8b: {  	s0 =	sand.u32 $0x1, s1  }
0x8c: {  	s17 =	sshll.u32 s0, $0xA;
	s2 =	sadd.s32 s3, s2  }
0x8d: {  	s2 =	sadd.s32 s2, s17  }
0x8e: {  	[smem:$0x3FC6] =	sst s2  }
0x8f: {  	_ = 	snop  }
0x90: {  	s2 =	sld [smem:$0x3FD0];
	(tm) =	ssettm $0x1  }
0x91: {  	s18 =	sld [smem:$0x3FFB];
	_ =	sdelay $0x3  }
0x92: {  	_ =	strace s18  }
0x93: {  	s3 =	sld [smem:$0x3FFC];
	_ =	sdelay $0x3  }
0x94: {  	_ =	strace s3  }
0x95: {  	s3 =	sld [smem:$0x3FFD];
	_ =	sdelay $0x3  }
0x96: {  	_ =	strace s3  }
0x97: {  	_ =	strace $0x8FFFFFFF  }
0x98: {  	s19 =	sld [smem:$0x3FDB];
	_ =	sdelay $0x1  }
0x99: {  	s4 =	simm.s32 $_scs_section_size  }
0x9a: {  	s5 =	simm.s32 $_size__tile_overlayer_lowered;
	s6 =	simm.s32 $_tile_overlayer_lowered  }
0x9b: {  	s22 =	simm.s32 $0x1BFF;
	s21 =	sshll.u32 s6, $0x1;
	s3 =	sadd.s32 s4, s19  }
0x9c: {  	s7 =	simm.s32 $0x0;
	s20 =	sshll.u32 s5, $0x1;
	s5 =	sadd.s32 s21, s3  }
0x9d: {  	[timem:s7], [sflag:s22] =	dma.local [hbm:s5], s20  }
0x9e: {  	_ =	swait.ge [sflag:s22], s20  }
0x9f: {  	s4 =	ssub.s32 $0x0, s20;
	[sflag:s22] =	ssyncset.done $0x0  }
0xa0: {  	[sflag:s22] =	ssyncadd.s32 s4;
	_ =	sdelay $0x1  }
0xa1: {  	s23 =	simm.s32 $0x1B8B  }
0xa2: {  	_ =	swait.ge [sflag:s23], $0x1  }
0xa3: {  	[sflag:s23] =	ssyncset.done $0x0  }
0xa4: {  	s25 =	simm.s32 $0x1B8E;
	s24 =	sld [smem:$0x3FFE];
	[sflag:s23] =	ssyncadd.s32 $0xFFFFFFFF  }
0xa5: {  	s26 =	simm.s32 $execute0_lowered;
	[smem:$0x3FD2] =	sst s25  }
0xa6: {  	s5 =	sshll.u32 s26, $0x1;
	_ =	strace $0x80000046;
	[dreg:$0x1] =	wrdreg $0xFFFFFFFF  }
0xa7: {  	s28 =	simm.s32 $_size_execute0_lowered;
	s3 =	sadd.s32 s3, s5;
	[dreg:$0x0] =	wrdreg $0x0  }
0xa8: {  	s5 =	sshll.u32 s28, $0x1;
	[dreg:$0x2] =	wrdreg s3  }
0xa9: {  	[dreg:$0x3] =	wrdreg s5  }
0xaa: {  	[dreg:$0x4] =	wrdreg $0xC0  }
0xab: {  	_ =	task [dreg:s7], $0x5FFFF  }
0xac: {  	[dreg:$0x1] =	wrdreg $0xFFFFFFFF  }
0xad: {  	[dreg:$0x0] =	wrdreg $0x60  }
0xae: {  	[dreg:$0x2] =	wrdreg s24  }
0xaf: {  	[dreg:$0x3] =	wrdreg s2  }
0xb0: {  	[dreg:$0x4] =	wrdreg $0x9  }
0xb1: {  	_ =	task.clear_ibuf [dreg:s7], $0x5FFFF;
	_ =	strace $0x90000046  }
0xb2: {  	s29 =	simm.s32 $0x9;
	_ =	strace $0x80000048  }
0xb3: {  	_ =	swait.ge [sflag:s29], $0x1  }
0xb4: {  	[sflag:s29] =	ssyncadd.s32 $0xFFFFFFFF  }
0xb5: {  	_ =	strace $0x90000048  }
0xb6: {  	_ =	sfence  }
0xb7: {  	s30 =	sld [smem:$0x0];
	_ =	sdelay $0x2  }
0xb8: {  	s31 =	sshll.u32 s1, $0xD;
	s1 =	sshrl.u32 s1, $0x2  }
0xb9: {  	s3 =	sand.u32 $0x4000, s31;
	s1 =	sadd.s32 s1, s30  }
0xba: {  	s0 =	sor.u32 s3, s0;
	s1 =	sshll.u32 s1, $0x11  }
0xbb: {  	s0 =	sor.u32 s1, s0  }
0xbc: {  	s0 =	sadd.s32 $0x8F2B, s0  }
0xbd: {  	[sflag:s0] =	ssyncadd.remote.s32 $0x1  }
0xbe: {  	_ =	sfence.sel $0xFFFF  }
0xbf: {  	[dreg:$0x0] =	wrdreg $0xFFFFFFFF;
	(pc) =	sbr.abs _section_cstart, $3  }
0xc0: {  	[dreg:$0x1] =	wrdreg $0xFFFFFFFF  }
0xc1: {  	_ =	task.clear_ibuf [dreg:s7], $0x2FFFF;
	_ =	strace $0x9FFFFFFF  }
0xc2: {  	(tm) =	ssettm $0x7FFFFFFF  }
0xc3: {  	_ =	shalt  }
tec
execute0_lowered:
.L_overlay_start_1:
0x0: {  	(tag) =	ssettag $0x1  }
0x1: {  	s0 =	srdreg.scid  }
0x2: {  	s1 =	sshll.u32 s0, $0x4  }
0x3: {  	s0 =	stileid.u32;
	s1 =	sand.u32 $0x10, s1  }
0x4: {  	s2 =	sor.u32 s0, s1  }
0x5: {  	s1 =	smin.u32 s2, $0x12  }
0x6: {  	s1 =	sadd.s32 s2, s1  }
0x7: {  	p0 =	slt.u32 s2, $0x12;
	s2 =	simm.s32 $0x140;
	s1 =	smul.u32 $0xA0, s1  }
0x8: {  	s2 =	simm.s32 @!p0 $0xA0  }
0x9: {  	s2 =	sadd.s32 s2, s1  }
0xa: {  	s3 =	smin.u32 s2, $0x1F40  }
0xb: {  	s7 =	ssub.s32 s3, s1  }
0xc: {  	p0 =	sgt.s32 s7, $0x0  }
0xd: {  	s7 =	simm.s32 @!p0 $0x0  }
0xe: {  	s4 =	rddreg [dreg:$0x0];
	s31 =	smul.u32 $0xCCCD, s7  }
0xf: {  	s5 =	rddreg [dreg:$0x1]  }
0x10: {  	s6 =	simm.s32 $0x1;
	s10 =	simm.s32 $0x3;
	s8 =	sshrl.u32 s31, $0x17  }
0x11: {  	s13 =	simm.s32 $0x0;
	s12 =	simm.s32 $0x0;
	s9 =	smul.u32 $0xA0, s8  }
.Ltmp0:
0x12: {  	s11 =	smov.u32 s1;
	s2 =	rddreg [dreg:$0x2];
	(pc) =	sbr.rel .LBB2_1-.Ltmp0, $4  }
0x13: {  	_ =	strace $0x80000047;
	p0 =	sne.s32 s7, s9;
	s9 =	simm.s32 $0x1  }
0x14: {  	[sflag:s6] =	ssyncpa.u1 $0x0;
	s7 =	simm.s32 $0x2;
	s9 =	simm.s32 @!p0 $0x0  }
0x15: {  	[sflag:s7] =	ssyncpa.u1 $0x0;
	p0 =	por $0x0, $0x0;
	s8 =	sadd.s32 s8, s9  }
0x16: {  	vm0 =	vmmov $0xff;
	vm1 =	vcmask $0x3F20;
	s9 =	sadd.s32 $0x138800, s4;
	[sflag:s10] =	ssyncpa.u1 $0x0;
	s10 =	sadd.s32 $0x1, s8  }
.LBB2_6:
0x17: {  	[hbm:s17] =	stream.linear.scatter [tilespmem:s14], [sflag:$0x3], $0x400, $0x38;
	[tilespmem:$0xA140] =	vst v63  }
.LBB2_7:
0x18: {  	s13 =	sadd.s32 $0xA0, s11  }
0x19: {  	s15 =	smov.u32 s1;
	p2 =	slt.s32 s13, s3  }
0x1a: {  	s15 =	smov.u32 @p2 s13;
	p2 =	sne.s32 s12, s10  }
.Ltmp1:
0x1b: {  	p1 =	slt.u32 s12, $0x2;
	(pc) =	sbr.rel @!p2 .LBB2_8-.Ltmp1, $4  }
0x1c: {  	s14 =	simm.s32 @!p1 $0x3  }
0x1d: {  	s16 =	sadd.s32 $0x1, s12;
	_ =	swait.ge @!p1 [sflag:s14], $0x5000  }
0x1e: {  	p0 =	por !p0, !p0;
	s13 =	smov.u32 s11;
	[sflag:s14] =	ssyncset.done @!p1 $0x0  }
0x1f: {  	s12 =	smov.u32 s16;
	s11 =	smov.u32 s15;
	[sflag:s14] =	ssyncadd.s32 @!p1 $0xFFFFB000  }
.LBB2_1:
0x20: {  	p1 =	sge.u32 s12, s8  }
0x21: {  	s14 =	sxor.u32 @!p1 $0xFFFFFFFF, s12  }
0x22: {  	s14 =	sand.u32 @!p1 $0x1, s14  }
0x23: {  	s14 =	smul.u32 @!p1 $0x280, s14  }
0x24: {  	s31 =	sadd.s32 $0xFFFFFFFF, s12;
	s15 =	sshrl.u32 @!p1 s11, $0x3  }
0x25: {  	s16 =	sand.u32 @!p1 $0x7, s11;
	s15 =	sadd.s32 @!p1 s5, s15;
	s14 =	sshrl.u32 @!p1 s14, $0x2  }
0x26: {  	[tilespmem:s14], [sflag:$0x2] =	stream.linear.gather @!p1 [hbm4b:s15+s16], $0xA0, $0x38;
	[tilespmem:$0xA140] =	vst v63  }
0x27: {  	p1 =	sge.u32 s31, s8  }
.Ltmp2:
0x28: {  	_ = 	snop;
	(pc) =	sbr.rel @p1 .LBB2_7-.Ltmp2, $1  }
0x29: {  	_ =	sdelay $0x3  }
0x2a: {  	s14 =	simm.s32 $0x1  }
0x2b: {  	s14 =	simm.s32 @!p0 $0x0  }
0x2c: {  	s15 =	smul.u32 $0x280, s14  }
0x2d: {  	_ =	swait.ge [sflag:s7], $0xA0  }
0x2e: {  	[sflag:s7] =	ssyncset.done $0x0;
	s16 =	sshrl.u32 s15, $0x2  }
0x2f: {  	[sflag:s7] =	ssyncadd.s32 $0xFFFFFF60;
	s15 =	sadd.s32 $0x0, s16  }
0x30: {  	v0 =	vld.msk [tilespmem:s15+$0x0 ss:$0x1], $0xffff;
	_ =	sdelay $0x4  }
0x31: {  	v1 =	vand.u32 $0x3, v0;
	v2 =	vshll.u32 v0, $0x5  }
0x32: {  	vm2 =	veq.s32 v0, $0x80000000;
	v0 =	vmul.u32 $0x271000, v1;
	v1 =	vand.u32 $0x3FFF80, v2  }
0x33: {  	v1 =	vsel vm2, $0xFFFFFF80, v1  }
0x34: {  	v0 =	vsel vm2, $0xFFD8F000, v0;
	v2 =	vand.u32 $0xFFFFFC00, v1  }
0x35: {  	v1 =	vand.u32 $0x380, v1;
	v0 =	vadd.s32 v0, v2  }
0x36: {  	v0 =	vor.u32 v1, v0  }
0x37: {  	v0 =	vshrl.u32 v0, $0x3  }
0x38: {  	s14 =	smul.u32 $0x14000, s14;
	_ =	sdelay $0x1  }
0x39: {  	s14 =	sshrl.u32 s14, $0x2  }
0x3a: {  	s14 =	sor.u32 $0x140, s14  }
0x3b: {  	[tilespmem:s14], [sflag:$0x1] =	stream.indirect_vreg.gather [hbm:s4], $0x80, v0, vm0, $0x38;
	[tilespmem:$0xA140] =	vst v63  }
0x3c: {  	s17 =	sadd.s32 $0x10, s16;
	s15 =	sadd.s32 $0x400, s14  }
0x3d: {  	[tilespmem:s15], [sflag:$0x1] =	stream.indirect_vreg.gather [hbm:s4], $0x80, v0, vm1, $0x38;
	[tilespmem:$0xA140] =	vst v63  }
0x3e: {  	s18 =	simm.s32 $0x80;
	v0 =	vld.msk [tilespmem:s17+$0x0 ss:$0x1], $0xffff;
	s17 =	smov.u32 s14  }
.LBB2_3:
0x3f: {  	p1 =	sne.s32 s18, $0x240;
	_ =	sdelay $0x4  }
0x40: {  	v1 =	vand.u32 $0x3, v0;
	v2 =	vshll.u32 v0, $0x5  }
0x41: {  	vm2 =	veq.s32 v0, $0x80000000;
	v0 =	vmul.u32 $0x271000, v1;
	v1 =	vand.u32 $0x3FFF80, v2  }
0x42: {  	v1 =	vsel vm2, $0xFFFFFF80, v1  }
0x43: {  	v0 =	vsel vm2, $0xFFD8F000, v0;
	v2 =	vand.u32 $0xFFFFFC00, v1  }
0x44: {  	v1 =	vand.u32 $0x380, v1;
	v0 =	vadd.s32 v0, v2  }
0x45: {  	v0 =	vor.u32 v1, v0  }
0x46: {  	v0 =	vshrl.u32 v0, $0x3;
	_ =	sdelay $0x3  }
.Ltmp3:
0x47: {  	s19 =	sshra.s32 s18, $0x2;
	s17 =	sadd.s32 $0x800, s17;
	(pc) =	sbr.rel @p1 .LBB2_3-.Ltmp3, $4  }
0x48: {  	[tilespmem:s17], [sflag:$0x1] =	stream.indirect_vreg.gather [hbm:s4], $0x80, v0, vm0, $0x38;
	[tilespmem:$0xA140] =	vst v63  }
0x49: {  	s19 =	sadd.s32 s19, s16;
	s20 =	sadd.s32 $0x400, s17  }
0x4a: {  	[tilespmem:s20], [sflag:$0x1] =	stream.indirect_vreg.gather [hbm:s4], $0x80, v0, vm1, $0x38;
	[tilespmem:$0xA140] =	vst v63  }
0x4b: {  	s18 =	sadd.s32 $0x40, s18;
	v0 =	vld.msk [tilespmem:s19+$0x0 ss:$0x1], $0xffff  }
0x4c: {  	_ =	sdelay $0x3  }
0x4d: {  	v1 =	vand.u32 $0x3, v0;
	v2 =	vshll.u32 v0, $0x5  }
0x4e: {  	vm2 =	veq.s32 v0, $0x80000000;
	v61 =	vmul.u32 $0x271000, v1;
	v62 =	vand.u32 $0x3FFF80, v2  }
0x4f: {  	v1 =	vsel vm2, $0xFFFFFF80, v62  }
0x50: {  	v0 =	vsel vm2, $0xFFD8F000, v61;
	v63 =	vand.u32 $0xFFFFFC00, v1  }
0x51: {  	v1 =	vand.u32 $0x380, v1;
	v0 =	vadd.s32 v0, v63  }
0x52: {  	v0 =	vor.u32 v1, v0  }
0x53: {  	v0 =	vshrl.u32 v0, $0x3;
	_ =	sdelay $0x3  }
0x54: {  	s16 =	sadd.s32 $0x800, s17  }
0x55: {  	[tilespmem:s16], [sflag:$0x1] =	stream.indirect_vreg.gather [hbm:s4], $0x80, v0, vm0, $0x38;
	[tilespmem:$0xA140] =	vst v63  }
0x56: {  	s16 =	sadd.s32 $0x400, s16  }
0x57: {  	[tilespmem:s16], [sflag:$0x1] =	stream.indirect_vreg.gather [hbm:s4], $0x80, v0, vm1, $0x38;
	[tilespmem:$0xA140] =	vst v63  }
0x58: {  	s13 =	sshll.u32 s13, $0x4;
	_ =	swait.ge [sflag:s6], $0x5000  }
0x59: {  	s13 =	sadd.s32 s13, s9;
	[sflag:s6] =	ssyncset.done $0x0  }
0x5a: {  	s17 =	sadd.s32 $0x0, s13;
	s16 =	simm.s32 $0x80;
	[sflag:s6] =	ssyncadd.s32 $0xFFFFB000  }
.LBB2_5:
0x5b: {  	[hbm:s17] =	stream.linear.scatter [tilespmem:s14], [sflag:$0x3], $0x400, $0x38;
	[tilespmem:$0xA140] =	vst v63  }
0x5c: {  	s17 =	smov.u32 s16;
	s14 =	smov.u32 s15;
	p1 =	sne.s32 s16, $0x980  }
.Ltmp4:
0x5d: {  	s16 =	sadd.s32 $0x80, s16;
	(pc) =	sbr.rel @p1 .LBB2_5-.Ltmp4, $2  }
0x5e: {  	_ =	sdelay $0x2  }
0x5f: {  	s15 =	sadd.s32 $0x400, s15;
	s17 =	sadd.s32 s17, s13  }
.Ltmp5:
0x60: {  	_ = 	snop;
	(pc) =	sbr.rel .LBB2_6-.Ltmp5, $1  }
0x61: {  	_ =	sdelay $0x3  }
.LBB2_8:
0x62: {  	_ =	sfence.sel $0x180000  }
0x63: {  	s1 =	simm.s32 $0x2;
	[bflag:$0x0] =	sbarrier.arrive $0xFFFF  }
0x64: {  	s30 =	simm.s32 $0x3;
	[sflag:s1] =	ssyncpa.u1 $0x1  }
0x65: {  	s31 =	simm.s32 $0x1;
	[sflag:s30] =	ssyncpa.u1 $0x1  }
0x66: {  	[sflag:s31] =	ssyncpa.u1 $0x1  }
0x67: {  	p0 =	sne.s32 s0, $0x0;
	_ =	strace $0x90000047  }
0x68: {  	s0 =	sadd.s32 @!p0 $0x100000, s2;
	[bflag:$0x2] =	sbarrier.arrive $0xFFFF  }
0x69: {  	[sflag:s0] =	ssyncadd.tile.s32 @!p0 $0x1;
	_ =	shalt  }
.Lfunc_end2:
_tile_overlayer_lowered:
.L_overlay_start_2:
0x6a: {  	(tag) =	ssettag $0x2  }
0x6b: {  	s0 =	rddreg [dreg:$0x0];
	s2 =	stileid.u32  }
0x6c: {  	s1 =	rddreg [dreg:$0x1];
	p0 =	sne.s32 s2, $0x0  }
0x6d: {  	s3 =	rddreg [dreg:$0x2];
	[bflag:$0x3] =	sbarrier.arrive $0xFFFF;
	s2 =	simm.s32 @!p0 $0x1C01  }
0x6e: {  	[timem:s3], [sflag:s2] =	dma.local @!p0 [hbm:s0], s1  }
0x6f: {  	s0 =	simm.s32 @!p0 $0x1  }
0x70: {  	_ =	swait.ge @!p0 [sflag:s0], s1  }
0x71: {  	s1 =	ssub.s32 @!p0 $0x0, s1;
	[sflag:s0] =	ssyncset.done @!p0 $0x0  }
0x72: {  	[sflag:s0] =	ssyncadd.s32 @!p0 s1  }
0x73: {  	[bflag:$0x3] =	sbarrier.arrive $0xFFFF  }
0x74: {  	_ =	shalt  }

</sc_bundles>
